<compile_context>
chip_gen: v7x
topology: tpu7x:2x2x1
jax: 0.10.2.dev20260603
libtpu: 0.0.44.dev20260713+nightly
codegen_flags: <defaults>
</compile_context>

<pallas_src>
import functools

import jax
import jax.numpy as jnp
import numpy as np
from jax import lax
from jax.experimental import pallas as pl
from jax.experimental.pallas import tpu as pltpu
from jax.experimental.pallas import tpu_sc as plsc

NC = 2
NS = 16
NW = NC * NS
L = 16
BINS = 10

B = 16
C = 3
H = 512
W = 512
P = H * W
PW = P // NW
ROWS = H // NW
V = PW // L
VPR = W // L

_EDGES = np.arange(BINS + 1, dtype=np.float32) / np.float32(10)
_EDGES[BINS] += np.float32(1e-6)
EDGES = [float(e) for e in _EDGES]

_LOG_C = [float(np.float32(2.0 / k)) for k in (11, 9, 7, 5, 3, 1)]

_EDGE_TAB = np.full((L,), np.inf, np.float32)
_EDGE_TAB[: BINS + 1] = _EDGES
UNROLL = 4

_mesh = plsc.VectorSubcoreMesh(
    core_axis_name="c", subcore_axis_name="s", num_cores=NC, num_subcores=NS
)


@functools.partial(
    pl.kernel,
    out_type=jax.ShapeDtypeStruct((2 * NW * L,), jnp.float32),
    mesh=_mesh,
    compiler_params=pltpu.CompilerParams(needs_layout_passes=False),
    scratch_types=[
        pltpu.VMEM((ROWS, W), jnp.float32),
        pltpu.VMEM((ROWS, W), jnp.float32),
        pltpu.VMEM((ROWS, W), jnp.float32),
        pltpu.VMEM((ROWS, W), jnp.int32),
        pltpu.VMEM((ROWS, W), jnp.float32),
        pltpu.VMEM((ROWS, W), jnp.float32),
        pltpu.VMEM((ROWS, W), jnp.float32),
        pltpu.VMEM((ROWS, W), jnp.int32),
        pltpu.SemaphoreType.DMA,
        pltpu.SemaphoreType.DMA,
        pltpu.VMEM((L,), jnp.float32),
        pltpu.VMEM((L,), jnp.float32),
        pltpu.VMEM((L,), jnp.float32),
        pltpu.VMEM((L,), jnp.float32),
        pltpu.VMEM((L,), jnp.float32),
        pltpu.VMEM((L,), jnp.float32),
        pltpu.VMEM((L,), jnp.float32),
        pltpu.VMEM((L,), jnp.float32),
        pltpu.VMEM((L,), jnp.float32),
    ],
)
def _ghm_partials(pred_hbm, tgt_hbm, edge_hbm, out_hbm, p0_v, p1_v, p2_v, t_v,
                  q0_v, q1_v, q2_v, u_v, sem_a, sem_b,
                  c0_v, c1_v, c2_v, c3_v, s0_v, s1_v, s2_v, s3_v, edge_v):
    wid = lax.axis_index("s") * NC + lax.axis_index("c")
    r0 = wid * jnp.int32(ROWS)
    cnt_refs = [c0_v, c1_v, c2_v, c3_v]
    s_refs = [s0_v, s1_v, s2_v, s3_v]
    for r in cnt_refs + s_refs:
        r[...] = jnp.zeros((L,), jnp.float32)
    pltpu.sync_copy(edge_hbm, edge_v)
    ones = jnp.ones((L,), jnp.float32)
    onei = jnp.ones((L,), jnp.int32)
    zeroi = jnp.zeros((L,), jnp.int32)

    iota16 = lax.iota(jnp.int32, L)

    def one_vec(bufs, r, cc, sl, cnt_v, s_v):
        p0 = bufs[0][r, sl]
        p1 = bufs[1][r, sl]
        p2 = bufs[2][r, sl]
        t = bufs[3][r, sl]
        m = jnp.maximum(jnp.maximum(p0, p1), p2)
        x0 = p0 - m
        x1 = p1 - m
        x2 = p2 - m
        e0 = jnp.exp(x0)
        e1 = jnp.exp(x1)
        e2 = jnp.exp(x2)
        s = e0 + e1 + e2
        is0 = t == 0
        is1 = t == 1
        xt = jnp.where(is0, x0, jnp.where(is1, x1, x2))
        et = jnp.where(is0, e0, jnp.where(is1, e1, e2))
        g = 1.0 - et / s
        z = (s - 1.0) / (s + 1.0)
        u = z * z
        poly = jnp.full((L,), _LOG_C[0], jnp.float32)
        for ck in _LOG_C[1:]:
            poly = poly * u + ck
        picked = xt - poly * z
        c = (g * 10.0).astype(jnp.int32)
        e_lo = plsc.load_gather(edge_v, [c])
        e_hi = plsc.load_gather(edge_v, [c + onei])
        bin_ = c + jnp.where(g >= e_hi, onei, zeroi) - jnp.where(g < e_lo, onei, zeroi)
        bin_ = jnp.maximum(bin_, zeroi)
        plsc.addupdate_scatter(cnt_v, [bin_], ones)
        plsc.addupdate_scatter(s_v, [bin_], picked)

    i32 = jnp.int32

    def compute(bufs):
        def vec_body(j):
            f0 = j * i32(UNROLL)
            for u in range(UNROLL):
                f = f0 + i32(u)
                r = lax.shift_right_logical(f, i32(5))
                cc = lax.shift_left(f & i32(VPR - 1), i32(4))
                one_vec(bufs, r, cc, pl.ds(cc, L), cnt_refs[u], s_refs[u])

        plsc.parallel_loop(jnp.int32(0), jnp.int32(V // UNROLL), jnp.int32(1))(vec_body)

    bufs_a = (p0_v, p1_v, p2_v, t_v)
    bufs_b = (q0_v, q1_v, q2_v, u_v)
    rsl = pl.ds(r0, ROWS)

    def fire(b, bufs, sem):
        pltpu.async_copy(pred_hbm.at[b, i32(0), rsl, :], bufs[0], sem)
        pltpu.async_copy(pred_hbm.at[b, i32(1), rsl, :], bufs[1], sem)
        pltpu.async_copy(pred_hbm.at[b, i32(2), rsl, :], bufs[2], sem)
        pltpu.async_copy(tgt_hbm.at[b, rsl, :], bufs[3], sem)

    def drain(bufs, sem):
        pltpu.make_async_copy(pred_hbm.at[i32(0), i32(0), rsl, :], bufs[0], sem).wait()
        pltpu.make_async_copy(pred_hbm.at[i32(0), i32(0), rsl, :], bufs[1], sem).wait()
        pltpu.make_async_copy(pred_hbm.at[i32(0), i32(0), rsl, :], bufs[2], sem).wait()
        pltpu.make_async_copy(tgt_hbm.at[i32(0), rsl, :], bufs[3], sem).wait()

    fire(i32(0), bufs_a, sem_a)

    def super_body(i, carry):
        b0 = i * i32(2)
        fire(b0 + i32(1), bufs_b, sem_b)
        drain(bufs_a, sem_a)
        compute(bufs_a)
        fire(jnp.minimum(b0 + i32(2), i32(B - 1)), bufs_a, sem_a)
        drain(bufs_b, sem_b)
        compute(bufs_b)
        return carry

    lax.fori_loop(jnp.int32(0), jnp.int32(B // 2), super_body, jnp.int32(0))
    drain(bufs_a, sem_a)

    c0_v[...] = (c0_v[...] + c1_v[...]) + (c2_v[...] + c3_v[...])
    s0_v[...] = (s0_v[...] + s1_v[...]) + (s2_v[...] + s3_v[...])
    pltpu.sync_copy(c0_v, out_hbm.at[pl.ds(wid * jnp.int32(L), L)])
    pltpu.sync_copy(s0_v, out_hbm.at[pl.ds(i32(NW * L) + wid * jnp.int32(L), L)])


def _combine_body(part_ref, out_ref):
    part = part_ref[...]
    cnt = jnp.sum(part[0], axis=0, keepdims=True)
    ssum = jnp.sum(part[1], axis=0, keepdims=True)
    lane = lax.broadcasted_iota(jnp.int32, (1, L), 1)
    valid = (lane < BINS) & (cnt > 0.0)
    nb = jnp.sum(valid.astype(jnp.float32))
    coeff = jnp.where(valid, 4.0 / jnp.where(valid, cnt, 1.0), 0.0)
    tot = jnp.sum(coeff * ssum)
    loss = jnp.where(nb > 0.0, -tot / jnp.maximum(nb, 1.0), 0.0)
    out_ref[...] = jnp.broadcast_to(loss, (1, 1))


def kernel(pred, target):
    tgt32 = target.astype(jnp.int32)
    edge_tab = jnp.asarray(_EDGE_TAB)
    partials = _ghm_partials(pred, tgt32, edge_tab).reshape(2, NW, L)
    loss2d = pl.pallas_call(
        _combine_body,
        out_shape=jax.ShapeDtypeStruct((1, 1), jnp.float32),
    )(partials)
    return loss2d[0, 0]

# --- scband reference (transcript-rebuilt; emitter-appended) ---
"""Pipeline reference for scband-ghmc-67164698575482 (READ-ONLY COPY).

The authoritative reference and input builder live on the scoring server;
editing this copy changes nothing except your own understanding.
"""

import jax, jax.numpy as jnp
import numpy as np

jax.config.update('jax_enable_x64', True)

BINS = 10
MOMENTUM = 0.75


def setup_inputs(seed: int = 0) -> dict:
    key = jax.random.key(seed)
    k1, k2 = jax.random.split(key)
    pred = jax.random.normal(k1, (16, 3, 512, 512), dtype=jnp.float32)
    target = jax.random.randint(k2, (16, 512, 512), 0, 3, dtype=jnp.int64)
    return {'pred': pred, 'target': target}


def reference(pred, target):
    edges = jnp.arange(BINS + 1, dtype=jnp.float32) / BINS
    edges = edges.at[-1].add(1e-06)
    p = jnp.transpose(pred, (0, 2, 3, 1)).reshape(-1, 3)
    t = target.reshape(-1)
    sm = jax.lax.stop_gradient(jax.nn.softmax(p, axis=1))
    g = 1.0 - jnp.take_along_axis(sm, t[:, None], axis=1)[:, 0]
    weights = jnp.zeros(t.shape, dtype=p.dtype)
    acc_sum = jnp.zeros(BINS, dtype=jnp.float32)
    tot = 1.0
    n = jnp.zeros((), dtype=p.dtype)
    for i in range(BINS):
        inds = (g >= edges[i]) & (g < edges[i + 1])
        num_in_bin = inds.sum()
        has = num_in_bin > 0
        acc_i = MOMENTUM * acc_sum[i] + (1.0 - MOMENTUM) * num_in_bin.astype(jnp.float32)
        acc_sum = acc_sum.at[i].set(jnp.where(has, acc_i, acc_sum[i]))
        weights = jnp.where(inds, tot / acc_i, weights)
        n = n + has.astype(p.dtype)
    weights = jnp.where(n > 0, weights / jnp.where(n > 0, n, 1.0), weights)
    ls = jax.nn.log_softmax(p, axis=1)
    picked = jnp.take_along_axis(ls, t[:, None], axis=1)[:, 0]
    loss = -(weights * picked).sum()
    return loss

if __name__ == "__main__":
    import jax
    _d = setup_inputs()
    print(jax.jit(kernel)(*tuple(_d.values())))

</pallas_src>

<mosaic_0001>
#map = affine_map<(d0, d1) -> (0, 0, 0, 0)>
#map1 = affine_map<(d0, d1) -> (0, 0, 0)>
#map2 = affine_map<(d0, d1) -> (0)>
module attributes {stable_mosaic.version = 14 : i64} {
  func.func @_ghm_partials(%arg0: i32, %arg1: i32, %arg2: memref<16x3x512x512xf32, #tpu.memory_space<hbm>>, %arg3: memref<16x512x512xi32, #tpu.memory_space<hbm>>, %arg4: memref<16xf32, #tpu.memory_space<hbm>>, %arg5: memref<1024xf32, #tpu.memory_space<hbm>>, %arg6: memref<16x512xf32, #tpu.memory_space<vmem>>, %arg7: memref<16x512xf32, #tpu.memory_space<vmem>>, %arg8: memref<16x512xf32, #tpu.memory_space<vmem>>, %arg9: memref<16x512xi32, #tpu.memory_space<vmem>>, %arg10: memref<16x512xf32, #tpu.memory_space<vmem>>, %arg11: memref<16x512xf32, #tpu.memory_space<vmem>>, %arg12: memref<16x512xf32, #tpu.memory_space<vmem>>, %arg13: memref<16x512xi32, #tpu.memory_space<vmem>>, %arg14: memref<!tpu.dma_semaphore, #tpu.memory_space<semaphore_mem>>, %arg15: memref<!tpu.dma_semaphore, #tpu.memory_space<semaphore_mem>>, %arg16: memref<16xf32, #tpu.memory_space<vmem>>, %arg17: memref<16xf32, #tpu.memory_space<vmem>>, %arg18: memref<16xf32, #tpu.memory_space<vmem>>, %arg19: memref<16xf32, #tpu.memory_space<vmem>>, %arg20: memref<16xf32, #tpu.memory_space<vmem>>, %arg21: memref<16xf32, #tpu.memory_space<vmem>>, %arg22: memref<16xf32, #tpu.memory_space<vmem>>, %arg23: memref<16xf32, #tpu.memory_space<vmem>>, %arg24: memref<16xf32, #tpu.memory_space<vmem>>) attributes {dimension_semantics = [#tpu.dimension_semantics<core_parallel>, #tpu.dimension_semantics<subcore_parallel>], iteration_bounds = array<i64: 2, 16>, scalar_prefetch = 0 : i64, scratch_operands = 19 : i64, tpu.core_type = #tpu.core_type<sc_vector_subcore>, window_params = [{transform_indices = #map}, {transform_indices = #map1}, {transform_indices = #map2}, {transform_indices = #map2}]} {
    %mul3A = arith.constant 2 : i32
    %mul3A_0 = arith.muli %arg1, %mul3A : i32
    %add3A = arith.addi %mul3A_0, %arg0 : i32
    %mul3A_1 = arith.constant 16 : i32
    %mul3A_2 = arith.muli %add3A, %mul3A_1 : i32
    %broadcast_in_dim3A = arith.constant 0.000000e+00 : f32
    %broadcast_in_dim3A_3 = vector.broadcast %broadcast_in_dim3A : f32 to vector<16xf32>
    %swap3A = arith.constant 0 : index
    %swap3A_4 = tpu.vector_load %arg16[%swap3A] {strides = array<i32>} : memref<16xf32, #tpu.memory_space<vmem>>, vector<16xf32>,
    tpu.vector_store %arg16[%swap3A], %broadcast_in_dim3A_3 {strides = array<i32>} : memref<16xf32, #tpu.memory_space<vmem>>, vector<16xf32>,
    %broadcast_in_dim3A_5 = arith.constant 0.000000e+00 : f32
    %broadcast_in_dim3A_6 = vector.broadcast %broadcast_in_dim3A_5 : f32 to vector<16xf32>
    %swap3A_7 = arith.constant 0 : index
    %swap3A_8 = tpu.vector_load %arg17[%swap3A_7] {strides = array<i32>} : memref<16xf32, #tpu.memory_space<vmem>>, vector<16xf32>,
    tpu.vector_store %arg17[%swap3A_7], %broadcast_in_dim3A_6 {strides = array<i32>} : memref<16xf32, #tpu.memory_space<vmem>>, vector<16xf32>,
    %broadcast_in_dim3A_9 = arith.constant 0.000000e+00 : f32
    %broadcast_in_dim3A_10 = vector.broadcast %broadcast_in_dim3A_9 : f32 to vector<16xf32>
    %swap3A_11 = arith.constant 0 : index
    %swap3A_12 = tpu.vector_load %arg18[%swap3A_11] {strides = array<i32>} : memref<16xf32, #tpu.memory_space<vmem>>, vector<16xf32>,
    tpu.vector_store %arg18[%swap3A_11], %broadcast_in_dim3A_10 {strides = array<i32>} : memref<16xf32, #tpu.memory_space<vmem>>, vector<16xf32>,
    %broadcast_in_dim3A_13 = arith.constant 0.000000e+00 : f32
    %broadcast_in_dim3A_14 = vector.broadcast %broadcast_in_dim3A_13 : f32 to vector<16xf32>
    %swap3A_15 = arith.constant 0 : index
    %swap3A_16 = tpu.vector_load %arg19[%swap3A_15] {strides = array<i32>} : memref<16xf32, #tpu.memory_space<vmem>>, vector<16xf32>,
    tpu.vector_store %arg19[%swap3A_15], %broadcast_in_dim3A_14 {strides = array<i32>} : memref<16xf32, #tpu.memory_space<vmem>>, vector<16xf32>,
    %broadcast_in_dim3A_17 = arith.constant 0.000000e+00 : f32
    %broadcast_in_dim3A_18 = vector.broadcast %broadcast_in_dim3A_17 : f32 to vector<16xf32>
    %swap3A_19 = arith.constant 0 : index
    %swap3A_20 = tpu.vector_load %arg20[%swap3A_19] {strides = array<i32>} : memref<16xf32, #tpu.memory_space<vmem>>, vector<16xf32>,
    tpu.vector_store %arg20[%swap3A_19], %broadcast_in_dim3A_18 {strides = array<i32>} : memref<16xf32, #tpu.memory_space<vmem>>, vector<16xf32>,
    %broadcast_in_dim3A_21 = arith.constant 0.000000e+00 : f32
    %broadcast_in_dim3A_22 = vector.broadcast %broadcast_in_dim3A_21 : f32 to vector<16xf32>
    %swap3A_23 = arith.constant 0 : index
    %swap3A_24 = tpu.vector_load %arg21[%swap3A_23] {strides = array<i32>} : memref<16xf32, #tpu.memory_space<vmem>>, vector<16xf32>,
    tpu.vector_store %arg21[%swap3A_23], %broadcast_in_dim3A_22 {strides = array<i32>} : memref<16xf32, #tpu.memory_space<vmem>>, vector<16xf32>,
    %broadcast_in_dim3A_25 = arith.constant 0.000000e+00 : f32
    %broadcast_in_dim3A_26 = vector.broadcast %broadcast_in_dim3A_25 : f32 to vector<16xf32>
    %swap3A_27 = arith.constant 0 : index
    %swap3A_28 = tpu.vector_load %arg22[%swap3A_27] {strides = array<i32>} : memref<16xf32, #tpu.memory_space<vmem>>, vector<16xf32>,
    tpu.vector_store %arg22[%swap3A_27], %broadcast_in_dim3A_26 {strides = array<i32>} : memref<16xf32, #tpu.memory_space<vmem>>, vector<16xf32>,
    %broadcast_in_dim3A_29 = arith.constant 0.000000e+00 : f32
    %broadcast_in_dim3A_30 = vector.broadcast %broadcast_in_dim3A_29 : f32 to vector<16xf32>
    %swap3A_31 = arith.constant 0 : index
    %swap3A_32 = tpu.vector_load %arg23[%swap3A_31] {strides = array<i32>} : memref<16xf32, #tpu.memory_space<vmem>>, vector<16xf32>,
    tpu.vector_store %arg23[%swap3A_31], %broadcast_in_dim3A_30 {strides = array<i32>} : memref<16xf32, #tpu.memory_space<vmem>>, vector<16xf32>,
    "tpu.region"() ({
      %run_scoped3A = tpu.sem_alloc : memref<!tpu.dma_semaphore, #tpu.memory_space<semaphore_mem>>
      tpu.enqueue_dma source(%arg4 : memref<16xf32, #tpu.memory_space<hbm>>) target(%arg24 : memref<16xf32, #tpu.memory_space<vmem>>) target_semaphore(%run_scoped3A : memref<!tpu.dma_semaphore, #tpu.memory_space<semaphore_mem>>)
      tpu.wait_dma2 semaphore(%run_scoped3A : memref<!tpu.dma_semaphore, #tpu.memory_space<semaphore_mem>>) src(%arg4 : memref<16xf32, #tpu.memory_space<hbm>>) dst(%arg24 : memref<16xf32, #tpu.memory_space<vmem>>)
      tpu.yield
    }) : () -> ()
    %broadcast_in_dim3A_33 = arith.constant 1.000000e+00 : f32
    %broadcast_in_dim3A_34 = vector.broadcast %broadcast_in_dim3A_33 : f32 to vector<16xf32>
    %broadcast_in_dim3A_35 = arith.constant 1 : i32
    %broadcast_in_dim3A_36 = vector.broadcast %broadcast_in_dim3A_35 : i32 to vector<16xi32>
    %broadcast_in_dim3A_37 = arith.constant 0 : i32
    %broadcast_in_dim3A_38 = vector.broadcast %broadcast_in_dim3A_37 : i32 to vector<16xi32>
    %iota3A = tpu.iota {dimensions = array<i32: 0>} : vector<16xi32>
    %dma_start3A = arith.constant 0 : i32
    %dma_start3A_39 = arith.constant 0 : i32
    %dma_start3A_40 = arith.constant 0 : i32
    %dma_start3A_41 = tpu.memref_slice %arg2[%dma_start3A, %dma_start3A_39, %mul3A_2, %dma_start3A_40] : memref<16x3x512x512xf32, #tpu.memory_space<hbm>> -> memref<1x1x16x512xf32, #tpu.memory_space<hbm>>
    %dma_start3A_42 = tpu.memref_squeeze %dma_start3A_41 : memref<1x1x16x512xf32, #tpu.memory_space<hbm>> -> memref<16x512xf32, #tpu.memory_space<hbm>>
    %dma_start3A_43 = arith.constant 0 : i32
    %dma_start3A_44 = tpu.memref_slice %arg2[%dma_start3A, %dma_start3A_39, %mul3A_2, %dma_start3A_43] : memref<16x3x512x512xf32, #tpu.memory_space<hbm>> -> memref<1x1x16x512xf32, #tpu.memory_space<hbm>>
    %dma_start3A_45 = tpu.memref_squeeze %dma_start3A_44 : memref<1x1x16x512xf32, #tpu.memory_space<hbm>> -> memref<16x512xf32, #tpu.memory_space<hbm>>
    tpu.enqueue_dma source(%dma_start3A_45 : memref<16x512xf32, #tpu.memory_space<hbm>>) target(%arg6 : memref<16x512xf32, #tpu.memory_space<vmem>>) target_semaphore(%arg14 : memref<!tpu.dma_semaphore, #tpu.memory_space<semaphore_mem>>)
    %dma_start3A_46 = arith.constant 0 : i32
    %dma_start3A_47 = arith.constant 1 : i32
    %dma_start3A_48 = arith.constant 0 : i32
    %dma_start3A_49 = tpu.memref_slice %arg2[%dma_start3A_46, %dma_start3A_47, %mul3A_2, %dma_start3A_48] : memref<16x3x512x512xf32, #tpu.memory_space<hbm>> -> memref<1x1x16x512xf32, #tpu.memory_space<hbm>>
    %dma_start3A_50 = tpu.memref_squeeze %dma_start3A_49 : memref<1x1x16x512xf32, #tpu.memory_space<hbm>> -> memref<16x512xf32, #tpu.memory_space<hbm>>
    %dma_start3A_51 = arith.constant 0 : i32
    %dma_start3A_52 = tpu.memref_slice %arg2[%dma_start3A_46, %dma_start3A_47, %mul3A_2, %dma_start3A_51] : memref<16x3x512x512xf32, #tpu.memory_space<hbm>> -> memref<1x1x16x512xf32, #tpu.memory_space<hbm>>
    %dma_start3A_53 = tpu.memref_squeeze %dma_start3A_52 : memref<1x1x16x512xf32, #tpu.memory_space<hbm>> -> memref<16x512xf32, #tpu.memory_space<hbm>>
    tpu.enqueue_dma source(%dma_start3A_53 : memref<16x512xf32, #tpu.memory_space<hbm>>) target(%arg7 : memref<16x512xf32, #tpu.memory_space<vmem>>) target_semaphore(%arg14 : memref<!tpu.dma_semaphore, #tpu.memory_space<semaphore_mem>>)
    %dma_start3A_54 = arith.constant 0 : i32
    %dma_start3A_55 = arith.constant 2 : i32
    %dma_start3A_56 = arith.constant 0 : i32
    %dma_start3A_57 = tpu.memref_slice %arg2[%dma_start3A_54, %dma_start3A_55, %mul3A_2, %dma_start3A_56] : memref<16x3x512x512xf32, #tpu.memory_space<hbm>> -> memref<1x1x16x512xf32, #tpu.memory_space<hbm>>
    %dma_start3A_58 = tpu.memref_squeeze %dma_start3A_57 : memref<1x1x16x512xf32, #tpu.memory_space<hbm>> -> memref<16x512xf32, #tpu.memory_space<hbm>>
    %dma_start3A_59 = arith.constant 0 : i32
    %dma_start3A_60 = tpu.memref_slice %arg2[%dma_start3A_54, %dma_start3A_55, %mul3A_2, %dma_start3A_59] : memref<16x3x512x512xf32, #tpu.memory_space<hbm>> -> memref<1x1x16x512xf32, #tpu.memory_space<hbm>>
    %dma_start3A_61 = tpu.memref_squeeze %dma_start3A_60 : memref<1x1x16x512xf32, #tpu.memory_space<hbm>> -> memref<16x512xf32, #tpu.memory_space<hbm>>
    tpu.enqueue_dma source(%dma_start3A_61 : memref<16x512xf32, #tpu.memory_space<hbm>>) target(%arg8 : memref<16x512xf32, #tpu.memory_space<vmem>>) target_semaphore(%arg14 : memref<!tpu.dma_semaphore, #tpu.memory_space<semaphore_mem>>)
    %dma_start3A_62 = arith.constant 0 : i32
    %dma_start3A_63 = arith.constant 0 : i32
    %dma_start3A_64 = tpu.memref_slice %arg3[%dma_start3A_62, %mul3A_2, %dma_start3A_63] : memref<16x512x512xi32, #tpu.memory_space<hbm>> -> memref<1x16x512xi32, #tpu.memory_space<hbm>>
    %dma_start3A_65 = tpu.memref_squeeze %dma_start3A_64 : memref<1x16x512xi32, #tpu.memory_space<hbm>> -> memref<16x512xi32, #tpu.memory_space<hbm>>
    %dma_start3A_66 = arith.constant 0 : i32
    %dma_start3A_67 = tpu.memref_slice %arg3[%dma_start3A_62, %mul3A_2, %dma_start3A_66] : memref<16x512x512xi32, #tpu.memory_space<hbm>> -> memref<1x16x512xi32, #tpu.memory_space<hbm>>
    %dma_start3A_68 = tpu.memref_squeeze %dma_start3A_67 : memref<1x16x512xi32, #tpu.memory_space<hbm>> -> memref<16x512xi32, #tpu.memory_space<hbm>>
    tpu.enqueue_dma source(%dma_start3A_68 : memref<16x512xi32, #tpu.memory_space<hbm>>) target(%arg9 : memref<16x512xi32, #tpu.memory_space<vmem>>) target_semaphore(%arg14 : memref<!tpu.dma_semaphore, #tpu.memory_space<semaphore_mem>>)
    %while3A = arith.constant 0 : i32
    %while3A_69 = arith.constant 0 : i32
    %while3A_70 = arith.constant 8 : i32
    %while3A_71 = arith.subi %while3A_70, %while3A_69 : i32
    %while3A_72 = arith.addi %while3A_69, %while3A_71 : i32
    %while3A_73 = arith.constant 1 : i32
    %while3A_74 = arith.divsi %while3A_71, %while3A_73 : i32
    %while3A_75 = arith.muli %while3A_74, %while3A_73 : i32
    %while3A_76 = arith.addi %while3A_69, %while3A_75 : i32
    %while3A_77 = arith.constant 1 : i32
    scf.for %while3A_140 = %while3A_69 to %while3A_76 step %while3A_77  : i32 {
      %mul3A_141 = arith.constant 2 : i32
      %mul3A_142 = arith.muli %while3A_140, %mul3A_141 : i32
      %add3A_143 = arith.constant 1 : i32
      %add3A_144 = arith.addi %mul3A_142, %add3A_143 : i32
      %dma_start3A_145 = arith.constant 0 : i32
      %dma_start3A_146 = arith.constant 0 : i32
      %dma_start3A_147 = tpu.memref_slice %arg2[%add3A_144, %dma_start3A_145, %mul3A_2, %dma_start3A_146] : memref<16x3x512x512xf32, #tpu.memory_space<hbm>> -> memref<1x1x16x512xf32, #tpu.memory_space<hbm>>
      %dma_start3A_148 = tpu.memref_squeeze %dma_start3A_147 : memref<1x1x16x512xf32, #tpu.memory_space<hbm>> -> memref<16x512xf32, #tpu.memory_space<hbm>>
      %dma_start3A_149 = arith.constant 0 : i32
      %dma_start3A_150 = tpu.memref_slice %arg2[%add3A_144, %dma_start3A_145, %mul3A_2, %dma_start3A_149] : memref<16x3x512x512xf32, #tpu.memory_space<hbm>> -> memref<1x1x16x512xf32, #tpu.memory_space<hbm>>
      %dma_start3A_151 = tpu.memref_squeeze %dma_start3A_150 : memref<1x1x16x512xf32, #tpu.memory_space<hbm>> -> memref<16x512xf32, #tpu.memory_space<hbm>>
      tpu.enqueue_dma source(%dma_start3A_151 : memref<16x512xf32, #tpu.memory_space<hbm>>) target(%arg10 : memref<16x512xf32, #tpu.memory_space<vmem>>) target_semaphore(%arg15 : memref<!tpu.dma_semaphore, #tpu.memory_space<semaphore_mem>>)
      %dma_start3A_152 = arith.constant 1 : i32
      %dma_start3A_153 = arith.constant 0 : i32
      %dma_start3A_154 = tpu.memref_slice %arg2[%add3A_144, %dma_start3A_152, %mul3A_2, %dma_start3A_153] : memref<16x3x512x512xf32, #tpu.memory_space<hbm>> -> memref<1x1x16x512xf32, #tpu.memory_space<hbm>>
      %dma_start3A_155 = tpu.memref_squeeze %dma_start3A_154 : memref<1x1x16x512xf32, #tpu.memory_space<hbm>> -> memref<16x512xf32, #tpu.memory_space<hbm>>
      %dma_start3A_156 = arith.constant 0 : i32
      %dma_start3A_157 = tpu.memref_slice %arg2[%add3A_144, %dma_start3A_152, %mul3A_2, %dma_start3A_156] : memref<16x3x512x512xf32, #tpu.memory_space<hbm>> -> memref<1x1x16x512xf32, #tpu.memory_space<hbm>>
      %dma_start3A_158 = tpu.memref_squeeze %dma_start3A_157 : memref<1x1x16x512xf32, #tpu.memory_space<hbm>> -> memref<16x512xf32, #tpu.memory_space<hbm>>
      tpu.enqueue_dma source(%dma_start3A_158 : memref<16x512xf32, #tpu.memory_space<hbm>>) target(%arg11 : memref<16x512xf32, #tpu.memory_space<vmem>>) target_semaphore(%arg15 : memref<!tpu.dma_semaphore, #tpu.memory_space<semaphore_mem>>)
      %dma_start3A_159 = arith.constant 2 : i32
      %dma_start3A_160 = arith.constant 0 : i32
      %dma_start3A_161 = tpu.memref_slice %arg2[%add3A_144, %dma_start3A_159, %mul3A_2, %dma_start3A_160] : memref<16x3x512x512xf32, #tpu.memory_space<hbm>> -> memref<1x1x16x512xf32, #tpu.memory_space<hbm>>
      %dma_start3A_162 = tpu.memref_squeeze %dma_start3A_161 : memref<1x1x16x512xf32, #tpu.memory_space<hbm>> -> memref<16x512xf32, #tpu.memory_space<hbm>>
      %dma_start3A_163 = arith.constant 0 : i32
      %dma_start3A_164 = tpu.memref_slice %arg2[%add3A_144, %dma_start3A_159, %mul3A_2, %dma_start3A_163] : memref<16x3x512x512xf32, #tpu.memory_space<hbm>> -> memref<1x1x16x512xf32, #tpu.memory_space<hbm>>
      %dma_start3A_165 = tpu.memref_squeeze %dma_start3A_164 : memref<1x1x16x512xf32, #tpu.memory_space<hbm>> -> memref<16x512xf32, #tpu.memory_space<hbm>>
      tpu.enqueue_dma source(%dma_start3A_165 : memref<16x512xf32, #tpu.memory_space<hbm>>) target(%arg12 : memref<16x512xf32, #tpu.memory_space<vmem>>) target_semaphore(%arg15 : memref<!tpu.dma_semaphore, #tpu.memory_space<semaphore_mem>>)
      %dma_start3A_166 = arith.constant 0 : i32
      %dma_start3A_167 = tpu.memref_slice %arg3[%add3A_144, %mul3A_2, %dma_start3A_166] : memref<16x512x512xi32, #tpu.memory_space<hbm>> -> memref<1x16x512xi32, #tpu.memory_space<hbm>>
      %dma_start3A_168 = tpu.memref_squeeze %dma_start3A_167 : memref<1x16x512xi32, #tpu.memory_space<hbm>> -> memref<16x512xi32, #tpu.memory_space<hbm>>
      %dma_start3A_169 = arith.constant 0 : i32
      %dma_start3A_170 = tpu.memref_slice %arg3[%add3A_144, %mul3A_2, %dma_start3A_169] : memref<16x512x512xi32, #tpu.memory_space<hbm>> -> memref<1x16x512xi32, #tpu.memory_space<hbm>>
      %dma_start3A_171 = tpu.memref_squeeze %dma_start3A_170 : memref<1x16x512xi32, #tpu.memory_space<hbm>> -> memref<16x512xi32, #tpu.memory_space<hbm>>
      tpu.enqueue_dma source(%dma_start3A_171 : memref<16x512xi32, #tpu.memory_space<hbm>>) target(%arg13 : memref<16x512xi32, #tpu.memory_space<vmem>>) target_semaphore(%arg15 : memref<!tpu.dma_semaphore, #tpu.memory_space<semaphore_mem>>)
      %dma_wait3A_172 = arith.constant 0 : i32
      %dma_wait3A_173 = arith.constant 0 : i32
      %dma_wait3A_174 = arith.constant 0 : i32
      %dma_wait3A_175 = tpu.memref_slice %arg2[%dma_wait3A_172, %dma_wait3A_173, %mul3A_2, %dma_wait3A_174] : memref<16x3x512x512xf32, #tpu.memory_space<hbm>> -> memref<1x1x16x512xf32, #tpu.memory_space<hbm>>
      %dma_wait3A_176 = tpu.memref_squeeze %dma_wait3A_175 : memref<1x1x16x512xf32, #tpu.memory_space<hbm>> -> memref<16x512xf32, #tpu.memory_space<hbm>>
      %dma_wait3A_177 = arith.constant 0 : i32
      %dma_wait3A_178 = tpu.memref_slice %arg2[%dma_wait3A_172, %dma_wait3A_173, %mul3A_2, %dma_wait3A_177] : memref<16x3x512x512xf32, #tpu.memory_space<hbm>> -> memref<1x1x16x512xf32, #tpu.memory_space<hbm>>
      %dma_wait3A_179 = tpu.memref_squeeze %dma_wait3A_178 : memref<1x1x16x512xf32, #tpu.memory_space<hbm>> -> memref<16x512xf32, #tpu.memory_space<hbm>>
      tpu.wait_dma2 semaphore(%arg14 : memref<!tpu.dma_semaphore, #tpu.memory_space<semaphore_mem>>) src(%dma_wait3A_179 : memref<16x512xf32, #tpu.memory_space<hbm>>) dst(%arg6 : memref<16x512xf32, #tpu.memory_space<vmem>>)
      %dma_wait3A_180 = arith.constant 0 : i32
      %dma_wait3A_181 = arith.constant 0 : i32
      %dma_wait3A_182 = arith.constant 0 : i32
      %dma_wait3A_183 = tpu.memref_slice %arg2[%dma_wait3A_180, %dma_wait3A_181, %mul3A_2, %dma_wait3A_182] : memref<16x3x512x512xf32, #tpu.memory_space<hbm>> -> memref<1x1x16x512xf32, #tpu.memory_space<hbm>>
      %dma_wait3A_184 = tpu.memref_squeeze %dma_wait3A_183 : memref<1x1x16x512xf32, #tpu.memory_space<hbm>> -> memref<16x512xf32, #tpu.memory_space<hbm>>
      %dma_wait3A_185 = arith.constant 0 : i32
      %dma_wait3A_186 = tpu.memref_slice %arg2[%dma_wait3A_180, %dma_wait3A_181, %mul3A_2, %dma_wait3A_185] : memref<16x3x512x512xf32, #tpu.memory_space<hbm>> -> memref<1x1x16x512xf32, #tpu.memory_space<hbm>>
      %dma_wait3A_187 = tpu.memref_squeeze %dma_wait3A_186 : memref<1x1x16x512xf32, #tpu.memory_space<hbm>> -> memref<16x512xf32, #tpu.memory_space<hbm>>
      tpu.wait_dma2 semaphore(%arg14 : memref<!tpu.dma_semaphore, #tpu.memory_space<semaphore_mem>>) src(%dma_wait3A_187 : memref<16x512xf32, #tpu.memory_space<hbm>>) dst(%arg7 : memref<16x512xf32, #tpu.memory_space<vmem>>)
      %dma_wait3A_188 = arith.constant 0 : i32
      %dma_wait3A_189 = arith.constant 0 : i32
      %dma_wait3A_190 = arith.constant 0 : i32
      %dma_wait3A_191 = tpu.memref_slice %arg2[%dma_wait3A_188, %dma_wait3A_189, %mul3A_2, %dma_wait3A_190] : memref<16x3x512x512xf32, #tpu.memory_space<hbm>> -> memref<1x1x16x512xf32, #tpu.memory_space<hbm>>
      %dma_wait3A_192 = tpu.memref_squeeze %dma_wait3A_191 : memref<1x1x16x512xf32, #tpu.memory_space<hbm>> -> memref<16x512xf32, #tpu.memory_space<hbm>>
      %dma_wait3A_193 = arith.constant 0 : i32
      %dma_wait3A_194 = tpu.memref_slice %arg2[%dma_wait3A_188, %dma_wait3A_189, %mul3A_2, %dma_wait3A_193] : memref<16x3x512x512xf32, #tpu.memory_space<hbm>> -> memref<1x1x16x512xf32, #tpu.memory_space<hbm>>
      %dma_wait3A_195 = tpu.memref_squeeze %dma_wait3A_194 : memref<1x1x16x512xf32, #tpu.memory_space<hbm>> -> memref<16x512xf32, #tpu.memory_space<hbm>>
      tpu.wait_dma2 semaphore(%arg14 : memref<!tpu.dma_semaphore, #tpu.memory_space<semaphore_mem>>) src(%dma_wait3A_195 : memref<16x512xf32, #tpu.memory_space<hbm>>) dst(%arg8 : memref<16x512xf32, #tpu.memory_space<vmem>>)
      %dma_wait3A_196 = arith.constant 0 : i32
      %dma_wait3A_197 = arith.constant 0 : i32
      %dma_wait3A_198 = tpu.memref_slice %arg3[%dma_wait3A_196, %mul3A_2, %dma_wait3A_197] : memref<16x512x512xi32, #tpu.memory_space<hbm>> -> memref<1x16x512xi32, #tpu.memory_space<hbm>>
      %dma_wait3A_199 = tpu.memref_squeeze %dma_wait3A_198 : memref<1x16x512xi32, #tpu.memory_space<hbm>> -> memref<16x512xi32, #tpu.memory_space<hbm>>
      %dma_wait3A_200 = arith.constant 0 : i32
      %dma_wait3A_201 = tpu.memref_slice %arg3[%dma_wait3A_196, %mul3A_2, %dma_wait3A_200] : memref<16x512x512xi32, #tpu.memory_space<hbm>> -> memref<1x16x512xi32, #tpu.memory_space<hbm>>
      %dma_wait3A_202 = tpu.memref_squeeze %dma_wait3A_201 : memref<1x16x512xi32, #tpu.memory_space<hbm>> -> memref<16x512xi32, #tpu.memory_space<hbm>>
      tpu.wait_dma2 semaphore(%arg14 : memref<!tpu.dma_semaphore, #tpu.memory_space<semaphore_mem>>) src(%dma_wait3A_202 : memref<16x512xi32, #tpu.memory_space<hbm>>) dst(%arg9 : memref<16x512xi32, #tpu.memory_space<vmem>>)
      %parallel_loop3A = arith.constant 0 : i32
      %parallel_loop3A_203 = arith.constant 128 : i32
      %parallel_loop3A_204 = arith.constant 1 : i32
      scf.for %parallel_loop3A_269 = %parallel_loop3A to %parallel_loop3A_203 step %parallel_loop3A_204  : i32 {
        %parallel_loop3A_270 = arith.constant 4 : i32
        %parallel_loop3A_271 = arith.muli %parallel_loop3A_269, %parallel_loop3A_270 : i32
        %parallel_loop3A_272 = arith.constant 0 : i32
        %parallel_loop3A_273 = arith.addi %parallel_loop3A_271, %parallel_loop3A_272 : i32
        %parallel_loop3A_274 = arith.constant 5 : i32
        %parallel_loop3A_275 = arith.shrui %parallel_loop3A_273, %parallel_loop3A_274 : i32
        %parallel_loop3A_276 = arith.constant 31 : i32
        %parallel_loop3A_277 = arith.andi %parallel_loop3A_273, %parallel_loop3A_276 : i32
        %parallel_loop3A_278 = arith.constant 4 : i32
        %parallel_loop3A_279 = arith.shli %parallel_loop3A_277, %parallel_loop3A_278 : i32
        %parallel_loop3A_280 = arith.index_cast %parallel_loop3A_275 : i32 to index
        %parallel_loop3A_281 = arith.index_cast %parallel_loop3A_279 : i32 to index
        %parallel_loop3A_282 = tpu.vector_load %arg6[%parallel_loop3A_280, %parallel_loop3A_281] {strides = array<i32>} : memref<16x512xf32, #tpu.memory_space<vmem>>, vector<16xf32>,
        %parallel_loop3A_283 = arith.index_cast %parallel_loop3A_275 : i32 to index
        %parallel_loop3A_284 = arith.index_cast %parallel_loop3A_279 : i32 to index
        %parallel_loop3A_285 = tpu.vector_load %arg7[%parallel_loop3A_283, %parallel_loop3A_284] {strides = array<i32>} : memref<16x512xf32, #tpu.memory_space<vmem>>, vector<16xf32>,
        %parallel_loop3A_286 = arith.index_cast %parallel_loop3A_275 : i32 to index
        %parallel_loop3A_287 = arith.index_cast %parallel_loop3A_279 : i32 to index
        %parallel_loop3A_288 = tpu.vector_load %arg8[%parallel_loop3A_286, %parallel_loop3A_287] {strides = array<i32>} : memref<16x512xf32, #tpu.memory_space<vmem>>, vector<16xf32>,
        %parallel_loop3A_289 = arith.index_cast %parallel_loop3A_275 : i32 to index
        %parallel_loop3A_290 = arith.index_cast %parallel_loop3A_279 : i32 to index
        %parallel_loop3A_291 = tpu.vector_load %arg9[%parallel_loop3A_289, %parallel_loop3A_290] {strides = array<i32>} : memref<16x512xi32, #tpu.memory_space<vmem>>, vector<16xi32>,
        %parallel_loop3A_292 = arith.maximumf %parallel_loop3A_282, %parallel_loop3A_285 : vector<16xf32>
        %parallel_loop3A_293 = arith.maximumf %parallel_loop3A_292, %parallel_loop3A_288 : vector<16xf32>
        %parallel_loop3A_294 = arith.subf %parallel_loop3A_282, %parallel_loop3A_293 : vector<16xf32>
        %parallel_loop3A_295 = arith.subf %parallel_loop3A_285, %parallel_loop3A_293 : vector<16xf32>
        %parallel_loop3A_296 = arith.subf %parallel_loop3A_288, %parallel_loop3A_293 : vector<16xf32>
        %parallel_loop3A_297 = math.exp %parallel_loop3A_294 : vector<16xf32>
        %parallel_loop3A_298 = math.exp %parallel_loop3A_295 : vector<16xf32>
        %parallel_loop3A_299 = math.exp %parallel_loop3A_296 : vector<16xf32>
        %parallel_loop3A_300 = arith.addf %parallel_loop3A_297, %parallel_loop3A_298 : vector<16xf32>
        %parallel_loop3A_301 = arith.addf %parallel_loop3A_300, %parallel_loop3A_299 : vector<16xf32>
        %parallel_loop3A_302 = arith.constant 0 : i32
        %parallel_loop3A_303 = vector.broadcast %parallel_loop3A_302 : i32 to vector<16xi32>
        %parallel_loop3A_304 = arith.cmpi eq, %parallel_loop3A_291, %parallel_loop3A_303 : vector<16xi32>
        %parallel_loop3A_305 = arith.constant 1 : i32
        %parallel_loop3A_306 = vector.broadcast %parallel_loop3A_305 : i32 to vector<16xi32>
        %parallel_loop3A_307 = arith.cmpi eq, %parallel_loop3A_291, %parallel_loop3A_306 : vector<16xi32>
        %parallel_loop3A_308 = arith.select %parallel_loop3A_307, %parallel_loop3A_295, %parallel_loop3A_296 : vector<16xi1>, vector<16xf32>
        %parallel_loop3A_309 = arith.select %parallel_loop3A_304, %parallel_loop3A_294, %parallel_loop3A_308 : vector<16xi1>, vector<16xf32>
        %parallel_loop3A_310 = arith.select %parallel_loop3A_307, %parallel_loop3A_298, %parallel_loop3A_299 : vector<16xi1>, vector<16xf32>
        %parallel_loop3A_311 = arith.select %parallel_loop3A_304, %parallel_loop3A_297, %parallel_loop3A_310 : vector<16xi1>, vector<16xf32>
        %parallel_loop3A_312 = arith.divf %parallel_loop3A_311, %parallel_loop3A_301 : vector<16xf32>
        %parallel_loop3A_313 = arith.constant 1.000000e+00 : f32
        %parallel_loop3A_314 = vector.broadcast %parallel_loop3A_313 : f32 to vector<16xf32>
        %parallel_loop3A_315 = arith.subf %parallel_loop3A_314, %parallel_loop3A_312 : vector<16xf32>
        %parallel_loop3A_316 = arith.constant 1.000000e+00 : f32
        %parallel_loop3A_317 = vector.broadcast %parallel_loop3A_316 : f32 to vector<16xf32>
        %parallel_loop3A_318 = arith.subf %parallel_loop3A_301, %parallel_loop3A_317 : vector<16xf32>
        %parallel_loop3A_319 = arith.constant 1.000000e+00 : f32
        %parallel_loop3A_320 = vector.broadcast %parallel_loop3A_319 : f32 to vector<16xf32>
        %parallel_loop3A_321 = arith.addf %parallel_loop3A_301, %parallel_loop3A_320 : vector<16xf32>
        %parallel_loop3A_322 = arith.divf %parallel_loop3A_318, %parallel_loop3A_321 : vector<16xf32>
        %parallel_loop3A_323 = arith.mulf %parallel_loop3A_322, %parallel_loop3A_322 : vector<16xf32>
        %parallel_loop3A_324 = arith.constant 0.181818187 : f32
        %parallel_loop3A_325 = vector.broadcast %parallel_loop3A_324 : f32 to vector<16xf32>
        %parallel_loop3A_326 = arith.mulf %parallel_loop3A_325, %parallel_loop3A_323 : vector<16xf32>
        %parallel_loop3A_327 = arith.constant 0.222222224 : f32
        %parallel_loop3A_328 = vector.broadcast %parallel_loop3A_327 : f32 to vector<16xf32>
        %parallel_loop3A_329 = arith.addf %parallel_loop3A_326, %parallel_loop3A_328 : vector<16xf32>
        %parallel_loop3A_330 = arith.mulf %parallel_loop3A_329, %parallel_loop3A_323 : vector<16xf32>
        %parallel_loop3A_331 = arith.constant 0.285714298 : f32
        %parallel_loop3A_332 = vector.broadcast %parallel_loop3A_331 : f32 to vector<16xf32>
        %parallel_loop3A_333 = arith.addf %parallel_loop3A_330, %parallel_loop3A_332 : vector<16xf32>
        %parallel_loop3A_334 = arith.mulf %parallel_loop3A_333, %parallel_loop3A_323 : vector<16xf32>
        %parallel_loop3A_335 = arith.constant 4.000000e-01 : f32
        %parallel_loop3A_336 = vector.broadcast %parallel_loop3A_335 : f32 to vector<16xf32>
        %parallel_loop3A_337 = arith.addf %parallel_loop3A_334, %parallel_loop3A_336 : vector<16xf32>
        %parallel_loop3A_338 = arith.mulf %parallel_loop3A_337, %parallel_loop3A_323 : vector<16xf32>
        %parallel_loop3A_339 = arith.constant 0.666666686 : f32
        %parallel_loop3A_340 = vector.broadcast %parallel_loop3A_339 : f32 to vector<16xf32>
        %parallel_loop3A_341 = arith.addf %parallel_loop3A_338, %parallel_loop3A_340 : vector<16xf32>
        %parallel_loop3A_342 = arith.mulf %parallel_loop3A_341, %parallel_loop3A_323 : vector<16xf32>
        %parallel_loop3A_343 = arith.constant 2.000000e+00 : f32
        %parallel_loop3A_344 = vector.broadcast %parallel_loop3A_343 : f32 to vector<16xf32>
        %parallel_loop3A_345 = arith.addf %parallel_loop3A_342, %parallel_loop3A_344 : vector<16xf32>
        %parallel_loop3A_346 = arith.mulf %parallel_loop3A_345, %parallel_loop3A_322 : vector<16xf32>
        %parallel_loop3A_347 = arith.subf %parallel_loop3A_309, %parallel_loop3A_346 : vector<16xf32>
        %parallel_loop3A_348 = arith.constant 1.000000e+01 : f32
        %parallel_loop3A_349 = vector.broadcast %parallel_loop3A_348 : f32 to vector<16xf32>
        %parallel_loop3A_350 = arith.mulf %parallel_loop3A_315, %parallel_loop3A_349 : vector<16xf32>
        %parallel_loop3A_351 = arith.fptosi %parallel_loop3A_350 : vector<16xf32> to vector<16xi32>
        %parallel_loop3A_352 = tpu.vector_load_idx %arg24[%parallel_loop3A_351] : memref<16xf32, #tpu.memory_space<vmem>>[vector<16xi32>], vector<16xf32>,
        %parallel_loop3A_353 = arith.addi %parallel_loop3A_351, %broadcast_in_dim3A_36 : vector<16xi32>
        %parallel_loop3A_354 = tpu.vector_load_idx %arg24[%parallel_loop3A_353] : memref<16xf32, #tpu.memory_space<vmem>>[vector<16xi32>], vector<16xf32>,
        %parallel_loop3A_355 = arith.cmpf oge, %parallel_loop3A_315, %parallel_loop3A_354 : vector<16xf32>
        %parallel_loop3A_356 = arith.select %parallel_loop3A_355, %broadcast_in_dim3A_36, %broadcast_in_dim3A_38 : vector<16xi1>, vector<16xi32>
        %parallel_loop3A_357 = arith.addi %parallel_loop3A_351, %parallel_loop3A_356 : vector<16xi32>
        %parallel_loop3A_358 = arith.cmpf olt, %parallel_loop3A_315, %parallel_loop3A_352 : vector<16xf32>
        %parallel_loop3A_359 = arith.select %parallel_loop3A_358, %broadcast_in_dim3A_36, %broadcast_in_dim3A_38 : vector<16xi1>, vector<16xi32>
        %parallel_loop3A_360 = arith.subi %parallel_loop3A_357, %parallel_loop3A_359 : vector<16xi32>
        %parallel_loop3A_361 = arith.maxsi %parallel_loop3A_360, %broadcast_in_dim3A_38 : vector<16xi32>
        tpu.vector_store_idx %arg16[%parallel_loop3A_361], %broadcast_in_dim3A_34 {add = true} : memref<16xf32, #tpu.memory_space<vmem>>[vector<16xi32>], vector<16xf32>,
        tpu.vector_store_idx %arg20[%parallel_loop3A_361], %parallel_loop3A_347 {add = true} : memref<16xf32, #tpu.memory_space<vmem>>[vector<16xi32>], vector<16xf32>,
        %parallel_loop3A_362 = arith.constant 1 : i32
        %parallel_loop3A_363 = arith.addi %parallel_loop3A_271, %parallel_loop3A_362 : i32
        %parallel_loop3A_364 = arith.constant 5 : i32
        %parallel_loop3A_365 = arith.shrui %parallel_loop3A_363, %parallel_loop3A_364 : i32
        %parallel_loop3A_366 = arith.constant 31 : i32
        %parallel_loop3A_367 = arith.andi %parallel_loop3A_363, %parallel_loop3A_366 : i32
        %parallel_loop3A_368 = arith.constant 4 : i32
        %parallel_loop3A_369 = arith.shli %parallel_loop3A_367, %parallel_loop3A_368 : i32
        %parallel_loop3A_370 = arith.index_cast %parallel_loop3A_365 : i32 to index
        %parallel_loop3A_371 = arith.index_cast %parallel_loop3A_369 : i32 to index
        %parallel_loop3A_372 = tpu.vector_load %arg6[%parallel_loop3A_370, %parallel_loop3A_371] {strides = array<i32>} : memref<16x512xf32, #tpu.memory_space<vmem>>, vector<16xf32>,
        %parallel_loop3A_373 = arith.index_cast %parallel_loop3A_365 : i32 to index
        %parallel_loop3A_374 = arith.index_cast %parallel_loop3A_369 : i32 to index
        %parallel_loop3A_375 = tpu.vector_load %arg7[%parallel_loop3A_373, %parallel_loop3A_374] {strides = array<i32>} : memref<16x512xf32, #tpu.memory_space<vmem>>, vector<16xf32>,
        %parallel_loop3A_376 = arith.index_cast %parallel_loop3A_365 : i32 to index
        %parallel_loop3A_377 = arith.index_cast %parallel_loop3A_369 : i32 to index
        %parallel_loop3A_378 = tpu.vector_load %arg8[%parallel_loop3A_376, %parallel_loop3A_377] {strides = array<i32>} : memref<16x512xf32, #tpu.memory_space<vmem>>, vector<16xf32>,
        %parallel_loop3A_379 = arith.index_cast %parallel_loop3A_365 : i32 to index
        %parallel_loop3A_380 = arith.index_cast %parallel_loop3A_369 : i32 to index
        %parallel_loop3A_381 = tpu.vector_load %arg9[%parallel_loop3A_379, %parallel_loop3A_380] {strides = array<i32>} : memref<16x512xi32, #tpu.memory_space<vmem>>, vector<16xi32>,
        %parallel_loop3A_382 = arith.maximumf %parallel_loop3A_372, %parallel_loop3A_375 : vector<16xf32>
        %parallel_loop3A_383 = arith.maximumf %parallel_loop3A_382, %parallel_loop3A_378 : vector<16xf32>
        %parallel_loop3A_384 = arith.subf %parallel_loop3A_372, %parallel_loop3A_383 : vector<16xf32>
        %parallel_loop3A_385 = arith.subf %parallel_loop3A_375, %parallel_loop3A_383 : vector<16xf32>
        %parallel_loop3A_386 = arith.subf %parallel_loop3A_378, %parallel_loop3A_383 : vector<16xf32>
        %parallel_loop3A_387 = math.exp %parallel_loop3A_384 : vector<16xf32>
        %parallel_loop3A_388 = math.exp %parallel_loop3A_385 : vector<16xf32>
        %parallel_loop3A_389 = math.exp %parallel_loop3A_386 : vector<16xf32>
        %parallel_loop3A_390 = arith.addf %parallel_loop3A_387, %parallel_loop3A_388 : vector<16xf32>
        %parallel_loop3A_391 = arith.addf %parallel_loop3A_390, %parallel_loop3A_389 : vector<16xf32>
        %parallel_loop3A_392 = arith.constant 0 : i32
        %parallel_loop3A_393 = vector.broadcast %parallel_loop3A_392 : i32 to vector<16xi32>
        %parallel_loop3A_394 = arith.cmpi eq, %parallel_loop3A_381, %parallel_loop3A_393 : vector<16xi32>
        %parallel_loop3A_395 = arith.constant 1 : i32
        %parallel_loop3A_396 = vector.broadcast %parallel_loop3A_395 : i32 to vector<16xi32>
        %parallel_loop3A_397 = arith.cmpi eq, %parallel_loop3A_381, %parallel_loop3A_396 : vector<16xi32>
        %parallel_loop3A_398 = arith.select %parallel_loop3A_397, %parallel_loop3A_385, %parallel_loop3A_386 : vector<16xi1>, vector<16xf32>
        %parallel_loop3A_399 = arith.select %parallel_loop3A_394, %parallel_loop3A_384, %parallel_loop3A_398 : vector<16xi1>, vector<16xf32>
        %parallel_loop3A_400 = arith.select %parallel_loop3A_397, %parallel_loop3A_388, %parallel_loop3A_389 : vector<16xi1>, vector<16xf32>
        %parallel_loop3A_401 = arith.select %parallel_loop3A_394, %parallel_loop3A_387, %parallel_loop3A_400 : vector<16xi1>, vector<16xf32>
        %parallel_loop3A_402 = arith.divf %parallel_loop3A_401, %parallel_loop3A_391 : vector<16xf32>
        %parallel_loop3A_403 = arith.constant 1.000000e+00 : f32
        %parallel_loop3A_404 = vector.broadcast %parallel_loop3A_403 : f32 to vector<16xf32>
        %parallel_loop3A_405 = arith.subf %parallel_loop3A_404, %parallel_loop3A_402 : vector<16xf32>
        %parallel_loop3A_406 = arith.constant 1.000000e+00 : f32
        %parallel_loop3A_407 = vector.broadcast %parallel_loop3A_406 : f32 to vector<16xf32>
        %parallel_loop3A_408 = arith.subf %parallel_loop3A_391, %parallel_loop3A_407 : vector<16xf32>
        %parallel_loop3A_409 = arith.constant 1.000000e+00 : f32
        %parallel_loop3A_410 = vector.broadcast %parallel_loop3A_409 : f32 to vector<16xf32>
        %parallel_loop3A_411 = arith.addf %parallel_loop3A_391, %parallel_loop3A_410 : vector<16xf32>
        %parallel_loop3A_412 = arith.divf %parallel_loop3A_408, %parallel_loop3A_411 : vector<16xf32>
        %parallel_loop3A_413 = arith.mulf %parallel_loop3A_412, %parallel_loop3A_412 : vector<16xf32>
        %parallel_loop3A_414 = arith.constant 0.181818187 : f32
        %parallel_loop3A_415 = vector.broadcast %parallel_loop3A_414 : f32 to vector<16xf32>
        %parallel_loop3A_416 = arith.mulf %parallel_loop3A_415, %parallel_loop3A_413 : vector<16xf32>
        %parallel_loop3A_417 = arith.constant 0.222222224 : f32
        %parallel_loop3A_418 = vector.broadcast %parallel_loop3A_417 : f32 to vector<16xf32>
        %parallel_loop3A_419 = arith.addf %parallel_loop3A_416, %parallel_loop3A_418 : vector<16xf32>
        %parallel_loop3A_420 = arith.mulf %parallel_loop3A_419, %parallel_loop3A_413 : vector<16xf32>
        %parallel_loop3A_421 = arith.constant 0.285714298 : f32
        %parallel_loop3A_422 = vector.broadcast %parallel_loop3A_421 : f32 to vector<16xf32>
        %parallel_loop3A_423 = arith.addf %parallel_loop3A_420, %parallel_loop3A_422 : vector<16xf32>
        %parallel_loop3A_424 = arith.mulf %parallel_loop3A_423, %parallel_loop3A_413 : vector<16xf32>
        %parallel_loop3A_425 = arith.constant 4.000000e-01 : f32
        %parallel_loop3A_426 = vector.broadcast %parallel_loop3A_425 : f32 to vector<16xf32>
        %parallel_loop3A_427 = arith.addf %parallel_loop3A_424, %parallel_loop3A_426 : vector<16xf32>
        %parallel_loop3A_428 = arith.mulf %parallel_loop3A_427, %parallel_loop3A_413 : vector<16xf32>
        %parallel_loop3A_429 = arith.constant 0.666666686 : f32
        %parallel_loop3A_430 = vector.broadcast %parallel_loop3A_429 : f32 to vector<16xf32>
        %parallel_loop3A_431 = arith.addf %parallel_loop3A_428, %parallel_loop3A_430 : vector<16xf32>
        %parallel_loop3A_432 = arith.mulf %parallel_loop3A_431, %parallel_loop3A_413 : vector<16xf32>
        %parallel_loop3A_433 = arith.constant 2.000000e+00 : f32
        %parallel_loop3A_434 = vector.broadcast %parallel_loop3A_433 : f32 to vector<16xf32>
        %parallel_loop3A_435 = arith.addf %parallel_loop3A_432, %parallel_loop3A_434 : vector<16xf32>
        %parallel_loop3A_436 = arith.mulf %parallel_loop3A_435, %parallel_loop3A_412 : vector<16xf32>
        %parallel_loop3A_437 = arith.subf %parallel_loop3A_399, %parallel_loop3A_436 : vector<16xf32>
        %parallel_loop3A_438 = arith.constant 1.000000e+01 : f32
        %parallel_loop3A_439 = vector.broadcast %parallel_loop3A_438 : f32 to vector<16xf32>
        %parallel_loop3A_440 = arith.mulf %parallel_loop3A_405, %parallel_loop3A_439 : vector<16xf32>
        %parallel_loop3A_441 = arith.fptosi %parallel_loop3A_440 : vector<16xf32> to vector<16xi32>
        %parallel_loop3A_442 = tpu.vector_load_idx %arg24[%parallel_loop3A_441] : memref<16xf32, #tpu.memory_space<vmem>>[vector<16xi32>], vector<16xf32>,
        %parallel_loop3A_443 = arith.addi %parallel_loop3A_441, %broadcast_in_dim3A_36 : vector<16xi32>
        %parallel_loop3A_444 = tpu.vector_load_idx %arg24[%parallel_loop3A_443] : memref<16xf32, #tpu.memory_space<vmem>>[vector<16xi32>], vector<16xf32>,
        %parallel_loop3A_445 = arith.cmpf oge, %parallel_loop3A_405, %parallel_loop3A_444 : vector<16xf32>
        %parallel_loop3A_446 = arith.select %parallel_loop3A_445, %broadcast_in_dim3A_36, %broadcast_in_dim3A_38 : vector<16xi1>, vector<16xi32>
        %parallel_loop3A_447 = arith.addi %parallel_loop3A_441, %parallel_loop3A_446 : vector<16xi32>
        %parallel_loop3A_448 = arith.cmpf olt, %parallel_loop3A_405, %parallel_loop3A_442 : vector<16xf32>
        %parallel_loop3A_449 = arith.select %parallel_loop3A_448, %broadcast_in_dim3A_36, %broadcast_in_dim3A_38 : vector<16xi1>, vector<16xi32>
        %parallel_loop3A_450 = arith.subi %parallel_loop3A_447, %parallel_loop3A_449 : vector<16xi32>
        %parallel_loop3A_451 = arith.maxsi %parallel_loop3A_450, %broadcast_in_dim3A_38 : vector<16xi32>
        tpu.vector_store_idx %arg17[%parallel_loop3A_451], %broadcast_in_dim3A_34 {add = true} : memref<16xf32, #tpu.memory_space<vmem>>[vector<16xi32>], vector<16xf32>,
        tpu.vector_store_idx %arg21[%parallel_loop3A_451], %parallel_loop3A_437 {add = true} : memref<16xf32, #tpu.memory_space<vmem>>[vector<16xi32>], vector<16xf32>,
        %parallel_loop3A_452 = arith.constant 2 : i32
        %parallel_loop3A_453 = arith.addi %parallel_loop3A_271, %parallel_loop3A_452 : i32
        %parallel_loop3A_454 = arith.constant 5 : i32
        %parallel_loop3A_455 = arith.shrui %parallel_loop3A_453, %parallel_loop3A_454 : i32
        %parallel_loop3A_456 = arith.constant 31 : i32
        %parallel_loop3A_457 = arith.andi %parallel_loop3A_453, %parallel_loop3A_456 : i32
        %parallel_loop3A_458 = arith.constant 4 : i32
        %parallel_loop3A_459 = arith.shli %parallel_loop3A_457, %parallel_loop3A_458 : i32
        %parallel_loop3A_460 = arith.index_cast %parallel_loop3A_455 : i32 to index
        %parallel_loop3A_461 = arith.index_cast %parallel_loop3A_459 : i32 to index
        %parallel_loop3A_462 = tpu.vector_load %arg6[%parallel_loop3A_460, %parallel_loop3A_461] {strides = array<i32>} : memref<16x512xf32, #tpu.memory_space<vmem>>, vector<16xf32>,
        %parallel_loop3A_463 = arith.index_cast %parallel_loop3A_455 : i32 to index
        %parallel_loop3A_464 = arith.index_cast %parallel_loop3A_459 : i32 to index
        %parallel_loop3A_465 = tpu.vector_load %arg7[%parallel_loop3A_463, %parallel_loop3A_464] {strides = array<i32>} : memref<16x512xf32, #tpu.memory_space<vmem>>, vector<16xf32>,
        %parallel_loop3A_466 = arith.index_cast %parallel_loop3A_455 : i32 to index
        %parallel_loop3A_467 = arith.index_cast %parallel_loop3A_459 : i32 to index
        %parallel_loop3A_468 = tpu.vector_load %arg8[%parallel_loop3A_466, %parallel_loop3A_467] {strides = array<i32>} : memref<16x512xf32, #tpu.memory_space<vmem>>, vector<16xf32>,
        %parallel_loop3A_469 = arith.index_cast %parallel_loop3A_455 : i32 to index
        %parallel_loop3A_470 = arith.index_cast %parallel_loop3A_459 : i32 to index
        %parallel_loop3A_471 = tpu.vector_load %arg9[%parallel_loop3A_469, %parallel_loop3A_470] {strides = array<i32>} : memref<16x512xi32, #tpu.memory_space<vmem>>, vector<16xi32>,
        %parallel_loop3A_472 = arith.maximumf %parallel_loop3A_462, %parallel_loop3A_465 : vector<16xf32>
        %parallel_loop3A_473 = arith.maximumf %parallel_loop3A_472, %parallel_loop3A_468 : vector<16xf32>
        %parallel_loop3A_474 = arith.subf %parallel_loop3A_462, %parallel_loop3A_473 : vector<16xf32>
        %parallel_loop3A_475 = arith.subf %parallel_loop3A_465, %parallel_loop3A_473 : vector<16xf32>
        %parallel_loop3A_476 = arith.subf %parallel_loop3A_468, %parallel_loop3A_473 : vector<16xf32>
        %parallel_loop3A_477 = math.exp %parallel_loop3A_474 : vector<16xf32>
        %parallel_loop3A_478 = math.exp %parallel_loop3A_475 : vector<16xf32>
        %parallel_loop3A_479 = math.exp %parallel_loop3A_476 : vector<16xf32>
        %parallel_loop3A_480 = arith.addf %parallel_loop3A_477, %parallel_loop3A_478 : vector<16xf32>
        %parallel_loop3A_481 = arith.addf %parallel_loop3A_480, %parallel_loop3A_479 : vector<16xf32>
        %parallel_loop3A_482 = arith.constant 0 : i32
        %parallel_loop3A_483 = vector.broadcast %parallel_loop3A_482 : i32 to vector<16xi32>
        %parallel_loop3A_484 = arith.cmpi eq, %parallel_loop3A_471, %parallel_loop3A_483 : vector<16xi32>
        %parallel_loop3A_485 = arith.constant 1 : i32
        %parallel_loop3A_486 = vector.broadcast %parallel_loop3A_485 : i32 to vector<16xi32>
        %parallel_loop3A_487 = arith.cmpi eq, %parallel_loop3A_471, %parallel_loop3A_486 : vector<16xi32>
        %parallel_loop3A_488 = arith.select %parallel_loop3A_487, %parallel_loop3A_475, %parallel_loop3A_476 : vector<16xi1>, vector<16xf32>
        %parallel_loop3A_489 = arith.select %parallel_loop3A_484, %parallel_loop3A_474, %parallel_loop3A_488 : vector<16xi1>, vector<16xf32>
        %parallel_loop3A_490 = arith.select %parallel_loop3A_487, %parallel_loop3A_478, %parallel_loop3A_479 : vector<16xi1>, vector<16xf32>
        %parallel_loop3A_491 = arith.select %parallel_loop3A_484, %parallel_loop3A_477, %parallel_loop3A_490 : vector<16xi1>, vector<16xf32>
        %parallel_loop3A_492 = arith.divf %parallel_loop3A_491, %parallel_loop3A_481 : vector<16xf32>
        %parallel_loop3A_493 = arith.constant 1.000000e+00 : f32
        %parallel_loop3A_494 = vector.broadcast %parallel_loop3A_493 : f32 to vector<16xf32>
        %parallel_loop3A_495 = arith.subf %parallel_loop3A_494, %parallel_loop3A_492 : vector<16xf32>
        %parallel_loop3A_496 = arith.constant 1.000000e+00 : f32
        %parallel_loop3A_497 = vector.broadcast %parallel_loop3A_496 : f32 to vector<16xf32>
        %parallel_loop3A_498 = arith.subf %parallel_loop3A_481, %parallel_loop3A_497 : vector<16xf32>
        %parallel_loop3A_499 = arith.constant 1.000000e+00 : f32
        %parallel_loop3A_500 = vector.broadcast %parallel_loop3A_499 : f32 to vector<16xf32>
        %parallel_loop3A_501 = arith.addf %parallel_loop3A_481, %parallel_loop3A_500 : vector<16xf32>
        %parallel_loop3A_502 = arith.divf %parallel_loop3A_498, %parallel_loop3A_501 : vector<16xf32>
        %parallel_loop3A_503 = arith.mulf %parallel_loop3A_502, %parallel_loop3A_502 : vector<16xf32>
        %parallel_loop3A_504 = arith.constant 0.181818187 : f32
        %parallel_loop3A_505 = vector.broadcast %parallel_loop3A_504 : f32 to vector<16xf32>
        %parallel_loop3A_506 = arith.mulf %parallel_loop3A_505, %parallel_loop3A_503 : vector<16xf32>
        %parallel_loop3A_507 = arith.constant 0.222222224 : f32
        %parallel_loop3A_508 = vector.broadcast %parallel_loop3A_507 : f32 to vector<16xf32>
        %parallel_loop3A_509 = arith.addf %parallel_loop3A_506, %parallel_loop3A_508 : vector<16xf32>
        %parallel_loop3A_510 = arith.mulf %parallel_loop3A_509, %parallel_loop3A_503 : vector<16xf32>
        %parallel_loop3A_511 = arith.constant 0.285714298 : f32
        %parallel_loop3A_512 = vector.broadcast %parallel_loop3A_511 : f32 to vector<16xf32>
        %parallel_loop3A_513 = arith.addf %parallel_loop3A_510, %parallel_loop3A_512 : vector<16xf32>
        %parallel_loop3A_514 = arith.mulf %parallel_loop3A_513, %parallel_loop3A_503 : vector<16xf32>
        %parallel_loop3A_515 = arith.constant 4.000000e-01 : f32
        %parallel_loop3A_516 = vector.broadcast %parallel_loop3A_515 : f32 to vector<16xf32>
        %parallel_loop3A_517 = arith.addf %parallel_loop3A_514, %parallel_loop3A_516 : vector<16xf32>
        %parallel_loop3A_518 = arith.mulf %parallel_loop3A_517, %parallel_loop3A_503 : vector<16xf32>
        %parallel_loop3A_519 = arith.constant 0.666666686 : f32
        %parallel_loop3A_520 = vector.broadcast %parallel_loop3A_519 : f32 to vector<16xf32>
        %parallel_loop3A_521 = arith.addf %parallel_loop3A_518, %parallel_loop3A_520 : vector<16xf32>
        %parallel_loop3A_522 = arith.mulf %parallel_loop3A_521, %parallel_loop3A_503 : vector<16xf32>
        %parallel_loop3A_523 = arith.constant 2.000000e+00 : f32
        %parallel_loop3A_524 = vector.broadcast %parallel_loop3A_523 : f32 to vector<16xf32>
        %parallel_loop3A_525 = arith.addf %parallel_loop3A_522, %parallel_loop3A_524 : vector<16xf32>
        %parallel_loop3A_526 = arith.mulf %parallel_loop3A_525, %parallel_loop3A_502 : vector<16xf32>
        %parallel_loop3A_527 = arith.subf %parallel_loop3A_489, %parallel_loop3A_526 : vector<16xf32>
        %parallel_loop3A_528 = arith.constant 1.000000e+01 : f32
        %parallel_loop3A_529 = vector.broadcast %parallel_loop3A_528 : f32 to vector<16xf32>
        %parallel_loop3A_530 = arith.mulf %parallel_loop3A_495, %parallel_loop3A_529 : vector<16xf32>
        %parallel_loop3A_531 = arith.fptosi %parallel_loop3A_530 : vector<16xf32> to vector<16xi32>
        %parallel_loop3A_532 = tpu.vector_load_idx %arg24[%parallel_loop3A_531] : memref<16xf32, #tpu.memory_space<vmem>>[vector<16xi32>], vector<16xf32>,
        %parallel_loop3A_533 = arith.addi %parallel_loop3A_531, %broadcast_in_dim3A_36 : vector<16xi32>
        %parallel_loop3A_534 = tpu.vector_load_idx %arg24[%parallel_loop3A_533] : memref<16xf32, #tpu.memory_space<vmem>>[vector<16xi32>], vector<16xf32>,
        %parallel_loop3A_535 = arith.cmpf oge, %parallel_loop3A_495, %parallel_loop3A_534 : vector<16xf32>
        %parallel_loop3A_536 = arith.select %parallel_loop3A_535, %broadcast_in_dim3A_36, %broadcast_in_dim3A_38 : vector<16xi1>, vector<16xi32>
        %parallel_loop3A_537 = arith.addi %parallel_loop3A_531, %parallel_loop3A_536 : vector<16xi32>
        %parallel_loop3A_538 = arith.cmpf olt, %parallel_loop3A_495, %parallel_loop3A_532 : vector<16xf32>
        %parallel_loop3A_539 = arith.select %parallel_loop3A_538, %broadcast_in_dim3A_36, %broadcast_in_dim3A_38 : vector<16xi1>, vector<16xi32>
        %parallel_loop3A_540 = arith.subi %parallel_loop3A_537, %parallel_loop3A_539 : vector<16xi32>
        %parallel_loop3A_541 = arith.maxsi %parallel_loop3A_540, %broadcast_in_dim3A_38 : vector<16xi32>
        tpu.vector_store_idx %arg18[%parallel_loop3A_541], %broadcast_in_dim3A_34 {add = true} : memref<16xf32, #tpu.memory_space<vmem>>[vector<16xi32>], vector<16xf32>,
        tpu.vector_store_idx %arg22[%parallel_loop3A_541], %parallel_loop3A_527 {add = true} : memref<16xf32, #tpu.memory_space<vmem>>[vector<16xi32>], vector<16xf32>,
        %parallel_loop3A_542 = arith.constant 3 : i32
        %parallel_loop3A_543 = arith.addi %parallel_loop3A_271, %parallel_loop3A_542 : i32
        %parallel_loop3A_544 = arith.constant 5 : i32
        %parallel_loop3A_545 = arith.shrui %parallel_loop3A_543, %parallel_loop3A_544 : i32
        %parallel_loop3A_546 = arith.constant 31 : i32
        %parallel_loop3A_547 = arith.andi %parallel_loop3A_543, %parallel_loop3A_546 : i32
        %parallel_loop3A_548 = arith.constant 4 : i32
        %parallel_loop3A_549 = arith.shli %parallel_loop3A_547, %parallel_loop3A_548 : i32
        %parallel_loop3A_550 = arith.index_cast %parallel_loop3A_545 : i32 to index
        %parallel_loop3A_551 = arith.index_cast %parallel_loop3A_549 : i32 to index
        %parallel_loop3A_552 = tpu.vector_load %arg6[%parallel_loop3A_550, %parallel_loop3A_551] {strides = array<i32>} : memref<16x512xf32, #tpu.memory_space<vmem>>, vector<16xf32>,
        %parallel_loop3A_553 = arith.index_cast %parallel_loop3A_545 : i32 to index
        %parallel_loop3A_554 = arith.index_cast %parallel_loop3A_549 : i32 to index
        %parallel_loop3A_555 = tpu.vector_load %arg7[%parallel_loop3A_553, %parallel_loop3A_554] {strides = array<i32>} : memref<16x512xf32, #tpu.memory_space<vmem>>, vector<16xf32>,
        %parallel_loop3A_556 = arith.index_cast %parallel_loop3A_545 : i32 to index
        %parallel_loop3A_557 = arith.index_cast %parallel_loop3A_549 : i32 to index
        %parallel_loop3A_558 = tpu.vector_load %arg8[%parallel_loop3A_556, %parallel_loop3A_557] {strides = array<i32>} : memref<16x512xf32, #tpu.memory_space<vmem>>, vector<16xf32>,
        %parallel_loop3A_559 = arith.index_cast %parallel_loop3A_545 : i32 to index
        %parallel_loop3A_560 = arith.index_cast %parallel_loop3A_549 : i32 to index
        %parallel_loop3A_561 = tpu.vector_load %arg9[%parallel_loop3A_559, %parallel_loop3A_560] {strides = array<i32>} : memref<16x512xi32, #tpu.memory_space<vmem>>, vector<16xi32>,
        %parallel_loop3A_562 = arith.maximumf %parallel_loop3A_552, %parallel_loop3A_555 : vector<16xf32>
        %parallel_loop3A_563 = arith.maximumf %parallel_loop3A_562, %parallel_loop3A_558 : vector<16xf32>
        %parallel_loop3A_564 = arith.subf %parallel_loop3A_552, %parallel_loop3A_563 : vector<16xf32>
        %parallel_loop3A_565 = arith.subf %parallel_loop3A_555, %parallel_loop3A_563 : vector<16xf32>
        %parallel_loop3A_566 = arith.subf %parallel_loop3A_558, %parallel_loop3A_563 : vector<16xf32>
        %parallel_loop3A_567 = math.exp %parallel_loop3A_564 : vector<16xf32>
        %parallel_loop3A_568 = math.exp %parallel_loop3A_565 : vector<16xf32>
        %parallel_loop3A_569 = math.exp %parallel_loop3A_566 : vector<16xf32>
        %parallel_loop3A_570 = arith.addf %parallel_loop3A_567, %parallel_loop3A_568 : vector<16xf32>
        %parallel_loop3A_571 = arith.addf %parallel_loop3A_570, %parallel_loop3A_569 : vector<16xf32>
        %parallel_loop3A_572 = arith.constant 0 : i32
        %parallel_loop3A_573 = vector.broadcast %parallel_loop3A_572 : i32 to vector<16xi32>
        %parallel_loop3A_574 = arith.cmpi eq, %parallel_loop3A_561, %parallel_loop3A_573 : vector<16xi32>
        %parallel_loop3A_575 = arith.constant 1 : i32
        %parallel_loop3A_576 = vector.broadcast %parallel_loop3A_575 : i32 to vector<16xi32>
        %parallel_loop3A_577 = arith.cmpi eq, %parallel_loop3A_561, %parallel_loop3A_576 : vector<16xi32>
        %parallel_loop3A_578 = arith.select %parallel_loop3A_577, %parallel_loop3A_565, %parallel_loop3A_566 : vector<16xi1>, vector<16xf32>
        %parallel_loop3A_579 = arith.select %parallel_loop3A_574, %parallel_loop3A_564, %parallel_loop3A_578 : vector<16xi1>, vector<16xf32>
        %parallel_loop3A_580 = arith.select %parallel_loop3A_577, %parallel_loop3A_568, %parallel_loop3A_569 : vector<16xi1>, vector<16xf32>
        %parallel_loop3A_581 = arith.select %parallel_loop3A_574, %parallel_loop3A_567, %parallel_loop3A_580 : vector<16xi1>, vector<16xf32>
        %parallel_loop3A_582 = arith.divf %parallel_loop3A_581, %parallel_loop3A_571 : vector<16xf32>
        %parallel_loop3A_583 = arith.constant 1.000000e+00 : f32
        %parallel_loop3A_584 = vector.broadcast %parallel_loop3A_583 : f32 to vector<16xf32>
        %parallel_loop3A_585 = arith.subf %parallel_loop3A_584, %parallel_loop3A_582 : vector<16xf32>
        %parallel_loop3A_586 = arith.constant 1.000000e+00 : f32
        %parallel_loop3A_587 = vector.broadcast %parallel_loop3A_586 : f32 to vector<16xf32>
        %parallel_loop3A_588 = arith.subf %parallel_loop3A_571, %parallel_loop3A_587 : vector<16xf32>
        %parallel_loop3A_589 = arith.constant 1.000000e+00 : f32
        %parallel_loop3A_590 = vector.broadcast %parallel_loop3A_589 : f32 to vector<16xf32>
        %parallel_loop3A_591 = arith.addf %parallel_loop3A_571, %parallel_loop3A_590 : vector<16xf32>
        %parallel_loop3A_592 = arith.divf %parallel_loop3A_588, %parallel_loop3A_591 : vector<16xf32>
        %parallel_loop3A_593 = arith.mulf %parallel_loop3A_592, %parallel_loop3A_592 : vector<16xf32>
        %parallel_loop3A_594 = arith.constant 0.181818187 : f32
        %parallel_loop3A_595 = vector.broadcast %parallel_loop3A_594 : f32 to vector<16xf32>
        %parallel_loop3A_596 = arith.mulf %parallel_loop3A_595, %parallel_loop3A_593 : vector<16xf32>
        %parallel_loop3A_597 = arith.constant 0.222222224 : f32
        %parallel_loop3A_598 = vector.broadcast %parallel_loop3A_597 : f32 to vector<16xf32>
        %parallel_loop3A_599 = arith.addf %parallel_loop3A_596, %parallel_loop3A_598 : vector<16xf32>
        %parallel_loop3A_600 = arith.mulf %parallel_loop3A_599, %parallel_loop3A_593 : vector<16xf32>
        %parallel_loop3A_601 = arith.constant 0.285714298 : f32
        %parallel_loop3A_602 = vector.broadcast %parallel_loop3A_601 : f32 to vector<16xf32>
        %parallel_loop3A_603 = arith.addf %parallel_loop3A_600, %parallel_loop3A_602 : vector<16xf32>
        %parallel_loop3A_604 = arith.mulf %parallel_loop3A_603, %parallel_loop3A_593 : vector<16xf32>
        %parallel_loop3A_605 = arith.constant 4.000000e-01 : f32
        %parallel_loop3A_606 = vector.broadcast %parallel_loop3A_605 : f32 to vector<16xf32>
        %parallel_loop3A_607 = arith.addf %parallel_loop3A_604, %parallel_loop3A_606 : vector<16xf32>
        %parallel_loop3A_608 = arith.mulf %parallel_loop3A_607, %parallel_loop3A_593 : vector<16xf32>
        %parallel_loop3A_609 = arith.constant 0.666666686 : f32
        %parallel_loop3A_610 = vector.broadcast %parallel_loop3A_609 : f32 to vector<16xf32>
        %parallel_loop3A_611 = arith.addf %parallel_loop3A_608, %parallel_loop3A_610 : vector<16xf32>
        %parallel_loop3A_612 = arith.mulf %parallel_loop3A_611, %parallel_loop3A_593 : vector<16xf32>
        %parallel_loop3A_613 = arith.constant 2.000000e+00 : f32
        %parallel_loop3A_614 = vector.broadcast %parallel_loop3A_613 : f32 to vector<16xf32>
        %parallel_loop3A_615 = arith.addf %parallel_loop3A_612, %parallel_loop3A_614 : vector<16xf32>
        %parallel_loop3A_616 = arith.mulf %parallel_loop3A_615, %parallel_loop3A_592 : vector<16xf32>
        %parallel_loop3A_617 = arith.subf %parallel_loop3A_579, %parallel_loop3A_616 : vector<16xf32>
        %parallel_loop3A_618 = arith.constant 1.000000e+01 : f32
        %parallel_loop3A_619 = vector.broadcast %parallel_loop3A_618 : f32 to vector<16xf32>
        %parallel_loop3A_620 = arith.mulf %parallel_loop3A_585, %parallel_loop3A_619 : vector<16xf32>
        %parallel_loop3A_621 = arith.fptosi %parallel_loop3A_620 : vector<16xf32> to vector<16xi32>
        %parallel_loop3A_622 = tpu.vector_load_idx %arg24[%parallel_loop3A_621] : memref<16xf32, #tpu.memory_space<vmem>>[vector<16xi32>], vector<16xf32>,
        %parallel_loop3A_623 = arith.addi %parallel_loop3A_621, %broadcast_in_dim3A_36 : vector<16xi32>
        %parallel_loop3A_624 = tpu.vector_load_idx %arg24[%parallel_loop3A_623] : memref<16xf32, #tpu.memory_space<vmem>>[vector<16xi32>], vector<16xf32>,
        %parallel_loop3A_625 = arith.cmpf oge, %parallel_loop3A_585, %parallel_loop3A_624 : vector<16xf32>
        %parallel_loop3A_626 = arith.select %parallel_loop3A_625, %broadcast_in_dim3A_36, %broadcast_in_dim3A_38 : vector<16xi1>, vector<16xi32>
        %parallel_loop3A_627 = arith.addi %parallel_loop3A_621, %parallel_loop3A_626 : vector<16xi32>
        %parallel_loop3A_628 = arith.cmpf olt, %parallel_loop3A_585, %parallel_loop3A_622 : vector<16xf32>
        %parallel_loop3A_629 = arith.select %parallel_loop3A_628, %broadcast_in_dim3A_36, %broadcast_in_dim3A_38 : vector<16xi1>, vector<16xi32>
        %parallel_loop3A_630 = arith.subi %parallel_loop3A_627, %parallel_loop3A_629 : vector<16xi32>
        %parallel_loop3A_631 = arith.maxsi %parallel_loop3A_630, %broadcast_in_dim3A_38 : vector<16xi32>
        tpu.vector_store_idx %arg19[%parallel_loop3A_631], %broadcast_in_dim3A_34 {add = true} : memref<16xf32, #tpu.memory_space<vmem>>[vector<16xi32>], vector<16xf32>,
        tpu.vector_store_idx %arg23[%parallel_loop3A_631], %parallel_loop3A_617 {add = true} : memref<16xf32, #tpu.memory_space<vmem>>[vector<16xi32>], vector<16xf32>,
      } {sc.loop_unroll_factor = 1 : i64, sc.parallel_access}
      %add3A_205 = arith.constant 2 : i32
      %add3A_206 = arith.addi %mul3A_142, %add3A_205 : i32
      %min3A = arith.constant 15 : i32
      %min3A_207 = arith.minsi %add3A_206, %min3A : i32
      %dma_start3A_208 = arith.constant 0 : i32
      %dma_start3A_209 = arith.constant 0 : i32
      %dma_start3A_210 = tpu.memref_slice %arg2[%min3A_207, %dma_start3A_208, %mul3A_2, %dma_start3A_209] : memref<16x3x512x512xf32, #tpu.memory_space<hbm>> -> memref<1x1x16x512xf32, #tpu.memory_space<hbm>>
      %dma_start3A_211 = tpu.memref_squeeze %dma_start3A_210 : memref<1x1x16x512xf32, #tpu.memory_space<hbm>> -> memref<16x512xf32, #tpu.memory_space<hbm>>
      %dma_start3A_212 = arith.constant 0 : i32
      %dma_start3A_213 = tpu.memref_slice %arg2[%min3A_207, %dma_start3A_208, %mul3A_2, %dma_start3A_212] : memref<16x3x512x512xf32, #tpu.memory_space<hbm>> -> memref<1x1x16x512xf32, #tpu.memory_space<hbm>>
      %dma_start3A_214 = tpu.memref_squeeze %dma_start3A_213 : memref<1x1x16x512xf32, #tpu.memory_space<hbm>> -> memref<16x512xf32, #tpu.memory_space<hbm>>
      tpu.enqueue_dma source(%dma_start3A_214 : memref<16x512xf32, #tpu.memory_space<hbm>>) target(%arg6 : memref<16x512xf32, #tpu.memory_space<vmem>>) target_semaphore(%arg14 : memref<!tpu.dma_semaphore, #tpu.memory_space<semaphore_mem>>)
      %dma_start3A_215 = arith.constant 1 : i32
      %dma_start3A_216 = arith.constant 0 : i32
      %dma_start3A_217 = tpu.memref_slice %arg2[%min3A_207, %dma_start3A_215, %mul3A_2, %dma_start3A_216] : memref<16x3x512x512xf32, #tpu.memory_space<hbm>> -> memref<1x1x16x512xf32, #tpu.memory_space<hbm>>
      %dma_start3A_218 = tpu.memref_squeeze %dma_start3A_217 : memref<1x1x16x512xf32, #tpu.memory_space<hbm>> -> memref<16x512xf32, #tpu.memory_space<hbm>>
      %dma_start3A_219 = arith.constant 0 : i32
      %dma_start3A_220 = tpu.memref_slice %arg2[%min3A_207, %dma_start3A_215, %mul3A_2, %dma_start3A_219] : memref<16x3x512x512xf32, #tpu.memory_space<hbm>> -> memref<1x1x16x512xf32, #tpu.memory_space<hbm>>
      %dma_start3A_221 = tpu.memref_squeeze %dma_start3A_220 : memref<1x1x16x512xf32, #tpu.memory_space<hbm>> -> memref<16x512xf32, #tpu.memory_space<hbm>>
      tpu.enqueue_dma source(%dma_start3A_221 : memref<16x512xf32, #tpu.memory_space<hbm>>) target(%arg7 : memref<16x512xf32, #tpu.memory_space<vmem>>) target_semaphore(%arg14 : memref<!tpu.dma_semaphore, #tpu.memory_space<semaphore_mem>>)
      %dma_start3A_222 = arith.constant 2 : i32
      %dma_start3A_223 = arith.constant 0 : i32
      %dma_start3A_224 = tpu.memref_slice %arg2[%min3A_207, %dma_start3A_222, %mul3A_2, %dma_start3A_223] : memref<16x3x512x512xf32, #tpu.memory_space<hbm>> -> memref<1x1x16x512xf32, #tpu.memory_space<hbm>>
      %dma_start3A_225 = tpu.memref_squeeze %dma_start3A_224 : memref<1x1x16x512xf32, #tpu.memory_space<hbm>> -> memref<16x512xf32, #tpu.memory_space<hbm>>
      %dma_start3A_226 = arith.constant 0 : i32
      %dma_start3A_227 = tpu.memref_slice %arg2[%min3A_207, %dma_start3A_222, %mul3A_2, %dma_start3A_226] : memref<16x3x512x512xf32, #tpu.memory_space<hbm>> -> memref<1x1x16x512xf32, #tpu.memory_space<hbm>>
      %dma_start3A_228 = tpu.memref_squeeze %dma_start3A_227 : memref<1x1x16x512xf32, #tpu.memory_space<hbm>> -> memref<16x512xf32, #tpu.memory_space<hbm>>
      tpu.enqueue_dma source(%dma_start3A_228 : memref<16x512xf32, #tpu.memory_space<hbm>>) target(%arg8 : memref<16x512xf32, #tpu.memory_space<vmem>>) target_semaphore(%arg14 : memref<!tpu.dma_semaphore, #tpu.memory_space<semaphore_mem>>)
      %dma_start3A_229 = arith.constant 0 : i32
      %dma_start3A_230 = tpu.memref_slice %arg3[%min3A_207, %mul3A_2, %dma_start3A_229] : memref<16x512x512xi32, #tpu.memory_space<hbm>> -> memref<1x16x512xi32, #tpu.memory_space<hbm>>
      %dma_start3A_231 = tpu.memref_squeeze %dma_start3A_230 : memref<1x16x512xi32, #tpu.memory_space<hbm>> -> memref<16x512xi32, #tpu.memory_space<hbm>>
      %dma_start3A_232 = arith.constant 0 : i32
      %dma_start3A_233 = tpu.memref_slice %arg3[%min3A_207, %mul3A_2, %dma_start3A_232] : memref<16x512x512xi32, #tpu.memory_space<hbm>> -> memref<1x16x512xi32, #tpu.memory_space<hbm>>
      %dma_start3A_234 = tpu.memref_squeeze %dma_start3A_233 : memref<1x16x512xi32, #tpu.memory_space<hbm>> -> memref<16x512xi32, #tpu.memory_space<hbm>>
      tpu.enqueue_dma source(%dma_start3A_234 : memref<16x512xi32, #tpu.memory_space<hbm>>) target(%arg9 : memref<16x512xi32, #tpu.memory_space<vmem>>) target_semaphore(%arg14 : memref<!tpu.dma_semaphore, #tpu.memory_space<semaphore_mem>>)
      %dma_wait3A_235 = arith.constant 0 : i32
      %dma_wait3A_236 = arith.constant 0 : i32
      %dma_wait3A_237 = arith.constant 0 : i32
      %dma_wait3A_238 = tpu.memref_slice %arg2[%dma_wait3A_235, %dma_wait3A_236, %mul3A_2, %dma_wait3A_237] : memref<16x3x512x512xf32, #tpu.memory_space<hbm>> -> memref<1x1x16x512xf32, #tpu.memory_space<hbm>>
      %dma_wait3A_239 = tpu.memref_squeeze %dma_wait3A_238 : memref<1x1x16x512xf32, #tpu.memory_space<hbm>> -> memref<16x512xf32, #tpu.memory_space<hbm>>
      %dma_wait3A_240 = arith.constant 0 : i32
      %dma_wait3A_241 = tpu.memref_slice %arg2[%dma_wait3A_235, %dma_wait3A_236, %mul3A_2, %dma_wait3A_240] : memref<16x3x512x512xf32, #tpu.memory_space<hbm>> -> memref<1x1x16x512xf32, #tpu.memory_space<hbm>>
      %dma_wait3A_242 = tpu.memref_squeeze %dma_wait3A_241 : memref<1x1x16x512xf32, #tpu.memory_space<hbm>> -> memref<16x512xf32, #tpu.memory_space<hbm>>
      tpu.wait_dma2 semaphore(%arg15 : memref<!tpu.dma_semaphore, #tpu.memory_space<semaphore_mem>>) src(%dma_wait3A_242 : memref<16x512xf32, #tpu.memory_space<hbm>>) dst(%arg10 : memref<16x512xf32, #tpu.memory_space<vmem>>)
      %dma_wait3A_243 = arith.constant 0 : i32
      %dma_wait3A_244 = arith.constant 0 : i32
      %dma_wait3A_245 = arith.constant 0 : i32
      %dma_wait3A_246 = tpu.memref_slice %arg2[%dma_wait3A_243, %dma_wait3A_244, %mul3A_2, %dma_wait3A_245] : memref<16x3x512x512xf32, #tpu.memory_space<hbm>> -> memref<1x1x16x512xf32, #tpu.memory_space<hbm>>
      %dma_wait3A_247 = tpu.memref_squeeze %dma_wait3A_246 : memref<1x1x16x512xf32, #tpu.memory_space<hbm>> -> memref<16x512xf32, #tpu.memory_space<hbm>>
      %dma_wait3A_248 = arith.constant 0 : i32
      %dma_wait3A_249 = tpu.memref_slice %arg2[%dma_wait3A_243, %dma_wait3A_244, %mul3A_2, %dma_wait3A_248] : memref<16x3x512x512xf32, #tpu.memory_space<hbm>> -> memref<1x1x16x512xf32, #tpu.memory_space<hbm>>
      %dma_wait3A_250 = tpu.memref_squeeze %dma_wait3A_249 : memref<1x1x16x512xf32, #tpu.memory_space<hbm>> -> memref<16x512xf32, #tpu.memory_space<hbm>>
      tpu.wait_dma2 semaphore(%arg15 : memref<!tpu.dma_semaphore, #tpu.memory_space<semaphore_mem>>) src(%dma_wait3A_250 : memref<16x512xf32, #tpu.memory_space<hbm>>) dst(%arg11 : memref<16x512xf32, #tpu.memory_space<vmem>>)
      %dma_wait3A_251 = arith.constant 0 : i32
      %dma_wait3A_252 = arith.constant 0 : i32
      %dma_wait3A_253 = arith.constant 0 : i32
      %dma_wait3A_254 = tpu.memref_slice %arg2[%dma_wait3A_251, %dma_wait3A_252, %mul3A_2, %dma_wait3A_253] : memref<16x3x512x512xf32, #tpu.memory_space<hbm>> -> memref<1x1x16x512xf32, #tpu.memory_space<hbm>>
      %dma_wait3A_255 = tpu.memref_squeeze %dma_wait3A_254 : memref<1x1x16x512xf32, #tpu.memory_space<hbm>> -> memref<16x512xf32, #tpu.memory_space<hbm>>
      %dma_wait3A_256 = arith.constant 0 : i32
      %dma_wait3A_257 = tpu.memref_slice %arg2[%dma_wait3A_251, %dma_wait3A_252, %mul3A_2, %dma_wait3A_256] : memref<16x3x512x512xf32, #tpu.memory_space<hbm>> -> memref<1x1x16x512xf32, #tpu.memory_space<hbm>>
      %dma_wait3A_258 = tpu.memref_squeeze %dma_wait3A_257 : memref<1x1x16x512xf32, #tpu.memory_space<hbm>> -> memref<16x512xf32, #tpu.memory_space<hbm>>
      tpu.wait_dma2 semaphore(%arg15 : memref<!tpu.dma_semaphore, #tpu.memory_space<semaphore_mem>>) src(%dma_wait3A_258 : memref<16x512xf32, #tpu.memory_space<hbm>>) dst(%arg12 : memref<16x512xf32, #tpu.memory_space<vmem>>)
      %dma_wait3A_259 = arith.constant 0 : i32
      %dma_wait3A_260 = arith.constant 0 : i32
      %dma_wait3A_261 = tpu.memref_slice %arg3[%dma_wait3A_259, %mul3A_2, %dma_wait3A_260] : memref<16x512x512xi32, #tpu.memory_space<hbm>> -> memref<1x16x512xi32, #tpu.memory_space<hbm>>
      %dma_wait3A_262 = tpu.memref_squeeze %dma_wait3A_261 : memref<1x16x512xi32, #tpu.memory_space<hbm>> -> memref<16x512xi32, #tpu.memory_space<hbm>>
      %dma_wait3A_263 = arith.constant 0 : i32
      %dma_wait3A_264 = tpu.memref_slice %arg3[%dma_wait3A_259, %mul3A_2, %dma_wait3A_263] : memref<16x512x512xi32, #tpu.memory_space<hbm>> -> memref<1x16x512xi32, #tpu.memory_space<hbm>>
      %dma_wait3A_265 = tpu.memref_squeeze %dma_wait3A_264 : memref<1x16x512xi32, #tpu.memory_space<hbm>> -> memref<16x512xi32, #tpu.memory_space<hbm>>
      tpu.wait_dma2 semaphore(%arg15 : memref<!tpu.dma_semaphore, #tpu.memory_space<semaphore_mem>>) src(%dma_wait3A_265 : memref<16x512xi32, #tpu.memory_space<hbm>>) dst(%arg13 : memref<16x512xi32, #tpu.memory_space<vmem>>)
      %parallel_loop3A_266 = arith.constant 0 : i32
      %parallel_loop3A_267 = arith.constant 128 : i32
      %parallel_loop3A_268 = arith.constant 1 : i32
      scf.for %parallel_loop3A_269 = %parallel_loop3A_266 to %parallel_loop3A_267 step %parallel_loop3A_268  : i32 {
        %parallel_loop3A_270 = arith.constant 4 : i32
        %parallel_loop3A_271 = arith.muli %parallel_loop3A_269, %parallel_loop3A_270 : i32
        %parallel_loop3A_272 = arith.constant 0 : i32
        %parallel_loop3A_273 = arith.addi %parallel_loop3A_271, %parallel_loop3A_272 : i32
        %parallel_loop3A_274 = arith.constant 5 : i32
        %parallel_loop3A_275 = arith.shrui %parallel_loop3A_273, %parallel_loop3A_274 : i32
        %parallel_loop3A_276 = arith.constant 31 : i32
        %parallel_loop3A_277 = arith.andi %parallel_loop3A_273, %parallel_loop3A_276 : i32
        %parallel_loop3A_278 = arith.constant 4 : i32
        %parallel_loop3A_279 = arith.shli %parallel_loop3A_277, %parallel_loop3A_278 : i32
        %parallel_loop3A_280 = arith.index_cast %parallel_loop3A_275 : i32 to index
        %parallel_loop3A_281 = arith.index_cast %parallel_loop3A_279 : i32 to index
        %parallel_loop3A_282 = tpu.vector_load %arg10[%parallel_loop3A_280, %parallel_loop3A_281] {strides = array<i32>} : memref<16x512xf32, #tpu.memory_space<vmem>>, vector<16xf32>,
        %parallel_loop3A_283 = arith.index_cast %parallel_loop3A_275 : i32 to index
        %parallel_loop3A_284 = arith.index_cast %parallel_loop3A_279 : i32 to index
        %parallel_loop3A_285 = tpu.vector_load %arg11[%parallel_loop3A_283, %parallel_loop3A_284] {strides = array<i32>} : memref<16x512xf32, #tpu.memory_space<vmem>>, vector<16xf32>,
        %parallel_loop3A_286 = arith.index_cast %parallel_loop3A_275 : i32 to index
        %parallel_loop3A_287 = arith.index_cast %parallel_loop3A_279 : i32 to index
        %parallel_loop3A_288 = tpu.vector_load %arg12[%parallel_loop3A_286, %parallel_loop3A_287] {strides = array<i32>} : memref<16x512xf32, #tpu.memory_space<vmem>>, vector<16xf32>,
        %parallel_loop3A_289 = arith.index_cast %parallel_loop3A_275 : i32 to index
        %parallel_loop3A_290 = arith.index_cast %parallel_loop3A_279 : i32 to index
        %parallel_loop3A_291 = tpu.vector_load %arg13[%parallel_loop3A_289, %parallel_loop3A_290] {strides = array<i32>} : memref<16x512xi32, #tpu.memory_space<vmem>>, vector<16xi32>,
        %parallel_loop3A_292 = arith.maximumf %parallel_loop3A_282, %parallel_loop3A_285 : vector<16xf32>
        %parallel_loop3A_293 = arith.maximumf %parallel_loop3A_292, %parallel_loop3A_288 : vector<16xf32>
        %parallel_loop3A_294 = arith.subf %parallel_loop3A_282, %parallel_loop3A_293 : vector<16xf32>
        %parallel_loop3A_295 = arith.subf %parallel_loop3A_285, %parallel_loop3A_293 : vector<16xf32>
        %parallel_loop3A_296 = arith.subf %parallel_loop3A_288, %parallel_loop3A_293 : vector<16xf32>
        %parallel_loop3A_297 = math.exp %parallel_loop3A_294 : vector<16xf32>
        %parallel_loop3A_298 = math.exp %parallel_loop3A_295 : vector<16xf32>
        %parallel_loop3A_299 = math.exp %parallel_loop3A_296 : vector<16xf32>
        %parallel_loop3A_300 = arith.addf %parallel_loop3A_297, %parallel_loop3A_298 : vector<16xf32>
        %parallel_loop3A_301 = arith.addf %parallel_loop3A_300, %parallel_loop3A_299 : vector<16xf32>
        %parallel_loop3A_302 = arith.constant 0 : i32
        %parallel_loop3A_303 = vector.broadcast %parallel_loop3A_302 : i32 to vector<16xi32>
        %parallel_loop3A_304 = arith.cmpi eq, %parallel_loop3A_291, %parallel_loop3A_303 : vector<16xi32>
        %parallel_loop3A_305 = arith.constant 1 : i32
        %parallel_loop3A_306 = vector.broadcast %parallel_loop3A_305 : i32 to vector<16xi32>
        %parallel_loop3A_307 = arith.cmpi eq, %parallel_loop3A_291, %parallel_loop3A_306 : vector<16xi32>
        %parallel_loop3A_308 = arith.select %parallel_loop3A_307, %parallel_loop3A_295, %parallel_loop3A_296 : vector<16xi1>, vector<16xf32>
        %parallel_loop3A_309 = arith.select %parallel_loop3A_304, %parallel_loop3A_294, %parallel_loop3A_308 : vector<16xi1>, vector<16xf32>
        %parallel_loop3A_310 = arith.select %parallel_loop3A_307, %parallel_loop3A_298, %parallel_loop3A_299 : vector<16xi1>, vector<16xf32>
        %parallel_loop3A_311 = arith.select %parallel_loop3A_304, %parallel_loop3A_297, %parallel_loop3A_310 : vector<16xi1>, vector<16xf32>
        %parallel_loop3A_312 = arith.divf %parallel_loop3A_311, %parallel_loop3A_301 : vector<16xf32>
        %parallel_loop3A_313 = arith.constant 1.000000e+00 : f32
        %parallel_loop3A_314 = vector.broadcast %parallel_loop3A_313 : f32 to vector<16xf32>
        %parallel_loop3A_315 = arith.subf %parallel_loop3A_314, %parallel_loop3A_312 : vector<16xf32>
        %parallel_loop3A_316 = arith.constant 1.000000e+00 : f32
        %parallel_loop3A_317 = vector.broadcast %parallel_loop3A_316 : f32 to vector<16xf32>
        %parallel_loop3A_318 = arith.subf %parallel_loop3A_301, %parallel_loop3A_317 : vector<16xf32>
        %parallel_loop3A_319 = arith.constant 1.000000e+00 : f32
        %parallel_loop3A_320 = vector.broadcast %parallel_loop3A_319 : f32 to vector<16xf32>
        %parallel_loop3A_321 = arith.addf %parallel_loop3A_301, %parallel_loop3A_320 : vector<16xf32>
        %parallel_loop3A_322 = arith.divf %parallel_loop3A_318, %parallel_loop3A_321 : vector<16xf32>
        %parallel_loop3A_323 = arith.mulf %parallel_loop3A_322, %parallel_loop3A_322 : vector<16xf32>
        %parallel_loop3A_324 = arith.constant 0.181818187 : f32
        %parallel_loop3A_325 = vector.broadcast %parallel_loop3A_324 : f32 to vector<16xf32>
        %parallel_loop3A_326 = arith.mulf %parallel_loop3A_325, %parallel_loop3A_323 : vector<16xf32>
        %parallel_loop3A_327 = arith.constant 0.222222224 : f32
        %parallel_loop3A_328 = vector.broadcast %parallel_loop3A_327 : f32 to vector<16xf32>
        %parallel_loop3A_329 = arith.addf %parallel_loop3A_326, %parallel_loop3A_328 : vector<16xf32>
        %parallel_loop3A_330 = arith.mulf %parallel_loop3A_329, %parallel_loop3A_323 : vector<16xf32>
        %parallel_loop3A_331 = arith.constant 0.285714298 : f32
        %parallel_loop3A_332 = vector.broadcast %parallel_loop3A_331 : f32 to vector<16xf32>
        %parallel_loop3A_333 = arith.addf %parallel_loop3A_330, %parallel_loop3A_332 : vector<16xf32>
        %parallel_loop3A_334 = arith.mulf %parallel_loop3A_333, %parallel_loop3A_323 : vector<16xf32>
        %parallel_loop3A_335 = arith.constant 4.000000e-01 : f32
        %parallel_loop3A_336 = vector.broadcast %parallel_loop3A_335 : f32 to vector<16xf32>
        %parallel_loop3A_337 = arith.addf %parallel_loop3A_334, %parallel_loop3A_336 : vector<16xf32>
        %parallel_loop3A_338 = arith.mulf %parallel_loop3A_337, %parallel_loop3A_323 : vector<16xf32>
        %parallel_loop3A_339 = arith.constant 0.666666686 : f32
        %parallel_loop3A_340 = vector.broadcast %parallel_loop3A_339 : f32 to vector<16xf32>
        %parallel_loop3A_341 = arith.addf %parallel_loop3A_338, %parallel_loop3A_340 : vector<16xf32>
        %parallel_loop3A_342 = arith.mulf %parallel_loop3A_341, %parallel_loop3A_323 : vector<16xf32>
        %parallel_loop3A_343 = arith.constant 2.000000e+00 : f32
        %parallel_loop3A_344 = vector.broadcast %parallel_loop3A_343 : f32 to vector<16xf32>
        %parallel_loop3A_345 = arith.addf %parallel_loop3A_342, %parallel_loop3A_344 : vector<16xf32>
        %parallel_loop3A_346 = arith.mulf %parallel_loop3A_345, %parallel_loop3A_322 : vector<16xf32>
        %parallel_loop3A_347 = arith.subf %parallel_loop3A_309, %parallel_loop3A_346 : vector<16xf32>
        %parallel_loop3A_348 = arith.constant 1.000000e+01 : f32
        %parallel_loop3A_349 = vector.broadcast %parallel_loop3A_348 : f32 to vector<16xf32>
        %parallel_loop3A_350 = arith.mulf %parallel_loop3A_315, %parallel_loop3A_349 : vector<16xf32>
        %parallel_loop3A_351 = arith.fptosi %parallel_loop3A_350 : vector<16xf32> to vector<16xi32>
        %parallel_loop3A_352 = tpu.vector_load_idx %arg24[%parallel_loop3A_351] : memref<16xf32, #tpu.memory_space<vmem>>[vector<16xi32>], vector<16xf32>,
        %parallel_loop3A_353 = arith.addi %parallel_loop3A_351, %broadcast_in_dim3A_36 : vector<16xi32>
        %parallel_loop3A_354 = tpu.vector_load_idx %arg24[%parallel_loop3A_353] : memref<16xf32, #tpu.memory_space<vmem>>[vector<16xi32>], vector<16xf32>,
        %parallel_loop3A_355 = arith.cmpf oge, %parallel_loop3A_315, %parallel_loop3A_354 : vector<16xf32>
        %parallel_loop3A_356 = arith.select %parallel_loop3A_355, %broadcast_in_dim3A_36, %broadcast_in_dim3A_38 : vector<16xi1>, vector<16xi32>
        %parallel_loop3A_357 = arith.addi %parallel_loop3A_351, %parallel_loop3A_356 : vector<16xi32>
        %parallel_loop3A_358 = arith.cmpf olt, %parallel_loop3A_315, %parallel_loop3A_352 : vector<16xf32>
        %parallel_loop3A_359 = arith.select %parallel_loop3A_358, %broadcast_in_dim3A_36, %broadcast_in_dim3A_38 : vector<16xi1>, vector<16xi32>
        %parallel_loop3A_360 = arith.subi %parallel_loop3A_357, %parallel_loop3A_359 : vector<16xi32>
        %parallel_loop3A_361 = arith.maxsi %parallel_loop3A_360, %broadcast_in_dim3A_38 : vector<16xi32>
        tpu.vector_store_idx %arg16[%parallel_loop3A_361], %broadcast_in_dim3A_34 {add = true} : memref<16xf32, #tpu.memory_space<vmem>>[vector<16xi32>], vector<16xf32>,
        tpu.vector_store_idx %arg20[%parallel_loop3A_361], %parallel_loop3A_347 {add = true} : memref<16xf32, #tpu.memory_space<vmem>>[vector<16xi32>], vector<16xf32>,
        %parallel_loop3A_362 = arith.constant 1 : i32
        %parallel_loop3A_363 = arith.addi %parallel_loop3A_271, %parallel_loop3A_362 : i32
        %parallel_loop3A_364 = arith.constant 5 : i32
        %parallel_loop3A_365 = arith.shrui %parallel_loop3A_363, %parallel_loop3A_364 : i32
        %parallel_loop3A_366 = arith.constant 31 : i32
        %parallel_loop3A_367 = arith.andi %parallel_loop3A_363, %parallel_loop3A_366 : i32
        %parallel_loop3A_368 = arith.constant 4 : i32
        %parallel_loop3A_369 = arith.shli %parallel_loop3A_367, %parallel_loop3A_368 : i32
        %parallel_loop3A_370 = arith.index_cast %parallel_loop3A_365 : i32 to index
        %parallel_loop3A_371 = arith.index_cast %parallel_loop3A_369 : i32 to index
        %parallel_loop3A_372 = tpu.vector_load %arg10[%parallel_loop3A_370, %parallel_loop3A_371] {strides = array<i32>} : memref<16x512xf32, #tpu.memory_space<vmem>>, vector<16xf32>,
        %parallel_loop3A_373 = arith.index_cast %parallel_loop3A_365 : i32 to index
        %parallel_loop3A_374 = arith.index_cast %parallel_loop3A_369 : i32 to index
        %parallel_loop3A_375 = tpu.vector_load %arg11[%parallel_loop3A_373, %parallel_loop3A_374] {strides = array<i32>} : memref<16x512xf32, #tpu.memory_space<vmem>>, vector<16xf32>,
        %parallel_loop3A_376 = arith.index_cast %parallel_loop3A_365 : i32 to index
        %parallel_loop3A_377 = arith.index_cast %parallel_loop3A_369 : i32 to index
        %parallel_loop3A_378 = tpu.vector_load %arg12[%parallel_loop3A_376, %parallel_loop3A_377] {strides = array<i32>} : memref<16x512xf32, #tpu.memory_space<vmem>>, vector<16xf32>,
        %parallel_loop3A_379 = arith.index_cast %parallel_loop3A_365 : i32 to index
        %parallel_loop3A_380 = arith.index_cast %parallel_loop3A_369 : i32 to index
        %parallel_loop3A_381 = tpu.vector_load %arg13[%parallel_loop3A_379, %parallel_loop3A_380] {strides = array<i32>} : memref<16x512xi32, #tpu.memory_space<vmem>>, vector<16xi32>,
        %parallel_loop3A_382 = arith.maximumf %parallel_loop3A_372, %parallel_loop3A_375 : vector<16xf32>
        %parallel_loop3A_383 = arith.maximumf %parallel_loop3A_382, %parallel_loop3A_378 : vector<16xf32>
        %parallel_loop3A_384 = arith.subf %parallel_loop3A_372, %parallel_loop3A_383 : vector<16xf32>
        %parallel_loop3A_385 = arith.subf %parallel_loop3A_375, %parallel_loop3A_383 : vector<16xf32>
        %parallel_loop3A_386 = arith.subf %parallel_loop3A_378, %parallel_loop3A_383 : vector<16xf32>
        %parallel_loop3A_387 = math.exp %parallel_loop3A_384 : vector<16xf32>
        %parallel_loop3A_388 = math.exp %parallel_loop3A_385 : vector<16xf32>
        %parallel_loop3A_389 = math.exp %parallel_loop3A_386 : vector<16xf32>
        %parallel_loop3A_390 = arith.addf %parallel_loop3A_387, %parallel_loop3A_388 : vector<16xf32>
        %parallel_loop3A_391 = arith.addf %parallel_loop3A_390, %parallel_loop3A_389 : vector<16xf32>
        %parallel_loop3A_392 = arith.constant 0 : i32
        %parallel_loop3A_393 = vector.broadcast %parallel_loop3A_392 : i32 to vector<16xi32>
        %parallel_loop3A_394 = arith.cmpi eq, %parallel_loop3A_381, %parallel_loop3A_393 : vector<16xi32>
        %parallel_loop3A_395 = arith.constant 1 : i32
        %parallel_loop3A_396 = vector.broadcast %parallel_loop3A_395 : i32 to vector<16xi32>
        %parallel_loop3A_397 = arith.cmpi eq, %parallel_loop3A_381, %parallel_loop3A_396 : vector<16xi32>
        %parallel_loop3A_398 = arith.select %parallel_loop3A_397, %parallel_loop3A_385, %parallel_loop3A_386 : vector<16xi1>, vector<16xf32>
        %parallel_loop3A_399 = arith.select %parallel_loop3A_394, %parallel_loop3A_384, %parallel_loop3A_398 : vector<16xi1>, vector<16xf32>
        %parallel_loop3A_400 = arith.select %parallel_loop3A_397, %parallel_loop3A_388, %parallel_loop3A_389 : vector<16xi1>, vector<16xf32>
        %parallel_loop3A_401 = arith.select %parallel_loop3A_394, %parallel_loop3A_387, %parallel_loop3A_400 : vector<16xi1>, vector<16xf32>
        %parallel_loop3A_402 = arith.divf %parallel_loop3A_401, %parallel_loop3A_391 : vector<16xf32>
        %parallel_loop3A_403 = arith.constant 1.000000e+00 : f32
        %parallel_loop3A_404 = vector.broadcast %parallel_loop3A_403 : f32 to vector<16xf32>
        %parallel_loop3A_405 = arith.subf %parallel_loop3A_404, %parallel_loop3A_402 : vector<16xf32>
        %parallel_loop3A_406 = arith.constant 1.000000e+00 : f32
        %parallel_loop3A_407 = vector.broadcast %parallel_loop3A_406 : f32 to vector<16xf32>
        %parallel_loop3A_408 = arith.subf %parallel_loop3A_391, %parallel_loop3A_407 : vector<16xf32>
        %parallel_loop3A_409 = arith.constant 1.000000e+00 : f32
        %parallel_loop3A_410 = vector.broadcast %parallel_loop3A_409 : f32 to vector<16xf32>
        %parallel_loop3A_411 = arith.addf %parallel_loop3A_391, %parallel_loop3A_410 : vector<16xf32>
        %parallel_loop3A_412 = arith.divf %parallel_loop3A_408, %parallel_loop3A_411 : vector<16xf32>
        %parallel_loop3A_413 = arith.mulf %parallel_loop3A_412, %parallel_loop3A_412 : vector<16xf32>
        %parallel_loop3A_414 = arith.constant 0.181818187 : f32
        %parallel_loop3A_415 = vector.broadcast %parallel_loop3A_414 : f32 to vector<16xf32>
        %parallel_loop3A_416 = arith.mulf %parallel_loop3A_415, %parallel_loop3A_413 : vector<16xf32>
        %parallel_loop3A_417 = arith.constant 0.222222224 : f32
        %parallel_loop3A_418 = vector.broadcast %parallel_loop3A_417 : f32 to vector<16xf32>
        %parallel_loop3A_419 = arith.addf %parallel_loop3A_416, %parallel_loop3A_418 : vector<16xf32>
        %parallel_loop3A_420 = arith.mulf %parallel_loop3A_419, %parallel_loop3A_413 : vector<16xf32>
        %parallel_loop3A_421 = arith.constant 0.285714298 : f32
        %parallel_loop3A_422 = vector.broadcast %parallel_loop3A_421 : f32 to vector<16xf32>
        %parallel_loop3A_423 = arith.addf %parallel_loop3A_420, %parallel_loop3A_422 : vector<16xf32>
        %parallel_loop3A_424 = arith.mulf %parallel_loop3A_423, %parallel_loop3A_413 : vector<16xf32>
        %parallel_loop3A_425 = arith.constant 4.000000e-01 : f32
        %parallel_loop3A_426 = vector.broadcast %parallel_loop3A_425 : f32 to vector<16xf32>
        %parallel_loop3A_427 = arith.addf %parallel_loop3A_424, %parallel_loop3A_426 : vector<16xf32>
        %parallel_loop3A_428 = arith.mulf %parallel_loop3A_427, %parallel_loop3A_413 : vector<16xf32>
        %parallel_loop3A_429 = arith.constant 0.666666686 : f32
        %parallel_loop3A_430 = vector.broadcast %parallel_loop3A_429 : f32 to vector<16xf32>
        %parallel_loop3A_431 = arith.addf %parallel_loop3A_428, %parallel_loop3A_430 : vector<16xf32>
        %parallel_loop3A_432 = arith.mulf %parallel_loop3A_431, %parallel_loop3A_413 : vector<16xf32>
        %parallel_loop3A_433 = arith.constant 2.000000e+00 : f32
        %parallel_loop3A_434 = vector.broadcast %parallel_loop3A_433 : f32 to vector<16xf32>
        %parallel_loop3A_435 = arith.addf %parallel_loop3A_432, %parallel_loop3A_434 : vector<16xf32>
        %parallel_loop3A_436 = arith.mulf %parallel_loop3A_435, %parallel_loop3A_412 : vector<16xf32>
        %parallel_loop3A_437 = arith.subf %parallel_loop3A_399, %parallel_loop3A_436 : vector<16xf32>
        %parallel_loop3A_438 = arith.constant 1.000000e+01 : f32
        %parallel_loop3A_439 = vector.broadcast %parallel_loop3A_438 : f32 to vector<16xf32>
        %parallel_loop3A_440 = arith.mulf %parallel_loop3A_405, %parallel_loop3A_439 : vector<16xf32>
        %parallel_loop3A_441 = arith.fptosi %parallel_loop3A_440 : vector<16xf32> to vector<16xi32>
        %parallel_loop3A_442 = tpu.vector_load_idx %arg24[%parallel_loop3A_441] : memref<16xf32, #tpu.memory_space<vmem>>[vector<16xi32>], vector<16xf32>,
        %parallel_loop3A_443 = arith.addi %parallel_loop3A_441, %broadcast_in_dim3A_36 : vector<16xi32>
        %parallel_loop3A_444 = tpu.vector_load_idx %arg24[%parallel_loop3A_443] : memref<16xf32, #tpu.memory_space<vmem>>[vector<16xi32>], vector<16xf32>,
        %parallel_loop3A_445 = arith.cmpf oge, %parallel_loop3A_405, %parallel_loop3A_444 : vector<16xf32>
        %parallel_loop3A_446 = arith.select %parallel_loop3A_445, %broadcast_in_dim3A_36, %broadcast_in_dim3A_38 : vector<16xi1>, vector<16xi32>
        %parallel_loop3A_447 = arith.addi %parallel_loop3A_441, %parallel_loop3A_446 : vector<16xi32>
        %parallel_loop3A_448 = arith.cmpf olt, %parallel_loop3A_405, %parallel_loop3A_442 : vector<16xf32>
        %parallel_loop3A_449 = arith.select %parallel_loop3A_448, %broadcast_in_dim3A_36, %broadcast_in_dim3A_38 : vector<16xi1>, vector<16xi32>
        %parallel_loop3A_450 = arith.subi %parallel_loop3A_447, %parallel_loop3A_449 : vector<16xi32>
        %parallel_loop3A_451 = arith.maxsi %parallel_loop3A_450, %broadcast_in_dim3A_38 : vector<16xi32>
        tpu.vector_store_idx %arg17[%parallel_loop3A_451], %broadcast_in_dim3A_34 {add = true} : memref<16xf32, #tpu.memory_space<vmem>>[vector<16xi32>], vector<16xf32>,
        tpu.vector_store_idx %arg21[%parallel_loop3A_451], %parallel_loop3A_437 {add = true} : memref<16xf32, #tpu.memory_space<vmem>>[vector<16xi32>], vector<16xf32>,
        %parallel_loop3A_452 = arith.constant 2 : i32
        %parallel_loop3A_453 = arith.addi %parallel_loop3A_271, %parallel_loop3A_452 : i32
        %parallel_loop3A_454 = arith.constant 5 : i32
        %parallel_loop3A_455 = arith.shrui %parallel_loop3A_453, %parallel_loop3A_454 : i32
        %parallel_loop3A_456 = arith.constant 31 : i32
        %parallel_loop3A_457 = arith.andi %parallel_loop3A_453, %parallel_loop3A_456 : i32
        %parallel_loop3A_458 = arith.constant 4 : i32
        %parallel_loop3A_459 = arith.shli %parallel_loop3A_457, %parallel_loop3A_458 : i32
        %parallel_loop3A_460 = arith.index_cast %parallel_loop3A_455 : i32 to index
        %parallel_loop3A_461 = arith.index_cast %parallel_loop3A_459 : i32 to index
        %parallel_loop3A_462 = tpu.vector_load %arg10[%parallel_loop3A_460, %parallel_loop3A_461] {strides = array<i32>} : memref<16x512xf32, #tpu.memory_space<vmem>>, vector<16xf32>,
        %parallel_loop3A_463 = arith.index_cast %parallel_loop3A_455 : i32 to index
        %parallel_loop3A_464 = arith.index_cast %parallel_loop3A_459 : i32 to index
        %parallel_loop3A_465 = tpu.vector_load %arg11[%parallel_loop3A_463, %parallel_loop3A_464] {strides = array<i32>} : memref<16x512xf32, #tpu.memory_space<vmem>>, vector<16xf32>,
        %parallel_loop3A_466 = arith.index_cast %parallel_loop3A_455 : i32 to index
        %parallel_loop3A_467 = arith.index_cast %parallel_loop3A_459 : i32 to index
        %parallel_loop3A_468 = tpu.vector_load %arg12[%parallel_loop3A_466, %parallel_loop3A_467] {strides = array<i32>} : memref<16x512xf32, #tpu.memory_space<vmem>>, vector<16xf32>,
        %parallel_loop3A_469 = arith.index_cast %parallel_loop3A_455 : i32 to index
        %parallel_loop3A_470 = arith.index_cast %parallel_loop3A_459 : i32 to index
        %parallel_loop3A_471 = tpu.vector_load %arg13[%parallel_loop3A_469, %parallel_loop3A_470] {strides = array<i32>} : memref<16x512xi32, #tpu.memory_space<vmem>>, vector<16xi32>,
        %parallel_loop3A_472 = arith.maximumf %parallel_loop3A_462, %parallel_loop3A_465 : vector<16xf32>
        %parallel_loop3A_473 = arith.maximumf %parallel_loop3A_472, %parallel_loop3A_468 : vector<16xf32>
        %parallel_loop3A_474 = arith.subf %parallel_loop3A_462, %parallel_loop3A_473 : vector<16xf32>
        %parallel_loop3A_475 = arith.subf %parallel_loop3A_465, %parallel_loop3A_473 : vector<16xf32>
        %parallel_loop3A_476 = arith.subf %parallel_loop3A_468, %parallel_loop3A_473 : vector<16xf32>
        %parallel_loop3A_477 = math.exp %parallel_loop3A_474 : vector<16xf32>
        %parallel_loop3A_478 = math.exp %parallel_loop3A_475 : vector<16xf32>
        %parallel_loop3A_479 = math.exp %parallel_loop3A_476 : vector<16xf32>
        %parallel_loop3A_480 = arith.addf %parallel_loop3A_477, %parallel_loop3A_478 : vector<16xf32>
        %parallel_loop3A_481 = arith.addf %parallel_loop3A_480, %parallel_loop3A_479 : vector<16xf32>
        %parallel_loop3A_482 = arith.constant 0 : i32
        %parallel_loop3A_483 = vector.broadcast %parallel_loop3A_482 : i32 to vector<16xi32>
        %parallel_loop3A_484 = arith.cmpi eq, %parallel_loop3A_471, %parallel_loop3A_483 : vector<16xi32>
        %parallel_loop3A_485 = arith.constant 1 : i32
        %parallel_loop3A_486 = vector.broadcast %parallel_loop3A_485 : i32 to vector<16xi32>
        %parallel_loop3A_487 = arith.cmpi eq, %parallel_loop3A_471, %parallel_loop3A_486 : vector<16xi32>
        %parallel_loop3A_488 = arith.select %parallel_loop3A_487, %parallel_loop3A_475, %parallel_loop3A_476 : vector<16xi1>, vector<16xf32>
        %parallel_loop3A_489 = arith.select %parallel_loop3A_484, %parallel_loop3A_474, %parallel_loop3A_488 : vector<16xi1>, vector<16xf32>
        %parallel_loop3A_490 = arith.select %parallel_loop3A_487, %parallel_loop3A_478, %parallel_loop3A_479 : vector<16xi1>, vector<16xf32>
        %parallel_loop3A_491 = arith.select %parallel_loop3A_484, %parallel_loop3A_477, %parallel_loop3A_490 : vector<16xi1>, vector<16xf32>
        %parallel_loop3A_492 = arith.divf %parallel_loop3A_491, %parallel_loop3A_481 : vector<16xf32>
        %parallel_loop3A_493 = arith.constant 1.000000e+00 : f32
        %parallel_loop3A_494 = vector.broadcast %parallel_loop3A_493 : f32 to vector<16xf32>
        %parallel_loop3A_495 = arith.subf %parallel_loop3A_494, %parallel_loop3A_492 : vector<16xf32>
        %parallel_loop3A_496 = arith.constant 1.000000e+00 : f32
        %parallel_loop3A_497 = vector.broadcast %parallel_loop3A_496 : f32 to vector<16xf32>
        %parallel_loop3A_498 = arith.subf %parallel_loop3A_481, %parallel_loop3A_497 : vector<16xf32>
        %parallel_loop3A_499 = arith.constant 1.000000e+00 : f32
        %parallel_loop3A_500 = vector.broadcast %parallel_loop3A_499 : f32 to vector<16xf32>
        %parallel_loop3A_501 = arith.addf %parallel_loop3A_481, %parallel_loop3A_500 : vector<16xf32>
        %parallel_loop3A_502 = arith.divf %parallel_loop3A_498, %parallel_loop3A_501 : vector<16xf32>
        %parallel_loop3A_503 = arith.mulf %parallel_loop3A_502, %parallel_loop3A_502 : vector<16xf32>
        %parallel_loop3A_504 = arith.constant 0.181818187 : f32
        %parallel_loop3A_505 = vector.broadcast %parallel_loop3A_504 : f32 to vector<16xf32>
        %parallel_loop3A_506 = arith.mulf %parallel_loop3A_505, %parallel_loop3A_503 : vector<16xf32>
        %parallel_loop3A_507 = arith.constant 0.222222224 : f32
        %parallel_loop3A_508 = vector.broadcast %parallel_loop3A_507 : f32 to vector<16xf32>
        %parallel_loop3A_509 = arith.addf %parallel_loop3A_506, %parallel_loop3A_508 : vector<16xf32>
        %parallel_loop3A_510 = arith.mulf %parallel_loop3A_509, %parallel_loop3A_503 : vector<16xf32>
        %parallel_loop3A_511 = arith.constant 0.285714298 : f32
        %parallel_loop3A_512 = vector.broadcast %parallel_loop3A_511 : f32 to vector<16xf32>
        %parallel_loop3A_513 = arith.addf %parallel_loop3A_510, %parallel_loop3A_512 : vector<16xf32>
        %parallel_loop3A_514 = arith.mulf %parallel_loop3A_513, %parallel_loop3A_503 : vector<16xf32>
        %parallel_loop3A_515 = arith.constant 4.000000e-01 : f32
        %parallel_loop3A_516 = vector.broadcast %parallel_loop3A_515 : f32 to vector<16xf32>
        %parallel_loop3A_517 = arith.addf %parallel_loop3A_514, %parallel_loop3A_516 : vector<16xf32>
        %parallel_loop3A_518 = arith.mulf %parallel_loop3A_517, %parallel_loop3A_503 : vector<16xf32>
        %parallel_loop3A_519 = arith.constant 0.666666686 : f32
        %parallel_loop3A_520 = vector.broadcast %parallel_loop3A_519 : f32 to vector<16xf32>
        %parallel_loop3A_521 = arith.addf %parallel_loop3A_518, %parallel_loop3A_520 : vector<16xf32>
        %parallel_loop3A_522 = arith.mulf %parallel_loop3A_521, %parallel_loop3A_503 : vector<16xf32>
        %parallel_loop3A_523 = arith.constant 2.000000e+00 : f32
        %parallel_loop3A_524 = vector.broadcast %parallel_loop3A_523 : f32 to vector<16xf32>
        %parallel_loop3A_525 = arith.addf %parallel_loop3A_522, %parallel_loop3A_524 : vector<16xf32>
        %parallel_loop3A_526 = arith.mulf %parallel_loop3A_525, %parallel_loop3A_502 : vector<16xf32>
        %parallel_loop3A_527 = arith.subf %parallel_loop3A_489, %parallel_loop3A_526 : vector<16xf32>
        %parallel_loop3A_528 = arith.constant 1.000000e+01 : f32
        %parallel_loop3A_529 = vector.broadcast %parallel_loop3A_528 : f32 to vector<16xf32>
        %parallel_loop3A_530 = arith.mulf %parallel_loop3A_495, %parallel_loop3A_529 : vector<16xf32>
        %parallel_loop3A_531 = arith.fptosi %parallel_loop3A_530 : vector<16xf32> to vector<16xi32>
        %parallel_loop3A_532 = tpu.vector_load_idx %arg24[%parallel_loop3A_531] : memref<16xf32, #tpu.memory_space<vmem>>[vector<16xi32>], vector<16xf32>,
        %parallel_loop3A_533 = arith.addi %parallel_loop3A_531, %broadcast_in_dim3A_36 : vector<16xi32>
        %parallel_loop3A_534 = tpu.vector_load_idx %arg24[%parallel_loop3A_533] : memref<16xf32, #tpu.memory_space<vmem>>[vector<16xi32>], vector<16xf32>,
        %parallel_loop3A_535 = arith.cmpf oge, %parallel_loop3A_495, %parallel_loop3A_534 : vector<16xf32>
        %parallel_loop3A_536 = arith.select %parallel_loop3A_535, %broadcast_in_dim3A_36, %broadcast_in_dim3A_38 : vector<16xi1>, vector<16xi32>
        %parallel_loop3A_537 = arith.addi %parallel_loop3A_531, %parallel_loop3A_536 : vector<16xi32>
        %parallel_loop3A_538 = arith.cmpf olt, %parallel_loop3A_495, %parallel_loop3A_532 : vector<16xf32>
        %parallel_loop3A_539 = arith.select %parallel_loop3A_538, %broadcast_in_dim3A_36, %broadcast_in_dim3A_38 : vector<16xi1>, vector<16xi32>
        %parallel_loop3A_540 = arith.subi %parallel_loop3A_537, %parallel_loop3A_539 : vector<16xi32>
        %parallel_loop3A_541 = arith.maxsi %parallel_loop3A_540, %broadcast_in_dim3A_38 : vector<16xi32>
        tpu.vector_store_idx %arg18[%parallel_loop3A_541], %broadcast_in_dim3A_34 {add = true} : memref<16xf32, #tpu.memory_space<vmem>>[vector<16xi32>], vector<16xf32>,
        tpu.vector_store_idx %arg22[%parallel_loop3A_541], %parallel_loop3A_527 {add = true} : memref<16xf32, #tpu.memory_space<vmem>>[vector<16xi32>], vector<16xf32>,
        %parallel_loop3A_542 = arith.constant 3 : i32
        %parallel_loop3A_543 = arith.addi %parallel_loop3A_271, %parallel_loop3A_542 : i32
        %parallel_loop3A_544 = arith.constant 5 : i32
        %parallel_loop3A_545 = arith.shrui %parallel_loop3A_543, %parallel_loop3A_544 : i32
        %parallel_loop3A_546 = arith.constant 31 : i32
        %parallel_loop3A_547 = arith.andi %parallel_loop3A_543, %parallel_loop3A_546 : i32
        %parallel_loop3A_548 = arith.constant 4 : i32
        %parallel_loop3A_549 = arith.shli %parallel_loop3A_547, %parallel_loop3A_548 : i32
        %parallel_loop3A_550 = arith.index_cast %parallel_loop3A_545 : i32 to index
        %parallel_loop3A_551 = arith.index_cast %parallel_loop3A_549 : i32 to index
        %parallel_loop3A_552 = tpu.vector_load %arg10[%parallel_loop3A_550, %parallel_loop3A_551] {strides = array<i32>} : memref<16x512xf32, #tpu.memory_space<vmem>>, vector<16xf32>,
        %parallel_loop3A_553 = arith.index_cast %parallel_loop3A_545 : i32 to index
        %parallel_loop3A_554 = arith.index_cast %parallel_loop3A_549 : i32 to index
        %parallel_loop3A_555 = tpu.vector_load %arg11[%parallel_loop3A_553, %parallel_loop3A_554] {strides = array<i32>} : memref<16x512xf32, #tpu.memory_space<vmem>>, vector<16xf32>,
        %parallel_loop3A_556 = arith.index_cast %parallel_loop3A_545 : i32 to index
        %parallel_loop3A_557 = arith.index_cast %parallel_loop3A_549 : i32 to index
        %parallel_loop3A_558 = tpu.vector_load %arg12[%parallel_loop3A_556, %parallel_loop3A_557] {strides = array<i32>} : memref<16x512xf32, #tpu.memory_space<vmem>>, vector<16xf32>,
        %parallel_loop3A_559 = arith.index_cast %parallel_loop3A_545 : i32 to index
        %parallel_loop3A_560 = arith.index_cast %parallel_loop3A_549 : i32 to index
        %parallel_loop3A_561 = tpu.vector_load %arg13[%parallel_loop3A_559, %parallel_loop3A_560] {strides = array<i32>} : memref<16x512xi32, #tpu.memory_space<vmem>>, vector<16xi32>,
        %parallel_loop3A_562 = arith.maximumf %parallel_loop3A_552, %parallel_loop3A_555 : vector<16xf32>
        %parallel_loop3A_563 = arith.maximumf %parallel_loop3A_562, %parallel_loop3A_558 : vector<16xf32>
        %parallel_loop3A_564 = arith.subf %parallel_loop3A_552, %parallel_loop3A_563 : vector<16xf32>
        %parallel_loop3A_565 = arith.subf %parallel_loop3A_555, %parallel_loop3A_563 : vector<16xf32>
        %parallel_loop3A_566 = arith.subf %parallel_loop3A_558, %parallel_loop3A_563 : vector<16xf32>
        %parallel_loop3A_567 = math.exp %parallel_loop3A_564 : vector<16xf32>
        %parallel_loop3A_568 = math.exp %parallel_loop3A_565 : vector<16xf32>
        %parallel_loop3A_569 = math.exp %parallel_loop3A_566 : vector<16xf32>
        %parallel_loop3A_570 = arith.addf %parallel_loop3A_567, %parallel_loop3A_568 : vector<16xf32>
        %parallel_loop3A_571 = arith.addf %parallel_loop3A_570, %parallel_loop3A_569 : vector<16xf32>
        %parallel_loop3A_572 = arith.constant 0 : i32
        %parallel_loop3A_573 = vector.broadcast %parallel_loop3A_572 : i32 to vector<16xi32>
        %parallel_loop3A_574 = arith.cmpi eq, %parallel_loop3A_561, %parallel_loop3A_573 : vector<16xi32>
        %parallel_loop3A_575 = arith.constant 1 : i32
        %parallel_loop3A_576 = vector.broadcast %parallel_loop3A_575 : i32 to vector<16xi32>
        %parallel_loop3A_577 = arith.cmpi eq, %parallel_loop3A_561, %parallel_loop3A_576 : vector<16xi32>
        %parallel_loop3A_578 = arith.select %parallel_loop3A_577, %parallel_loop3A_565, %parallel_loop3A_566 : vector<16xi1>, vector<16xf32>
        %parallel_loop3A_579 = arith.select %parallel_loop3A_574, %parallel_loop3A_564, %parallel_loop3A_578 : vector<16xi1>, vector<16xf32>
        %parallel_loop3A_580 = arith.select %parallel_loop3A_577, %parallel_loop3A_568, %parallel_loop3A_569 : vector<16xi1>, vector<16xf32>
        %parallel_loop3A_581 = arith.select %parallel_loop3A_574, %parallel_loop3A_567, %parallel_loop3A_580 : vector<16xi1>, vector<16xf32>
        %parallel_loop3A_582 = arith.divf %parallel_loop3A_581, %parallel_loop3A_571 : vector<16xf32>
        %parallel_loop3A_583 = arith.constant 1.000000e+00 : f32
        %parallel_loop3A_584 = vector.broadcast %parallel_loop3A_583 : f32 to vector<16xf32>
        %parallel_loop3A_585 = arith.subf %parallel_loop3A_584, %parallel_loop3A_582 : vector<16xf32>
        %parallel_loop3A_586 = arith.constant 1.000000e+00 : f32
        %parallel_loop3A_587 = vector.broadcast %parallel_loop3A_586 : f32 to vector<16xf32>
        %parallel_loop3A_588 = arith.subf %parallel_loop3A_571, %parallel_loop3A_587 : vector<16xf32>
        %parallel_loop3A_589 = arith.constant 1.000000e+00 : f32
        %parallel_loop3A_590 = vector.broadcast %parallel_loop3A_589 : f32 to vector<16xf32>
        %parallel_loop3A_591 = arith.addf %parallel_loop3A_571, %parallel_loop3A_590 : vector<16xf32>
        %parallel_loop3A_592 = arith.divf %parallel_loop3A_588, %parallel_loop3A_591 : vector<16xf32>
        %parallel_loop3A_593 = arith.mulf %parallel_loop3A_592, %parallel_loop3A_592 : vector<16xf32>
        %parallel_loop3A_594 = arith.constant 0.181818187 : f32
        %parallel_loop3A_595 = vector.broadcast %parallel_loop3A_594 : f32 to vector<16xf32>
        %parallel_loop3A_596 = arith.mulf %parallel_loop3A_595, %parallel_loop3A_593 : vector<16xf32>
        %parallel_loop3A_597 = arith.constant 0.222222224 : f32
        %parallel_loop3A_598 = vector.broadcast %parallel_loop3A_597 : f32 to vector<16xf32>
        %parallel_loop3A_599 = arith.addf %parallel_loop3A_596, %parallel_loop3A_598 : vector<16xf32>
        %parallel_loop3A_600 = arith.mulf %parallel_loop3A_599, %parallel_loop3A_593 : vector<16xf32>
        %parallel_loop3A_601 = arith.constant 0.285714298 : f32
        %parallel_loop3A_602 = vector.broadcast %parallel_loop3A_601 : f32 to vector<16xf32>
        %parallel_loop3A_603 = arith.addf %parallel_loop3A_600, %parallel_loop3A_602 : vector<16xf32>
        %parallel_loop3A_604 = arith.mulf %parallel_loop3A_603, %parallel_loop3A_593 : vector<16xf32>
        %parallel_loop3A_605 = arith.constant 4.000000e-01 : f32
        %parallel_loop3A_606 = vector.broadcast %parallel_loop3A_605 : f32 to vector<16xf32>
        %parallel_loop3A_607 = arith.addf %parallel_loop3A_604, %parallel_loop3A_606 : vector<16xf32>
        %parallel_loop3A_608 = arith.mulf %parallel_loop3A_607, %parallel_loop3A_593 : vector<16xf32>
        %parallel_loop3A_609 = arith.constant 0.666666686 : f32
        %parallel_loop3A_610 = vector.broadcast %parallel_loop3A_609 : f32 to vector<16xf32>
        %parallel_loop3A_611 = arith.addf %parallel_loop3A_608, %parallel_loop3A_610 : vector<16xf32>
        %parallel_loop3A_612 = arith.mulf %parallel_loop3A_611, %parallel_loop3A_593 : vector<16xf32>
        %parallel_loop3A_613 = arith.constant 2.000000e+00 : f32
        %parallel_loop3A_614 = vector.broadcast %parallel_loop3A_613 : f32 to vector<16xf32>
        %parallel_loop3A_615 = arith.addf %parallel_loop3A_612, %parallel_loop3A_614 : vector<16xf32>
        %parallel_loop3A_616 = arith.mulf %parallel_loop3A_615, %parallel_loop3A_592 : vector<16xf32>
        %parallel_loop3A_617 = arith.subf %parallel_loop3A_579, %parallel_loop3A_616 : vector<16xf32>
        %parallel_loop3A_618 = arith.constant 1.000000e+01 : f32
        %parallel_loop3A_619 = vector.broadcast %parallel_loop3A_618 : f32 to vector<16xf32>
        %parallel_loop3A_620 = arith.mulf %parallel_loop3A_585, %parallel_loop3A_619 : vector<16xf32>
        %parallel_loop3A_621 = arith.fptosi %parallel_loop3A_620 : vector<16xf32> to vector<16xi32>
        %parallel_loop3A_622 = tpu.vector_load_idx %arg24[%parallel_loop3A_621] : memref<16xf32, #tpu.memory_space<vmem>>[vector<16xi32>], vector<16xf32>,
        %parallel_loop3A_623 = arith.addi %parallel_loop3A_621, %broadcast_in_dim3A_36 : vector<16xi32>
        %parallel_loop3A_624 = tpu.vector_load_idx %arg24[%parallel_loop3A_623] : memref<16xf32, #tpu.memory_space<vmem>>[vector<16xi32>], vector<16xf32>,
        %parallel_loop3A_625 = arith.cmpf oge, %parallel_loop3A_585, %parallel_loop3A_624 : vector<16xf32>
        %parallel_loop3A_626 = arith.select %parallel_loop3A_625, %broadcast_in_dim3A_36, %broadcast_in_dim3A_38 : vector<16xi1>, vector<16xi32>
        %parallel_loop3A_627 = arith.addi %parallel_loop3A_621, %parallel_loop3A_626 : vector<16xi32>
        %parallel_loop3A_628 = arith.cmpf olt, %parallel_loop3A_585, %parallel_loop3A_622 : vector<16xf32>
        %parallel_loop3A_629 = arith.select %parallel_loop3A_628, %broadcast_in_dim3A_36, %broadcast_in_dim3A_38 : vector<16xi1>, vector<16xi32>
        %parallel_loop3A_630 = arith.subi %parallel_loop3A_627, %parallel_loop3A_629 : vector<16xi32>
        %parallel_loop3A_631 = arith.maxsi %parallel_loop3A_630, %broadcast_in_dim3A_38 : vector<16xi32>
        tpu.vector_store_idx %arg19[%parallel_loop3A_631], %broadcast_in_dim3A_34 {add = true} : memref<16xf32, #tpu.memory_space<vmem>>[vector<16xi32>], vector<16xf32>,
        tpu.vector_store_idx %arg23[%parallel_loop3A_631], %parallel_loop3A_617 {add = true} : memref<16xf32, #tpu.memory_space<vmem>>[vector<16xi32>], vector<16xf32>,
      } {sc.loop_unroll_factor = 1 : i64, sc.parallel_access}
    }
    %while3A_78 = arith.constant 1 : i32
    scf.for %while3A_140 = %while3A_76 to %while3A_72 step %while3A_78  : i32 {
      %mul3A_141 = arith.constant 2 : i32
      %mul3A_142 = arith.muli %while3A_140, %mul3A_141 : i32
      %add3A_143 = arith.constant 1 : i32
      %add3A_144 = arith.addi %mul3A_142, %add3A_143 : i32
      %dma_start3A_145 = arith.constant 0 : i32
      %dma_start3A_146 = arith.constant 0 : i32
      %dma_start3A_147 = tpu.memref_slice %arg2[%add3A_144, %dma_start3A_145, %mul3A_2, %dma_start3A_146] : memref<16x3x512x512xf32, #tpu.memory_space<hbm>> -> memref<1x1x16x512xf32, #tpu.memory_space<hbm>>
      %dma_start3A_148 = tpu.memref_squeeze %dma_start3A_147 : memref<1x1x16x512xf32, #tpu.memory_space<hbm>> -> memref<16x512xf32, #tpu.memory_space<hbm>>
      %dma_start3A_149 = arith.constant 0 : i32
      %dma_start3A_150 = tpu.memref_slice %arg2[%add3A_144, %dma_start3A_145, %mul3A_2, %dma_start3A_149] : memref<16x3x512x512xf32, #tpu.memory_space<hbm>> -> memref<1x1x16x512xf32, #tpu.memory_space<hbm>>
      %dma_start3A_151 = tpu.memref_squeeze %dma_start3A_150 : memref<1x1x16x512xf32, #tpu.memory_space<hbm>> -> memref<16x512xf32, #tpu.memory_space<hbm>>
      tpu.enqueue_dma source(%dma_start3A_151 : memref<16x512xf32, #tpu.memory_space<hbm>>) target(%arg10 : memref<16x512xf32, #tpu.memory_space<vmem>>) target_semaphore(%arg15 : memref<!tpu.dma_semaphore, #tpu.memory_space<semaphore_mem>>)
      %dma_start3A_152 = arith.constant 1 : i32
      %dma_start3A_153 = arith.constant 0 : i32
      %dma_start3A_154 = tpu.memref_slice %arg2[%add3A_144, %dma_start3A_152, %mul3A_2, %dma_start3A_153] : memref<16x3x512x512xf32, #tpu.memory_space<hbm>> -> memref<1x1x16x512xf32, #tpu.memory_space<hbm>>
      %dma_start3A_155 = tpu.memref_squeeze %dma_start3A_154 : memref<1x1x16x512xf32, #tpu.memory_space<hbm>> -> memref<16x512xf32, #tpu.memory_space<hbm>>
      %dma_start3A_156 = arith.constant 0 : i32
      %dma_start3A_157 = tpu.memref_slice %arg2[%add3A_144, %dma_start3A_152, %mul3A_2, %dma_start3A_156] : memref<16x3x512x512xf32, #tpu.memory_space<hbm>> -> memref<1x1x16x512xf32, #tpu.memory_space<hbm>>
      %dma_start3A_158 = tpu.memref_squeeze %dma_start3A_157 : memref<1x1x16x512xf32, #tpu.memory_space<hbm>> -> memref<16x512xf32, #tpu.memory_space<hbm>>
      tpu.enqueue_dma source(%dma_start3A_158 : memref<16x512xf32, #tpu.memory_space<hbm>>) target(%arg11 : memref<16x512xf32, #tpu.memory_space<vmem>>) target_semaphore(%arg15 : memref<!tpu.dma_semaphore, #tpu.memory_space<semaphore_mem>>)
      %dma_start3A_159 = arith.constant 2 : i32
      %dma_start3A_160 = arith.constant 0 : i32
      %dma_start3A_161 = tpu.memref_slice %arg2[%add3A_144, %dma_start3A_159, %mul3A_2, %dma_start3A_160] : memref<16x3x512x512xf32, #tpu.memory_space<hbm>> -> memref<1x1x16x512xf32, #tpu.memory_space<hbm>>
      %dma_start3A_162 = tpu.memref_squeeze %dma_start3A_161 : memref<1x1x16x512xf32, #tpu.memory_space<hbm>> -> memref<16x512xf32, #tpu.memory_space<hbm>>
      %dma_start3A_163 = arith.constant 0 : i32
      %dma_start3A_164 = tpu.memref_slice %arg2[%add3A_144, %dma_start3A_159, %mul3A_2, %dma_start3A_163] : memref<16x3x512x512xf32, #tpu.memory_space<hbm>> -> memref<1x1x16x512xf32, #tpu.memory_space<hbm>>
      %dma_start3A_165 = tpu.memref_squeeze %dma_start3A_164 : memref<1x1x16x512xf32, #tpu.memory_space<hbm>> -> memref<16x512xf32, #tpu.memory_space<hbm>>
      tpu.enqueue_dma source(%dma_start3A_165 : memref<16x512xf32, #tpu.memory_space<hbm>>) target(%arg12 : memref<16x512xf32, #tpu.memory_space<vmem>>) target_semaphore(%arg15 : memref<!tpu.dma_semaphore, #tpu.memory_space<semaphore_mem>>)
      %dma_start3A_166 = arith.constant 0 : i32
      %dma_start3A_167 = tpu.memref_slice %arg3[%add3A_144, %mul3A_2, %dma_start3A_166] : memref<16x512x512xi32, #tpu.memory_space<hbm>> -> memref<1x16x512xi32, #tpu.memory_space<hbm>>
      %dma_start3A_168 = tpu.memref_squeeze %dma_start3A_167 : memref<1x16x512xi32, #tpu.memory_space<hbm>> -> memref<16x512xi32, #tpu.memory_space<hbm>>
      %dma_start3A_169 = arith.constant 0 : i32
      %dma_start3A_170 = tpu.memref_slice %arg3[%add3A_144, %mul3A_2, %dma_start3A_169] : memref<16x512x512xi32, #tpu.memory_space<hbm>> -> memref<1x16x512xi32, #tpu.memory_space<hbm>>
      %dma_start3A_171 = tpu.memref_squeeze %dma_start3A_170 : memref<1x16x512xi32, #tpu.memory_space<hbm>> -> memref<16x512xi32, #tpu.memory_space<hbm>>
      tpu.enqueue_dma source(%dma_start3A_171 : memref<16x512xi32, #tpu.memory_space<hbm>>) target(%arg13 : memref<16x512xi32, #tpu.memory_space<vmem>>) target_semaphore(%arg15 : memref<!tpu.dma_semaphore, #tpu.memory_space<semaphore_mem>>)
      %dma_wait3A_172 = arith.constant 0 : i32
      %dma_wait3A_173 = arith.constant 0 : i32
      %dma_wait3A_174 = arith.constant 0 : i32
      %dma_wait3A_175 = tpu.memref_slice %arg2[%dma_wait3A_172, %dma_wait3A_173, %mul3A_2, %dma_wait3A_174] : memref<16x3x512x512xf32, #tpu.memory_space<hbm>> -> memref<1x1x16x512xf32, #tpu.memory_space<hbm>>
      %dma_wait3A_176 = tpu.memref_squeeze %dma_wait3A_175 : memref<1x1x16x512xf32, #tpu.memory_space<hbm>> -> memref<16x512xf32, #tpu.memory_space<hbm>>
      %dma_wait3A_177 = arith.constant 0 : i32
      %dma_wait3A_178 = tpu.memref_slice %arg2[%dma_wait3A_172, %dma_wait3A_173, %mul3A_2, %dma_wait3A_177] : memref<16x3x512x512xf32, #tpu.memory_space<hbm>> -> memref<1x1x16x512xf32, #tpu.memory_space<hbm>>
      %dma_wait3A_179 = tpu.memref_squeeze %dma_wait3A_178 : memref<1x1x16x512xf32, #tpu.memory_space<hbm>> -> memref<16x512xf32, #tpu.memory_space<hbm>>
      tpu.wait_dma2 semaphore(%arg14 : memref<!tpu.dma_semaphore, #tpu.memory_space<semaphore_mem>>) src(%dma_wait3A_179 : memref<16x512xf32, #tpu.memory_space<hbm>>) dst(%arg6 : memref<16x512xf32, #tpu.memory_space<vmem>>)
      %dma_wait3A_180 = arith.constant 0 : i32
      %dma_wait3A_181 = arith.constant 0 : i32
      %dma_wait3A_182 = arith.constant 0 : i32
      %dma_wait3A_183 = tpu.memref_slice %arg2[%dma_wait3A_180, %dma_wait3A_181, %mul3A_2, %dma_wait3A_182] : memref<16x3x512x512xf32, #tpu.memory_space<hbm>> -> memref<1x1x16x512xf32, #tpu.memory_space<hbm>>
      %dma_wait3A_184 = tpu.memref_squeeze %dma_wait3A_183 : memref<1x1x16x512xf32, #tpu.memory_space<hbm>> -> memref<16x512xf32, #tpu.memory_space<hbm>>
      %dma_wait3A_185 = arith.constant 0 : i32
      %dma_wait3A_186 = tpu.memref_slice %arg2[%dma_wait3A_180, %dma_wait3A_181, %mul3A_2, %dma_wait3A_185] : memref<16x3x512x512xf32, #tpu.memory_space<hbm>> -> memref<1x1x16x512xf32, #tpu.memory_space<hbm>>
      %dma_wait3A_187 = tpu.memref_squeeze %dma_wait3A_186 : memref<1x1x16x512xf32, #tpu.memory_space<hbm>> -> memref<16x512xf32, #tpu.memory_space<hbm>>
      tpu.wait_dma2 semaphore(%arg14 : memref<!tpu.dma_semaphore, #tpu.memory_space<semaphore_mem>>) src(%dma_wait3A_187 : memref<16x512xf32, #tpu.memory_space<hbm>>) dst(%arg7 : memref<16x512xf32, #tpu.memory_space<vmem>>)
      %dma_wait3A_188 = arith.constant 0 : i32
      %dma_wait3A_189 = arith.constant 0 : i32
      %dma_wait3A_190 = arith.constant 0 : i32
      %dma_wait3A_191 = tpu.memref_slice %arg2[%dma_wait3A_188, %dma_wait3A_189, %mul3A_2, %dma_wait3A_190] : memref<16x3x512x512xf32, #tpu.memory_space<hbm>> -> memref<1x1x16x512xf32, #tpu.memory_space<hbm>>
      %dma_wait3A_192 = tpu.memref_squeeze %dma_wait3A_191 : memref<1x1x16x512xf32, #tpu.memory_space<hbm>> -> memref<16x512xf32, #tpu.memory_space<hbm>>
      %dma_wait3A_193 = arith.constant 0 : i32
      %dma_wait3A_194 = tpu.memref_slice %arg2[%dma_wait3A_188, %dma_wait3A_189, %mul3A_2, %dma_wait3A_193] : memref<16x3x512x512xf32, #tpu.memory_space<hbm>> -> memref<1x1x16x512xf32, #tpu.memory_space<hbm>>
      %dma_wait3A_195 = tpu.memref_squeeze %dma_wait3A_194 : memref<1x1x16x512xf32, #tpu.memory_space<hbm>> -> memref<16x512xf32, #tpu.memory_space<hbm>>
      tpu.wait_dma2 semaphore(%arg14 : memref<!tpu.dma_semaphore, #tpu.memory_space<semaphore_mem>>) src(%dma_wait3A_195 : memref<16x512xf32, #tpu.memory_space<hbm>>) dst(%arg8 : memref<16x512xf32, #tpu.memory_space<vmem>>)
      %dma_wait3A_196 = arith.constant 0 : i32
      %dma_wait3A_197 = arith.constant 0 : i32
      %dma_wait3A_198 = tpu.memref_slice %arg3[%dma_wait3A_196, %mul3A_2, %dma_wait3A_197] : memref<16x512x512xi32, #tpu.memory_space<hbm>> -> memref<1x16x512xi32, #tpu.memory_space<hbm>>
      %dma_wait3A_199 = tpu.memref_squeeze %dma_wait3A_198 : memref<1x16x512xi32, #tpu.memory_space<hbm>> -> memref<16x512xi32, #tpu.memory_space<hbm>>
      %dma_wait3A_200 = arith.constant 0 : i32
      %dma_wait3A_201 = tpu.memref_slice %arg3[%dma_wait3A_196, %mul3A_2, %dma_wait3A_200] : memref<16x512x512xi32, #tpu.memory_space<hbm>> -> memref<1x16x512xi32, #tpu.memory_space<hbm>>
      %dma_wait3A_202 = tpu.memref_squeeze %dma_wait3A_201 : memref<1x16x512xi32, #tpu.memory_space<hbm>> -> memref<16x512xi32, #tpu.memory_space<hbm>>
      tpu.wait_dma2 semaphore(%arg14 : memref<!tpu.dma_semaphore, #tpu.memory_space<semaphore_mem>>) src(%dma_wait3A_202 : memref<16x512xi32, #tpu.memory_space<hbm>>) dst(%arg9 : memref<16x512xi32, #tpu.memory_space<vmem>>)
      %parallel_loop3A = arith.constant 0 : i32
      %parallel_loop3A_203 = arith.constant 128 : i32
      %parallel_loop3A_204 = arith.constant 1 : i32
      scf.for %parallel_loop3A_269 = %parallel_loop3A to %parallel_loop3A_203 step %parallel_loop3A_204  : i32 {
        %parallel_loop3A_270 = arith.constant 4 : i32
        %parallel_loop3A_271 = arith.muli %parallel_loop3A_269, %parallel_loop3A_270 : i32
        %parallel_loop3A_272 = arith.constant 0 : i32
        %parallel_loop3A_273 = arith.addi %parallel_loop3A_271, %parallel_loop3A_272 : i32
        %parallel_loop3A_274 = arith.constant 5 : i32
        %parallel_loop3A_275 = arith.shrui %parallel_loop3A_273, %parallel_loop3A_274 : i32
        %parallel_loop3A_276 = arith.constant 31 : i32
        %parallel_loop3A_277 = arith.andi %parallel_loop3A_273, %parallel_loop3A_276 : i32
        %parallel_loop3A_278 = arith.constant 4 : i32
        %parallel_loop3A_279 = arith.shli %parallel_loop3A_277, %parallel_loop3A_278 : i32
        %parallel_loop3A_280 = arith.index_cast %parallel_loop3A_275 : i32 to index
        %parallel_loop3A_281 = arith.index_cast %parallel_loop3A_279 : i32 to index
        %parallel_loop3A_282 = tpu.vector_load %arg6[%parallel_loop3A_280, %parallel_loop3A_281] {strides = array<i32>} : memref<16x512xf32, #tpu.memory_space<vmem>>, vector<16xf32>,
        %parallel_loop3A_283 = arith.index_cast %parallel_loop3A_275 : i32 to index
        %parallel_loop3A_284 = arith.index_cast %parallel_loop3A_279 : i32 to index
        %parallel_loop3A_285 = tpu.vector_load %arg7[%parallel_loop3A_283, %parallel_loop3A_284] {strides = array<i32>} : memref<16x512xf32, #tpu.memory_space<vmem>>, vector<16xf32>,
        %parallel_loop3A_286 = arith.index_cast %parallel_loop3A_275 : i32 to index
        %parallel_loop3A_287 = arith.index_cast %parallel_loop3A_279 : i32 to index
        %parallel_loop3A_288 = tpu.vector_load %arg8[%parallel_loop3A_286, %parallel_loop3A_287] {strides = array<i32>} : memref<16x512xf32, #tpu.memory_space<vmem>>, vector<16xf32>,
        %parallel_loop3A_289 = arith.index_cast %parallel_loop3A_275 : i32 to index
        %parallel_loop3A_290 = arith.index_cast %parallel_loop3A_279 : i32 to index
        %parallel_loop3A_291 = tpu.vector_load %arg9[%parallel_loop3A_289, %parallel_loop3A_290] {strides = array<i32>} : memref<16x512xi32, #tpu.memory_space<vmem>>, vector<16xi32>,
        %parallel_loop3A_292 = arith.maximumf %parallel_loop3A_282, %parallel_loop3A_285 : vector<16xf32>
        %parallel_loop3A_293 = arith.maximumf %parallel_loop3A_292, %parallel_loop3A_288 : vector<16xf32>
        %parallel_loop3A_294 = arith.subf %parallel_loop3A_282, %parallel_loop3A_293 : vector<16xf32>
        %parallel_loop3A_295 = arith.subf %parallel_loop3A_285, %parallel_loop3A_293 : vector<16xf32>
        %parallel_loop3A_296 = arith.subf %parallel_loop3A_288, %parallel_loop3A_293 : vector<16xf32>
        %parallel_loop3A_297 = math.exp %parallel_loop3A_294 : vector<16xf32>
        %parallel_loop3A_298 = math.exp %parallel_loop3A_295 : vector<16xf32>
        %parallel_loop3A_299 = math.exp %parallel_loop3A_296 : vector<16xf32>
        %parallel_loop3A_300 = arith.addf %parallel_loop3A_297, %parallel_loop3A_298 : vector<16xf32>
        %parallel_loop3A_301 = arith.addf %parallel_loop3A_300, %parallel_loop3A_299 : vector<16xf32>
        %parallel_loop3A_302 = arith.constant 0 : i32
        %parallel_loop3A_303 = vector.broadcast %parallel_loop3A_302 : i32 to vector<16xi32>
        %parallel_loop3A_304 = arith.cmpi eq, %parallel_loop3A_291, %parallel_loop3A_303 : vector<16xi32>
        %parallel_loop3A_305 = arith.constant 1 : i32
        %parallel_loop3A_306 = vector.broadcast %parallel_loop3A_305 : i32 to vector<16xi32>
        %parallel_loop3A_307 = arith.cmpi eq, %parallel_loop3A_291, %parallel_loop3A_306 : vector<16xi32>
        %parallel_loop3A_308 = arith.select %parallel_loop3A_307, %parallel_loop3A_295, %parallel_loop3A_296 : vector<16xi1>, vector<16xf32>
        %parallel_loop3A_309 = arith.select %parallel_loop3A_304, %parallel_loop3A_294, %parallel_loop3A_308 : vector<16xi1>, vector<16xf32>
        %parallel_loop3A_310 = arith.select %parallel_loop3A_307, %parallel_loop3A_298, %parallel_loop3A_299 : vector<16xi1>, vector<16xf32>
        %parallel_loop3A_311 = arith.select %parallel_loop3A_304, %parallel_loop3A_297, %parallel_loop3A_310 : vector<16xi1>, vector<16xf32>
        %parallel_loop3A_312 = arith.divf %parallel_loop3A_311, %parallel_loop3A_301 : vector<16xf32>
        %parallel_loop3A_313 = arith.constant 1.000000e+00 : f32
        %parallel_loop3A_314 = vector.broadcast %parallel_loop3A_313 : f32 to vector<16xf32>
        %parallel_loop3A_315 = arith.subf %parallel_loop3A_314, %parallel_loop3A_312 : vector<16xf32>
        %parallel_loop3A_316 = arith.constant 1.000000e+00 : f32
        %parallel_loop3A_317 = vector.broadcast %parallel_loop3A_316 : f32 to vector<16xf32>
        %parallel_loop3A_318 = arith.subf %parallel_loop3A_301, %parallel_loop3A_317 : vector<16xf32>
        %parallel_loop3A_319 = arith.constant 1.000000e+00 : f32
        %parallel_loop3A_320 = vector.broadcast %parallel_loop3A_319 : f32 to vector<16xf32>
        %parallel_loop3A_321 = arith.addf %parallel_loop3A_301, %parallel_loop3A_320 : vector<16xf32>
        %parallel_loop3A_322 = arith.divf %parallel_loop3A_318, %parallel_loop3A_321 : vector<16xf32>
        %parallel_loop3A_323 = arith.mulf %parallel_loop3A_322, %parallel_loop3A_322 : vector<16xf32>
        %parallel_loop3A_324 = arith.constant 0.181818187 : f32
        %parallel_loop3A_325 = vector.broadcast %parallel_loop3A_324 : f32 to vector<16xf32>
        %parallel_loop3A_326 = arith.mulf %parallel_loop3A_325, %parallel_loop3A_323 : vector<16xf32>
        %parallel_loop3A_327 = arith.constant 0.222222224 : f32
        %parallel_loop3A_328 = vector.broadcast %parallel_loop3A_327 : f32 to vector<16xf32>
        %parallel_loop3A_329 = arith.addf %parallel_loop3A_326, %parallel_loop3A_328 : vector<16xf32>
        %parallel_loop3A_330 = arith.mulf %parallel_loop3A_329, %parallel_loop3A_323 : vector<16xf32>
        %parallel_loop3A_331 = arith.constant 0.285714298 : f32
        %parallel_loop3A_332 = vector.broadcast %parallel_loop3A_331 : f32 to vector<16xf32>
        %parallel_loop3A_333 = arith.addf %parallel_loop3A_330, %parallel_loop3A_332 : vector<16xf32>
        %parallel_loop3A_334 = arith.mulf %parallel_loop3A_333, %parallel_loop3A_323 : vector<16xf32>
        %parallel_loop3A_335 = arith.constant 4.000000e-01 : f32
        %parallel_loop3A_336 = vector.broadcast %parallel_loop3A_335 : f32 to vector<16xf32>
        %parallel_loop3A_337 = arith.addf %parallel_loop3A_334, %parallel_loop3A_336 : vector<16xf32>
        %parallel_loop3A_338 = arith.mulf %parallel_loop3A_337, %parallel_loop3A_323 : vector<16xf32>
        %parallel_loop3A_339 = arith.constant 0.666666686 : f32
        %parallel_loop3A_340 = vector.broadcast %parallel_loop3A_339 : f32 to vector<16xf32>
        %parallel_loop3A_341 = arith.addf %parallel_loop3A_338, %parallel_loop3A_340 : vector<16xf32>
        %parallel_loop3A_342 = arith.mulf %parallel_loop3A_341, %parallel_loop3A_323 : vector<16xf32>
        %parallel_loop3A_343 = arith.constant 2.000000e+00 : f32
        %parallel_loop3A_344 = vector.broadcast %parallel_loop3A_343 : f32 to vector<16xf32>
        %parallel_loop3A_345 = arith.addf %parallel_loop3A_342, %parallel_loop3A_344 : vector<16xf32>
        %parallel_loop3A_346 = arith.mulf %parallel_loop3A_345, %parallel_loop3A_322 : vector<16xf32>
        %parallel_loop3A_347 = arith.subf %parallel_loop3A_309, %parallel_loop3A_346 : vector<16xf32>
        %parallel_loop3A_348 = arith.constant 1.000000e+01 : f32
        %parallel_loop3A_349 = vector.broadcast %parallel_loop3A_348 : f32 to vector<16xf32>
        %parallel_loop3A_350 = arith.mulf %parallel_loop3A_315, %parallel_loop3A_349 : vector<16xf32>
        %parallel_loop3A_351 = arith.fptosi %parallel_loop3A_350 : vector<16xf32> to vector<16xi32>
        %parallel_loop3A_352 = tpu.vector_load_idx %arg24[%parallel_loop3A_351] : memref<16xf32, #tpu.memory_space<vmem>>[vector<16xi32>], vector<16xf32>,
        %parallel_loop3A_353 = arith.addi %parallel_loop3A_351, %broadcast_in_dim3A_36 : vector<16xi32>
        %parallel_loop3A_354 = tpu.vector_load_idx %arg24[%parallel_loop3A_353] : memref<16xf32, #tpu.memory_space<vmem>>[vector<16xi32>], vector<16xf32>,
        %parallel_loop3A_355 = arith.cmpf oge, %parallel_loop3A_315, %parallel_loop3A_354 : vector<16xf32>
        %parallel_loop3A_356 = arith.select %parallel_loop3A_355, %broadcast_in_dim3A_36, %broadcast_in_dim3A_38 : vector<16xi1>, vector<16xi32>
        %parallel_loop3A_357 = arith.addi %parallel_loop3A_351, %parallel_loop3A_356 : vector<16xi32>
        %parallel_loop3A_358 = arith.cmpf olt, %parallel_loop3A_315, %parallel_loop3A_352 : vector<16xf32>
        %parallel_loop3A_359 = arith.select %parallel_loop3A_358, %broadcast_in_dim3A_36, %broadcast_in_dim3A_38 : vector<16xi1>, vector<16xi32>
        %parallel_loop3A_360 = arith.subi %parallel_loop3A_357, %parallel_loop3A_359 : vector<16xi32>
        %parallel_loop3A_361 = arith.maxsi %parallel_loop3A_360, %broadcast_in_dim3A_38 : vector<16xi32>
        tpu.vector_store_idx %arg16[%parallel_loop3A_361], %broadcast_in_dim3A_34 {add = true} : memref<16xf32, #tpu.memory_space<vmem>>[vector<16xi32>], vector<16xf32>,
        tpu.vector_store_idx %arg20[%parallel_loop3A_361], %parallel_loop3A_347 {add = true} : memref<16xf32, #tpu.memory_space<vmem>>[vector<16xi32>], vector<16xf32>,
        %parallel_loop3A_362 = arith.constant 1 : i32
        %parallel_loop3A_363 = arith.addi %parallel_loop3A_271, %parallel_loop3A_362 : i32
        %parallel_loop3A_364 = arith.constant 5 : i32
        %parallel_loop3A_365 = arith.shrui %parallel_loop3A_363, %parallel_loop3A_364 : i32
        %parallel_loop3A_366 = arith.constant 31 : i32
        %parallel_loop3A_367 = arith.andi %parallel_loop3A_363, %parallel_loop3A_366 : i32
        %parallel_loop3A_368 = arith.constant 4 : i32
        %parallel_loop3A_369 = arith.shli %parallel_loop3A_367, %parallel_loop3A_368 : i32
        %parallel_loop3A_370 = arith.index_cast %parallel_loop3A_365 : i32 to index
        %parallel_loop3A_371 = arith.index_cast %parallel_loop3A_369 : i32 to index
        %parallel_loop3A_372 = tpu.vector_load %arg6[%parallel_loop3A_370, %parallel_loop3A_371] {strides = array<i32>} : memref<16x512xf32, #tpu.memory_space<vmem>>, vector<16xf32>,
        %parallel_loop3A_373 = arith.index_cast %parallel_loop3A_365 : i32 to index
        %parallel_loop3A_374 = arith.index_cast %parallel_loop3A_369 : i32 to index
        %parallel_loop3A_375 = tpu.vector_load %arg7[%parallel_loop3A_373, %parallel_loop3A_374] {strides = array<i32>} : memref<16x512xf32, #tpu.memory_space<vmem>>, vector<16xf32>,
        %parallel_loop3A_376 = arith.index_cast %parallel_loop3A_365 : i32 to index
        %parallel_loop3A_377 = arith.index_cast %parallel_loop3A_369 : i32 to index
        %parallel_loop3A_378 = tpu.vector_load %arg8[%parallel_loop3A_376, %parallel_loop3A_377] {strides = array<i32>} : memref<16x512xf32, #tpu.memory_space<vmem>>, vector<16xf32>,
        %parallel_loop3A_379 = arith.index_cast %parallel_loop3A_365 : i32 to index
        %parallel_loop3A_380 = arith.index_cast %parallel_loop3A_369 : i32 to index
        %parallel_loop3A_381 = tpu.vector_load %arg9[%parallel_loop3A_379, %parallel_loop3A_380] {strides = array<i32>} : memref<16x512xi32, #tpu.memory_space<vmem>>, vector<16xi32>,
        %parallel_loop3A_382 = arith.maximumf %parallel_loop3A_372, %parallel_loop3A_375 : vector<16xf32>
        %parallel_loop3A_383 = arith.maximumf %parallel_loop3A_382, %parallel_loop3A_378 : vector<16xf32>
        %parallel_loop3A_384 = arith.subf %parallel_loop3A_372, %parallel_loop3A_383 : vector<16xf32>
        %parallel_loop3A_385 = arith.subf %parallel_loop3A_375, %parallel_loop3A_383 : vector<16xf32>
        %parallel_loop3A_386 = arith.subf %parallel_loop3A_378, %parallel_loop3A_383 : vector<16xf32>
        %parallel_loop3A_387 = math.exp %parallel_loop3A_384 : vector<16xf32>
        %parallel_loop3A_388 = math.exp %parallel_loop3A_385 : vector<16xf32>
        %parallel_loop3A_389 = math.exp %parallel_loop3A_386 : vector<16xf32>
        %parallel_loop3A_390 = arith.addf %parallel_loop3A_387, %parallel_loop3A_388 : vector<16xf32>
        %parallel_loop3A_391 = arith.addf %parallel_loop3A_390, %parallel_loop3A_389 : vector<16xf32>
        %parallel_loop3A_392 = arith.constant 0 : i32
        %parallel_loop3A_393 = vector.broadcast %parallel_loop3A_392 : i32 to vector<16xi32>
        %parallel_loop3A_394 = arith.cmpi eq, %parallel_loop3A_381, %parallel_loop3A_393 : vector<16xi32>
        %parallel_loop3A_395 = arith.constant 1 : i32
        %parallel_loop3A_396 = vector.broadcast %parallel_loop3A_395 : i32 to vector<16xi32>
        %parallel_loop3A_397 = arith.cmpi eq, %parallel_loop3A_381, %parallel_loop3A_396 : vector<16xi32>
        %parallel_loop3A_398 = arith.select %parallel_loop3A_397, %parallel_loop3A_385, %parallel_loop3A_386 : vector<16xi1>, vector<16xf32>
        %parallel_loop3A_399 = arith.select %parallel_loop3A_394, %parallel_loop3A_384, %parallel_loop3A_398 : vector<16xi1>, vector<16xf32>
        %parallel_loop3A_400 = arith.select %parallel_loop3A_397, %parallel_loop3A_388, %parallel_loop3A_389 : vector<16xi1>, vector<16xf32>
        %parallel_loop3A_401 = arith.select %parallel_loop3A_394, %parallel_loop3A_387, %parallel_loop3A_400 : vector<16xi1>, vector<16xf32>
        %parallel_loop3A_402 = arith.divf %parallel_loop3A_401, %parallel_loop3A_391 : vector<16xf32>
        %parallel_loop3A_403 = arith.constant 1.000000e+00 : f32
        %parallel_loop3A_404 = vector.broadcast %parallel_loop3A_403 : f32 to vector<16xf32>
        %parallel_loop3A_405 = arith.subf %parallel_loop3A_404, %parallel_loop3A_402 : vector<16xf32>
        %parallel_loop3A_406 = arith.constant 1.000000e+00 : f32
        %parallel_loop3A_407 = vector.broadcast %parallel_loop3A_406 : f32 to vector<16xf32>
        %parallel_loop3A_408 = arith.subf %parallel_loop3A_391, %parallel_loop3A_407 : vector<16xf32>
        %parallel_loop3A_409 = arith.constant 1.000000e+00 : f32
        %parallel_loop3A_410 = vector.broadcast %parallel_loop3A_409 : f32 to vector<16xf32>
        %parallel_loop3A_411 = arith.addf %parallel_loop3A_391, %parallel_loop3A_410 : vector<16xf32>
        %parallel_loop3A_412 = arith.divf %parallel_loop3A_408, %parallel_loop3A_411 : vector<16xf32>
        %parallel_loop3A_413 = arith.mulf %parallel_loop3A_412, %parallel_loop3A_412 : vector<16xf32>
        %parallel_loop3A_414 = arith.constant 0.181818187 : f32
        %parallel_loop3A_415 = vector.broadcast %parallel_loop3A_414 : f32 to vector<16xf32>
        %parallel_loop3A_416 = arith.mulf %parallel_loop3A_415, %parallel_loop3A_413 : vector<16xf32>
        %parallel_loop3A_417 = arith.constant 0.222222224 : f32
        %parallel_loop3A_418 = vector.broadcast %parallel_loop3A_417 : f32 to vector<16xf32>
        %parallel_loop3A_419 = arith.addf %parallel_loop3A_416, %parallel_loop3A_418 : vector<16xf32>
        %parallel_loop3A_420 = arith.mulf %parallel_loop3A_419, %parallel_loop3A_413 : vector<16xf32>
        %parallel_loop3A_421 = arith.constant 0.285714298 : f32
        %parallel_loop3A_422 = vector.broadcast %parallel_loop3A_421 : f32 to vector<16xf32>
        %parallel_loop3A_423 = arith.addf %parallel_loop3A_420, %parallel_loop3A_422 : vector<16xf32>
        %parallel_loop3A_424 = arith.mulf %parallel_loop3A_423, %parallel_loop3A_413 : vector<16xf32>
        %parallel_loop3A_425 = arith.constant 4.000000e-01 : f32
        %parallel_loop3A_426 = vector.broadcast %parallel_loop3A_425 : f32 to vector<16xf32>
        %parallel_loop3A_427 = arith.addf %parallel_loop3A_424, %parallel_loop3A_426 : vector<16xf32>
        %parallel_loop3A_428 = arith.mulf %parallel_loop3A_427, %parallel_loop3A_413 : vector<16xf32>
        %parallel_loop3A_429 = arith.constant 0.666666686 : f32
        %parallel_loop3A_430 = vector.broadcast %parallel_loop3A_429 : f32 to vector<16xf32>
        %parallel_loop3A_431 = arith.addf %parallel_loop3A_428, %parallel_loop3A_430 : vector<16xf32>
        %parallel_loop3A_432 = arith.mulf %parallel_loop3A_431, %parallel_loop3A_413 : vector<16xf32>
        %parallel_loop3A_433 = arith.constant 2.000000e+00 : f32
        %parallel_loop3A_434 = vector.broadcast %parallel_loop3A_433 : f32 to vector<16xf32>
        %parallel_loop3A_435 = arith.addf %parallel_loop3A_432, %parallel_loop3A_434 : vector<16xf32>
        %parallel_loop3A_436 = arith.mulf %parallel_loop3A_435, %parallel_loop3A_412 : vector<16xf32>
        %parallel_loop3A_437 = arith.subf %parallel_loop3A_399, %parallel_loop3A_436 : vector<16xf32>
        %parallel_loop3A_438 = arith.constant 1.000000e+01 : f32
        %parallel_loop3A_439 = vector.broadcast %parallel_loop3A_438 : f32 to vector<16xf32>
        %parallel_loop3A_440 = arith.mulf %parallel_loop3A_405, %parallel_loop3A_439 : vector<16xf32>
        %parallel_loop3A_441 = arith.fptosi %parallel_loop3A_440 : vector<16xf32> to vector<16xi32>
        %parallel_loop3A_442 = tpu.vector_load_idx %arg24[%parallel_loop3A_441] : memref<16xf32, #tpu.memory_space<vmem>>[vector<16xi32>], vector<16xf32>,
        %parallel_loop3A_443 = arith.addi %parallel_loop3A_441, %broadcast_in_dim3A_36 : vector<16xi32>
        %parallel_loop3A_444 = tpu.vector_load_idx %arg24[%parallel_loop3A_443] : memref<16xf32, #tpu.memory_space<vmem>>[vector<16xi32>], vector<16xf32>,
        %parallel_loop3A_445 = arith.cmpf oge, %parallel_loop3A_405, %parallel_loop3A_444 : vector<16xf32>
        %parallel_loop3A_446 = arith.select %parallel_loop3A_445, %broadcast_in_dim3A_36, %broadcast_in_dim3A_38 : vector<16xi1>, vector<16xi32>
        %parallel_loop3A_447 = arith.addi %parallel_loop3A_441, %parallel_loop3A_446 : vector<16xi32>
        %parallel_loop3A_448 = arith.cmpf olt, %parallel_loop3A_405, %parallel_loop3A_442 : vector<16xf32>
        %parallel_loop3A_449 = arith.select %parallel_loop3A_448, %broadcast_in_dim3A_36, %broadcast_in_dim3A_38 : vector<16xi1>, vector<16xi32>
        %parallel_loop3A_450 = arith.subi %parallel_loop3A_447, %parallel_loop3A_449 : vector<16xi32>
        %parallel_loop3A_451 = arith.maxsi %parallel_loop3A_450, %broadcast_in_dim3A_38 : vector<16xi32>
        tpu.vector_store_idx %arg17[%parallel_loop3A_451], %broadcast_in_dim3A_34 {add = true} : memref<16xf32, #tpu.memory_space<vmem>>[vector<16xi32>], vector<16xf32>,
        tpu.vector_store_idx %arg21[%parallel_loop3A_451], %parallel_loop3A_437 {add = true} : memref<16xf32, #tpu.memory_space<vmem>>[vector<16xi32>], vector<16xf32>,
        %parallel_loop3A_452 = arith.constant 2 : i32
        %parallel_loop3A_453 = arith.addi %parallel_loop3A_271, %parallel_loop3A_452 : i32
        %parallel_loop3A_454 = arith.constant 5 : i32
        %parallel_loop3A_455 = arith.shrui %parallel_loop3A_453, %parallel_loop3A_454 : i32
        %parallel_loop3A_456 = arith.constant 31 : i32
        %parallel_loop3A_457 = arith.andi %parallel_loop3A_453, %parallel_loop3A_456 : i32
        %parallel_loop3A_458 = arith.constant 4 : i32
        %parallel_loop3A_459 = arith.shli %parallel_loop3A_457, %parallel_loop3A_458 : i32
        %parallel_loop3A_460 = arith.index_cast %parallel_loop3A_455 : i32 to index
        %parallel_loop3A_461 = arith.index_cast %parallel_loop3A_459 : i32 to index
        %parallel_loop3A_462 = tpu.vector_load %arg6[%parallel_loop3A_460, %parallel_loop3A_461] {strides = array<i32>} : memref<16x512xf32, #tpu.memory_space<vmem>>, vector<16xf32>,
        %parallel_loop3A_463 = arith.index_cast %parallel_loop3A_455 : i32 to index
        %parallel_loop3A_464 = arith.index_cast %parallel_loop3A_459 : i32 to index
        %parallel_loop3A_465 = tpu.vector_load %arg7[%parallel_loop3A_463, %parallel_loop3A_464] {strides = array<i32>} : memref<16x512xf32, #tpu.memory_space<vmem>>, vector<16xf32>,
        %parallel_loop3A_466 = arith.index_cast %parallel_loop3A_455 : i32 to index
        %parallel_loop3A_467 = arith.index_cast %parallel_loop3A_459 : i32 to index
        %parallel_loop3A_468 = tpu.vector_load %arg8[%parallel_loop3A_466, %parallel_loop3A_467] {strides = array<i32>} : memref<16x512xf32, #tpu.memory_space<vmem>>, vector<16xf32>,
        %parallel_loop3A_469 = arith.index_cast %parallel_loop3A_455 : i32 to index
        %parallel_loop3A_470 = arith.index_cast %parallel_loop3A_459 : i32 to index
        %parallel_loop3A_471 = tpu.vector_load %arg9[%parallel_loop3A_469, %parallel_loop3A_470] {strides = array<i32>} : memref<16x512xi32, #tpu.memory_space<vmem>>, vector<16xi32>,
        %parallel_loop3A_472 = arith.maximumf %parallel_loop3A_462, %parallel_loop3A_465 : vector<16xf32>
        %parallel_loop3A_473 = arith.maximumf %parallel_loop3A_472, %parallel_loop3A_468 : vector<16xf32>
        %parallel_loop3A_474 = arith.subf %parallel_loop3A_462, %parallel_loop3A_473 : vector<16xf32>
        %parallel_loop3A_475 = arith.subf %parallel_loop3A_465, %parallel_loop3A_473 : vector<16xf32>
        %parallel_loop3A_476 = arith.subf %parallel_loop3A_468, %parallel_loop3A_473 : vector<16xf32>
        %parallel_loop3A_477 = math.exp %parallel_loop3A_474 : vector<16xf32>
        %parallel_loop3A_478 = math.exp %parallel_loop3A_475 : vector<16xf32>
        %parallel_loop3A_479 = math.exp %parallel_loop3A_476 : vector<16xf32>
        %parallel_loop3A_480 = arith.addf %parallel_loop3A_477, %parallel_loop3A_478 : vector<16xf32>
        %parallel_loop3A_481 = arith.addf %parallel_loop3A_480, %parallel_loop3A_479 : vector<16xf32>
        %parallel_loop3A_482 = arith.constant 0 : i32
        %parallel_loop3A_483 = vector.broadcast %parallel_loop3A_482 : i32 to vector<16xi32>
        %parallel_loop3A_484 = arith.cmpi eq, %parallel_loop3A_471, %parallel_loop3A_483 : vector<16xi32>
        %parallel_loop3A_485 = arith.constant 1 : i32
        %parallel_loop3A_486 = vector.broadcast %parallel_loop3A_485 : i32 to vector<16xi32>
        %parallel_loop3A_487 = arith.cmpi eq, %parallel_loop3A_471, %parallel_loop3A_486 : vector<16xi32>
        %parallel_loop3A_488 = arith.select %parallel_loop3A_487, %parallel_loop3A_475, %parallel_loop3A_476 : vector<16xi1>, vector<16xf32>
        %parallel_loop3A_489 = arith.select %parallel_loop3A_484, %parallel_loop3A_474, %parallel_loop3A_488 : vector<16xi1>, vector<16xf32>
        %parallel_loop3A_490 = arith.select %parallel_loop3A_487, %parallel_loop3A_478, %parallel_loop3A_479 : vector<16xi1>, vector<16xf32>
        %parallel_loop3A_491 = arith.select %parallel_loop3A_484, %parallel_loop3A_477, %parallel_loop3A_490 : vector<16xi1>, vector<16xf32>
        %parallel_loop3A_492 = arith.divf %parallel_loop3A_491, %parallel_loop3A_481 : vector<16xf32>
        %parallel_loop3A_493 = arith.constant 1.000000e+00 : f32
        %parallel_loop3A_494 = vector.broadcast %parallel_loop3A_493 : f32 to vector<16xf32>
        %parallel_loop3A_495 = arith.subf %parallel_loop3A_494, %parallel_loop3A_492 : vector<16xf32>
        %parallel_loop3A_496 = arith.constant 1.000000e+00 : f32
        %parallel_loop3A_497 = vector.broadcast %parallel_loop3A_496 : f32 to vector<16xf32>
        %parallel_loop3A_498 = arith.subf %parallel_loop3A_481, %parallel_loop3A_497 : vector<16xf32>
        %parallel_loop3A_499 = arith.constant 1.000000e+00 : f32
        %parallel_loop3A_500 = vector.broadcast %parallel_loop3A_499 : f32 to vector<16xf32>
        %parallel_loop3A_501 = arith.addf %parallel_loop3A_481, %parallel_loop3A_500 : vector<16xf32>
        %parallel_loop3A_502 = arith.divf %parallel_loop3A_498, %parallel_loop3A_501 : vector<16xf32>
        %parallel_loop3A_503 = arith.mulf %parallel_loop3A_502, %parallel_loop3A_502 : vector<16xf32>
        %parallel_loop3A_504 = arith.constant 0.181818187 : f32
        %parallel_loop3A_505 = vector.broadcast %parallel_loop3A_504 : f32 to vector<16xf32>
        %parallel_loop3A_506 = arith.mulf %parallel_loop3A_505, %parallel_loop3A_503 : vector<16xf32>
        %parallel_loop3A_507 = arith.constant 0.222222224 : f32
        %parallel_loop3A_508 = vector.broadcast %parallel_loop3A_507 : f32 to vector<16xf32>
        %parallel_loop3A_509 = arith.addf %parallel_loop3A_506, %parallel_loop3A_508 : vector<16xf32>
        %parallel_loop3A_510 = arith.mulf %parallel_loop3A_509, %parallel_loop3A_503 : vector<16xf32>
        %parallel_loop3A_511 = arith.constant 0.285714298 : f32
        %parallel_loop3A_512 = vector.broadcast %parallel_loop3A_511 : f32 to vector<16xf32>
        %parallel_loop3A_513 = arith.addf %parallel_loop3A_510, %parallel_loop3A_512 : vector<16xf32>
        %parallel_loop3A_514 = arith.mulf %parallel_loop3A_513, %parallel_loop3A_503 : vector<16xf32>
        %parallel_loop3A_515 = arith.constant 4.000000e-01 : f32
        %parallel_loop3A_516 = vector.broadcast %parallel_loop3A_515 : f32 to vector<16xf32>
        %parallel_loop3A_517 = arith.addf %parallel_loop3A_514, %parallel_loop3A_516 : vector<16xf32>
        %parallel_loop3A_518 = arith.mulf %parallel_loop3A_517, %parallel_loop3A_503 : vector<16xf32>
        %parallel_loop3A_519 = arith.constant 0.666666686 : f32
        %parallel_loop3A_520 = vector.broadcast %parallel_loop3A_519 : f32 to vector<16xf32>
        %parallel_loop3A_521 = arith.addf %parallel_loop3A_518, %parallel_loop3A_520 : vector<16xf32>
        %parallel_loop3A_522 = arith.mulf %parallel_loop3A_521, %parallel_loop3A_503 : vector<16xf32>
        %parallel_loop3A_523 = arith.constant 2.000000e+00 : f32
        %parallel_loop3A_524 = vector.broadcast %parallel_loop3A_523 : f32 to vector<16xf32>
        %parallel_loop3A_525 = arith.addf %parallel_loop3A_522, %parallel_loop3A_524 : vector<16xf32>
        %parallel_loop3A_526 = arith.mulf %parallel_loop3A_525, %parallel_loop3A_502 : vector<16xf32>
        %parallel_loop3A_527 = arith.subf %parallel_loop3A_489, %parallel_loop3A_526 : vector<16xf32>
        %parallel_loop3A_528 = arith.constant 1.000000e+01 : f32
        %parallel_loop3A_529 = vector.broadcast %parallel_loop3A_528 : f32 to vector<16xf32>
        %parallel_loop3A_530 = arith.mulf %parallel_loop3A_495, %parallel_loop3A_529 : vector<16xf32>
        %parallel_loop3A_531 = arith.fptosi %parallel_loop3A_530 : vector<16xf32> to vector<16xi32>
        %parallel_loop3A_532 = tpu.vector_load_idx %arg24[%parallel_loop3A_531] : memref<16xf32, #tpu.memory_space<vmem>>[vector<16xi32>], vector<16xf32>,
        %parallel_loop3A_533 = arith.addi %parallel_loop3A_531, %broadcast_in_dim3A_36 : vector<16xi32>
        %parallel_loop3A_534 = tpu.vector_load_idx %arg24[%parallel_loop3A_533] : memref<16xf32, #tpu.memory_space<vmem>>[vector<16xi32>], vector<16xf32>,
        %parallel_loop3A_535 = arith.cmpf oge, %parallel_loop3A_495, %parallel_loop3A_534 : vector<16xf32>
        %parallel_loop3A_536 = arith.select %parallel_loop3A_535, %broadcast_in_dim3A_36, %broadcast_in_dim3A_38 : vector<16xi1>, vector<16xi32>
        %parallel_loop3A_537 = arith.addi %parallel_loop3A_531, %parallel_loop3A_536 : vector<16xi32>
        %parallel_loop3A_538 = arith.cmpf olt, %parallel_loop3A_495, %parallel_loop3A_532 : vector<16xf32>
        %parallel_loop3A_539 = arith.select %parallel_loop3A_538, %broadcast_in_dim3A_36, %broadcast_in_dim3A_38 : vector<16xi1>, vector<16xi32>
        %parallel_loop3A_540 = arith.subi %parallel_loop3A_537, %parallel_loop3A_539 : vector<16xi32>
        %parallel_loop3A_541 = arith.maxsi %parallel_loop3A_540, %broadcast_in_dim3A_38 : vector<16xi32>
        tpu.vector_store_idx %arg18[%parallel_loop3A_541], %broadcast_in_dim3A_34 {add = true} : memref<16xf32, #tpu.memory_space<vmem>>[vector<16xi32>], vector<16xf32>,
        tpu.vector_store_idx %arg22[%parallel_loop3A_541], %parallel_loop3A_527 {add = true} : memref<16xf32, #tpu.memory_space<vmem>>[vector<16xi32>], vector<16xf32>,
        %parallel_loop3A_542 = arith.constant 3 : i32
        %parallel_loop3A_543 = arith.addi %parallel_loop3A_271, %parallel_loop3A_542 : i32
        %parallel_loop3A_544 = arith.constant 5 : i32
        %parallel_loop3A_545 = arith.shrui %parallel_loop3A_543, %parallel_loop3A_544 : i32
        %parallel_loop3A_546 = arith.constant 31 : i32
        %parallel_loop3A_547 = arith.andi %parallel_loop3A_543, %parallel_loop3A_546 : i32
        %parallel_loop3A_548 = arith.constant 4 : i32
        %parallel_loop3A_549 = arith.shli %parallel_loop3A_547, %parallel_loop3A_548 : i32
        %parallel_loop3A_550 = arith.index_cast %parallel_loop3A_545 : i32 to index
        %parallel_loop3A_551 = arith.index_cast %parallel_loop3A_549 : i32 to index
        %parallel_loop3A_552 = tpu.vector_load %arg6[%parallel_loop3A_550, %parallel_loop3A_551] {strides = array<i32>} : memref<16x512xf32, #tpu.memory_space<vmem>>, vector<16xf32>,
        %parallel_loop3A_553 = arith.index_cast %parallel_loop3A_545 : i32 to index
        %parallel_loop3A_554 = arith.index_cast %parallel_loop3A_549 : i32 to index
        %parallel_loop3A_555 = tpu.vector_load %arg7[%parallel_loop3A_553, %parallel_loop3A_554] {strides = array<i32>} : memref<16x512xf32, #tpu.memory_space<vmem>>, vector<16xf32>,
        %parallel_loop3A_556 = arith.index_cast %parallel_loop3A_545 : i32 to index
        %parallel_loop3A_557 = arith.index_cast %parallel_loop3A_549 : i32 to index
        %parallel_loop3A_558 = tpu.vector_load %arg8[%parallel_loop3A_556, %parallel_loop3A_557] {strides = array<i32>} : memref<16x512xf32, #tpu.memory_space<vmem>>, vector<16xf32>,
        %parallel_loop3A_559 = arith.index_cast %parallel_loop3A_545 : i32 to index
        %parallel_loop3A_560 = arith.index_cast %parallel_loop3A_549 : i32 to index
        %parallel_loop3A_561 = tpu.vector_load %arg9[%parallel_loop3A_559, %parallel_loop3A_560] {strides = array<i32>} : memref<16x512xi32, #tpu.memory_space<vmem>>, vector<16xi32>,
        %parallel_loop3A_562 = arith.maximumf %parallel_loop3A_552, %parallel_loop3A_555 : vector<16xf32>
        %parallel_loop3A_563 = arith.maximumf %parallel_loop3A_562, %parallel_loop3A_558 : vector<16xf32>
        %parallel_loop3A_564 = arith.subf %parallel_loop3A_552, %parallel_loop3A_563 : vector<16xf32>
        %parallel_loop3A_565 = arith.subf %parallel_loop3A_555, %parallel_loop3A_563 : vector<16xf32>
        %parallel_loop3A_566 = arith.subf %parallel_loop3A_558, %parallel_loop3A_563 : vector<16xf32>
        %parallel_loop3A_567 = math.exp %parallel_loop3A_564 : vector<16xf32>
        %parallel_loop3A_568 = math.exp %parallel_loop3A_565 : vector<16xf32>
        %parallel_loop3A_569 = math.exp %parallel_loop3A_566 : vector<16xf32>
        %parallel_loop3A_570 = arith.addf %parallel_loop3A_567, %parallel_loop3A_568 : vector<16xf32>
        %parallel_loop3A_571 = arith.addf %parallel_loop3A_570, %parallel_loop3A_569 : vector<16xf32>
        %parallel_loop3A_572 = arith.constant 0 : i32
        %parallel_loop3A_573 = vector.broadcast %parallel_loop3A_572 : i32 to vector<16xi32>
        %parallel_loop3A_574 = arith.cmpi eq, %parallel_loop3A_561, %parallel_loop3A_573 : vector<16xi32>
        %parallel_loop3A_575 = arith.constant 1 : i32
        %parallel_loop3A_576 = vector.broadcast %parallel_loop3A_575 : i32 to vector<16xi32>
        %parallel_loop3A_577 = arith.cmpi eq, %parallel_loop3A_561, %parallel_loop3A_576 : vector<16xi32>
        %parallel_loop3A_578 = arith.select %parallel_loop3A_577, %parallel_loop3A_565, %parallel_loop3A_566 : vector<16xi1>, vector<16xf32>
        %parallel_loop3A_579 = arith.select %parallel_loop3A_574, %parallel_loop3A_564, %parallel_loop3A_578 : vector<16xi1>, vector<16xf32>
        %parallel_loop3A_580 = arith.select %parallel_loop3A_577, %parallel_loop3A_568, %parallel_loop3A_569 : vector<16xi1>, vector<16xf32>
        %parallel_loop3A_581 = arith.select %parallel_loop3A_574, %parallel_loop3A_567, %parallel_loop3A_580 : vector<16xi1>, vector<16xf32>
        %parallel_loop3A_582 = arith.divf %parallel_loop3A_581, %parallel_loop3A_571 : vector<16xf32>
        %parallel_loop3A_583 = arith.constant 1.000000e+00 : f32
        %parallel_loop3A_584 = vector.broadcast %parallel_loop3A_583 : f32 to vector<16xf32>
        %parallel_loop3A_585 = arith.subf %parallel_loop3A_584, %parallel_loop3A_582 : vector<16xf32>
        %parallel_loop3A_586 = arith.constant 1.000000e+00 : f32
        %parallel_loop3A_587 = vector.broadcast %parallel_loop3A_586 : f32 to vector<16xf32>
        %parallel_loop3A_588 = arith.subf %parallel_loop3A_571, %parallel_loop3A_587 : vector<16xf32>
        %parallel_loop3A_589 = arith.constant 1.000000e+00 : f32
        %parallel_loop3A_590 = vector.broadcast %parallel_loop3A_589 : f32 to vector<16xf32>
        %parallel_loop3A_591 = arith.addf %parallel_loop3A_571, %parallel_loop3A_590 : vector<16xf32>
        %parallel_loop3A_592 = arith.divf %parallel_loop3A_588, %parallel_loop3A_591 : vector<16xf32>
        %parallel_loop3A_593 = arith.mulf %parallel_loop3A_592, %parallel_loop3A_592 : vector<16xf32>
        %parallel_loop3A_594 = arith.constant 0.181818187 : f32
        %parallel_loop3A_595 = vector.broadcast %parallel_loop3A_594 : f32 to vector<16xf32>
        %parallel_loop3A_596 = arith.mulf %parallel_loop3A_595, %parallel_loop3A_593 : vector<16xf32>
        %parallel_loop3A_597 = arith.constant 0.222222224 : f32
        %parallel_loop3A_598 = vector.broadcast %parallel_loop3A_597 : f32 to vector<16xf32>
        %parallel_loop3A_599 = arith.addf %parallel_loop3A_596, %parallel_loop3A_598 : vector<16xf32>
        %parallel_loop3A_600 = arith.mulf %parallel_loop3A_599, %parallel_loop3A_593 : vector<16xf32>
        %parallel_loop3A_601 = arith.constant 0.285714298 : f32
        %parallel_loop3A_602 = vector.broadcast %parallel_loop3A_601 : f32 to vector<16xf32>
        %parallel_loop3A_603 = arith.addf %parallel_loop3A_600, %parallel_loop3A_602 : vector<16xf32>
        %parallel_loop3A_604 = arith.mulf %parallel_loop3A_603, %parallel_loop3A_593 : vector<16xf32>
        %parallel_loop3A_605 = arith.constant 4.000000e-01 : f32
        %parallel_loop3A_606 = vector.broadcast %parallel_loop3A_605 : f32 to vector<16xf32>
        %parallel_loop3A_607 = arith.addf %parallel_loop3A_604, %parallel_loop3A_606 : vector<16xf32>
        %parallel_loop3A_608 = arith.mulf %parallel_loop3A_607, %parallel_loop3A_593 : vector<16xf32>
        %parallel_loop3A_609 = arith.constant 0.666666686 : f32
        %parallel_loop3A_610 = vector.broadcast %parallel_loop3A_609 : f32 to vector<16xf32>
        %parallel_loop3A_611 = arith.addf %parallel_loop3A_608, %parallel_loop3A_610 : vector<16xf32>
        %parallel_loop3A_612 = arith.mulf %parallel_loop3A_611, %parallel_loop3A_593 : vector<16xf32>
        %parallel_loop3A_613 = arith.constant 2.000000e+00 : f32
        %parallel_loop3A_614 = vector.broadcast %parallel_loop3A_613 : f32 to vector<16xf32>
        %parallel_loop3A_615 = arith.addf %parallel_loop3A_612, %parallel_loop3A_614 : vector<16xf32>
        %parallel_loop3A_616 = arith.mulf %parallel_loop3A_615, %parallel_loop3A_592 : vector<16xf32>
        %parallel_loop3A_617 = arith.subf %parallel_loop3A_579, %parallel_loop3A_616 : vector<16xf32>
        %parallel_loop3A_618 = arith.constant 1.000000e+01 : f32
        %parallel_loop3A_619 = vector.broadcast %parallel_loop3A_618 : f32 to vector<16xf32>
        %parallel_loop3A_620 = arith.mulf %parallel_loop3A_585, %parallel_loop3A_619 : vector<16xf32>
        %parallel_loop3A_621 = arith.fptosi %parallel_loop3A_620 : vector<16xf32> to vector<16xi32>
        %parallel_loop3A_622 = tpu.vector_load_idx %arg24[%parallel_loop3A_621] : memref<16xf32, #tpu.memory_space<vmem>>[vector<16xi32>], vector<16xf32>,
        %parallel_loop3A_623 = arith.addi %parallel_loop3A_621, %broadcast_in_dim3A_36 : vector<16xi32>
        %parallel_loop3A_624 = tpu.vector_load_idx %arg24[%parallel_loop3A_623] : memref<16xf32, #tpu.memory_space<vmem>>[vector<16xi32>], vector<16xf32>,
        %parallel_loop3A_625 = arith.cmpf oge, %parallel_loop3A_585, %parallel_loop3A_624 : vector<16xf32>
        %parallel_loop3A_626 = arith.select %parallel_loop3A_625, %broadcast_in_dim3A_36, %broadcast_in_dim3A_38 : vector<16xi1>, vector<16xi32>
        %parallel_loop3A_627 = arith.addi %parallel_loop3A_621, %parallel_loop3A_626 : vector<16xi32>
        %parallel_loop3A_628 = arith.cmpf olt, %parallel_loop3A_585, %parallel_loop3A_622 : vector<16xf32>
        %parallel_loop3A_629 = arith.select %parallel_loop3A_628, %broadcast_in_dim3A_36, %broadcast_in_dim3A_38 : vector<16xi1>, vector<16xi32>
        %parallel_loop3A_630 = arith.subi %parallel_loop3A_627, %parallel_loop3A_629 : vector<16xi32>
        %parallel_loop3A_631 = arith.maxsi %parallel_loop3A_630, %broadcast_in_dim3A_38 : vector<16xi32>
        tpu.vector_store_idx %arg19[%parallel_loop3A_631], %broadcast_in_dim3A_34 {add = true} : memref<16xf32, #tpu.memory_space<vmem>>[vector<16xi32>], vector<16xf32>,
        tpu.vector_store_idx %arg23[%parallel_loop3A_631], %parallel_loop3A_617 {add = true} : memref<16xf32, #tpu.memory_space<vmem>>[vector<16xi32>], vector<16xf32>,
      } {sc.loop_unroll_factor = 1 : i64, sc.parallel_access}
      %add3A_205 = arith.constant 2 : i32
      %add3A_206 = arith.addi %mul3A_142, %add3A_205 : i32
      %min3A = arith.constant 15 : i32
      %min3A_207 = arith.minsi %add3A_206, %min3A : i32
      %dma_start3A_208 = arith.constant 0 : i32
      %dma_start3A_209 = arith.constant 0 : i32
      %dma_start3A_210 = tpu.memref_slice %arg2[%min3A_207, %dma_start3A_208, %mul3A_2, %dma_start3A_209] : memref<16x3x512x512xf32, #tpu.memory_space<hbm>> -> memref<1x1x16x512xf32, #tpu.memory_space<hbm>>
      %dma_start3A_211 = tpu.memref_squeeze %dma_start3A_210 : memref<1x1x16x512xf32, #tpu.memory_space<hbm>> -> memref<16x512xf32, #tpu.memory_space<hbm>>
      %dma_start3A_212 = arith.constant 0 : i32
      %dma_start3A_213 = tpu.memref_slice %arg2[%min3A_207, %dma_start3A_208, %mul3A_2, %dma_start3A_212] : memref<16x3x512x512xf32, #tpu.memory_space<hbm>> -> memref<1x1x16x512xf32, #tpu.memory_space<hbm>>
      %dma_start3A_214 = tpu.memref_squeeze %dma_start3A_213 : memref<1x1x16x512xf32, #tpu.memory_space<hbm>> -> memref<16x512xf32, #tpu.memory_space<hbm>>
      tpu.enqueue_dma source(%dma_start3A_214 : memref<16x512xf32, #tpu.memory_space<hbm>>) target(%arg6 : memref<16x512xf32, #tpu.memory_space<vmem>>) target_semaphore(%arg14 : memref<!tpu.dma_semaphore, #tpu.memory_space<semaphore_mem>>)
      %dma_start3A_215 = arith.constant 1 : i32
      %dma_start3A_216 = arith.constant 0 : i32
      %dma_start3A_217 = tpu.memref_slice %arg2[%min3A_207, %dma_start3A_215, %mul3A_2, %dma_start3A_216] : memref<16x3x512x512xf32, #tpu.memory_space<hbm>> -> memref<1x1x16x512xf32, #tpu.memory_space<hbm>>
      %dma_start3A_218 = tpu.memref_squeeze %dma_start3A_217 : memref<1x1x16x512xf32, #tpu.memory_space<hbm>> -> memref<16x512xf32, #tpu.memory_space<hbm>>
      %dma_start3A_219 = arith.constant 0 : i32
      %dma_start3A_220 = tpu.memref_slice %arg2[%min3A_207, %dma_start3A_215, %mul3A_2, %dma_start3A_219] : memref<16x3x512x512xf32, #tpu.memory_space<hbm>> -> memref<1x1x16x512xf32, #tpu.memory_space<hbm>>
      %dma_start3A_221 = tpu.memref_squeeze %dma_start3A_220 : memref<1x1x16x512xf32, #tpu.memory_space<hbm>> -> memref<16x512xf32, #tpu.memory_space<hbm>>
      tpu.enqueue_dma source(%dma_start3A_221 : memref<16x512xf32, #tpu.memory_space<hbm>>) target(%arg7 : memref<16x512xf32, #tpu.memory_space<vmem>>) target_semaphore(%arg14 : memref<!tpu.dma_semaphore, #tpu.memory_space<semaphore_mem>>)
      %dma_start3A_222 = arith.constant 2 : i32
      %dma_start3A_223 = arith.constant 0 : i32
      %dma_start3A_224 = tpu.memref_slice %arg2[%min3A_207, %dma_start3A_222, %mul3A_2, %dma_start3A_223] : memref<16x3x512x512xf32, #tpu.memory_space<hbm>> -> memref<1x1x16x512xf32, #tpu.memory_space<hbm>>
      %dma_start3A_225 = tpu.memref_squeeze %dma_start3A_224 : memref<1x1x16x512xf32, #tpu.memory_space<hbm>> -> memref<16x512xf32, #tpu.memory_space<hbm>>
      %dma_start3A_226 = arith.constant 0 : i32
      %dma_start3A_227 = tpu.memref_slice %arg2[%min3A_207, %dma_start3A_222, %mul3A_2, %dma_start3A_226] : memref<16x3x512x512xf32, #tpu.memory_space<hbm>> -> memref<1x1x16x512xf32, #tpu.memory_space<hbm>>
      %dma_start3A_228 = tpu.memref_squeeze %dma_start3A_227 : memref<1x1x16x512xf32, #tpu.memory_space<hbm>> -> memref<16x512xf32, #tpu.memory_space<hbm>>
      tpu.enqueue_dma source(%dma_start3A_228 : memref<16x512xf32, #tpu.memory_space<hbm>>) target(%arg8 : memref<16x512xf32, #tpu.memory_space<vmem>>) target_semaphore(%arg14 : memref<!tpu.dma_semaphore, #tpu.memory_space<semaphore_mem>>)
      %dma_start3A_229 = arith.constant 0 : i32
      %dma_start3A_230 = tpu.memref_slice %arg3[%min3A_207, %mul3A_2, %dma_start3A_229] : memref<16x512x512xi32, #tpu.memory_space<hbm>> -> memref<1x16x512xi32, #tpu.memory_space<hbm>>
      %dma_start3A_231 = tpu.memref_squeeze %dma_start3A_230 : memref<1x16x512xi32, #tpu.memory_space<hbm>> -> memref<16x512xi32, #tpu.memory_space<hbm>>
      %dma_start3A_232 = arith.constant 0 : i32
      %dma_start3A_233 = tpu.memref_slice %arg3[%min3A_207, %mul3A_2, %dma_start3A_232] : memref<16x512x512xi32, #tpu.memory_space<hbm>> -> memref<1x16x512xi32, #tpu.memory_space<hbm>>
      %dma_start3A_234 = tpu.memref_squeeze %dma_start3A_233 : memref<1x16x512xi32, #tpu.memory_space<hbm>> -> memref<16x512xi32, #tpu.memory_space<hbm>>
      tpu.enqueue_dma source(%dma_start3A_234 : memref<16x512xi32, #tpu.memory_space<hbm>>) target(%arg9 : memref<16x512xi32, #tpu.memory_space<vmem>>) target_semaphore(%arg14 : memref<!tpu.dma_semaphore, #tpu.memory_space<semaphore_mem>>)
      %dma_wait3A_235 = arith.constant 0 : i32
      %dma_wait3A_236 = arith.constant 0 : i32
      %dma_wait3A_237 = arith.constant 0 : i32
      %dma_wait3A_238 = tpu.memref_slice %arg2[%dma_wait3A_235, %dma_wait3A_236, %mul3A_2, %dma_wait3A_237] : memref<16x3x512x512xf32, #tpu.memory_space<hbm>> -> memref<1x1x16x512xf32, #tpu.memory_space<hbm>>
      %dma_wait3A_239 = tpu.memref_squeeze %dma_wait3A_238 : memref<1x1x16x512xf32, #tpu.memory_space<hbm>> -> memref<16x512xf32, #tpu.memory_space<hbm>>
      %dma_wait3A_240 = arith.constant 0 : i32
      %dma_wait3A_241 = tpu.memref_slice %arg2[%dma_wait3A_235, %dma_wait3A_236, %mul3A_2, %dma_wait3A_240] : memref<16x3x512x512xf32, #tpu.memory_space<hbm>> -> memref<1x1x16x512xf32, #tpu.memory_space<hbm>>
      %dma_wait3A_242 = tpu.memref_squeeze %dma_wait3A_241 : memref<1x1x16x512xf32, #tpu.memory_space<hbm>> -> memref<16x512xf32, #tpu.memory_space<hbm>>
      tpu.wait_dma2 semaphore(%arg15 : memref<!tpu.dma_semaphore, #tpu.memory_space<semaphore_mem>>) src(%dma_wait3A_242 : memref<16x512xf32, #tpu.memory_space<hbm>>) dst(%arg10 : memref<16x512xf32, #tpu.memory_space<vmem>>)
      %dma_wait3A_243 = arith.constant 0 : i32
      %dma_wait3A_244 = arith.constant 0 : i32
      %dma_wait3A_245 = arith.constant 0 : i32
      %dma_wait3A_246 = tpu.memref_slice %arg2[%dma_wait3A_243, %dma_wait3A_244, %mul3A_2, %dma_wait3A_245] : memref<16x3x512x512xf32, #tpu.memory_space<hbm>> -> memref<1x1x16x512xf32, #tpu.memory_space<hbm>>
      %dma_wait3A_247 = tpu.memref_squeeze %dma_wait3A_246 : memref<1x1x16x512xf32, #tpu.memory_space<hbm>> -> memref<16x512xf32, #tpu.memory_space<hbm>>
      %dma_wait3A_248 = arith.constant 0 : i32
      %dma_wait3A_249 = tpu.memref_slice %arg2[%dma_wait3A_243, %dma_wait3A_244, %mul3A_2, %dma_wait3A_248] : memref<16x3x512x512xf32, #tpu.memory_space<hbm>> -> memref<1x1x16x512xf32, #tpu.memory_space<hbm>>
      %dma_wait3A_250 = tpu.memref_squeeze %dma_wait3A_249 : memref<1x1x16x512xf32, #tpu.memory_space<hbm>> -> memref<16x512xf32, #tpu.memory_space<hbm>>
      tpu.wait_dma2 semaphore(%arg15 : memref<!tpu.dma_semaphore, #tpu.memory_space<semaphore_mem>>) src(%dma_wait3A_250 : memref<16x512xf32, #tpu.memory_space<hbm>>) dst(%arg11 : memref<16x512xf32, #tpu.memory_space<vmem>>)
      %dma_wait3A_251 = arith.constant 0 : i32
      %dma_wait3A_252 = arith.constant 0 : i32
      %dma_wait3A_253 = arith.constant 0 : i32
      %dma_wait3A_254 = tpu.memref_slice %arg2[%dma_wait3A_251, %dma_wait3A_252, %mul3A_2, %dma_wait3A_253] : memref<16x3x512x512xf32, #tpu.memory_space<hbm>> -> memref<1x1x16x512xf32, #tpu.memory_space<hbm>>
      %dma_wait3A_255 = tpu.memref_squeeze %dma_wait3A_254 : memref<1x1x16x512xf32, #tpu.memory_space<hbm>> -> memref<16x512xf32, #tpu.memory_space<hbm>>
      %dma_wait3A_256 = arith.constant 0 : i32
      %dma_wait3A_257 = tpu.memref_slice %arg2[%dma_wait3A_251, %dma_wait3A_252, %mul3A_2, %dma_wait3A_256] : memref<16x3x512x512xf32, #tpu.memory_space<hbm>> -> memref<1x1x16x512xf32, #tpu.memory_space<hbm>>
      %dma_wait3A_258 = tpu.memref_squeeze %dma_wait3A_257 : memref<1x1x16x512xf32, #tpu.memory_space<hbm>> -> memref<16x512xf32, #tpu.memory_space<hbm>>
      tpu.wait_dma2 semaphore(%arg15 : memref<!tpu.dma_semaphore, #tpu.memory_space<semaphore_mem>>) src(%dma_wait3A_258 : memref<16x512xf32, #tpu.memory_space<hbm>>) dst(%arg12 : memref<16x512xf32, #tpu.memory_space<vmem>>)
      %dma_wait3A_259 = arith.constant 0 : i32
      %dma_wait3A_260 = arith.constant 0 : i32
      %dma_wait3A_261 = tpu.memref_slice %arg3[%dma_wait3A_259, %mul3A_2, %dma_wait3A_260] : memref<16x512x512xi32, #tpu.memory_space<hbm>> -> memref<1x16x512xi32, #tpu.memory_space<hbm>>
      %dma_wait3A_262 = tpu.memref_squeeze %dma_wait3A_261 : memref<1x16x512xi32, #tpu.memory_space<hbm>> -> memref<16x512xi32, #tpu.memory_space<hbm>>
      %dma_wait3A_263 = arith.constant 0 : i32
      %dma_wait3A_264 = tpu.memref_slice %arg3[%dma_wait3A_259, %mul3A_2, %dma_wait3A_263] : memref<16x512x512xi32, #tpu.memory_space<hbm>> -> memref<1x16x512xi32, #tpu.memory_space<hbm>>
      %dma_wait3A_265 = tpu.memref_squeeze %dma_wait3A_264 : memref<1x16x512xi32, #tpu.memory_space<hbm>> -> memref<16x512xi32, #tpu.memory_space<hbm>>
      tpu.wait_dma2 semaphore(%arg15 : memref<!tpu.dma_semaphore, #tpu.memory_space<semaphore_mem>>) src(%dma_wait3A_265 : memref<16x512xi32, #tpu.memory_space<hbm>>) dst(%arg13 : memref<16x512xi32, #tpu.memory_space<vmem>>)
      %parallel_loop3A_266 = arith.constant 0 : i32
      %parallel_loop3A_267 = arith.constant 128 : i32
      %parallel_loop3A_268 = arith.constant 1 : i32
      scf.for %parallel_loop3A_269 = %parallel_loop3A_266 to %parallel_loop3A_267 step %parallel_loop3A_268  : i32 {
        %parallel_loop3A_270 = arith.constant 4 : i32
        %parallel_loop3A_271 = arith.muli %parallel_loop3A_269, %parallel_loop3A_270 : i32
        %parallel_loop3A_272 = arith.constant 0 : i32
        %parallel_loop3A_273 = arith.addi %parallel_loop3A_271, %parallel_loop3A_272 : i32
        %parallel_loop3A_274 = arith.constant 5 : i32
        %parallel_loop3A_275 = arith.shrui %parallel_loop3A_273, %parallel_loop3A_274 : i32
        %parallel_loop3A_276 = arith.constant 31 : i32
        %parallel_loop3A_277 = arith.andi %parallel_loop3A_273, %parallel_loop3A_276 : i32
        %parallel_loop3A_278 = arith.constant 4 : i32
        %parallel_loop3A_279 = arith.shli %parallel_loop3A_277, %parallel_loop3A_278 : i32
        %parallel_loop3A_280 = arith.index_cast %parallel_loop3A_275 : i32 to index
        %parallel_loop3A_281 = arith.index_cast %parallel_loop3A_279 : i32 to index
        %parallel_loop3A_282 = tpu.vector_load %arg10[%parallel_loop3A_280, %parallel_loop3A_281] {strides = array<i32>} : memref<16x512xf32, #tpu.memory_space<vmem>>, vector<16xf32>,
        %parallel_loop3A_283 = arith.index_cast %parallel_loop3A_275 : i32 to index
        %parallel_loop3A_284 = arith.index_cast %parallel_loop3A_279 : i32 to index
        %parallel_loop3A_285 = tpu.vector_load %arg11[%parallel_loop3A_283, %parallel_loop3A_284] {strides = array<i32>} : memref<16x512xf32, #tpu.memory_space<vmem>>, vector<16xf32>,
        %parallel_loop3A_286 = arith.index_cast %parallel_loop3A_275 : i32 to index
        %parallel_loop3A_287 = arith.index_cast %parallel_loop3A_279 : i32 to index
        %parallel_loop3A_288 = tpu.vector_load %arg12[%parallel_loop3A_286, %parallel_loop3A_287] {strides = array<i32>} : memref<16x512xf32, #tpu.memory_space<vmem>>, vector<16xf32>,
        %parallel_loop3A_289 = arith.index_cast %parallel_loop3A_275 : i32 to index
        %parallel_loop3A_290 = arith.index_cast %parallel_loop3A_279 : i32 to index
        %parallel_loop3A_291 = tpu.vector_load %arg13[%parallel_loop3A_289, %parallel_loop3A_290] {strides = array<i32>} : memref<16x512xi32, #tpu.memory_space<vmem>>, vector<16xi32>,
        %parallel_loop3A_292 = arith.maximumf %parallel_loop3A_282, %parallel_loop3A_285 : vector<16xf32>
        %parallel_loop3A_293 = arith.maximumf %parallel_loop3A_292, %parallel_loop3A_288 : vector<16xf32>
        %parallel_loop3A_294 = arith.subf %parallel_loop3A_282, %parallel_loop3A_293 : vector<16xf32>
        %parallel_loop3A_295 = arith.subf %parallel_loop3A_285, %parallel_loop3A_293 : vector<16xf32>
        %parallel_loop3A_296 = arith.subf %parallel_loop3A_288, %parallel_loop3A_293 : vector<16xf32>
        %parallel_loop3A_297 = math.exp %parallel_loop3A_294 : vector<16xf32>
        %parallel_loop3A_298 = math.exp %parallel_loop3A_295 : vector<16xf32>
        %parallel_loop3A_299 = math.exp %parallel_loop3A_296 : vector<16xf32>
        %parallel_loop3A_300 = arith.addf %parallel_loop3A_297, %parallel_loop3A_298 : vector<16xf32>
        %parallel_loop3A_301 = arith.addf %parallel_loop3A_300, %parallel_loop3A_299 : vector<16xf32>
        %parallel_loop3A_302 = arith.constant 0 : i32
        %parallel_loop3A_303 = vector.broadcast %parallel_loop3A_302 : i32 to vector<16xi32>
        %parallel_loop3A_304 = arith.cmpi eq, %parallel_loop3A_291, %parallel_loop3A_303 : vector<16xi32>
        %parallel_loop3A_305 = arith.constant 1 : i32
        %parallel_loop3A_306 = vector.broadcast %parallel_loop3A_305 : i32 to vector<16xi32>
        %parallel_loop3A_307 = arith.cmpi eq, %parallel_loop3A_291, %parallel_loop3A_306 : vector<16xi32>
        %parallel_loop3A_308 = arith.select %parallel_loop3A_307, %parallel_loop3A_295, %parallel_loop3A_296 : vector<16xi1>, vector<16xf32>
        %parallel_loop3A_309 = arith.select %parallel_loop3A_304, %parallel_loop3A_294, %parallel_loop3A_308 : vector<16xi1>, vector<16xf32>
        %parallel_loop3A_310 = arith.select %parallel_loop3A_307, %parallel_loop3A_298, %parallel_loop3A_299 : vector<16xi1>, vector<16xf32>
        %parallel_loop3A_311 = arith.select %parallel_loop3A_304, %parallel_loop3A_297, %parallel_loop3A_310 : vector<16xi1>, vector<16xf32>
        %parallel_loop3A_312 = arith.divf %parallel_loop3A_311, %parallel_loop3A_301 : vector<16xf32>
        %parallel_loop3A_313 = arith.constant 1.000000e+00 : f32
        %parallel_loop3A_314 = vector.broadcast %parallel_loop3A_313 : f32 to vector<16xf32>
        %parallel_loop3A_315 = arith.subf %parallel_loop3A_314, %parallel_loop3A_312 : vector<16xf32>
        %parallel_loop3A_316 = arith.constant 1.000000e+00 : f32
        %parallel_loop3A_317 = vector.broadcast %parallel_loop3A_316 : f32 to vector<16xf32>
        %parallel_loop3A_318 = arith.subf %parallel_loop3A_301, %parallel_loop3A_317 : vector<16xf32>
        %parallel_loop3A_319 = arith.constant 1.000000e+00 : f32
        %parallel_loop3A_320 = vector.broadcast %parallel_loop3A_319 : f32 to vector<16xf32>
        %parallel_loop3A_321 = arith.addf %parallel_loop3A_301, %parallel_loop3A_320 : vector<16xf32>
        %parallel_loop3A_322 = arith.divf %parallel_loop3A_318, %parallel_loop3A_321 : vector<16xf32>
        %parallel_loop3A_323 = arith.mulf %parallel_loop3A_322, %parallel_loop3A_322 : vector<16xf32>
        %parallel_loop3A_324 = arith.constant 0.181818187 : f32
        %parallel_loop3A_325 = vector.broadcast %parallel_loop3A_324 : f32 to vector<16xf32>
        %parallel_loop3A_326 = arith.mulf %parallel_loop3A_325, %parallel_loop3A_323 : vector<16xf32>
        %parallel_loop3A_327 = arith.constant 0.222222224 : f32
        %parallel_loop3A_328 = vector.broadcast %parallel_loop3A_327 : f32 to vector<16xf32>
        %parallel_loop3A_329 = arith.addf %parallel_loop3A_326, %parallel_loop3A_328 : vector<16xf32>
        %parallel_loop3A_330 = arith.mulf %parallel_loop3A_329, %parallel_loop3A_323 : vector<16xf32>
        %parallel_loop3A_331 = arith.constant 0.285714298 : f32
        %parallel_loop3A_332 = vector.broadcast %parallel_loop3A_331 : f32 to vector<16xf32>
        %parallel_loop3A_333 = arith.addf %parallel_loop3A_330, %parallel_loop3A_332 : vector<16xf32>
        %parallel_loop3A_334 = arith.mulf %parallel_loop3A_333, %parallel_loop3A_323 : vector<16xf32>
        %parallel_loop3A_335 = arith.constant 4.000000e-01 : f32
        %parallel_loop3A_336 = vector.broadcast %parallel_loop3A_335 : f32 to vector<16xf32>
        %parallel_loop3A_337 = arith.addf %parallel_loop3A_334, %parallel_loop3A_336 : vector<16xf32>
        %parallel_loop3A_338 = arith.mulf %parallel_loop3A_337, %parallel_loop3A_323 : vector<16xf32>
        %parallel_loop3A_339 = arith.constant 0.666666686 : f32
        %parallel_loop3A_340 = vector.broadcast %parallel_loop3A_339 : f32 to vector<16xf32>
        %parallel_loop3A_341 = arith.addf %parallel_loop3A_338, %parallel_loop3A_340 : vector<16xf32>
        %parallel_loop3A_342 = arith.mulf %parallel_loop3A_341, %parallel_loop3A_323 : vector<16xf32>
        %parallel_loop3A_343 = arith.constant 2.000000e+00 : f32
        %parallel_loop3A_344 = vector.broadcast %parallel_loop3A_343 : f32 to vector<16xf32>
        %parallel_loop3A_345 = arith.addf %parallel_loop3A_342, %parallel_loop3A_344 : vector<16xf32>
        %parallel_loop3A_346 = arith.mulf %parallel_loop3A_345, %parallel_loop3A_322 : vector<16xf32>
        %parallel_loop3A_347 = arith.subf %parallel_loop3A_309, %parallel_loop3A_346 : vector<16xf32>
        %parallel_loop3A_348 = arith.constant 1.000000e+01 : f32
        %parallel_loop3A_349 = vector.broadcast %parallel_loop3A_348 : f32 to vector<16xf32>
        %parallel_loop3A_350 = arith.mulf %parallel_loop3A_315, %parallel_loop3A_349 : vector<16xf32>
        %parallel_loop3A_351 = arith.fptosi %parallel_loop3A_350 : vector<16xf32> to vector<16xi32>
        %parallel_loop3A_352 = tpu.vector_load_idx %arg24[%parallel_loop3A_351] : memref<16xf32, #tpu.memory_space<vmem>>[vector<16xi32>], vector<16xf32>,
        %parallel_loop3A_353 = arith.addi %parallel_loop3A_351, %broadcast_in_dim3A_36 : vector<16xi32>
        %parallel_loop3A_354 = tpu.vector_load_idx %arg24[%parallel_loop3A_353] : memref<16xf32, #tpu.memory_space<vmem>>[vector<16xi32>], vector<16xf32>,
        %parallel_loop3A_355 = arith.cmpf oge, %parallel_loop3A_315, %parallel_loop3A_354 : vector<16xf32>
        %parallel_loop3A_356 = arith.select %parallel_loop3A_355, %broadcast_in_dim3A_36, %broadcast_in_dim3A_38 : vector<16xi1>, vector<16xi32>
        %parallel_loop3A_357 = arith.addi %parallel_loop3A_351, %parallel_loop3A_356 : vector<16xi32>
        %parallel_loop3A_358 = arith.cmpf olt, %parallel_loop3A_315, %parallel_loop3A_352 : vector<16xf32>
        %parallel_loop3A_359 = arith.select %parallel_loop3A_358, %broadcast_in_dim3A_36, %broadcast_in_dim3A_38 : vector<16xi1>, vector<16xi32>
        %parallel_loop3A_360 = arith.subi %parallel_loop3A_357, %parallel_loop3A_359 : vector<16xi32>
        %parallel_loop3A_361 = arith.maxsi %parallel_loop3A_360, %broadcast_in_dim3A_38 : vector<16xi32>
        tpu.vector_store_idx %arg16[%parallel_loop3A_361], %broadcast_in_dim3A_34 {add = true} : memref<16xf32, #tpu.memory_space<vmem>>[vector<16xi32>], vector<16xf32>,
        tpu.vector_store_idx %arg20[%parallel_loop3A_361], %parallel_loop3A_347 {add = true} : memref<16xf32, #tpu.memory_space<vmem>>[vector<16xi32>], vector<16xf32>,
        %parallel_loop3A_362 = arith.constant 1 : i32
        %parallel_loop3A_363 = arith.addi %parallel_loop3A_271, %parallel_loop3A_362 : i32
        %parallel_loop3A_364 = arith.constant 5 : i32
        %parallel_loop3A_365 = arith.shrui %parallel_loop3A_363, %parallel_loop3A_364 : i32
        %parallel_loop3A_366 = arith.constant 31 : i32
        %parallel_loop3A_367 = arith.andi %parallel_loop3A_363, %parallel_loop3A_366 : i32
        %parallel_loop3A_368 = arith.constant 4 : i32
        %parallel_loop3A_369 = arith.shli %parallel_loop3A_367, %parallel_loop3A_368 : i32
        %parallel_loop3A_370 = arith.index_cast %parallel_loop3A_365 : i32 to index
        %parallel_loop3A_371 = arith.index_cast %parallel_loop3A_369 : i32 to index
        %parallel_loop3A_372 = tpu.vector_load %arg10[%parallel_loop3A_370, %parallel_loop3A_371] {strides = array<i32>} : memref<16x512xf32, #tpu.memory_space<vmem>>, vector<16xf32>,
        %parallel_loop3A_373 = arith.index_cast %parallel_loop3A_365 : i32 to index
        %parallel_loop3A_374 = arith.index_cast %parallel_loop3A_369 : i32 to index
        %parallel_loop3A_375 = tpu.vector_load %arg11[%parallel_loop3A_373, %parallel_loop3A_374] {strides = array<i32>} : memref<16x512xf32, #tpu.memory_space<vmem>>, vector<16xf32>,
        %parallel_loop3A_376 = arith.index_cast %parallel_loop3A_365 : i32 to index
        %parallel_loop3A_377 = arith.index_cast %parallel_loop3A_369 : i32 to index
        %parallel_loop3A_378 = tpu.vector_load %arg12[%parallel_loop3A_376, %parallel_loop3A_377] {strides = array<i32>} : memref<16x512xf32, #tpu.memory_space<vmem>>, vector<16xf32>,
        %parallel_loop3A_379 = arith.index_cast %parallel_loop3A_365 : i32 to index
        %parallel_loop3A_380 = arith.index_cast %parallel_loop3A_369 : i32 to index
        %parallel_loop3A_381 = tpu.vector_load %arg13[%parallel_loop3A_379, %parallel_loop3A_380] {strides = array<i32>} : memref<16x512xi32, #tpu.memory_space<vmem>>, vector<16xi32>,
        %parallel_loop3A_382 = arith.maximumf %parallel_loop3A_372, %parallel_loop3A_375 : vector<16xf32>
        %parallel_loop3A_383 = arith.maximumf %parallel_loop3A_382, %parallel_loop3A_378 : vector<16xf32>
        %parallel_loop3A_384 = arith.subf %parallel_loop3A_372, %parallel_loop3A_383 : vector<16xf32>
        %parallel_loop3A_385 = arith.subf %parallel_loop3A_375, %parallel_loop3A_383 : vector<16xf32>
        %parallel_loop3A_386 = arith.subf %parallel_loop3A_378, %parallel_loop3A_383 : vector<16xf32>
        %parallel_loop3A_387 = math.exp %parallel_loop3A_384 : vector<16xf32>
        %parallel_loop3A_388 = math.exp %parallel_loop3A_385 : vector<16xf32>
        %parallel_loop3A_389 = math.exp %parallel_loop3A_386 : vector<16xf32>
        %parallel_loop3A_390 = arith.addf %parallel_loop3A_387, %parallel_loop3A_388 : vector<16xf32>
        %parallel_loop3A_391 = arith.addf %parallel_loop3A_390, %parallel_loop3A_389 : vector<16xf32>
        %parallel_loop3A_392 = arith.constant 0 : i32
        %parallel_loop3A_393 = vector.broadcast %parallel_loop3A_392 : i32 to vector<16xi32>
        %parallel_loop3A_394 = arith.cmpi eq, %parallel_loop3A_381, %parallel_loop3A_393 : vector<16xi32>
        %parallel_loop3A_395 = arith.constant 1 : i32
        %parallel_loop3A_396 = vector.broadcast %parallel_loop3A_395 : i32 to vector<16xi32>
        %parallel_loop3A_397 = arith.cmpi eq, %parallel_loop3A_381, %parallel_loop3A_396 : vector<16xi32>
        %parallel_loop3A_398 = arith.select %parallel_loop3A_397, %parallel_loop3A_385, %parallel_loop3A_386 : vector<16xi1>, vector<16xf32>
        %parallel_loop3A_399 = arith.select %parallel_loop3A_394, %parallel_loop3A_384, %parallel_loop3A_398 : vector<16xi1>, vector<16xf32>
        %parallel_loop3A_400 = arith.select %parallel_loop3A_397, %parallel_loop3A_388, %parallel_loop3A_389 : vector<16xi1>, vector<16xf32>
        %parallel_loop3A_401 = arith.select %parallel_loop3A_394, %parallel_loop3A_387, %parallel_loop3A_400 : vector<16xi1>, vector<16xf32>
        %parallel_loop3A_402 = arith.divf %parallel_loop3A_401, %parallel_loop3A_391 : vector<16xf32>
        %parallel_loop3A_403 = arith.constant 1.000000e+00 : f32
        %parallel_loop3A_404 = vector.broadcast %parallel_loop3A_403 : f32 to vector<16xf32>
        %parallel_loop3A_405 = arith.subf %parallel_loop3A_404, %parallel_loop3A_402 : vector<16xf32>
        %parallel_loop3A_406 = arith.constant 1.000000e+00 : f32
        %parallel_loop3A_407 = vector.broadcast %parallel_loop3A_406 : f32 to vector<16xf32>
        %parallel_loop3A_408 = arith.subf %parallel_loop3A_391, %parallel_loop3A_407 : vector<16xf32>
        %parallel_loop3A_409 = arith.constant 1.000000e+00 : f32
        %parallel_loop3A_410 = vector.broadcast %parallel_loop3A_409 : f32 to vector<16xf32>
        %parallel_loop3A_411 = arith.addf %parallel_loop3A_391, %parallel_loop3A_410 : vector<16xf32>
        %parallel_loop3A_412 = arith.divf %parallel_loop3A_408, %parallel_loop3A_411 : vector<16xf32>
        %parallel_loop3A_413 = arith.mulf %parallel_loop3A_412, %parallel_loop3A_412 : vector<16xf32>
        %parallel_loop3A_414 = arith.constant 0.181818187 : f32
        %parallel_loop3A_415 = vector.broadcast %parallel_loop3A_414 : f32 to vector<16xf32>
        %parallel_loop3A_416 = arith.mulf %parallel_loop3A_415, %parallel_loop3A_413 : vector<16xf32>
        %parallel_loop3A_417 = arith.constant 0.222222224 : f32
        %parallel_loop3A_418 = vector.broadcast %parallel_loop3A_417 : f32 to vector<16xf32>
        %parallel_loop3A_419 = arith.addf %parallel_loop3A_416, %parallel_loop3A_418 : vector<16xf32>
        %parallel_loop3A_420 = arith.mulf %parallel_loop3A_419, %parallel_loop3A_413 : vector<16xf32>
        %parallel_loop3A_421 = arith.constant 0.285714298 : f32
        %parallel_loop3A_422 = vector.broadcast %parallel_loop3A_421 : f32 to vector<16xf32>
        %parallel_loop3A_423 = arith.addf %parallel_loop3A_420, %parallel_loop3A_422 : vector<16xf32>
        %parallel_loop3A_424 = arith.mulf %parallel_loop3A_423, %parallel_loop3A_413 : vector<16xf32>
        %parallel_loop3A_425 = arith.constant 4.000000e-01 : f32
        %parallel_loop3A_426 = vector.broadcast %parallel_loop3A_425 : f32 to vector<16xf32>
        %parallel_loop3A_427 = arith.addf %parallel_loop3A_424, %parallel_loop3A_426 : vector<16xf32>
        %parallel_loop3A_428 = arith.mulf %parallel_loop3A_427, %parallel_loop3A_413 : vector<16xf32>
        %parallel_loop3A_429 = arith.constant 0.666666686 : f32
        %parallel_loop3A_430 = vector.broadcast %parallel_loop3A_429 : f32 to vector<16xf32>
        %parallel_loop3A_431 = arith.addf %parallel_loop3A_428, %parallel_loop3A_430 : vector<16xf32>
        %parallel_loop3A_432 = arith.mulf %parallel_loop3A_431, %parallel_loop3A_413 : vector<16xf32>
        %parallel_loop3A_433 = arith.constant 2.000000e+00 : f32
        %parallel_loop3A_434 = vector.broadcast %parallel_loop3A_433 : f32 to vector<16xf32>
        %parallel_loop3A_435 = arith.addf %parallel_loop3A_432, %parallel_loop3A_434 : vector<16xf32>
        %parallel_loop3A_436 = arith.mulf %parallel_loop3A_435, %parallel_loop3A_412 : vector<16xf32>
        %parallel_loop3A_437 = arith.subf %parallel_loop3A_399, %parallel_loop3A_436 : vector<16xf32>
        %parallel_loop3A_438 = arith.constant 1.000000e+01 : f32
        %parallel_loop3A_439 = vector.broadcast %parallel_loop3A_438 : f32 to vector<16xf32>
        %parallel_loop3A_440 = arith.mulf %parallel_loop3A_405, %parallel_loop3A_439 : vector<16xf32>
        %parallel_loop3A_441 = arith.fptosi %parallel_loop3A_440 : vector<16xf32> to vector<16xi32>
        %parallel_loop3A_442 = tpu.vector_load_idx %arg24[%parallel_loop3A_441] : memref<16xf32, #tpu.memory_space<vmem>>[vector<16xi32>], vector<16xf32>,
        %parallel_loop3A_443 = arith.addi %parallel_loop3A_441, %broadcast_in_dim3A_36 : vector<16xi32>
        %parallel_loop3A_444 = tpu.vector_load_idx %arg24[%parallel_loop3A_443] : memref<16xf32, #tpu.memory_space<vmem>>[vector<16xi32>], vector<16xf32>,
        %parallel_loop3A_445 = arith.cmpf oge, %parallel_loop3A_405, %parallel_loop3A_444 : vector<16xf32>
        %parallel_loop3A_446 = arith.select %parallel_loop3A_445, %broadcast_in_dim3A_36, %broadcast_in_dim3A_38 : vector<16xi1>, vector<16xi32>
        %parallel_loop3A_447 = arith.addi %parallel_loop3A_441, %parallel_loop3A_446 : vector<16xi32>
        %parallel_loop3A_448 = arith.cmpf olt, %parallel_loop3A_405, %parallel_loop3A_442 : vector<16xf32>
        %parallel_loop3A_449 = arith.select %parallel_loop3A_448, %broadcast_in_dim3A_36, %broadcast_in_dim3A_38 : vector<16xi1>, vector<16xi32>
        %parallel_loop3A_450 = arith.subi %parallel_loop3A_447, %parallel_loop3A_449 : vector<16xi32>
        %parallel_loop3A_451 = arith.maxsi %parallel_loop3A_450, %broadcast_in_dim3A_38 : vector<16xi32>
        tpu.vector_store_idx %arg17[%parallel_loop3A_451], %broadcast_in_dim3A_34 {add = true} : memref<16xf32, #tpu.memory_space<vmem>>[vector<16xi32>], vector<16xf32>,
        tpu.vector_store_idx %arg21[%parallel_loop3A_451], %parallel_loop3A_437 {add = true} : memref<16xf32, #tpu.memory_space<vmem>>[vector<16xi32>], vector<16xf32>,
        %parallel_loop3A_452 = arith.constant 2 : i32
        %parallel_loop3A_453 = arith.addi %parallel_loop3A_271, %parallel_loop3A_452 : i32
        %parallel_loop3A_454 = arith.constant 5 : i32
        %parallel_loop3A_455 = arith.shrui %parallel_loop3A_453, %parallel_loop3A_454 : i32
        %parallel_loop3A_456 = arith.constant 31 : i32
        %parallel_loop3A_457 = arith.andi %parallel_loop3A_453, %parallel_loop3A_456 : i32
        %parallel_loop3A_458 = arith.constant 4 : i32
        %parallel_loop3A_459 = arith.shli %parallel_loop3A_457, %parallel_loop3A_458 : i32
        %parallel_loop3A_460 = arith.index_cast %parallel_loop3A_455 : i32 to index
        %parallel_loop3A_461 = arith.index_cast %parallel_loop3A_459 : i32 to index
        %parallel_loop3A_462 = tpu.vector_load %arg10[%parallel_loop3A_460, %parallel_loop3A_461] {strides = array<i32>} : memref<16x512xf32, #tpu.memory_space<vmem>>, vector<16xf32>,
        %parallel_loop3A_463 = arith.index_cast %parallel_loop3A_455 : i32 to index
        %parallel_loop3A_464 = arith.index_cast %parallel_loop3A_459 : i32 to index
        %parallel_loop3A_465 = tpu.vector_load %arg11[%parallel_loop3A_463, %parallel_loop3A_464] {strides = array<i32>} : memref<16x512xf32, #tpu.memory_space<vmem>>, vector<16xf32>,
        %parallel_loop3A_466 = arith.index_cast %parallel_loop3A_455 : i32 to index
        %parallel_loop3A_467 = arith.index_cast %parallel_loop3A_459 : i32 to index
        %parallel_loop3A_468 = tpu.vector_load %arg12[%parallel_loop3A_466, %parallel_loop3A_467] {strides = array<i32>} : memref<16x512xf32, #tpu.memory_space<vmem>>, vector<16xf32>,
        %parallel_loop3A_469 = arith.index_cast %parallel_loop3A_455 : i32 to index
        %parallel_loop3A_470 = arith.index_cast %parallel_loop3A_459 : i32 to index
        %parallel_loop3A_471 = tpu.vector_load %arg13[%parallel_loop3A_469, %parallel_loop3A_470] {strides = array<i32>} : memref<16x512xi32, #tpu.memory_space<vmem>>, vector<16xi32>,
        %parallel_loop3A_472 = arith.maximumf %parallel_loop3A_462, %parallel_loop3A_465 : vector<16xf32>
        %parallel_loop3A_473 = arith.maximumf %parallel_loop3A_472, %parallel_loop3A_468 : vector<16xf32>
        %parallel_loop3A_474 = arith.subf %parallel_loop3A_462, %parallel_loop3A_473 : vector<16xf32>
        %parallel_loop3A_475 = arith.subf %parallel_loop3A_465, %parallel_loop3A_473 : vector<16xf32>
        %parallel_loop3A_476 = arith.subf %parallel_loop3A_468, %parallel_loop3A_473 : vector<16xf32>
        %parallel_loop3A_477 = math.exp %parallel_loop3A_474 : vector<16xf32>
        %parallel_loop3A_478 = math.exp %parallel_loop3A_475 : vector<16xf32>
        %parallel_loop3A_479 = math.exp %parallel_loop3A_476 : vector<16xf32>
        %parallel_loop3A_480 = arith.addf %parallel_loop3A_477, %parallel_loop3A_478 : vector<16xf32>
        %parallel_loop3A_481 = arith.addf %parallel_loop3A_480, %parallel_loop3A_479 : vector<16xf32>
        %parallel_loop3A_482 = arith.constant 0 : i32
        %parallel_loop3A_483 = vector.broadcast %parallel_loop3A_482 : i32 to vector<16xi32>
        %parallel_loop3A_484 = arith.cmpi eq, %parallel_loop3A_471, %parallel_loop3A_483 : vector<16xi32>
        %parallel_loop3A_485 = arith.constant 1 : i32
        %parallel_loop3A_486 = vector.broadcast %parallel_loop3A_485 : i32 to vector<16xi32>
        %parallel_loop3A_487 = arith.cmpi eq, %parallel_loop3A_471, %parallel_loop3A_486 : vector<16xi32>
        %parallel_loop3A_488 = arith.select %parallel_loop3A_487, %parallel_loop3A_475, %parallel_loop3A_476 : vector<16xi1>, vector<16xf32>
        %parallel_loop3A_489 = arith.select %parallel_loop3A_484, %parallel_loop3A_474, %parallel_loop3A_488 : vector<16xi1>, vector<16xf32>
        %parallel_loop3A_490 = arith.select %parallel_loop3A_487, %parallel_loop3A_478, %parallel_loop3A_479 : vector<16xi1>, vector<16xf32>
        %parallel_loop3A_491 = arith.select %parallel_loop3A_484, %parallel_loop3A_477, %parallel_loop3A_490 : vector<16xi1>, vector<16xf32>
        %parallel_loop3A_492 = arith.divf %parallel_loop3A_491, %parallel_loop3A_481 : vector<16xf32>
        %parallel_loop3A_493 = arith.constant 1.000000e+00 : f32
        %parallel_loop3A_494 = vector.broadcast %parallel_loop3A_493 : f32 to vector<16xf32>
        %parallel_loop3A_495 = arith.subf %parallel_loop3A_494, %parallel_loop3A_492 : vector<16xf32>
        %parallel_loop3A_496 = arith.constant 1.000000e+00 : f32
        %parallel_loop3A_497 = vector.broadcast %parallel_loop3A_496 : f32 to vector<16xf32>
        %parallel_loop3A_498 = arith.subf %parallel_loop3A_481, %parallel_loop3A_497 : vector<16xf32>
        %parallel_loop3A_499 = arith.constant 1.000000e+00 : f32
        %parallel_loop3A_500 = vector.broadcast %parallel_loop3A_499 : f32 to vector<16xf32>
        %parallel_loop3A_501 = arith.addf %parallel_loop3A_481, %parallel_loop3A_500 : vector<16xf32>
        %parallel_loop3A_502 = arith.divf %parallel_loop3A_498, %parallel_loop3A_501 : vector<16xf32>
        %parallel_loop3A_503 = arith.mulf %parallel_loop3A_502, %parallel_loop3A_502 : vector<16xf32>
        %parallel_loop3A_504 = arith.constant 0.181818187 : f32
        %parallel_loop3A_505 = vector.broadcast %parallel_loop3A_504 : f32 to vector<16xf32>
        %parallel_loop3A_506 = arith.mulf %parallel_loop3A_505, %parallel_loop3A_503 : vector<16xf32>
        %parallel_loop3A_507 = arith.constant 0.222222224 : f32
        %parallel_loop3A_508 = vector.broadcast %parallel_loop3A_507 : f32 to vector<16xf32>
        %parallel_loop3A_509 = arith.addf %parallel_loop3A_506, %parallel_loop3A_508 : vector<16xf32>
        %parallel_loop3A_510 = arith.mulf %parallel_loop3A_509, %parallel_loop3A_503 : vector<16xf32>
        %parallel_loop3A_511 = arith.constant 0.285714298 : f32
        %parallel_loop3A_512 = vector.broadcast %parallel_loop3A_511 : f32 to vector<16xf32>
        %parallel_loop3A_513 = arith.addf %parallel_loop3A_510, %parallel_loop3A_512 : vector<16xf32>
        %parallel_loop3A_514 = arith.mulf %parallel_loop3A_513, %parallel_loop3A_503 : vector<16xf32>
        %parallel_loop3A_515 = arith.constant 4.000000e-01 : f32
        %parallel_loop3A_516 = vector.broadcast %parallel_loop3A_515 : f32 to vector<16xf32>
        %parallel_loop3A_517 = arith.addf %parallel_loop3A_514, %parallel_loop3A_516 : vector<16xf32>
        %parallel_loop3A_518 = arith.mulf %parallel_loop3A_517, %parallel_loop3A_503 : vector<16xf32>
        %parallel_loop3A_519 = arith.constant 0.666666686 : f32
        %parallel_loop3A_520 = vector.broadcast %parallel_loop3A_519 : f32 to vector<16xf32>
        %parallel_loop3A_521 = arith.addf %parallel_loop3A_518, %parallel_loop3A_520 : vector<16xf32>
        %parallel_loop3A_522 = arith.mulf %parallel_loop3A_521, %parallel_loop3A_503 : vector<16xf32>
        %parallel_loop3A_523 = arith.constant 2.000000e+00 : f32
        %parallel_loop3A_524 = vector.broadcast %parallel_loop3A_523 : f32 to vector<16xf32>
        %parallel_loop3A_525 = arith.addf %parallel_loop3A_522, %parallel_loop3A_524 : vector<16xf32>
        %parallel_loop3A_526 = arith.mulf %parallel_loop3A_525, %parallel_loop3A_502 : vector<16xf32>
        %parallel_loop3A_527 = arith.subf %parallel_loop3A_489, %parallel_loop3A_526 : vector<16xf32>
        %parallel_loop3A_528 = arith.constant 1.000000e+01 : f32
        %parallel_loop3A_529 = vector.broadcast %parallel_loop3A_528 : f32 to vector<16xf32>
        %parallel_loop3A_530 = arith.mulf %parallel_loop3A_495, %parallel_loop3A_529 : vector<16xf32>
        %parallel_loop3A_531 = arith.fptosi %parallel_loop3A_530 : vector<16xf32> to vector<16xi32>
        %parallel_loop3A_532 = tpu.vector_load_idx %arg24[%parallel_loop3A_531] : memref<16xf32, #tpu.memory_space<vmem>>[vector<16xi32>], vector<16xf32>,
        %parallel_loop3A_533 = arith.addi %parallel_loop3A_531, %broadcast_in_dim3A_36 : vector<16xi32>
        %parallel_loop3A_534 = tpu.vector_load_idx %arg24[%parallel_loop3A_533] : memref<16xf32, #tpu.memory_space<vmem>>[vector<16xi32>], vector<16xf32>,
        %parallel_loop3A_535 = arith.cmpf oge, %parallel_loop3A_495, %parallel_loop3A_534 : vector<16xf32>
        %parallel_loop3A_536 = arith.select %parallel_loop3A_535, %broadcast_in_dim3A_36, %broadcast_in_dim3A_38 : vector<16xi1>, vector<16xi32>
        %parallel_loop3A_537 = arith.addi %parallel_loop3A_531, %parallel_loop3A_536 : vector<16xi32>
        %parallel_loop3A_538 = arith.cmpf olt, %parallel_loop3A_495, %parallel_loop3A_532 : vector<16xf32>
        %parallel_loop3A_539 = arith.select %parallel_loop3A_538, %broadcast_in_dim3A_36, %broadcast_in_dim3A_38 : vector<16xi1>, vector<16xi32>
        %parallel_loop3A_540 = arith.subi %parallel_loop3A_537, %parallel_loop3A_539 : vector<16xi32>
        %parallel_loop3A_541 = arith.maxsi %parallel_loop3A_540, %broadcast_in_dim3A_38 : vector<16xi32>
        tpu.vector_store_idx %arg18[%parallel_loop3A_541], %broadcast_in_dim3A_34 {add = true} : memref<16xf32, #tpu.memory_space<vmem>>[vector<16xi32>], vector<16xf32>,
        tpu.vector_store_idx %arg22[%parallel_loop3A_541], %parallel_loop3A_527 {add = true} : memref<16xf32, #tpu.memory_space<vmem>>[vector<16xi32>], vector<16xf32>,
        %parallel_loop3A_542 = arith.constant 3 : i32
        %parallel_loop3A_543 = arith.addi %parallel_loop3A_271, %parallel_loop3A_542 : i32
        %parallel_loop3A_544 = arith.constant 5 : i32
        %parallel_loop3A_545 = arith.shrui %parallel_loop3A_543, %parallel_loop3A_544 : i32
        %parallel_loop3A_546 = arith.constant 31 : i32
        %parallel_loop3A_547 = arith.andi %parallel_loop3A_543, %parallel_loop3A_546 : i32
        %parallel_loop3A_548 = arith.constant 4 : i32
        %parallel_loop3A_549 = arith.shli %parallel_loop3A_547, %parallel_loop3A_548 : i32
        %parallel_loop3A_550 = arith.index_cast %parallel_loop3A_545 : i32 to index
        %parallel_loop3A_551 = arith.index_cast %parallel_loop3A_549 : i32 to index
        %parallel_loop3A_552 = tpu.vector_load %arg10[%parallel_loop3A_550, %parallel_loop3A_551] {strides = array<i32>} : memref<16x512xf32, #tpu.memory_space<vmem>>, vector<16xf32>,
        %parallel_loop3A_553 = arith.index_cast %parallel_loop3A_545 : i32 to index
        %parallel_loop3A_554 = arith.index_cast %parallel_loop3A_549 : i32 to index
        %parallel_loop3A_555 = tpu.vector_load %arg11[%parallel_loop3A_553, %parallel_loop3A_554] {strides = array<i32>} : memref<16x512xf32, #tpu.memory_space<vmem>>, vector<16xf32>,
        %parallel_loop3A_556 = arith.index_cast %parallel_loop3A_545 : i32 to index
        %parallel_loop3A_557 = arith.index_cast %parallel_loop3A_549 : i32 to index
        %parallel_loop3A_558 = tpu.vector_load %arg12[%parallel_loop3A_556, %parallel_loop3A_557] {strides = array<i32>} : memref<16x512xf32, #tpu.memory_space<vmem>>, vector<16xf32>,
        %parallel_loop3A_559 = arith.index_cast %parallel_loop3A_545 : i32 to index
        %parallel_loop3A_560 = arith.index_cast %parallel_loop3A_549 : i32 to index
        %parallel_loop3A_561 = tpu.vector_load %arg13[%parallel_loop3A_559, %parallel_loop3A_560] {strides = array<i32>} : memref<16x512xi32, #tpu.memory_space<vmem>>, vector<16xi32>,
        %parallel_loop3A_562 = arith.maximumf %parallel_loop3A_552, %parallel_loop3A_555 : vector<16xf32>
        %parallel_loop3A_563 = arith.maximumf %parallel_loop3A_562, %parallel_loop3A_558 : vector<16xf32>
        %parallel_loop3A_564 = arith.subf %parallel_loop3A_552, %parallel_loop3A_563 : vector<16xf32>
        %parallel_loop3A_565 = arith.subf %parallel_loop3A_555, %parallel_loop3A_563 : vector<16xf32>
        %parallel_loop3A_566 = arith.subf %parallel_loop3A_558, %parallel_loop3A_563 : vector<16xf32>
        %parallel_loop3A_567 = math.exp %parallel_loop3A_564 : vector<16xf32>
        %parallel_loop3A_568 = math.exp %parallel_loop3A_565 : vector<16xf32>
        %parallel_loop3A_569 = math.exp %parallel_loop3A_566 : vector<16xf32>
        %parallel_loop3A_570 = arith.addf %parallel_loop3A_567, %parallel_loop3A_568 : vector<16xf32>
        %parallel_loop3A_571 = arith.addf %parallel_loop3A_570, %parallel_loop3A_569 : vector<16xf32>
        %parallel_loop3A_572 = arith.constant 0 : i32
        %parallel_loop3A_573 = vector.broadcast %parallel_loop3A_572 : i32 to vector<16xi32>
        %parallel_loop3A_574 = arith.cmpi eq, %parallel_loop3A_561, %parallel_loop3A_573 : vector<16xi32>
        %parallel_loop3A_575 = arith.constant 1 : i32
        %parallel_loop3A_576 = vector.broadcast %parallel_loop3A_575 : i32 to vector<16xi32>
        %parallel_loop3A_577 = arith.cmpi eq, %parallel_loop3A_561, %parallel_loop3A_576 : vector<16xi32>
        %parallel_loop3A_578 = arith.select %parallel_loop3A_577, %parallel_loop3A_565, %parallel_loop3A_566 : vector<16xi1>, vector<16xf32>
        %parallel_loop3A_579 = arith.select %parallel_loop3A_574, %parallel_loop3A_564, %parallel_loop3A_578 : vector<16xi1>, vector<16xf32>
        %parallel_loop3A_580 = arith.select %parallel_loop3A_577, %parallel_loop3A_568, %parallel_loop3A_569 : vector<16xi1>, vector<16xf32>
        %parallel_loop3A_581 = arith.select %parallel_loop3A_574, %parallel_loop3A_567, %parallel_loop3A_580 : vector<16xi1>, vector<16xf32>
        %parallel_loop3A_582 = arith.divf %parallel_loop3A_581, %parallel_loop3A_571 : vector<16xf32>
        %parallel_loop3A_583 = arith.constant 1.000000e+00 : f32
        %parallel_loop3A_584 = vector.broadcast %parallel_loop3A_583 : f32 to vector<16xf32>
        %parallel_loop3A_585 = arith.subf %parallel_loop3A_584, %parallel_loop3A_582 : vector<16xf32>
        %parallel_loop3A_586 = arith.constant 1.000000e+00 : f32
        %parallel_loop3A_587 = vector.broadcast %parallel_loop3A_586 : f32 to vector<16xf32>
        %parallel_loop3A_588 = arith.subf %parallel_loop3A_571, %parallel_loop3A_587 : vector<16xf32>
        %parallel_loop3A_589 = arith.constant 1.000000e+00 : f32
        %parallel_loop3A_590 = vector.broadcast %parallel_loop3A_589 : f32 to vector<16xf32>
        %parallel_loop3A_591 = arith.addf %parallel_loop3A_571, %parallel_loop3A_590 : vector<16xf32>
        %parallel_loop3A_592 = arith.divf %parallel_loop3A_588, %parallel_loop3A_591 : vector<16xf32>
        %parallel_loop3A_593 = arith.mulf %parallel_loop3A_592, %parallel_loop3A_592 : vector<16xf32>
        %parallel_loop3A_594 = arith.constant 0.181818187 : f32
        %parallel_loop3A_595 = vector.broadcast %parallel_loop3A_594 : f32 to vector<16xf32>
        %parallel_loop3A_596 = arith.mulf %parallel_loop3A_595, %parallel_loop3A_593 : vector<16xf32>
        %parallel_loop3A_597 = arith.constant 0.222222224 : f32
        %parallel_loop3A_598 = vector.broadcast %parallel_loop3A_597 : f32 to vector<16xf32>
        %parallel_loop3A_599 = arith.addf %parallel_loop3A_596, %parallel_loop3A_598 : vector<16xf32>
        %parallel_loop3A_600 = arith.mulf %parallel_loop3A_599, %parallel_loop3A_593 : vector<16xf32>
        %parallel_loop3A_601 = arith.constant 0.285714298 : f32
        %parallel_loop3A_602 = vector.broadcast %parallel_loop3A_601 : f32 to vector<16xf32>
        %parallel_loop3A_603 = arith.addf %parallel_loop3A_600, %parallel_loop3A_602 : vector<16xf32>
        %parallel_loop3A_604 = arith.mulf %parallel_loop3A_603, %parallel_loop3A_593 : vector<16xf32>
        %parallel_loop3A_605 = arith.constant 4.000000e-01 : f32
        %parallel_loop3A_606 = vector.broadcast %parallel_loop3A_605 : f32 to vector<16xf32>
        %parallel_loop3A_607 = arith.addf %parallel_loop3A_604, %parallel_loop3A_606 : vector<16xf32>
        %parallel_loop3A_608 = arith.mulf %parallel_loop3A_607, %parallel_loop3A_593 : vector<16xf32>
        %parallel_loop3A_609 = arith.constant 0.666666686 : f32
        %parallel_loop3A_610 = vector.broadcast %parallel_loop3A_609 : f32 to vector<16xf32>
        %parallel_loop3A_611 = arith.addf %parallel_loop3A_608, %parallel_loop3A_610 : vector<16xf32>
        %parallel_loop3A_612 = arith.mulf %parallel_loop3A_611, %parallel_loop3A_593 : vector<16xf32>
        %parallel_loop3A_613 = arith.constant 2.000000e+00 : f32
        %parallel_loop3A_614 = vector.broadcast %parallel_loop3A_613 : f32 to vector<16xf32>
        %parallel_loop3A_615 = arith.addf %parallel_loop3A_612, %parallel_loop3A_614 : vector<16xf32>
        %parallel_loop3A_616 = arith.mulf %parallel_loop3A_615, %parallel_loop3A_592 : vector<16xf32>
        %parallel_loop3A_617 = arith.subf %parallel_loop3A_579, %parallel_loop3A_616 : vector<16xf32>
        %parallel_loop3A_618 = arith.constant 1.000000e+01 : f32
        %parallel_loop3A_619 = vector.broadcast %parallel_loop3A_618 : f32 to vector<16xf32>
        %parallel_loop3A_620 = arith.mulf %parallel_loop3A_585, %parallel_loop3A_619 : vector<16xf32>
        %parallel_loop3A_621 = arith.fptosi %parallel_loop3A_620 : vector<16xf32> to vector<16xi32>
        %parallel_loop3A_622 = tpu.vector_load_idx %arg24[%parallel_loop3A_621] : memref<16xf32, #tpu.memory_space<vmem>>[vector<16xi32>], vector<16xf32>,
        %parallel_loop3A_623 = arith.addi %parallel_loop3A_621, %broadcast_in_dim3A_36 : vector<16xi32>
        %parallel_loop3A_624 = tpu.vector_load_idx %arg24[%parallel_loop3A_623] : memref<16xf32, #tpu.memory_space<vmem>>[vector<16xi32>], vector<16xf32>,
        %parallel_loop3A_625 = arith.cmpf oge, %parallel_loop3A_585, %parallel_loop3A_624 : vector<16xf32>
        %parallel_loop3A_626 = arith.select %parallel_loop3A_625, %broadcast_in_dim3A_36, %broadcast_in_dim3A_38 : vector<16xi1>, vector<16xi32>
        %parallel_loop3A_627 = arith.addi %parallel_loop3A_621, %parallel_loop3A_626 : vector<16xi32>
        %parallel_loop3A_628 = arith.cmpf olt, %parallel_loop3A_585, %parallel_loop3A_622 : vector<16xf32>
        %parallel_loop3A_629 = arith.select %parallel_loop3A_628, %broadcast_in_dim3A_36, %broadcast_in_dim3A_38 : vector<16xi1>, vector<16xi32>
        %parallel_loop3A_630 = arith.subi %parallel_loop3A_627, %parallel_loop3A_629 : vector<16xi32>
        %parallel_loop3A_631 = arith.maxsi %parallel_loop3A_630, %broadcast_in_dim3A_38 : vector<16xi32>
        tpu.vector_store_idx %arg19[%parallel_loop3A_631], %broadcast_in_dim3A_34 {add = true} : memref<16xf32, #tpu.memory_space<vmem>>[vector<16xi32>], vector<16xf32>,
        tpu.vector_store_idx %arg23[%parallel_loop3A_631], %parallel_loop3A_617 {add = true} : memref<16xf32, #tpu.memory_space<vmem>>[vector<16xi32>], vector<16xf32>,
      } {sc.loop_unroll_factor = 1 : i64, sc.parallel_access}
    }
    %dma_wait3A = arith.constant 0 : i32
    %dma_wait3A_79 = arith.constant 0 : i32
    %dma_wait3A_80 = arith.constant 0 : i32
    %dma_wait3A_81 = tpu.memref_slice %arg2[%dma_wait3A, %dma_wait3A_79, %mul3A_2, %dma_wait3A_80] : memref<16x3x512x512xf32, #tpu.memory_space<hbm>> -> memref<1x1x16x512xf32, #tpu.memory_space<hbm>>
    %dma_wait3A_82 = tpu.memref_squeeze %dma_wait3A_81 : memref<1x1x16x512xf32, #tpu.memory_space<hbm>> -> memref<16x512xf32, #tpu.memory_space<hbm>>
    %dma_wait3A_83 = arith.constant 0 : i32
    %dma_wait3A_84 = tpu.memref_slice %arg2[%dma_wait3A, %dma_wait3A_79, %mul3A_2, %dma_wait3A_83] : memref<16x3x512x512xf32, #tpu.memory_space<hbm>> -> memref<1x1x16x512xf32, #tpu.memory_space<hbm>>
    %dma_wait3A_85 = tpu.memref_squeeze %dma_wait3A_84 : memref<1x1x16x512xf32, #tpu.memory_space<hbm>> -> memref<16x512xf32, #tpu.memory_space<hbm>>
    tpu.wait_dma2 semaphore(%arg14 : memref<!tpu.dma_semaphore, #tpu.memory_space<semaphore_mem>>) src(%dma_wait3A_85 : memref<16x512xf32, #tpu.memory_space<hbm>>) dst(%arg6 : memref<16x512xf32, #tpu.memory_space<vmem>>)
    %dma_wait3A_86 = arith.constant 0 : i32
    %dma_wait3A_87 = arith.constant 0 : i32
    %dma_wait3A_88 = arith.constant 0 : i32
    %dma_wait3A_89 = tpu.memref_slice %arg2[%dma_wait3A_86, %dma_wait3A_87, %mul3A_2, %dma_wait3A_88] : memref<16x3x512x512xf32, #tpu.memory_space<hbm>> -> memref<1x1x16x512xf32, #tpu.memory_space<hbm>>
    %dma_wait3A_90 = tpu.memref_squeeze %dma_wait3A_89 : memref<1x1x16x512xf32, #tpu.memory_space<hbm>> -> memref<16x512xf32, #tpu.memory_space<hbm>>
    %dma_wait3A_91 = arith.constant 0 : i32
    %dma_wait3A_92 = tpu.memref_slice %arg2[%dma_wait3A_86, %dma_wait3A_87, %mul3A_2, %dma_wait3A_91] : memref<16x3x512x512xf32, #tpu.memory_space<hbm>> -> memref<1x1x16x512xf32, #tpu.memory_space<hbm>>
    %dma_wait3A_93 = tpu.memref_squeeze %dma_wait3A_92 : memref<1x1x16x512xf32, #tpu.memory_space<hbm>> -> memref<16x512xf32, #tpu.memory_space<hbm>>
    tpu.wait_dma2 semaphore(%arg14 : memref<!tpu.dma_semaphore, #tpu.memory_space<semaphore_mem>>) src(%dma_wait3A_93 : memref<16x512xf32, #tpu.memory_space<hbm>>) dst(%arg7 : memref<16x512xf32, #tpu.memory_space<vmem>>)
    %dma_wait3A_94 = arith.constant 0 : i32
    %dma_wait3A_95 = arith.constant 0 : i32
    %dma_wait3A_96 = arith.constant 0 : i32
    %dma_wait3A_97 = tpu.memref_slice %arg2[%dma_wait3A_94, %dma_wait3A_95, %mul3A_2, %dma_wait3A_96] : memref<16x3x512x512xf32, #tpu.memory_space<hbm>> -> memref<1x1x16x512xf32, #tpu.memory_space<hbm>>
    %dma_wait3A_98 = tpu.memref_squeeze %dma_wait3A_97 : memref<1x1x16x512xf32, #tpu.memory_space<hbm>> -> memref<16x512xf32, #tpu.memory_space<hbm>>
    %dma_wait3A_99 = arith.constant 0 : i32
    %dma_wait3A_100 = tpu.memref_slice %arg2[%dma_wait3A_94, %dma_wait3A_95, %mul3A_2, %dma_wait3A_99] : memref<16x3x512x512xf32, #tpu.memory_space<hbm>> -> memref<1x1x16x512xf32, #tpu.memory_space<hbm>>
    %dma_wait3A_101 = tpu.memref_squeeze %dma_wait3A_100 : memref<1x1x16x512xf32, #tpu.memory_space<hbm>> -> memref<16x512xf32, #tpu.memory_space<hbm>>
    tpu.wait_dma2 semaphore(%arg14 : memref<!tpu.dma_semaphore, #tpu.memory_space<semaphore_mem>>) src(%dma_wait3A_101 : memref<16x512xf32, #tpu.memory_space<hbm>>) dst(%arg8 : memref<16x512xf32, #tpu.memory_space<vmem>>)
    %dma_wait3A_102 = arith.constant 0 : i32
    %dma_wait3A_103 = arith.constant 0 : i32
    %dma_wait3A_104 = tpu.memref_slice %arg3[%dma_wait3A_102, %mul3A_2, %dma_wait3A_103] : memref<16x512x512xi32, #tpu.memory_space<hbm>> -> memref<1x16x512xi32, #tpu.memory_space<hbm>>
    %dma_wait3A_105 = tpu.memref_squeeze %dma_wait3A_104 : memref<1x16x512xi32, #tpu.memory_space<hbm>> -> memref<16x512xi32, #tpu.memory_space<hbm>>
    %dma_wait3A_106 = arith.constant 0 : i32
    %dma_wait3A_107 = tpu.memref_slice %arg3[%dma_wait3A_102, %mul3A_2, %dma_wait3A_106] : memref<16x512x512xi32, #tpu.memory_space<hbm>> -> memref<1x16x512xi32, #tpu.memory_space<hbm>>
    %dma_wait3A_108 = tpu.memref_squeeze %dma_wait3A_107 : memref<1x16x512xi32, #tpu.memory_space<hbm>> -> memref<16x512xi32, #tpu.memory_space<hbm>>
    tpu.wait_dma2 semaphore(%arg14 : memref<!tpu.dma_semaphore, #tpu.memory_space<semaphore_mem>>) src(%dma_wait3A_108 : memref<16x512xi32, #tpu.memory_space<hbm>>) dst(%arg9 : memref<16x512xi32, #tpu.memory_space<vmem>>)
    %get3A = arith.constant 0 : index
    %get3A_109 = tpu.vector_load %arg16[%get3A] {strides = array<i32>} : memref<16xf32, #tpu.memory_space<vmem>>, vector<16xf32>,
    %get3A_110 = arith.constant 0 : index
    %get3A_111 = tpu.vector_load %arg17[%get3A_110] {strides = array<i32>} : memref<16xf32, #tpu.memory_space<vmem>>, vector<16xf32>,
    %add3A_112 = arith.addf %get3A_109, %get3A_111 : vector<16xf32>
    %get3A_113 = arith.constant 0 : index
    %get3A_114 = tpu.vector_load %arg18[%get3A_113] {strides = array<i32>} : memref<16xf32, #tpu.memory_space<vmem>>, vector<16xf32>,
    %get3A_115 = arith.constant 0 : index
    %get3A_116 = tpu.vector_load %arg19[%get3A_115] {strides = array<i32>} : memref<16xf32, #tpu.memory_space<vmem>>, vector<16xf32>,
    %add3A_117 = arith.addf %get3A_114, %get3A_116 : vector<16xf32>
    %add3A_118 = arith.addf %add3A_112, %add3A_117 : vector<16xf32>
    %swap3A_119 = arith.constant 0 : index
    %swap3A_120 = tpu.vector_load %arg16[%swap3A_119] {strides = array<i32>} : memref<16xf32, #tpu.memory_space<vmem>>, vector<16xf32>,
    tpu.vector_store %arg16[%swap3A_119], %add3A_118 {strides = array<i32>} : memref<16xf32, #tpu.memory_space<vmem>>, vector<16xf32>,
    %get3A_121 = arith.constant 0 : index
    %get3A_122 = tpu.vector_load %arg20[%get3A_121] {strides = array<i32>} : memref<16xf32, #tpu.memory_space<vmem>>, vector<16xf32>,
    %get3A_123 = arith.constant 0 : index
    %get3A_124 = tpu.vector_load %arg21[%get3A_123] {strides = array<i32>} : memref<16xf32, #tpu.memory_space<vmem>>, vector<16xf32>,
    %add3A_125 = arith.addf %get3A_122, %get3A_124 : vector<16xf32>
    %get3A_126 = arith.constant 0 : index
    %get3A_127 = tpu.vector_load %arg22[%get3A_126] {strides = array<i32>} : memref<16xf32, #tpu.memory_space<vmem>>, vector<16xf32>,
    %get3A_128 = arith.constant 0 : index
    %get3A_129 = tpu.vector_load %arg23[%get3A_128] {strides = array<i32>} : memref<16xf32, #tpu.memory_space<vmem>>, vector<16xf32>,
    %add3A_130 = arith.addf %get3A_127, %get3A_129 : vector<16xf32>
    %add3A_131 = arith.addf %add3A_125, %add3A_130 : vector<16xf32>
    %swap3A_132 = arith.constant 0 : index
    %swap3A_133 = tpu.vector_load %arg20[%swap3A_132] {strides = array<i32>} : memref<16xf32, #tpu.memory_space<vmem>>, vector<16xf32>,
    tpu.vector_store %arg20[%swap3A_132], %add3A_131 {strides = array<i32>} : memref<16xf32, #tpu.memory_space<vmem>>, vector<16xf32>,
    %mul3A_134 = arith.constant 16 : i32
    %mul3A_135 = arith.muli %add3A, %mul3A_134 : i32
    "tpu.region"() ({
      %run_scoped3A = tpu.sem_alloc : memref<!tpu.dma_semaphore, #tpu.memory_space<semaphore_mem>>
      %dma_start3A_140 = tpu.memref_slice %arg5[%mul3A_135] : memref<1024xf32, #tpu.memory_space<hbm>> -> memref<16xf32, #tpu.memory_space<hbm>>
      %dma_start3A_141 = tpu.memref_slice %arg5[%mul3A_135] : memref<1024xf32, #tpu.memory_space<hbm>> -> memref<16xf32, #tpu.memory_space<hbm>>
      tpu.enqueue_dma source(%arg16 : memref<16xf32, #tpu.memory_space<vmem>>) target(%dma_start3A_141 : memref<16xf32, #tpu.memory_space<hbm>>) target_semaphore(%run_scoped3A : memref<!tpu.dma_semaphore, #tpu.memory_space<semaphore_mem>>)
      %dma_wait3A_142 = tpu.memref_slice %arg5[%mul3A_135] : memref<1024xf32, #tpu.memory_space<hbm>> -> memref<16xf32, #tpu.memory_space<hbm>>
      %dma_wait3A_143 = tpu.memref_slice %arg5[%mul3A_135] : memref<1024xf32, #tpu.memory_space<hbm>> -> memref<16xf32, #tpu.memory_space<hbm>>
      tpu.wait_dma2 semaphore(%run_scoped3A : memref<!tpu.dma_semaphore, #tpu.memory_space<semaphore_mem>>) src(%arg16 : memref<16xf32, #tpu.memory_space<vmem>>) dst(%dma_wait3A_143 : memref<16xf32, #tpu.memory_space<hbm>>)
      tpu.yield
    }) : () -> ()
    %mul3A_136 = arith.constant 16 : i32
    %mul3A_137 = arith.muli %add3A, %mul3A_136 : i32
    %add3A_138 = arith.constant 512 : i32
    %add3A_139 = arith.addi %add3A_138, %mul3A_137 : i32
    "tpu.region"() ({
      %run_scoped3A = tpu.sem_alloc : memref<!tpu.dma_semaphore, #tpu.memory_space<semaphore_mem>>
      %dma_start3A_140 = tpu.memref_slice %arg5[%add3A_139] : memref<1024xf32, #tpu.memory_space<hbm>> -> memref<16xf32, #tpu.memory_space<hbm>>
      %dma_start3A_141 = tpu.memref_slice %arg5[%add3A_139] : memref<1024xf32, #tpu.memory_space<hbm>> -> memref<16xf32, #tpu.memory_space<hbm>>
      tpu.enqueue_dma source(%arg20 : memref<16xf32, #tpu.memory_space<vmem>>) target(%dma_start3A_141 : memref<16xf32, #tpu.memory_space<hbm>>) target_semaphore(%run_scoped3A : memref<!tpu.dma_semaphore, #tpu.memory_space<semaphore_mem>>)
      %dma_wait3A_142 = tpu.memref_slice %arg5[%add3A_139] : memref<1024xf32, #tpu.memory_space<hbm>> -> memref<16xf32, #tpu.memory_space<hbm>>
      %dma_wait3A_143 = tpu.memref_slice %arg5[%add3A_139] : memref<1024xf32, #tpu.memory_space<hbm>> -> memref<16xf32, #tpu.memory_space<hbm>>
      tpu.wait_dma2 semaphore(%run_scoped3A : memref<!tpu.dma_semaphore, #tpu.memory_space<semaphore_mem>>) src(%arg20 : memref<16xf32, #tpu.memory_space<vmem>>) dst(%dma_wait3A_143 : memref<16xf32, #tpu.memory_space<hbm>>)
      tpu.yield
    }) : () -> ()
    return
  }
}

module attributes {stable_mosaic.version = 14 : i64} {
  func.func @_combine_body(%arg0: memref<2x32x16xf32, #tpu.memory_space<vmem>>, %arg1: memref<1x1xf32, #tpu.memory_space<vmem>>) attributes {dimension_semantics = [], scalar_prefetch = 0 : i64, scratch_operands = 0 : i64, tpu.core_type = #tpu.core_type<tc>} {
    %get3A = arith.constant 0 : index
    %get3A_0 = arith.constant 0 : index
    %get3A_1 = arith.constant 0 : index
    %get3A_2 = vector.load %arg0[%get3A, %get3A_0, %get3A_1] : memref<2x32x16xf32, #tpu.memory_space<vmem>>, vector<2x32x16xf32>
    %slice3A = vector.extract_strided_slice %get3A_2 {offsets = [0, 0, 0], sizes = [1, 32, 16], strides = [1, 1, 1]} : vector<2x32x16xf32> to vector<1x32x16xf32>
    %squeeze3A = vector.shape_cast %slice3A : vector<1x32x16xf32> to vector<32x16xf32>
    %reduce_sum3A = arith.constant dense<0.000000e+00> : vector<16xf32>
    %reduce_sum3A_3 = vector.multi_reduction <add>, %squeeze3A, %reduce_sum3A [0] : vector<32x16xf32> to vector<16xf32>
    %broadcast_in_dim3A = vector.shape_cast %reduce_sum3A_3 : vector<16xf32> to vector<1x16xf32>
    %slice3A_4 = vector.extract_strided_slice %get3A_2 {offsets = [1, 0, 0], sizes = [1, 32, 16], strides = [1, 1, 1]} : vector<2x32x16xf32> to vector<1x32x16xf32>
    %squeeze3A_5 = vector.shape_cast %slice3A_4 : vector<1x32x16xf32> to vector<32x16xf32>
    %reduce_sum3A_6 = arith.constant dense<0.000000e+00> : vector<16xf32>
    %reduce_sum3A_7 = vector.multi_reduction <add>, %squeeze3A_5, %reduce_sum3A_6 [0] : vector<32x16xf32> to vector<16xf32>
    %broadcast_in_dim3A_8 = vector.shape_cast %reduce_sum3A_7 : vector<16xf32> to vector<1x16xf32>
    %iota3A = tpu.iota {dimensions = array<i32: 1>} : vector<1x16xi32>
    %lt3A = arith.constant 10 : i32
    %lt3A_9 = vector.broadcast %lt3A : i32 to vector<1x16xi32>
    %lt3A_10 = arith.cmpi slt, %iota3A, %lt3A_9 : vector<1x16xi32>
    %gt3A = arith.constant 0.000000e+00 : f32
    %gt3A_11 = vector.broadcast %gt3A : f32 to vector<1x16xf32>
    %gt3A_12 = arith.cmpf ogt, %broadcast_in_dim3A, %gt3A_11 : vector<1x16xf32>
    %and3A = arith.andi %lt3A_10, %gt3A_12 : vector<1x16xi1>
    %convert_element_type3A = arith.extui %and3A : vector<1x16xi1> to vector<1x16xi32>
    %convert_element_type3A_13 = arith.sitofp %convert_element_type3A : vector<1x16xi32> to vector<1x16xf32>
    %reduce_sum3A_14 = vector.shape_cast %convert_element_type3A_13 : vector<1x16xf32> to vector<1x1x16xf32>
    %reduce_sum3A_15 = arith.constant dense<0.000000e+00> : vector<1xf32>
    %reduce_sum3A_16 = vector.multi_reduction <add>, %reduce_sum3A_14, %reduce_sum3A_15 [1, 2] : vector<1x1x16xf32> to vector<1xf32>
    %reduce_sum3A_17 = vector.shape_cast %reduce_sum3A_16 : vector<1xf32> to vector<1x1x1xf32>
    %reduce_sum3A_18 = vector.extract %reduce_sum3A_17[0, 0, 0] : f32 from vector<1x1x1xf32>
    %jit3A = arith.constant 1.000000e+00 : f64
    %convert_element_type3A_19 = arith.truncf %jit3A : f64 to f32
    %broadcast_in_dim3A_20 = vector.broadcast %convert_element_type3A_19 : f32 to vector<1x16xf32>
    %select_n3A = arith.select %and3A, %broadcast_in_dim3A, %broadcast_in_dim3A_20 : vector<1x16xi1>, vector<1x16xf32>
    %div3A = arith.constant 4.000000e+00 : f32
    %div3A_21 = vector.broadcast %div3A : f32 to vector<1x16xf32>
    %div3A_22 = arith.divf %div3A_21, %select_n3A : vector<1x16xf32>
    %jit3A_23 = arith.constant 0.000000e+00 : f64
    %convert_element_type3A_24 = arith.truncf %jit3A_23 : f64 to f32
    %broadcast_in_dim3A_25 = vector.broadcast %convert_element_type3A_24 : f32 to vector<1x16xf32>
    %select_n3A_26 = arith.select %and3A, %div3A_22, %broadcast_in_dim3A_25 : vector<1x16xi1>, vector<1x16xf32>
    %mul3A = arith.mulf %select_n3A_26, %broadcast_in_dim3A_8 : vector<1x16xf32>
    %reduce_sum3A_27 = vector.shape_cast %mul3A : vector<1x16xf32> to vector<1x1x16xf32>
    %reduce_sum3A_28 = arith.constant dense<0.000000e+00> : vector<1xf32>
    %reduce_sum3A_29 = vector.multi_reduction <add>, %reduce_sum3A_27, %reduce_sum3A_28 [1, 2] : vector<1x1x16xf32> to vector<1xf32>
    %reduce_sum3A_30 = vector.shape_cast %reduce_sum3A_29 : vector<1xf32> to vector<1x1x1xf32>
    %reduce_sum3A_31 = vector.extract %reduce_sum3A_30[0, 0, 0] : f32 from vector<1x1x1xf32>
    %gt3A_32 = arith.constant 0.000000e+00 : f32
    %gt3A_33 = arith.cmpf ogt, %reduce_sum3A_18, %gt3A_32 : f32
    %neg3A = arith.constant 0.000000e+00 : f32
    %neg3A_34 = arith.subf %neg3A, %reduce_sum3A_31 : f32
    %max3A = arith.constant 1.000000e+00 : f32
    %max3A_35 = arith.maximumf %reduce_sum3A_18, %max3A : f32
    %div3A_36 = arith.divf %neg3A_34, %max3A_35 : f32
    %jit3A_37 = arith.constant 0.000000e+00 : f64
    %convert_element_type3A_38 = arith.truncf %jit3A_37 : f64 to f32
    %select_n3A_39 = arith.select %gt3A_33, %div3A_36, %convert_element_type3A_38 : f32
    %broadcast_in_dim3A_40 = vector.broadcast %select_n3A_39 : f32 to vector<1x1xf32>
    %swap3A = arith.constant 0 : index
    %swap3A_41 = arith.constant 0 : index
    %swap3A_42 = vector.load %arg1[%swap3A, %swap3A_41] : memref<1x1xf32, #tpu.memory_space<vmem>>, vector<1x1xf32>
    tpu.vector_store %arg1[%swap3A, %swap3A_41], %broadcast_in_dim3A_40 {strides = array<i32>} : memref<1x1xf32, #tpu.memory_space<vmem>>, vector<1x1xf32>,
    return
  }
}

</mosaic_0001>

<sc_bundles>
// kernel: kernel.4.cloned.1.call-start
scs
__scs_entry_jumppad:
0x0: {  	(pc) =	sbr.rel $0x88, $3  }
0x1: {  	(tag) =	ssettag $0x0;
	lr =	simm.s32 $0x1  }
0x2: {  	[smem:$0x3F9F] =	sst lr;
	_ =	strace $0xD0000000  }
0x3: {  	_ = 	snop  }
0x4: {  	_ = 	snop  }
0x5: {  	_ = 	snop  }
0x6: {  	_ = 	snop  }
0x7: {  	_ = 	snop  }
__scs_overlays_trampoline_lowered:
0x8: {  	[smem:$0x3FAE] =	sst s0  }
0x9: {  	[smem:$0x3FAF] =	sst s1  }
0xa: {  	[smem:$0x3FB0] =	sst s2  }
0xb: {  	[smem:$0x3FB1] =	sst s3  }
0xc: {  	[smem:$0x3FB2] =	sst s4  }
0xd: {  	[smem:$0x3FB3] =	sst s5  }
0xe: {  	[smem:$0x3FB4] =	sst s6  }
0xf: {  	[smem:$0x3FB5] =	sst s7  }
0x10: {  	[smem:$0x3FB6] =	sst s8  }
0x11: {  	[smem:$0x3FB7] =	sst s9;
	s0 =	simm.s32 @!p0 $0x0  }
0x12: {  	s1 =	sld [smem:$0x3F9D];
	s0 =	simm.s32 @p0 $0x1  }
0x13: {  	[smem:$0x3FB8] =	sst s0;
	s0 =	simm.s32 @!p1 $0x0  }
0x14: {  	s2 =	sld [smem:$0x3F9C];
	s0 =	simm.s32 @p1 $0x1  }
0x15: {  	[smem:$0x3FB9] =	sst s0;
	s0 =	simm.s32 @!p2 $0x0  }
0x16: {  	s3 =	sld [smem:$0x3FDB];
	s0 =	simm.s32 @p2 $0x1  }
0x17: {  	s4 =	simm.s32 $0x1BF5;
	[smem:$0x3FBB] =	sst s0  }
0x18: {  	s0 =	sld [smem:$0x3F9E];
	_ =	swait.ge [sflag:s4], $0x0  }
0x19: {  	s7 =	sld [smem:$0x3F9F]  }
0x1a: {  	s8 =	sadd.s32 $0xFFFFE003, lr  }
0x1b: {  	s9 =	sadd.s32 $0xFFFFFEF7, lr;
	s5 =	simm.s32 $0xFFFFFFFF;
	p2 =	slt.u32 s8, $0xFFFFF086  }
0x1c: {  	p1 =	slt.u32 s9, $0xF7A;
	s5 =	simm.s32 @!p2 $0x0  }
0x1d: {  	s5 =	simm.s32 @p1 $0x1;
	p0 =	seq.s32 s7, s2  }
0x1e: {  	s7 =	smul.u32 @!p0 $0xF7A, s2;
	p2 =	seq.s32 @!p0 s5, $0x0  }
0x1f: {  	s9 =	smul.u32 $0xF7A, s1;
	s8 =	simm.s32 @!p0 $0x1BF5;
	p2 =	por !p2, p0  }
0x20: {  	[sflag:s8] =	ssyncset.s32 @!p0 $0xFFFFF086;
	s6 =	sadd.s32 @!p0 s3, s7;
	s7 =	simm.s32 @!p0 $0x108  }
0x21: {  	s3 =	sadd.s32 s3, s9;
	s6 =	sadd.s32 @!p0 $0x88, s6;
	s7 =	simm.s32 @p2 $0x1082  }
0x22: {  	[simem:s7], [sflag:s8] =	dma.local @!p0 [hbm:s6], $0xF7A  }
0x23: {  	s9 =	sor.u32 $0xD0000000, s2;
	s6 =	simm.s32 $0x108;
	_ =	swait.ge @!p0 [sflag:s8], $0x0  }
0x24: {  	s3 =	sadd.s32 $0x88, s3;
	s6 =	simm.s32 @!p1 $0x1082;
	[sflag:s4] =	ssyncset.s32 $0xFFFFF086  }
0x25: {  	[simem:s6], [sflag:s4] =	dma.local [hbm:s3], $0xF7A  }
0x26: {  	[smem:$0x3F9F] =	sst s1;
	(tag) =	ssettag s2;
	_ =	strace s9  }
0x27: {  	s1 =	sld [smem:$0x3FAF]  }
0x28: {  	s2 =	sld [smem:$0x3FB0]  }
0x29: {  	s4 =	sld [smem:$0x3FB2]  }
0x2a: {  	p0 =	seq.s32 s5, $0x0;
	s5 =	sld [smem:$0x3FB3]  }
0x2b: {  	s6 =	sld [smem:$0x3FB4]  }
0x2c: {  	s7 =	sld [smem:$0x3FB5]  }
0x2d: {  	s3 =	simm.s32 $0x108;
	s8 =	sld [smem:$0x3FB6]  }
0x2e: {  	s3 =	simm.s32 @!p0 $0x1082;
	s9 =	sld [smem:$0x3FB7]  }
0x2f: {  	lr =	sadd.s32 s0, s3;
	s0 =	sld [smem:$0x3FAE]  }
0x30: {  	s3 =	sld [smem:$0x3FB1]  }
0x31: {  	[smem:$0x3FBA] =	sst s10  }
0x32: {  	s10 =	sld [smem:$0x3FB8];
	_ =	sdelay $0x3  }
0x33: {  	p0 =	seq.s32 s10, $0x1;
	s10 =	sld [smem:$0x3FBA];
	_ =	sdelay $0x3  }
0x34: {  	[smem:$0x3FBA] =	sst s10  }
0x35: {  	s10 =	sld [smem:$0x3FB9];
	_ =	sdelay $0x3  }
0x36: {  	p1 =	seq.s32 s10, $0x1;
	s10 =	sld [smem:$0x3FBA];
	_ =	sdelay $0x3  }
0x37: {  	[smem:$0x3FBA] =	sst s10  }
0x38: {  	s10 =	sld [smem:$0x3FBB]  }
0x39: {  	_ = 	snop;
	(pc) =	sbr.ind lr, $3  }
0x3a: {  	_ = 	snop  }
0x3b: {  	_ = 	snop  }
0x3c: {  	p2 =	seq.s32 s10, $0x1;
	s10 =	sld [smem:$0x3FBA]  }
0x3d: {  	_ =	shalt  }
0x3e: {  	_ =	shalt  }
0x3f: {  	_ =	shalt  }
0x40: {  	_ =	shalt  }
0x41: {  	_ =	shalt  }
0x42: {  	_ =	shalt  }
0x43: {  	_ =	shalt  }
0x44: {  	_ =	shalt  }
0x45: {  	_ =	shalt  }
0x46: {  	_ =	shalt  }
0x47: {  	_ =	shalt  }
0x48: {  	_ =	shalt  }
0x49: {  	_ =	shalt  }
0x4a: {  	_ =	shalt  }
0x4b: {  	_ =	shalt  }
0x4c: {  	_ =	shalt  }
0x4d: {  	_ =	shalt  }
0x4e: {  	_ =	shalt  }
0x4f: {  	_ =	shalt  }
0x50: {  	_ =	shalt  }
0x51: {  	_ =	shalt  }
0x52: {  	_ =	shalt  }
0x53: {  	_ =	shalt  }
0x54: {  	_ =	shalt  }
0x55: {  	_ =	shalt  }
0x56: {  	_ =	shalt  }
0x57: {  	_ =	shalt  }
0x58: {  	_ =	shalt  }
0x59: {  	_ =	shalt  }
0x5a: {  	_ =	shalt  }
0x5b: {  	_ =	shalt  }
0x5c: {  	_ =	shalt  }
0x5d: {  	_ =	shalt  }
0x5e: {  	_ =	shalt  }
0x5f: {  	_ =	shalt  }
0x60: {  	_ =	shalt  }
0x61: {  	_ =	shalt  }
0x62: {  	_ =	shalt  }
0x63: {  	_ =	shalt  }
0x64: {  	_ =	shalt  }
0x65: {  	_ =	shalt  }
0x66: {  	_ =	shalt  }
0x67: {  	_ =	shalt  }
0x68: {  	_ =	shalt  }
0x69: {  	_ =	shalt  }
0x6a: {  	_ =	shalt  }
0x6b: {  	_ =	shalt  }
0x6c: {  	_ =	shalt  }
0x6d: {  	_ =	shalt  }
0x6e: {  	_ =	shalt  }
0x6f: {  	_ =	shalt  }
0x70: {  	_ =	shalt  }
0x71: {  	_ =	shalt  }
0x72: {  	_ =	shalt  }
0x73: {  	_ =	shalt  }
0x74: {  	_ =	shalt  }
0x75: {  	_ =	shalt  }
0x76: {  	_ =	shalt  }
0x77: {  	_ =	shalt  }
0x78: {  	_ =	shalt  }
0x79: {  	_ =	shalt  }
0x7a: {  	_ =	shalt  }
0x7b: {  	_ =	shalt  }
0x7c: {  	_ =	shalt  }
0x7d: {  	_ =	shalt  }
0x7e: {  	_ =	shalt  }
0x7f: {  	_ =	shalt  }
0x80: {  	_ =	shalt  }
0x81: {  	_ =	shalt  }
0x82: {  	_ =	shalt  }
0x83: {  	_ =	shalt  }
0x84: {  	_ =	shalt  }
0x85: {  	_ =	shalt  }
0x86: {  	_ =	shalt  }
0x87: {  	_ =	shalt  }
.Lfunc_end0:
.L_simem_size_0:
called_computation_lowered:
.L_overlay_start_0:
0x88: {  	s2 =	sld [smem:$0x3FD9]  }
0x89: {  	s3 =	sld [smem:$0x3FFE];
	_ =	sdelay $0x1  }
0x8a: {  	s1 =	srdreg.scid  }
0x8b: {  	s0 =	sand.u32 $0x1, s1  }
0x8c: {  	s17 =	sshll.u32 s0, $0xA;
	s2 =	sadd.s32 s3, s2  }
0x8d: {  	s2 =	sadd.s32 s2, s17  }
0x8e: {  	[smem:$0x3FC6] =	sst s2  }
0x8f: {  	_ = 	snop  }
0x90: {  	s2 =	sld [smem:$0x3FC9]  }
0x91: {  	s18 =	sld [smem:$0x3FD0];
	(tm) =	ssettm $0x1  }
0x92: {  	s4 =	sld [smem:$0x3FFB];
	_ =	sdelay $0x3  }
0x93: {  	_ =	strace s4  }
0x94: {  	s4 =	sld [smem:$0x3FFC];
	_ =	sdelay $0x3  }
0x95: {  	_ =	strace s4  }
0x96: {  	s4 =	sld [smem:$0x3FFD];
	_ =	sdelay $0x3  }
0x97: {  	_ =	strace s4  }
0x98: {  	_ =	strace $0x8FFFFFFF  }
0x99: {  	s19 =	sld [smem:$0x3FDB];
	_ =	sdelay $0x1  }
0x9a: {  	s5 =	simm.s32 $_scs_section_size  }
0x9b: {  	s6 =	simm.s32 $_size__tile_overlayer_lowered;
	s7 =	simm.s32 $_tile_overlayer_lowered  }
0x9c: {  	s22 =	simm.s32 $0x1BFF;
	s21 =	sshll.u32 s7, $0x1;
	s4 =	sadd.s32 s5, s19  }
0x9d: {  	s8 =	simm.s32 $0x0;
	s20 =	sshll.u32 s6, $0x1;
	s6 =	sadd.s32 s21, s4  }
0x9e: {  	[timem:s8], [sflag:s22] =	dma.local [hbm:s6], s20  }
0x9f: {  	_ =	swait.ge [sflag:s22], s20  }
0xa0: {  	s5 =	ssub.s32 $0x0, s20;
	[sflag:s22] =	ssyncset.done $0x0  }
0xa1: {  	[sflag:s22] =	ssyncadd.s32 s5;
	_ =	sdelay $0x1  }
0xa2: {  	s23 =	simm.s32 $0x1B8B  }
0xa3: {  	_ =	swait.ge [sflag:s23], $0x1  }
0xa4: {  	[sflag:s23] =	ssyncset.done $0x0  }
0xa5: {  	s25 =	simm.s32 $0x1B8E;
	s24 =	sld [smem:$0x3FFE];
	[sflag:s23] =	ssyncadd.s32 $0xFFFFFFFF  }
0xa6: {  	s26 =	simm.s32 $execute0_lowered;
	[smem:$0x3FD2] =	sst s25  }
0xa7: {  	s6 =	sshll.u32 s26, $0x1;
	_ =	strace $0x80000046;
	[dreg:$0x1] =	wrdreg $0xFFFFFFFF  }
0xa8: {  	s28 =	simm.s32 $_size_execute0_lowered;
	s4 =	sadd.s32 s4, s6;
	[dreg:$0x0] =	wrdreg $0x0  }
0xa9: {  	s6 =	sshll.u32 s28, $0x1;
	[dreg:$0x2] =	wrdreg s4  }
0xaa: {  	[dreg:$0x3] =	wrdreg s6  }
0xab: {  	[dreg:$0x4] =	wrdreg $0xC0  }
0xac: {  	_ =	task [dreg:s8], $0x5FFFF  }
0xad: {  	[dreg:$0x1] =	wrdreg $0xFFFFFFFF  }
0xae: {  	[dreg:$0x0] =	wrdreg $0x60  }
0xaf: {  	[dreg:$0x2] =	wrdreg s2  }
0xb0: {  	[dreg:$0x3] =	wrdreg s24  }
0xb1: {  	[dreg:$0x4] =	wrdreg s18  }
0xb2: {  	[dreg:$0x5] =	wrdreg $0x9  }
0xb3: {  	_ =	task.clear_ibuf [dreg:s8], $0x6FFFF;
	_ =	strace $0x90000046  }
0xb4: {  	s29 =	simm.s32 $0x9;
	_ =	strace $0x80000048  }
0xb5: {  	_ =	swait.ge [sflag:s29], $0x1  }
0xb6: {  	[sflag:s29] =	ssyncadd.s32 $0xFFFFFFFF  }
0xb7: {  	_ =	strace $0x90000048  }
0xb8: {  	_ =	sfence  }
0xb9: {  	s30 =	sld [smem:$0x0];
	_ =	sdelay $0x2  }
0xba: {  	s31 =	sshll.u32 s1, $0xD;
	s1 =	sshrl.u32 s1, $0x2  }
0xbb: {  	s3 =	sand.u32 $0x4000, s31;
	s1 =	sadd.s32 s1, s30  }
0xbc: {  	s0 =	sor.u32 s3, s0;
	s1 =	sshll.u32 s1, $0x11  }
0xbd: {  	s0 =	sor.u32 s1, s0  }
0xbe: {  	s0 =	sadd.s32 $0x8F2B, s0  }
0xbf: {  	[sflag:s0] =	ssyncadd.remote.s32 $0x1  }
0xc0: {  	_ =	sfence.sel $0xFFFF  }
0xc1: {  	[dreg:$0x0] =	wrdreg $0xFFFFFFFF;
	(pc) =	sbr.abs _section_cstart, $3  }
0xc2: {  	[dreg:$0x1] =	wrdreg $0xFFFFFFFF  }
0xc3: {  	_ =	task.clear_ibuf [dreg:s8], $0x2FFFF;
	_ =	strace $0x9FFFFFFF  }
0xc4: {  	(tm) =	ssettm $0x7FFFFFFF  }
0xc5: {  	_ =	shalt  }
tec
execute0_lowered:
.L_overlay_start_1:
0x0: {  	(tag) =	ssettag $0x1  }
0x1: {  	s1 =	rddreg [dreg:$0x0]  }
0x2: {  	s0 =	rddreg [dreg:$0x1];
	s9 =	simm.s32 $0x0;
	s2 =	srdreg.scid  }
0x3: {  	s3 =	stileid.u32;
	s14 =	simm.s32 $0x10400;
	s16 =	simm.s32 $0x2000  }
0x4: {  	s17 =	simm.s32 $0x4000;
	s18 =	simm.s32 $0x6000;
	s20 =	simm.s32 $0xA000  }
0x5: {  	s28 =	simm.s32 $0x10280;
	s29 =	simm.s32 $0x10100;
	s30 =	simm.s32 $0x10300  }
0x6: {  	s31 =	simm.s32 $0x10180;
	[smem:$0x7FF] =	sst s9;
	s2 =	sand.u32 $0x1, s2  }
0x7: {  	s3 =	sshll.u32 s3, $0x5;
	s5 =	sadd.s32 $0x600, s0;
	s4 =	sshll.u32 s2, $0x4  }
0x8: {  	_ =	strace $0x80000047;
	s2 =	ssub.s32 $0x2, s2;
	s3 =	sor.u32 s4, s3  }
0x9: {  	s6 =	sshrl.u32 s2, $0x1;
	s4 =	sshrl.u32 s3, $0x3;
	s8 =	sshll.u32 s3, $0x6  }
0xa: {  	s2 =	ssub.s32 s2, s6;
	s7 =	sshll.u32 s3, $0x9;
	s21 =	sadd.s32 s1, s8  }
0xb: {  	s3 =	simm.s32 $0x2;
	s24 =	sadd.s32 s5, s8;
	[dreg:$0x4] =	wrdreg s21  }
0xc: {  	s6 =	simm.s32 $0x0;
	s26 =	smax.u32 s2, $0x1;
	[dreg:$0x7] =	wrdreg s24  }
0xd: {  	s0 =	sadd.s32 s4, s0;
	s22 =	sadd.s32 $0x8000, s21;
	[dreg:$0xa] =	wrdreg s26  }
0xe: {  	s4 =	simm.s32 $0x3;
	s23 =	sadd.s32 $0x10000, s21;
	[dreg:$0x5] =	wrdreg s22  }
0xf: {  	s25 =	sadd.s32 $0x80600, s0;
	s0 =	sadd.s32 $0x80640, s0;
	[dreg:$0x6] =	wrdreg s23  }
0x10: {  	s21 =	simm.s32 $0xC000;
	s24 =	simm.s32 $0x10000;
	[dreg:$0x8] =	wrdreg s25  }
0x11: {  	s26 =	simm.s32 $0x10080;
	[dreg:$0x9] =	wrdreg s0;
	s22 =	simm.s32 $0xE000  }
0x12: {  	v0 =	vimm.f32 $0.0e+00;
	v1 =	vimm.f32 $1.000000000e+00;
	v2 =	vimm.s32 $0x0;
	s23 =	simm.s32 $0x1;
	s25 =	simm.s32 $0x10200;
	s0 =	simm.s32 $0x10380  }
.LBB2_1:
0x13: {  	[tilespmem:$0x10000] =	vst v0  }
0x14: {  	[tilespmem:$0x10080] =	vst v0  }
0x15: {  	[tilespmem:$0x10100] =	vst v0  }
0x16: {  	[tilespmem:$0x10180] =	vst v0  }
0x17: {  	[tilespmem:$0x10200] =	vst v0  }
0x18: {  	[tilespmem:$0x10280] =	vst v0  }
0x19: {  	[dreg:$0xb] =	wrdreg s6;
	[tilespmem:$0x10300] =	vst v0  }
0x1a: {  	[tilespmem:$0x10380] =	vst v0;
	s2 =	rddreg [dreg:$0x2]  }
0x1b: {  	[tilespmem:s14], [sflag:$0x3] =	stream.linear.gather [hbm4b:s2+s9], $0x80, $0x38;
	[tilespmem:$0x10480] =	vst v63  }
0x1c: {  	_ =	swait.ge [sflag:s4], $0x80  }
0x1d: {  	[sflag:s4] =	ssyncset.done $0x0  }
0x1e: {  	s12 =	rddreg [dreg:$0x4];
	[sflag:s4] =	ssyncadd.s32 $0xFFFFFF80  }
0x1f: {  	[tilespmem:s9], [sflag:$0x1] =	stream.linear.gather [hbm4b:s12+s9], $0x2000, $0x38;
	[tilespmem:$0x10480] =	vst v63  }
0x20: {  	s13 =	rddreg [dreg:$0x5]  }
0x21: {  	[tilespmem:s16], [sflag:$0x1] =	stream.linear.gather [hbm4b:s13+s9], $0x2000, $0x38;
	[tilespmem:$0x10480] =	vst v63  }
0x22: {  	s15 =	rddreg [dreg:$0x6]  }
0x23: {  	[tilespmem:s17], [sflag:$0x1] =	stream.linear.gather [hbm4b:s15+s9], $0x2000, $0x38;
	[tilespmem:$0x10480] =	vst v63  }
0x24: {  	s8 =	simm.s32 $0x0;
	s19 =	rddreg [dreg:$0x7]  }
0x25: {  	[tilespmem:s18], [sflag:$0x1] =	stream.linear.gather [hbm4b:s19+s9], $0x2000, $0x38;
	[tilespmem:$0x10480] =	vst v63  }
.LBB2_2:
0x26: {  	s4 =	sshllo.u32 s8, $0x1  }
0x27: {  	s6 =	smul.u32 $0xC0000, s4;
	_ =	sdelay $0x1  }
0x28: {  	s6 =	sor.u32 s7, s6  }
0x29: {  	s9 =	simm.s32 $0x0;
	s6 =	sshrl.u32 s6, $0x3  }
0x2a: {  	s2 =	simm.s32 $0x8000;
	s4 =	sshll.u32 s4, $0x12;
	s6 =	sadd.s32 s1, s6  }
0x2b: {  	[tilespmem:s2], [sflag:$0x2] =	stream.linear.gather [hbm4b:s6+s9], $0x2000, $0x38;
	[tilespmem:$0x10480] =	vst v63  }
0x2c: {  	s4 =	sor.u32 s7, s4;
	s10 =	sadd.s32 $0x8000, s6  }
0x2d: {  	[tilespmem:s20], [sflag:$0x2] =	stream.linear.gather [hbm4b:s10+s9], $0x2000, $0x38;
	[tilespmem:$0x10480] =	vst v63  }
0x2e: {  	s4 =	sshrl.u32 s4, $0x3;
	s6 =	sadd.s32 $0x10000, s6  }
0x2f: {  	[tilespmem:s21], [sflag:$0x2] =	stream.linear.gather [hbm4b:s6+s9], $0x2000, $0x38;
	[tilespmem:$0x10480] =	vst v63  }
0x30: {  	s4 =	sadd.s32 s5, s4  }
0x31: {  	[tilespmem:s22], [sflag:$0x2] =	stream.linear.gather [hbm4b:s4+s9], $0x2000, $0x38;
	[tilespmem:$0x10480] =	vst v63  }
0x32: {  	_ =	swait.ge [sflag:s23], $0x2000  }
0x33: {  	[sflag:s23] =	ssyncset.done $0x0  }
0x34: {  	[sflag:s23] =	ssyncadd.s32 $0xFFFFE000  }
0x35: {  	_ =	swait.ge [sflag:s23], $0x2000  }
0x36: {  	[sflag:s23] =	ssyncset.done $0x0  }
0x37: {  	[sflag:s23] =	ssyncadd.s32 $0xFFFFE000  }
0x38: {  	_ =	swait.ge [sflag:s23], $0x2000  }
0x39: {  	[sflag:s23] =	ssyncset.done $0x0  }
0x3a: {  	s13 =	sand.u32 $0x1000, s9;
	s15 =	sand.u32 $0xC00, s9;
	[sflag:s23] =	ssyncadd.s32 $0xFFFFE000  }
0x3b: {  	s19 =	sand.u32 $0x380, s9;
	s4 =	sor.u32 s15, s13;
	_ =	swait.ge [sflag:s23], $0x2000  }
0x3c: {  	s9 =	sand.u32 $0x40, s9;
	s4 =	sor.u32 s19, s4;
	[sflag:s23] =	ssyncset.done $0x0  }
0x3d: {  	s12 =	sor.u32 s9, s4;
	[sflag:s23] =	ssyncadd.s32 $0xFFFFE000  }
0x3e: {  	v3 =	vld [tilespmem:s12+$0x0]  }
0x3f: {  	v4 =	vld [tilespmem:s12+$0x2000]  }
0x40: {  	v5 =	vld [tilespmem:s12+$0x4000];
	_ =	sdelay $0x3  }
0x41: {  	v6 =	vmax.f32 v3, v4  }
0x42: {  	v6 =	vmax.f32 v6, v5  }
0x43: {  	v3 =	vsub.f32 v3, v6  }
0x44: {  	v4 =	vsub.f32 v4, v6  }
0x45: {  	v7 =	vmul.f32 $1.442695020e+00, v3  }
0x46: {  	v5 =	vsub.f32 v5, v6;
	v6 =	vmul.f32 $1.442695020e+00, v4  }
0x47: {  	(erf) = vpow2.f32 v7  }
0x48: {  	v7 =	vmul.f32 $1.442695020e+00, v5;
	(erf) = vpow2.f32 v6;
	_ =	sdelay $0x1  }
0x49: {  	(erf) = vpow2.f32 v7;
	_ =	sdelay $0x5  }
0x4a: {  	v6 =	vpop (erf)  }
0x4b: {  	v7 =	vpop (erf)  }
0x4c: {  	v8 =	vadd.f32 v7, v6  }
0x4d: {  	v9 =	vpop (erf)  }
0x4e: {  	v8 =	vadd.f32 v8, v9;
	_ =	sdelay $0x1  }
0x4f: {  	(erf) = vrcp.f32 v8;
	v10 =	vadd.f32 $1.000000000e+00, v8;
	_ =	sdelay $0x1  }
0x50: {  	v11 =	vld [tilespmem:s12+$0x6000];
	(erf) = vrcp.f32 v10;
	_ =	sdelay $0x4  }
0x51: {  	vm1 =	veq.s32 v11, $0x1  }
0x52: {  	vm0 =	veq.s32 v11, $0x0;
	v7 =	vsel vm1, v7, v9  }
0x53: {  	v6 =	vsel vm0, v6, v7;
	v9 =	vpop (erf)  }
0x54: {  	v7 =	vadd.f32 $-1.000000000e+00, v8;
	v6 =	vmul.f32 v9, v6  }
0x55: {  	v8 =	vpop (erf)  }
0x56: {  	v6 =	vsub.f32 $1.000000000e+00, v6;
	v9 =	vmul.f32 v8, v7;
	_ =	sdelay $0x1  }
0x57: {  	v7 =	vmul.f32 $1.000000000e+01, v6;
	v8 =	vmul.f32 v9, v9;
	_ =	sdelay $0x1  }
0x58: {  	v7 =	vtrunc.f32 v7;
	v10 =	vmul.f32 $1.818181870e-01, v8  }
0x59: {  	v7 =	vcvt.f32.s32 v7  }
0x5a: {  	s11 =	simm.s32 $0x200;
	s2 =	simm.s32 $0x40;
	v10 =	vadd.f32 $2.222222240e-01, v10  }
0x5b: {  	s6 =	sand.u32 $0xC00, s11;
	s13 =	sand.u32 $0x1000, s2;
	s15 =	simm.s32 $0x10;
	v11 =	vadd.s32 $0x1, v7  }
0x5c: {  	s6 =	sor.u32 s6, s13;
	s19 =	sand.u32 $0x380, s15;
	v10 =	vmul.f32 v10, v8  }
0x5d: {  	s4 =	sand.u32 $0x40, s2;
	s6 =	sor.u32 s19, s6  }
0x5e: {  	s9 =	sor.u32 s4, s6;
	v10 =	vadd.f32 $2.857142980e-01, v10  }
0x5f: {  	v12 =	vld [tilespmem:s9+$0x0]  }
0x60: {  	v10 =	vmul.f32 v10, v8;
	v11 =	vld.idx.msk [tilespmem:v11+s14+$0x0], $0xffff  }
0x61: {  	v13 =	vld.idx.msk [tilespmem:v7+s14+$0x0], $0xffff  }
0x62: {  	v14 =	vld [tilespmem:s9+$0x2000];
	v10 =	vadd.f32 $4.000000060e-01, v10  }
0x63: {  	v15 =	vld [tilespmem:s9+$0x4000]  }
0x64: {  	v10 =	vmul.f32 v10, v8  }
0x65: {  	vm2 =	vge.f32 v6, v11  }
0x66: {  	vm3 =	vlt.f32 v6, v13;
	v6 =	vsel vm2, $0x1, v2;
	v10 =	vadd.f32 $6.666666860e-01, v10  }
0x67: {  	v11 =	vmax.f32 v12, v14;
	v13 =	vsel vm3, $0xFFFFFFFF, v2;
	v6 =	vadd.s32 v6, v7  }
0x68: {  	v11 =	vmax.f32 v11, v15;
	v7 =	vadd.s32 v13, v6;
	v8 =	vmul.f32 v10, v8  }
0x69: {  	v6 =	vsub.f32 v12, v11;
	vm2 =	vgt.s32 v7, $0x0  }
0x6a: {  	v10 =	vnsel vm2, $0x0, v7;
	v7 =	vsub.f32 v14, v11;
	v12 =	vadd.f32 $2.000000000e+00, v8  }
0x6b: {  	v8 =	vsub.f32 v15, v11;
	v11 =	vmul.f32 $1.442695020e+00, v6  }
0x6c: {  	v4 =	vsel vm1, v4, v5;
	v5 =	vmul.f32 $1.442695020e+00, v7;
	v9 =	vmul.f32 v12, v9  }
0x6d: {  	v3 =	vsel vm0, v3, v4;
	(erf) = vpow2.f32 v11  }
0x6e: {  	v4 =	vmul.f32 $1.442695020e+00, v8;
	(erf) = vpow2.f32 v5;
	v3 =	vsub.f32 v3, v9  }
0x6f: {  	[tilespmem:v10+s24+$0x0] =	vst.idx.add.f32.msk $0xffff, v1  }
0x70: {  	(erf) = vpow2.f32 v4;
	[tilespmem:v10+s25+$0x0] =	vst.idx.add.f32.msk $0xffff, v3  }
0x71: {  	v3 =	vld [tilespmem:s12+$0x10]  }
0x72: {  	v4 =	vld [tilespmem:s12+$0x2010]  }
0x73: {  	v5 =	vld [tilespmem:s12+$0x4010];
	_ =	sdelay $0x2  }
0x74: {  	v9 =	vpop (erf)  }
0x75: {  	v11 =	vmax.f32 v3, v4;
	v10 =	vpop (erf)  }
0x76: {  	v11 =	vmax.f32 v11, v5;
	v12 =	vadd.f32 v10, v9  }
0x77: {  	v13 =	vpop (erf);
	v14 =	vsub.f32 v3, v11  }
0x78: {  	v4 =	vsub.f32 v4, v11;
	v3 =	vadd.f32 v12, v13  }
0x79: {  	v12 =	vmul.f32 $1.442695020e+00, v14  }
0x7a: {  	v5 =	vsub.f32 v5, v11;
	v11 =	vmul.f32 $1.442695020e+00, v4;
	(erf) = vrcp.f32 v3  }
0x7b: {  	(erf) = vpow2.f32 v12  }
0x7c: {  	v12 =	vmul.f32 $1.442695020e+00, v5;
	(erf) = vpow2.f32 v11;
	_ =	sdelay $0x1  }
0x7d: {  	(erf) = vpow2.f32 v12;
	_ =	sdelay $0x4  }
0x7e: {  	v11 =	vpop (erf)  }
0x7f: {  	v12 =	vpop (erf)  }
0x80: {  	v15 =	vpop (erf)  }
0x81: {  	v16 =	vadd.f32 v15, v12  }
0x82: {  	v18 =	vpop (erf)  }
0x83: {  	v17 =	vadd.f32 $1.000000000e+00, v3;
	v16 =	vadd.f32 v16, v18;
	_ =	sdelay $0x1  }
0x84: {  	(erf) = vrcp.f32 v17;
	v17 =	vadd.f32 $1.000000000e+00, v16  }
0x85: {  	(erf) = vrcp.f32 v16  }
0x86: {  	(erf) = vrcp.f32 v17;
	v17 =	vld [tilespmem:s12+$0x6010];
	_ =	sdelay $0x4  }
0x87: {  	vm3 =	veq.s32 v17, $0x1  }
0x88: {  	v15 =	vsel vm3, v15, v18  }
0x89: {  	v19 =	vld [tilespmem:s9+$0x6000]  }
0x8a: {  	v20 =	vpop (erf);
	vm2 =	veq.s32 v17, $0x0  }
0x8b: {  	v12 =	vsel vm2, v12, v15;
	v15 =	vpop (erf)  }
0x8c: {  	v12 =	vmul.f32 v15, v12;
	v15 =	vadd.f32 $-1.000000000e+00, v16  }
0x8d: {  	v16 =	vpop (erf)  }
0x8e: {  	vm0 =	veq.s32 v19, $0x1;
	v15 =	vmul.f32 v16, v15;
	v12 =	vsub.f32 $1.000000000e+00, v12  }
0x8f: {  	vm1 =	veq.s32 v19, $0x0;
	v10 =	vsel vm0, v10, v13  }
0x90: {  	v9 =	vsel vm1, v9, v10;
	v10 =	vmul.f32 v15, v15;
	v13 =	vmul.f32 $1.000000000e+01, v12  }
0x91: {  	v9 =	vmul.f32 v11, v9  }
0x92: {  	v11 =	vmul.f32 $1.818181870e-01, v10;
	v13 =	vtrunc.f32 v13  }
0x93: {  	v3 =	vadd.f32 $-1.000000000e+00, v3;
	v9 =	vsub.f32 $1.000000000e+00, v9;
	v13 =	vcvt.f32.s32 v13  }
0x94: {  	v11 =	vadd.f32 $2.222222240e-01, v11  }
0x95: {  	v17 =	vmul.f32 $1.000000000e+01, v9;
	v16 =	vmul.f32 v20, v3;
	v3 =	vadd.s32 $0x1, v13  }
0x96: {  	v11 =	vmul.f32 v11, v10  }
0x97: {  	v17 =	vtrunc.f32 v17;
	v18 =	vmul.f32 v16, v16  }
0x98: {  	v17 =	vcvt.f32.s32 v17;
	v11 =	vadd.f32 $2.857142980e-01, v11  }
0x99: {  	v19 =	vmul.f32 $1.818181870e-01, v18  }
0x9a: {  	s13 =	simm.s32 $0x400;
	s2 =	simm.s32 $0x80;
	v3 =	vld.idx.msk [tilespmem:v3+s14+$0x0], $0xffff;
	v11 =	vmul.f32 v11, v10  }
0x9b: {  	s11 =	simm.s32 $0x20;
	s15 =	sand.u32 $0x1000, s2;
	s6 =	sand.u32 $0xC00, s13;
	v19 =	vadd.f32 $2.222222240e-01, v19;
	v20 =	vld.idx.msk [tilespmem:v13+s14+$0x0], $0xffff  }
0x9c: {  	s19 =	sand.u32 $0x380, s11;
	s6 =	sor.u32 s6, s15;
	v11 =	vadd.f32 $4.000000060e-01, v11  }
0x9d: {  	s4 =	sand.u32 $0x40, s2;
	s6 =	sor.u32 s19, s6;
	v21 =	vadd.s32 $0x1, v17;
	v19 =	vmul.f32 v19, v18  }
0x9e: {  	s10 =	sor.u32 s4, s6;
	v24 =	vld.idx.msk [tilespmem:v17+s14+$0x0], $0xffff;
	v11 =	vmul.f32 v11, v10  }
0x9f: {  	v22 =	vld [tilespmem:s10+$0x0];
	v19 =	vadd.f32 $2.857142980e-01, v19;
	vm4 =	vge.f32 v12, v3  }
0xa0: {  	v23 =	vld [tilespmem:s10+$0x2000];
	v3 =	vadd.f32 $6.666666860e-01, v11;
	v11 =	vsel vm4, $0x1, v2;
	vm4 =	vlt.f32 v12, v20  }
0xa1: {  	v25 =	vld [tilespmem:s10+$0x4000];
	v11 =	vadd.s32 v11, v13;
	v13 =	vsel vm4, $0xFFFFFFFF, v2  }
0xa2: {  	v12 =	vmul.f32 v19, v18;
	v19 =	vld.idx.msk [tilespmem:v21+s14+$0x0], $0xffff;
	v3 =	vmul.f32 v3, v10;
	v10 =	vadd.s32 v13, v11  }
0xa3: {  	v5 =	vsel vm3, v4, v5;
	vm5 =	vlt.f32 v9, v24;
	vm4 =	vgt.s32 v10, $0x0  }
0xa4: {  	v12 =	vadd.f32 $4.000000060e-01, v12;
	v13 =	vadd.f32 $2.000000000e+00, v3;
	v10 =	vnsel vm4, $0x0, v10  }
0xa5: {  	v5 =	vsel vm2, v14, v5;
	v20 =	vsel vm5, $0xFFFFFFFF, v2;
	v11 =	vmax.f32 v22, v23  }
0xa6: {  	v11 =	vmax.f32 v11, v25;
	v12 =	vmul.f32 v12, v18;
	v13 =	vmul.f32 v13, v15  }
0xa7: {  	v3 =	vsub.f32 v22, v11;
	v4 =	vsub.f32 v23, v11;
	vm3 =	vge.f32 v9, v19  }
0xa8: {  	v9 =	vadd.f32 $6.666666860e-01, v12;
	v14 =	vsel vm3, $0x1, v2;
	v13 =	vsub.f32 v5, v13  }
0xa9: {  	v12 =	vmul.f32 $1.442695020e+00, v3;
	v14 =	vadd.s32 v14, v17;
	v5 =	vsub.f32 v25, v11;
	[tilespmem:v10+s26+$0x0] =	vst.idx.add.f32.msk $0xffff, v1  }
0xaa: {  	v11 =	vmul.f32 $1.442695020e+00, v4;
	v9 =	vmul.f32 v9, v18;
	[tilespmem:v10+s28+$0x0] =	vst.idx.add.f32.msk $0xffff, v13;
	v10 =	vadd.s32 v20, v14  }
0xab: {  	(erf) = vpow2.f32 v12;
	v12 =	vmul.f32 $1.442695020e+00, v5;
	vm2 =	vgt.s32 v10, $0x0  }
0xac: {  	(erf) = vpow2.f32 v11;
	v9 =	vadd.f32 $2.000000000e+00, v9;
	v11 =	vld [tilespmem:s12+$0x20];
	v10 =	vnsel vm2, $0x0, v10  }
0xad: {  	v13 =	vld [tilespmem:s12+$0x2020]  }
0xae: {  	v7 =	vsel vm0, v7, v8;
	(erf) = vpow2.f32 v12;
	v12 =	vld [tilespmem:s12+$0x4020];
	v8 =	vmul.f32 v9, v16  }
0xaf: {  	v6 =	vsel vm1, v6, v7  }
0xb0: {  	v6 =	vsub.f32 v6, v8  }
0xb1: {  	[tilespmem:v10+s24+$0x0] =	vst.idx.add.f32.msk $0xffff, v1  }
0xb2: {  	v7 =	vmax.f32 v11, v13;
	[tilespmem:v10+s25+$0x0] =	vst.idx.add.f32.msk $0xffff, v6  }
0xb3: {  	v7 =	vmax.f32 v7, v12;
	v8 =	vld [tilespmem:s9+$0x10]  }
0xb4: {  	v14 =	vpop (erf);
	v6 =	vsub.f32 v11, v7;
	v10 =	vsub.f32 v13, v7;
	v13 =	vld [tilespmem:s9+$0x2010]  }
0xb5: {  	v15 =	vpop (erf);
	v17 =	vld [tilespmem:s9+$0x4010]  }
0xb6: {  	v9 =	vadd.f32 v15, v14;
	v16 =	vmul.f32 $1.442695020e+00, v6  }
0xb7: {  	v11 =	vsub.f32 v12, v7;
	v7 =	vmul.f32 $1.442695020e+00, v10;
	v18 =	vpop (erf)  }
0xb8: {  	v12 =	vadd.f32 v9, v18;
	(erf) = vpow2.f32 v16  }
0xb9: {  	v9 =	vmul.f32 $1.442695020e+00, v11;
	(erf) = vpow2.f32 v7;
	v7 =	vmax.f32 v8, v13  }
0xba: {  	(erf) = vrcp.f32 v12;
	v16 =	vmax.f32 v7, v17  }
0xbb: {  	(erf) = vpow2.f32 v9;
	v9 =	vsub.f32 v8, v16  }
0xbc: {  	v7 =	vsub.f32 v13, v16  }
0xbd: {  	v13 =	vmul.f32 $1.442695020e+00, v9  }
0xbe: {  	v8 =	vsub.f32 v17, v16;
	v16 =	vmul.f32 $1.442695020e+00, v7;
	_ =	sdelay $0x1  }
0xbf: {  	v17 =	vmul.f32 $1.442695020e+00, v8  }
0xc0: {  	(erf) = vpow2.f32 v13;
	v13 =	vpop (erf)  }
0xc1: {  	(erf) = vpow2.f32 v16;
	v16 =	vpop (erf)  }
0xc2: {  	v19 =	vpop (erf);
	v20 =	vadd.f32 v16, v13  }
0xc3: {  	(erf) = vpow2.f32 v17;
	v17 =	vpop (erf)  }
0xc4: {  	v21 =	vadd.f32 $1.000000000e+00, v12;
	v20 =	vadd.f32 v20, v17;
	_ =	sdelay $0x1  }
0xc5: {  	(erf) = vrcp.f32 v21;
	v21 =	vadd.f32 $1.000000000e+00, v20;
	_ =	sdelay $0x2  }
0xc6: {  	v22 =	vld [tilespmem:s10+$0x6000];
	(erf) = vrcp.f32 v20  }
0xc7: {  	v23 =	vld [tilespmem:s12+$0x6020];
	(erf) = vrcp.f32 v21;
	v21 =	vpop (erf)  }
0xc8: {  	v24 =	vpop (erf)  }
0xc9: {  	v25 =	vadd.f32 v24, v21  }
0xca: {  	v26 =	vpop (erf)  }
0xcb: {  	vm1 =	veq.s32 v22, $0x1;
	vm0 =	veq.s32 v22, $0x0;
	v22 =	vadd.f32 v25, v26  }
0xcc: {  	vm5 =	veq.s32 v23, $0x1  }
0xcd: {  	v16 =	vsel vm5, v16, v17;
	v17 =	vadd.f32 $1.000000000e+00, v22;
	_ =	sdelay $0x1  }
0xce: {  	vm4 =	veq.s32 v23, $0x0;
	v15 =	vsel vm1, v15, v18;
	v18 =	vpop (erf);
	(erf) = vrcp.f32 v22  }
0xcf: {  	v14 =	vsel vm0, v14, v15;
	v13 =	vsel vm4, v13, v16;
	v15 =	vadd.f32 $-1.000000000e+00, v20;
	v16 =	vpop (erf)  }
0xd0: {  	v13 =	vmul.f32 v16, v13;
	v16 =	vld [tilespmem:s9+$0x6010];
	(erf) = vrcp.f32 v17;
	v17 =	vpop (erf)  }
0xd1: {  	v15 =	vmul.f32 v17, v15  }
0xd2: {  	v14 =	vmul.f32 v19, v14;
	v13 =	vsub.f32 $1.000000000e+00, v13  }
0xd3: {  	v12 =	vadd.f32 $-1.000000000e+00, v12;
	v19 =	vmul.f32 v15, v15  }
0xd4: {  	v14 =	vsub.f32 $1.000000000e+00, v14;
	v17 =	vmul.f32 $1.000000000e+01, v13  }
0xd5: {  	v12 =	vmul.f32 v18, v12;
	vm3 =	veq.s32 v16, $0x1;
	v20 =	vmul.f32 $1.818181870e-01, v19  }
0xd6: {  	vm2 =	veq.s32 v16, $0x0;
	v16 =	vsel vm3, v24, v26;
	v17 =	vtrunc.f32 v17  }
0xd7: {  	v16 =	vsel vm2, v21, v16;
	v17 =	vcvt.f32.s32 v17;
	v21 =	vpop (erf);
	v20 =	vadd.f32 $2.222222240e-01, v20  }
0xd8: {  	v18 =	vmul.f32 $1.000000000e+01, v14;
	v16 =	vmul.f32 v21, v16;
	v21 =	vadd.f32 $-1.000000000e+00, v22  }
0xd9: {  	v23 =	vmul.f32 v12, v12;
	v22 =	vadd.s32 $0x1, v17;
	v25 =	vpop (erf);
	v20 =	vmul.f32 v20, v19  }
0xda: {  	v18 =	vtrunc.f32 v18;
	v21 =	vmul.f32 v25, v21;
	v16 =	vsub.f32 $1.000000000e+00, v16  }
0xdb: {  	v18 =	vcvt.f32.s32 v18;
	v24 =	vmul.f32 $1.818181870e-01, v23;
	v20 =	vadd.f32 $2.857142980e-01, v20  }
0xdc: {  	v25 =	vmul.f32 v21, v21;
	v26 =	vmul.f32 $1.000000000e+01, v16  }
0xdd: {  	v24 =	vadd.f32 $2.222222240e-01, v24;
	v20 =	vmul.f32 v20, v19  }
0xde: {  	v29 =	vadd.s32 $0x1, v18;
	v22 =	vld.idx.msk [tilespmem:v22+s14+$0x0], $0xffff;
	v27 =	vmul.f32 $1.818181870e-01, v25;
	v26 =	vtrunc.f32 v26  }
0xdf: {  	v24 =	vmul.f32 v24, v23;
	v28 =	vld.idx.msk [tilespmem:v17+s14+$0x0], $0xffff;
	v26 =	vcvt.f32.s32 v26;
	v20 =	vadd.f32 $4.000000060e-01, v20  }
0xe0: {  	v27 =	vadd.f32 $2.222222240e-01, v27  }
0xe1: {  	v24 =	vadd.f32 $2.857142980e-01, v24;
	v32 =	vadd.s32 $0x1, v26;
	v20 =	vmul.f32 v20, v19  }
0xe2: {  	v10 =	vsel vm5, v10, v11;
	v33 =	vld.idx.msk [tilespmem:v18+s14+$0x0], $0xffff;
	v27 =	vmul.f32 v27, v25  }
0xe3: {  	v24 =	vmul.f32 v24, v23;
	vm6 =	vge.f32 v13, v22;
	v20 =	vadd.f32 $6.666666860e-01, v20  }
0xe4: {  	s13 =	simm.s32 $0x600;
	s4 =	simm.s32 $0xC0;
	vm13 =	vlt.f32 v13, v28;
	v13 =	vld.idx.msk [tilespmem:v29+s14+$0x0], $0xffff;
	v22 =	vsel vm6, $0x1, v2;
	v27 =	vadd.f32 $2.857142980e-01, v27  }
0xe5: {  	s15 =	sand.u32 $0xC00, s13;
	s6 =	simm.s32 $0x30;
	s2 =	sand.u32 $0x1000, s4;
	v17 =	vadd.s32 v22, v17;
	v22 =	vsel vm13, $0xFFFFFFFF, v2;
	v19 =	vmul.f32 v20, v19  }
0xe6: {  	s19 =	sand.u32 $0x380, s6;
	s11 =	sor.u32 s15, s2;
	v17 =	vadd.s32 v22, v17;
	v22 =	vadd.f32 $4.000000060e-01, v24;
	v24 =	vmul.f32 v27, v25;
	v20 =	vld.idx.msk [tilespmem:v32+s14+$0x0], $0xffff  }
0xe7: {  	s4 =	sand.u32 $0x40, s4;
	s11 =	sor.u32 s19, s11;
	v6 =	vsel vm4, v6, v10;
	vm7 =	vlt.f32 v14, v33;
	v27 =	vld.idx.msk [tilespmem:v26+s14+$0x0], $0xffff;
	v19 =	vadd.f32 $2.000000000e+00, v19  }
0xe8: {  	s11 =	sor.u32 s4, s11;
	v29 =	vsel vm7, $0xFFFFFFFF, v2;
	vm14 =	vgt.s32 v17, $0x0;
	v24 =	vadd.f32 $4.000000060e-01, v24  }
0xe9: {  	v30 =	vld [tilespmem:s11+$0x0];
	v17 =	vnsel vm14, $0x0, v17;
	vm15 =	vge.f32 v14, v13;
	v11 =	vmul.f32 v19, v15  }
0xea: {  	v31 =	vld [tilespmem:s11+$0x2000];
	v22 =	vmul.f32 v22, v23;
	v14 =	vsel vm15, $0x1, v2;
	v15 =	vmul.f32 v24, v25  }
0xeb: {  	v10 =	vadd.s32 v14, v18;
	vm4 =	vge.f32 v16, v20;
	v6 =	vsub.f32 v6, v11  }
0xec: {  	v13 =	vld [tilespmem:s11+$0x4000];
	v11 =	vadd.f32 $6.666666860e-01, v15;
	v14 =	vsel vm4, $0x1, v2;
	vm4 =	vlt.f32 v16, v27  }
0xed: {  	v10 =	vadd.s32 v29, v10;
	v14 =	vadd.s32 v14, v26;
	v15 =	vsel vm4, $0xFFFFFFFF, v2  }
0xee: {  	vm4 =	vgt.s32 v10, $0x0;
	v11 =	vmul.f32 v11, v25;
	v14 =	vadd.s32 v15, v14  }
0xef: {  	v28 =	vmax.f32 v30, v31;
	[tilespmem:v17+s29+$0x0] =	vst.idx.add.f32.msk $0xffff, v1;
	v10 =	vnsel vm4, $0x0, v10;
	vm4 =	vgt.s32 v14, $0x0  }
0xf0: {  	[tilespmem:v17+s30+$0x0] =	vst.idx.add.f32.msk $0xffff, v6;
	v17 =	vadd.f32 $6.666666860e-01, v22;
	v11 =	vadd.f32 $2.000000000e+00, v11;
	v14 =	vnsel vm4, $0x0, v14  }
0xf1: {  	v20 =	vsel vm3, v7, v8;
	v15 =	vmax.f32 v28, v13;
	v16 =	vld [tilespmem:s12+$0x30]  }
0xf2: {  	v18 =	vld [tilespmem:s12+$0x2030];
	v6 =	vsub.f32 v30, v15;
	v17 =	vmul.f32 v17, v23;
	v11 =	vmul.f32 v11, v21  }
0xf3: {  	v9 =	vsel vm2, v9, v20;
	v19 =	vld [tilespmem:s12+$0x4030];
	v7 =	vsub.f32 v13, v15;
	v8 =	vsub.f32 v31, v15  }
0xf4: {  	v13 =	vmul.f32 $1.442695020e+00, v6;
	v15 =	vadd.f32 $2.000000000e+00, v17;
	[tilespmem:v10+s24+$0x0] =	vst.idx.add.f32.msk $0xffff, v1;
	v9 =	vsub.f32 v9, v11  }
0xf5: {  	v4 =	vsel vm1, v4, v5;
	v5 =	vmul.f32 $1.442695020e+00, v8;
	[tilespmem:v14+s26+$0x0] =	vst.idx.add.f32.msk $0xffff, v1  }
0xf6: {  	v4 =	vsel vm0, v3, v4;
	(erf) = vpow2.f32 v13;
	v12 =	vmul.f32 v15, v12;
	[tilespmem:v14+s28+$0x0] =	vst.idx.add.f32.msk $0xffff, v9  }
0xf7: {  	v11 =	vmul.f32 $1.442695020e+00, v7;
	v17 =	vmax.f32 v16, v18;
	(erf) = vpow2.f32 v5;
	v13 =	vld [tilespmem:s9+$0x20]  }
0xf8: {  	v9 =	vmax.f32 v17, v19;
	v5 =	vsub.f32 v4, v12;
	v12 =	vld [tilespmem:s9+$0x2020]  }
0xf9: {  	(erf) = vpow2.f32 v11;
	v3 =	vsub.f32 v16, v9;
	v11 =	vld [tilespmem:s9+$0x4020]  }
0xfa: {  	v4 =	vsub.f32 v18, v9;
	[tilespmem:v10+s25+$0x0] =	vst.idx.add.f32.msk $0xffff, v5  }
0xfb: {  	v14 =	vmul.f32 $1.442695020e+00, v3;
	v10 =	vld [tilespmem:s10+$0x10]  }
0xfc: {  	v5 =	vsub.f32 v19, v9;
	v9 =	vmul.f32 $1.442695020e+00, v4;
	v16 =	vld [tilespmem:s10+$0x2010]  }
0xfd: {  	v18 =	vld [tilespmem:s10+$0x4010];
	(erf) = vpow2.f32 v14  }
0xfe: {  	v14 =	vmul.f32 $1.442695020e+00, v5;
	(erf) = vpow2.f32 v9;
	v9 =	vmax.f32 v13, v12  }
0xff: {  	v19 =	vpop (erf);
	v9 =	vmax.f32 v9, v11  }
0x100: {  	(erf) = vpow2.f32 v14;
	v20 =	vpop (erf);
	v14 =	vsub.f32 v13, v9;
	v15 =	vsub.f32 v12, v9  }
0x101: {  	v12 =	vadd.f32 v20, v19;
	v13 =	vmax.f32 v10, v16;
	v17 =	vsub.f32 v11, v9  }
0x102: {  	v13 =	vmax.f32 v13, v18;
	v21 =	vmul.f32 $1.442695020e+00, v14;
	v9 =	vmul.f32 $1.442695020e+00, v15  }
0x103: {  	v22 =	vpop (erf);
	v11 =	vsub.f32 v10, v13  }
0x104: {  	v24 =	vadd.f32 v12, v22;
	v10 =	vmul.f32 $1.442695020e+00, v17;
	(erf) = vpow2.f32 v21  }
0x105: {  	v12 =	vsub.f32 v16, v13;
	v16 =	vmul.f32 $1.442695020e+00, v11;
	(erf) = vpow2.f32 v9  }
0x106: {  	v9 =	vpop (erf);
	(erf) = vrcp.f32 v24  }
0x107: {  	v13 =	vsub.f32 v18, v13;
	v21 =	vmul.f32 $1.442695020e+00, v12;
	v28 =	vpop (erf);
	(erf) = vpow2.f32 v10  }
0x108: {  	v10 =	vadd.f32 v28, v9;
	(erf) = vpow2.f32 v16  }
0x109: {  	v18 =	vld [tilespmem:s11+$0x6000];
	v16 =	vpop (erf);
	(erf) = vpow2.f32 v21;
	v21 =	vmul.f32 $1.442695020e+00, v13  }
0x10a: {  	v23 =	vadd.f32 $1.000000000e+00, v24;
	v10 =	vadd.f32 v10, v16;
	_ =	sdelay $0x1  }
0x10b: {  	(erf) = vrcp.f32 v10  }
0x10c: {  	v29 =	vld [tilespmem:s12+$0x6030];
	v25 =	vadd.f32 $1.000000000e+00, v10;
	(erf) = vpow2.f32 v21;
	v21 =	vpop (erf)  }
0x10d: {  	vm3 =	veq.s32 v18, $0x1;
	(erf) = vrcp.f32 v23;
	v23 =	vpop (erf)  }
0x10e: {  	vm2 =	veq.s32 v18, $0x0;
	v18 =	vsel vm3, v20, v22;
	v22 =	vpop (erf);
	(erf) = vrcp.f32 v25;
	_ =	sdelay $0x1  }
0x10f: {  	v27 =	vadd.f32 v23, v21  }
0x110: {  	vm0 =	veq.s32 v29, $0x1;
	v26 =	vpop (erf)  }
0x111: {  	v18 =	vsel vm2, v19, v18;
	v25 =	vadd.f32 $-1.000000000e+00, v24;
	v20 =	vpop (erf);
	v24 =	vadd.f32 v27, v26  }
0x112: {  	s4 =	simm.s32 $0x100;
	s12 =	sshll.u32 s8, $0x1;
	vm1 =	veq.s32 v29, $0x0;
	v16 =	vsel vm0, v28, v16;
	v27 =	vmul.f32 v22, v18;
	v22 =	vpop (erf)  }
.LBB2_3:
0x113: {  	p0 =	sne.s32 s4, $0x1FC0;
	v18 =	vadd.f32 v22, v20;
	(erf) = vrcp.f32 v24;
	v29 =	vsel vm1, v9, v16;
	v19 =	vpop (erf)  }
0x114: {  	v28 =	vadd.f32 $1.000000000e+00, v24;
	v16 =	vsub.f32 $1.000000000e+00, v27;
	v27 =	vpop (erf);
	v30 =	vmul.f32 v19, v29  }
0x115: {  	v10 =	vadd.f32 $-1.000000000e+00, v10;
	v9 =	vpop (erf);
	v29 =	vadd.f32 v18, v27;
	v18 =	vld [tilespmem:s9+$0x6020]  }
0x116: {  	v9 =	vmul.f32 v9, v25;
	(erf) = vrcp.f32 v28;
	v25 =	vsub.f32 $1.000000000e+00, v30;
	v19 =	vpop (erf)  }
0x117: {  	v28 =	vmul.f32 $1.000000000e+01, v16;
	v30 =	vadd.f32 $1.000000000e+00, v29;
	v31 =	vmul.f32 v19, v10  }
0x118: {  	(erf) = vrcp.f32 v29;
	v10 =	vmul.f32 $1.000000000e+01, v25  }
0x119: {  	(erf) = vrcp.f32 v30;
	v30 =	vmul.f32 v31, v31  }
0x11a: {  	v19 =	vld [tilespmem:s10+$0x6010];
	vm6 =	veq.s32 v18, $0x0;
	vm7 =	veq.s32 v18, $0x1;
	v10 =	vtrunc.f32 v10  }
0x11b: {  	v18 =	vsel vm7, v23, v26;
	v23 =	vmul.f32 $1.818181870e-01, v30;
	v26 =	vcvt.f32.s32 v10  }
0x11c: {  	v28 =	vtrunc.f32 v28;
	v10 =	vmul.f32 v9, v9;
	v18 =	vsel vm6, v21, v18;
	v21 =	vpop (erf)  }
0x11d: {  	v21 =	vmul.f32 v21, v18;
	v23 =	vadd.f32 $2.222222240e-01, v23;
	v32 =	vadd.s32 $0x1, v26  }
0x11e: {  	v24 =	vadd.f32 $-1.000000000e+00, v24;
	v33 =	vmul.f32 $1.818181870e-01, v10;
	v18 =	vcvt.f32.s32 v28  }
0x11f: {  	vm5 =	veq.s32 v19, $0x1;
	v21 =	vsub.f32 $1.000000000e+00, v21;
	v28 =	vpop (erf);
	v23 =	vmul.f32 v23, v30  }
0x120: {  	vm4 =	veq.s32 v19, $0x0;
	v34 =	vsel vm5, v22, v27;
	v22 =	vmul.f32 v28, v24  }
0x121: {  	v28 =	vsel vm4, v20, v34;
	v20 =	vpop (erf);
	v24 =	vmul.f32 $1.000000000e+01, v21;
	v23 =	vadd.f32 $2.857142980e-01, v23  }
0x122: {  	v27 =	vadd.f32 $2.222222240e-01, v33;
	v20 =	vmul.f32 v20, v28;
	v19 =	vpop (erf);
	v28 =	vmul.f32 v22, v22;
	v32 =	vld.idx.msk [tilespmem:v32+s14+$0x0], $0xffff  }
0x123: {  	s13 =	sadd.s32 $0x200, s13;
	v29 =	vadd.f32 $-1.000000000e+00, v29;
	v24 =	vtrunc.f32 v24;
	v23 =	vmul.f32 v23, v30;
	v33 =	vld.idx.msk [tilespmem:v26+s14+$0x0], $0xffff  }
0x124: {  	s15 =	sand.u32 $0x1000, s4;
	s6 =	sadd.s32 $0x10, s6;
	s2 =	sand.u32 $0xC00, s13;
	v34 =	vadd.s32 $0x1, v18;
	v35 =	vmul.f32 $1.818181870e-01, v28;
	v24 =	vcvt.f32.s32 v24  }
0x125: {  	s2 =	sor.u32 s2, s15;
	s15 =	sand.u32 $0x380, s6;
	v27 =	vmul.f32 v27, v10;
	v19 =	vmul.f32 v19, v29;
	v23 =	vadd.f32 $4.000000060e-01, v23  }
0x126: {  	s19 =	sand.u32 $0x40, s4;
	s2 =	sor.u32 s15, s2;
	v20 =	vsub.f32 $1.000000000e+00, v20;
	v29 =	vadd.f32 $2.222222240e-01, v35;
	v35 =	vadd.s32 $0x1, v24  }
0x127: {  	s15 =	sor.u32 s19, s2;
	v27 =	vadd.f32 $2.857142980e-01, v27;
	v36 =	vmul.f32 v19, v19;
	v23 =	vmul.f32 v23, v30  }
0x128: {  	v38 =	vmul.f32 $1.000000000e+01, v20;
	vm8 =	vge.f32 v25, v32;
	v37 =	vld [tilespmem:s15+$0x0];
	v29 =	vmul.f32 v29, v28  }
0x129: {  	v39 =	vsel vm8, $0x1, v2;
	vm8 =	vlt.f32 v25, v33;
	v32 =	vld [tilespmem:s15+$0x2000];
	v23 =	vadd.f32 $6.666666860e-01, v23  }
0x12a: {  	v26 =	vadd.s32 v39, v26;
	v25 =	vadd.f32 $2.857142980e-01, v29;
	v29 =	vsel vm8, $0xFFFFFFFF, v2  }
0x12b: {  	v33 =	vmul.f32 $1.818181870e-01, v36;
	v35 =	vld.idx.msk [tilespmem:v35+s14+$0x0], $0xffff;
	v23 =	vmul.f32 v23, v30;
	v26 =	vadd.s32 v29, v26  }
0x12c: {  	v29 =	vtrunc.f32 v38;
	v25 =	vmul.f32 v25, v28;
	v30 =	vld.idx.msk [tilespmem:v24+s14+$0x0], $0xffff;
	vm8 =	vgt.s32 v26, $0x0  }
0x12d: {  	v29 =	vcvt.f32.s32 v29;
	v23 =	vadd.f32 $2.000000000e+00, v23;
	v26 =	vnsel vm8, $0x0, v26  }
0x12e: {  	v33 =	vadd.f32 $2.222222240e-01, v33;
	v38 =	vmax.f32 v37, v32;
	v25 =	vadd.f32 $4.000000060e-01, v25  }
0x12f: {  	v4 =	vsel vm0, v4, v5;
	v40 =	vadd.s32 $0x1, v29;
	v39 =	vld [tilespmem:s15+$0x4000];
	v5 =	vmul.f32 v23, v31  }
0x130: {  	v3 =	vsel vm1, v3, v4;
	v23 =	vmul.f32 v27, v10;
	v27 =	vld.idx.msk [tilespmem:v18+s14+$0x0], $0xffff;
	v25 =	vmul.f32 v25, v28  }
0x131: {  	v31 =	vmul.f32 v33, v36;
	vm0 =	vge.f32 v21, v35;
	v4 =	vld.idx.msk [tilespmem:v34+s14+$0x0], $0xffff;
	v3 =	vsub.f32 v3, v5  }
0x132: {  	v5 =	vadd.f32 $6.666666860e-01, v25;
	v25 =	vsel vm0, $0x1, v2;
	vm0 =	vlt.f32 v21, v30;
	[tilespmem:v26+s31+$0x0] =	vst.idx.add.f32.msk $0xffff, v1  }
0x133: {  	v21 =	vadd.f32 $2.857142980e-01, v31;
	v24 =	vadd.s32 v25, v24;
	v25 =	vsel vm0, $0xFFFFFFFF, v2;
	[tilespmem:v26+s0+$0x0] =	vst.idx.add.f32.msk $0xffff, v3  }
0x134: {  	v3 =	vmax.f32 v38, v39;
	v26 =	vld.idx.msk [tilespmem:v40+s14+$0x0], $0xffff;
	v5 =	vmul.f32 v5, v28;
	v24 =	vadd.s32 v25, v24  }
0x135: {  	v23 =	vadd.f32 $4.000000060e-01, v23;
	v21 =	vmul.f32 v21, v36;
	v25 =	vld.idx.msk [tilespmem:v29+s14+$0x0], $0xffff;
	vm0 =	vgt.s32 v24, $0x0  }
0x136: {  	vm1 =	vlt.f32 v16, v27;
	v5 =	vadd.f32 $2.000000000e+00, v5;
	v24 =	vnsel vm0, $0x0, v24  }
0x137: {  	v23 =	vmul.f32 v23, v10;
	v27 =	vsel vm1, $0xFFFFFFFF, v2;
	v21 =	vadd.f32 $4.000000060e-01, v21  }
0x138: {  	vm0 =	vge.f32 v16, v4;
	v4 =	vsel vm7, v15, v17;
	v5 =	vmul.f32 v5, v22  }
0x139: {  	v15 =	vsel vm0, $0x1, v2;
	v4 =	vsel vm6, v14, v4;
	v16 =	vmul.f32 v21, v36  }
0x13a: {  	v14 =	vadd.s32 v15, v18;
	vm0 =	vge.f32 v20, v26;
	v4 =	vsub.f32 v4, v5  }
0x13b: {  	v5 =	vadd.f32 $6.666666860e-01, v16;
	v15 =	vsel vm0, $0x1, v2;
	vm0 =	vlt.f32 v20, v25;
	[tilespmem:v24+s29+$0x0] =	vst.idx.add.f32.msk $0xffff, v1  }
0x13c: {  	v14 =	vadd.s32 v27, v14;
	v15 =	vadd.s32 v15, v29;
	v16 =	vsel vm0, $0xFFFFFFFF, v2;
	[tilespmem:v24+s30+$0x0] =	vst.idx.add.f32.msk $0xffff, v4  }
0x13d: {  	vm0 =	vgt.s32 v14, $0x0;
	v4 =	vmul.f32 v5, v36;
	v5 =	vadd.s32 v16, v15;
	v15 =	vld [tilespmem:s9+$0x30]  }
0x13e: {  	v16 =	vsub.f32 v39, v3;
	v14 =	vnsel vm0, $0x0, v14;
	vm0 =	vgt.s32 v5, $0x0;
	v17 =	vld [tilespmem:s9+$0x2030]  }
0x13f: {  	v18 =	vadd.f32 $6.666666860e-01, v23;
	v4 =	vadd.f32 $2.000000000e+00, v4;
	v5 =	vnsel vm0, $0x0, v5;
	v20 =	vld [tilespmem:s9+$0x4030]  }
0x140: {  	v21 =	vsub.f32 v37, v3;
	v3 =	vsub.f32 v32, v3  }
0x141: {  	v12 =	vsel vm5, v12, v13;
	v10 =	vmul.f32 v18, v10;
	v4 =	vmul.f32 v4, v19  }
0x142: {  	v11 =	vsel vm4, v11, v12;
	v13 =	vmul.f32 $1.442695020e+00, v21;
	v18 =	vsel vm3, v8, v7;
	v7 =	vmovc v16;
	v8 =	vmovc v3  }
0x143: {  	v3 =	vadd.f32 $2.000000000e+00, v10;
	v4 =	vsub.f32 v11, v4;
	[tilespmem:v14+s24+$0x0] =	vst.idx.add.f32.msk $0xffff, v1;
	v10 =	vmax.f32 v15, v17  }
0x144: {  	v12 =	vmul.f32 $1.442695020e+00, v7;
	v11 =	vmul.f32 $1.442695020e+00, v8;
	[tilespmem:v5+s26+$0x0] =	vst.idx.add.f32.msk $0xffff, v1;
	v10 =	vmax.f32 v10, v20  }
0x145: {  	v9 =	vmul.f32 v3, v9;
	(erf) = vpow2.f32 v13;
	[tilespmem:v5+s28+$0x0] =	vst.idx.add.f32.msk $0xffff, v4;
	v3 =	vsub.f32 v15, v10  }
0x146: {  	v5 =	vsel vm2, v6, v18;
	v4 =	vsub.f32 v17, v10;
	v6 =	vmovc v21;
	(erf) = vpow2.f32 v11;
	v11 =	vld [tilespmem:s10+$0x20]  }
0x147: {  	v9 =	vsub.f32 v5, v9;
	v13 =	vld [tilespmem:s10+$0x2020];
	v15 =	vmul.f32 $1.442695020e+00, v3  }
0x148: {  	v5 =	vsub.f32 v20, v10;
	v10 =	vmul.f32 $1.442695020e+00, v4;
	(erf) = vpow2.f32 v12;
	v12 =	vld [tilespmem:s10+$0x4020]  }
0x149: {  	[tilespmem:v14+s25+$0x0] =	vst.idx.add.f32.msk $0xffff, v9;
	(erf) = vpow2.f32 v15  }
0x14a: {  	v14 =	vmul.f32 $1.442695020e+00, v5;
	v9 =	vld [tilespmem:s11+$0x10];
	(erf) = vpow2.f32 v10  }
0x14b: {  	v10 =	vld [tilespmem:s11+$0x2010]  }
0x14c: {  	v16 =	vld [tilespmem:s11+$0x4010];
	v15 =	vmax.f32 v11, v13;
	(erf) = vpow2.f32 v14  }
0x14d: {  	v17 =	vmax.f32 v15, v12  }
0x14e: {  	v18 =	vpop (erf);
	v14 =	vsub.f32 v11, v17  }
0x14f: {  	v15 =	vsub.f32 v13, v17;
	v19 =	vpop (erf)  }
0x150: {  	v11 =	vadd.f32 v19, v18;
	v13 =	vmax.f32 v9, v10;
	v20 =	vmul.f32 $1.442695020e+00, v14  }
0x151: {  	v17 =	vsub.f32 v12, v17;
	v21 =	vmul.f32 $1.442695020e+00, v15;
	v22 =	vpop (erf);
	v13 =	vmax.f32 v13, v16  }
0x152: {  	v24 =	vadd.f32 v11, v22;
	v11 =	vsub.f32 v9, v13;
	(erf) = vpow2.f32 v20;
	v9 =	vpop (erf)  }
0x153: {  	v12 =	vsub.f32 v10, v13;
	v10 =	vmul.f32 $1.442695020e+00, v17;
	(erf) = vpow2.f32 v21;
	v28 =	vpop (erf)  }
0x154: {  	(erf) = vrcp.f32 v24;
	v20 =	vmul.f32 $1.442695020e+00, v11;
	v21 =	vadd.f32 v28, v9  }
0x155: {  	v13 =	vsub.f32 v16, v13;
	v16 =	vmul.f32 $1.442695020e+00, v12;
	(erf) = vpow2.f32 v10;
	v29 =	vpop (erf)  }
0x156: {  	(erf) = vpow2.f32 v20;
	v10 =	vadd.f32 v21, v29  }
0x157: {  	v21 =	vmul.f32 $1.442695020e+00, v13;
	v20 =	vld [tilespmem:s15+$0x6000];
	(erf) = vpow2.f32 v16  }
0x158: {  	v16 =	vadd.f32 $1.000000000e+00, v24;
	(erf) = vrcp.f32 v10  }
0x159: {  	v25 =	vadd.f32 $1.000000000e+00, v10;
	(erf) = vpow2.f32 v21  }
0x15a: {  	(erf) = vrcp.f32 v16;
	v16 =	vld [tilespmem:s9+$0x6030];
	s9 =	smov.u32 s10;
	s10 =	smov.u32 s11;
	s11 =	smov.u32 s15  }
0x15b: {  	v21 =	vpop (erf);
	(erf) = vrcp.f32 v25  }
.Ltmp0:
0x15c: {  	vm3 =	veq.s32 v20, $0x1;
	v23 =	vpop (erf);
	(pc) =	sbr.rel @p0 .LBB2_3-.Ltmp0, $4  }
0x15d: {  	vm2 =	veq.s32 v20, $0x0;
	v19 =	vsel vm3, v19, v22;
	v22 =	vpop (erf);
	v27 =	vadd.f32 v23, v21  }
0x15e: {  	v18 =	vsel vm2, v18, v19;
	v26 =	vpop (erf)  }
0x15f: {  	v25 =	vadd.f32 $-1.000000000e+00, v24;
	v20 =	vpop (erf);
	v24 =	vadd.f32 v27, v26;
	vm0 =	veq.s32 v16, $0x1  }
0x160: {  	s4 =	sadd.s32 $0x40, s4;
	v27 =	vmul.f32 v22, v18;
	vm1 =	veq.s32 v16, $0x0;
	v22 =	vpop (erf);
	v16 =	vsel vm0, v28, v29  }
0x161: {  	v18 =	vadd.f32 $1.000000000e+00, v24  }
0x162: {  	(erf) = vrcp.f32 v24;
	v28 =	vld [tilespmem:s9+$0x6020]  }
0x163: {  	(erf) = vrcp.f32 v18;
	_ =	sdelay $0x2  }
0x164: {  	v19 =	vadd.f32 v22, v20;
	v18 =	vpop (erf)  }
0x165: {  	v29 =	vpop (erf);
	vm7 =	veq.s32 v28, $0x1  }
0x166: {  	v30 =	vadd.f32 v19, v29;
	v23 =	vsel vm7, v23, v26  }
0x167: {  	v31 =	vpop (erf)  }
0x168: {  	vm6 =	veq.s32 v28, $0x0;
	v26 =	vld [tilespmem:s10+$0x6010];
	v19 =	vpop (erf);
	v32 =	vadd.f32 $1.000000000e+00, v30;
	(erf) = vrcp.f32 v30  }
0x169: {  	v24 =	vadd.f32 $-1.000000000e+00, v24;
	v21 =	vsel vm6, v21, v23;
	v23 =	vpop (erf)  }
0x16a: {  	(erf) = vrcp.f32 v32;
	v21 =	vmul.f32 v23, v21;
	v23 =	vpop (erf)  }
0x16b: {  	v23 =	vmul.f32 v23, v24  }
0x16c: {  	v21 =	vsub.f32 $1.000000000e+00, v21  }
0x16d: {  	vm5 =	veq.s32 v26, $0x1;
	v24 =	vmul.f32 v23, v23  }
0x16e: {  	v22 =	vsel vm5, v22, v29;
	v28 =	vmul.f32 $1.000000000e+01, v21  }
0x16f: {  	v43 =	vmul.f32 $1.818181870e-01, v24  }
0x170: {  	vm4 =	veq.s32 v26, $0x0;
	v26 =	vtrunc.f32 v28  }
0x171: {  	v20 =	vsel vm4, v20, v22;
	v22 =	vpop (erf);
	v26 =	vcvt.f32.s32 v26;
	v28 =	vadd.f32 $2.222222240e-01, v43  }
0x172: {  	v20 =	vmul.f32 v22, v20;
	v22 =	vadd.f32 $-1.000000000e+00, v30  }
0x173: {  	v27 =	vsub.f32 $1.000000000e+00, v27;
	v29 =	vpop (erf);
	v44 =	vadd.s32 $0x1, v26;
	v28 =	vmul.f32 v28, v24  }
0x174: {  	v22 =	vmul.f32 v29, v22;
	v20 =	vsub.f32 $1.000000000e+00, v20  }
0x175: {  	v46 =	vmul.f32 $1.000000000e+01, v27;
	v28 =	vadd.f32 $2.857142980e-01, v28  }
0x176: {  	v29 =	vmul.f32 v22, v22;
	v45 =	vmul.f32 $1.000000000e+01, v20  }
0x177: {  	v25 =	vmul.f32 v31, v25;
	v28 =	vmul.f32 v28, v24  }
0x178: {  	v33 =	vmul.f32 $1.818181870e-01, v29;
	v30 =	vld.idx.msk [tilespmem:v44+s14+$0x0], $0xffff;
	v31 =	vtrunc.f32 v45  }
0x179: {  	v34 =	vmul.f32 v25, v25;
	v35 =	vld.idx.msk [tilespmem:v26+s14+$0x0], $0xffff;
	v31 =	vcvt.f32.s32 v31;
	v28 =	vadd.f32 $4.000000060e-01, v28  }
0x17a: {  	v32 =	vtrunc.f32 v46;
	v33 =	vadd.f32 $2.222222240e-01, v33  }
0x17b: {  	v36 =	vmul.f32 $1.818181870e-01, v34;
	v37 =	vadd.s32 $0x1, v31;
	v28 =	vmul.f32 v28, v24  }
0x17c: {  	v32 =	vcvt.f32.s32 v32;
	v33 =	vmul.f32 v33, v29  }
0x17d: {  	v36 =	vadd.f32 $2.222222240e-01, v36;
	vm8 =	vge.f32 v21, v30;
	v28 =	vadd.f32 $6.666666860e-01, v28  }
0x17e: {  	vm14 =	vlt.f32 v21, v35;
	v30 =	vsel vm8, $0x1, v2;
	v21 =	vadd.f32 $2.857142980e-01, v33  }
0x17f: {  	v47 =	vsel vm14, $0xFFFFFFFF, v2;
	v26 =	vadd.s32 v30, v26;
	v50 =	vld.idx.msk [tilespmem:v31+s14+$0x0], $0xffff;
	v24 =	vmul.f32 v28, v24  }
0x180: {  	v28 =	vadd.s32 $0x1, v32;
	v48 =	vld.idx.msk [tilespmem:v37+s14+$0x0], $0xffff;
	v26 =	vadd.s32 v47, v26;
	v21 =	vmul.f32 v21, v29  }
0x181: {  	v49 =	vmul.f32 v36, v34;
	vm15 =	vgt.s32 v26, $0x0  }
0x182: {  	v24 =	vadd.f32 $2.000000000e+00, v24;
	v26 =	vnsel vm15, $0x0, v26;
	v21 =	vadd.f32 $4.000000060e-01, v21  }
0x183: {  	v15 =	vsel vm7, v15, v17;
	v30 =	vadd.f32 $2.857142980e-01, v49  }
0x184: {  	v14 =	vsel vm6, v14, v15;
	v17 =	vmul.f32 v24, v23;
	v21 =	vmul.f32 v21, v29  }
0x185: {  	v15 =	vmul.f32 v30, v34;
	vm12 =	vlt.f32 v20, v50;
	v24 =	vld.idx.msk [tilespmem:v28+s14+$0x0], $0xffff;
	vm11 =	vge.f32 v20, v48  }
0x186: {  	v23 =	vld.idx.msk [tilespmem:v32+s14+$0x0], $0xffff;
	v14 =	vsub.f32 v14, v17;
	v17 =	vadd.f32 $6.666666860e-01, v21;
	v21 =	vsel vm11, $0x1, v2  }
0x187: {  	v15 =	vadd.f32 $4.000000060e-01, v15;
	[tilespmem:v26+s29+$0x0] =	vst.idx.add.f32.msk $0xffff, v1;
	v20 =	vadd.s32 v21, v31;
	v21 =	vsel vm12, $0xFFFFFFFF, v2  }
0x188: {  	[tilespmem:v26+s30+$0x0] =	vst.idx.add.f32.msk $0xffff, v14;
	v14 =	vmul.f32 v17, v29;
	v17 =	vadd.s32 v21, v20  }
0x189: {  	v12 =	vsel vm5, v12, v13;
	v15 =	vmul.f32 v15, v34;
	v20 =	vld [tilespmem:s9+$0x30];
	vm14 =	vgt.s32 v17, $0x0  }
0x18a: {  	v21 =	vld [tilespmem:s9+$0x2030];
	vm15 =	vge.f32 v27, v24;
	v14 =	vadd.f32 $2.000000000e+00, v14;
	v17 =	vnsel vm14, $0x0, v17  }
0x18b: {  	v15 =	vadd.f32 $6.666666860e-01, v15;
	vm13 =	vlt.f32 v27, v23;
	v26 =	vld [tilespmem:s9+$0x4030];
	v24 =	vsel vm15, $0x1, v2  }
0x18c: {  	v23 =	vsel vm13, $0xFFFFFFFF, v2;
	v24 =	vadd.s32 v24, v32;
	v13 =	vmul.f32 v14, v22  }
0x18d: {  	v11 =	vsel vm4, v11, v12;
	v15 =	vmul.f32 v15, v34;
	v14 =	vadd.s32 v23, v24  }
0x18e: {  	vm4 =	vgt.s32 v14, $0x0;
	v11 =	vsub.f32 v11, v13  }
0x18f: {  	v13 =	vadd.f32 $2.000000000e+00, v15;
	v12 =	vnsel vm4, $0x0, v14;
	v14 =	vmax.f32 v20, v21;
	[tilespmem:v17+s26+$0x0] =	vst.idx.add.f32.msk $0xffff, v1  }
0x190: {  	v14 =	vmax.f32 v14, v26;
	[tilespmem:v17+s28+$0x0] =	vst.idx.add.f32.msk $0xffff, v11  }
0x191: {  	v8 =	vsel vm3, v8, v7;
	v11 =	vmul.f32 v13, v25;
	v7 =	vsub.f32 v20, v14;
	v13 =	vld [tilespmem:s10+$0x20]  }
0x192: {  	v8 =	vsel vm2, v6, v8;
	v6 =	vsub.f32 v21, v14;
	v15 =	vld [tilespmem:s10+$0x2020]  }
0x193: {  	v20 =	vld [tilespmem:s10+$0x4020];
	v11 =	vsub.f32 v8, v11;
	v17 =	vmul.f32 $1.442695020e+00, v7  }
0x194: {  	v8 =	vsub.f32 v26, v14;
	v14 =	vmul.f32 $1.442695020e+00, v6;
	[tilespmem:v12+s24+$0x0] =	vst.idx.add.f32.msk $0xffff, v1  }
0x195: {  	[tilespmem:v12+s25+$0x0] =	vst.idx.add.f32.msk $0xffff, v11;
	(erf) = vpow2.f32 v17  }
0x196: {  	v12 =	vmul.f32 $1.442695020e+00, v8;
	v11 =	vld [tilespmem:s11+$0x10];
	(erf) = vpow2.f32 v14  }
0x197: {  	v14 =	vld [tilespmem:s11+$0x2010]  }
0x198: {  	v17 =	vmax.f32 v13, v15;
	v21 =	vld [tilespmem:s11+$0x4010];
	(erf) = vpow2.f32 v12  }
0x199: {  	v12 =	vmax.f32 v17, v20  }
0x19a: {  	v13 =	vsub.f32 v13, v12  }
0x19b: {  	v17 =	vsub.f32 v15, v12  }
0x19c: {  	v15 =	vmul.f32 $1.442695020e+00, v13;
	v22 =	vmax.f32 v11, v14  }
0x19d: {  	v23 =	vsub.f32 v20, v12;
	v20 =	vmul.f32 $1.442695020e+00, v17;
	v22 =	vmax.f32 v22, v21  }
0x19e: {  	(erf) = vpow2.f32 v15;
	v11 =	vsub.f32 v11, v22;
	v12 =	vpop (erf)  }
0x19f: {  	v15 =	vmul.f32 $1.442695020e+00, v23;
	(erf) = vpow2.f32 v20;
	v24 =	vsub.f32 v14, v22;
	v14 =	vpop (erf)  }
0x1a0: {  	v25 =	vmul.f32 $1.442695020e+00, v11;
	v26 =	vadd.f32 v14, v12  }
0x1a1: {  	v27 =	vsub.f32 v21, v22;
	(erf) = vpow2.f32 v15;
	v21 =	vmul.f32 $1.442695020e+00, v24;
	v20 =	vpop (erf)  }
0x1a2: {  	(erf) = vpow2.f32 v25;
	v15 =	vadd.f32 v26, v20  }
0x1a3: {  	v22 =	vmul.f32 $1.442695020e+00, v27;
	(erf) = vpow2.f32 v21  }
0x1a4: {  	(erf) = vrcp.f32 v15  }
0x1a5: {  	(erf) = vpow2.f32 v22;
	_ =	sdelay $0x1  }
0x1a6: {  	v25 =	vpop (erf)  }
0x1a7: {  	v26 =	vpop (erf)  }
0x1a8: {  	v21 =	vadd.f32 v26, v25  }
0x1a9: {  	v22 =	vadd.f32 $1.000000000e+00, v15;
	v28 =	vpop (erf)  }
0x1aa: {  	v29 =	vadd.f32 v21, v28;
	v51 =	vpop (erf)  }
0x1ab: {  	(erf) = vrcp.f32 v22;
	v52 =	vpop (erf)  }
0x1ac: {  	v55 =	vld [tilespmem:s10+$0x6020];
	(erf) = vrcp.f32 v29;
	v22 =	vadd.f32 $1.000000000e+00, v29;
	v53 =	vadd.f32 v52, v51;
	v21 =	vpop (erf)  }
0x1ad: {  	v54 =	vpop (erf)  }
0x1ae: {  	(erf) = vrcp.f32 v22;
	v32 =	vadd.f32 v53, v54;
	_ =	sdelay $0x1  }
0x1af: {  	v22 =	vadd.f32 $1.000000000e+00, v32  }
0x1b0: {  	vm5 =	veq.s32 v55, $0x1;
	(erf) = vrcp.f32 v32  }
0x1b1: {  	v26 =	vsel vm5, v26, v28  }
0x1b2: {  	v56 =	vld [tilespmem:s11+$0x6010];
	(erf) = vrcp.f32 v22  }
0x1b3: {  	vm4 =	veq.s32 v55, $0x0;
	v22 =	vpop (erf)  }
0x1b4: {  	v25 =	vsel vm4, v25, v26;
	v26 =	vpop (erf)  }
0x1b5: {  	v25 =	vmul.f32 v26, v25;
	v26 =	vadd.f32 $-1.000000000e+00, v29  }
0x1b6: {  	v28 =	vpop (erf)  }
0x1b7: {  	vm2 =	veq.s32 v56, $0x1;
	v25 =	vsub.f32 $1.000000000e+00, v25;
	v26 =	vmul.f32 v28, v26  }
0x1b8: {  	vm3 =	veq.s32 v56, $0x0;
	v28 =	vsel vm2, v52, v54  }
0x1b9: {  	v28 =	vsel vm3, v51, v28;
	v29 =	vpop (erf);
	v57 =	vmul.f32 $1.000000000e+01, v25;
	v58 =	vmul.f32 v26, v26  }
0x1ba: {  	v28 =	vmul.f32 v29, v28;
	v29 =	vadd.f32 $-1.000000000e+00, v32  }
0x1bb: {  	v59 =	vpop (erf);
	v30 =	vtrunc.f32 v57;
	v60 =	vmul.f32 $1.818181870e-01, v58  }
0x1bc: {  	v29 =	vmul.f32 v59, v29;
	v28 =	vsub.f32 $1.000000000e+00, v28;
	v30 =	vcvt.f32.s32 v30  }
0x1bd: {  	v61 =	vadd.f32 $2.222222240e-01, v60  }
0x1be: {  	v63 =	vmul.f32 v29, v29;
	v40 =	vmul.f32 $1.000000000e+01, v28;
	v62 =	vadd.s32 $0x1, v30  }
0x1bf: {  	v32 =	vmul.f32 v61, v58  }
0x1c0: {  	v41 =	vmul.f32 $1.818181870e-01, v63;
	v35 =	vtrunc.f32 v40  }
0x1c1: {  	v35 =	vcvt.f32.s32 v35;
	v32 =	vadd.f32 $2.857142980e-01, v32  }
0x1c2: {  	v36 =	vadd.f32 $2.222222240e-01, v41  }
0x1c3: {  	v42 =	vadd.s32 $0x1, v35;
	v33 =	vld.idx.msk [tilespmem:v62+s14+$0x0], $0xffff;
	v32 =	vmul.f32 v32, v58  }
0x1c4: {  	v38 =	vld.idx.msk [tilespmem:v30+s14+$0x0], $0xffff;
	v36 =	vmul.f32 v36, v63  }
0x1c5: {  	v32 =	vadd.f32 $4.000000060e-01, v32  }
0x1c6: {  	v36 =	vadd.f32 $2.857142980e-01, v36  }
0x1c7: {  	v32 =	vmul.f32 v32, v58  }
0x1c8: {  	v37 =	vld.idx.msk [tilespmem:v42+s14+$0x0], $0xffff;
	v36 =	vmul.f32 v36, v63;
	vm10 =	vge.f32 v25, v33  }
0x1c9: {  	v43 =	vld.idx.msk [tilespmem:v35+s14+$0x0], $0xffff;
	vm11 =	vlt.f32 v25, v38;
	v32 =	vadd.f32 $6.666666860e-01, v32;
	v33 =	vsel vm10, $0x1, v2  }
0x1ca: {  	v44 =	vsel vm11, $0xFFFFFFFF, v2;
	v45 =	vadd.f32 $4.000000060e-01, v36;
	v25 =	vadd.s32 v33, v30  }
0x1cb: {  	v31 =	vmul.f32 v32, v58;
	v25 =	vadd.s32 v44, v25  }
0x1cc: {  	v17 =	vsel vm5, v17, v23;
	v32 =	vmul.f32 v45, v63;
	vm12 =	vgt.s32 v25, $0x0  }
0x1cd: {  	vm5 =	vge.f32 v28, v37;
	v31 =	vadd.f32 $2.000000000e+00, v31;
	v25 =	vnsel vm12, $0x0, v25  }
0x1ce: {  	v23 =	vadd.f32 $6.666666860e-01, v32;
	v46 =	vsel vm5, $0x1, v2;
	vm5 =	vlt.f32 v28, v43  }
0x1cf: {  	v28 =	vadd.s32 v46, v35;
	v30 =	vsel vm5, $0xFFFFFFFF, v2;
	v26 =	vmul.f32 v31, v26  }
0x1d0: {  	v13 =	vsel vm4, v13, v17;
	v17 =	vmul.f32 v23, v63;
	v23 =	vadd.s32 v30, v28  }
0x1d1: {  	vm4 =	vgt.s32 v23, $0x0;
	v13 =	vsub.f32 v13, v26  }
0x1d2: {  	v17 =	vadd.f32 $2.000000000e+00, v17;
	v23 =	vnsel vm4, $0x0, v23;
	[tilespmem:v25+s29+$0x0] =	vst.idx.add.f32.msk $0xffff, v1  }
0x1d3: {  	[tilespmem:v25+s30+$0x0] =	vst.idx.add.f32.msk $0xffff, v13  }
0x1d4: {  	v24 =	vsel vm2, v24, v27;
	v17 =	vmul.f32 v17, v29;
	v13 =	vld [tilespmem:s10+$0x30]  }
0x1d5: {  	v11 =	vsel vm3, v11, v24;
	v25 =	vld [tilespmem:s10+$0x2030]  }
0x1d6: {  	v24 =	vld [tilespmem:s10+$0x4030];
	v11 =	vsub.f32 v11, v17  }
0x1d7: {  	[tilespmem:v23+s26+$0x0] =	vst.idx.add.f32.msk $0xffff, v1  }
0x1d8: {  	[tilespmem:v23+s28+$0x0] =	vst.idx.add.f32.msk $0xffff, v11  }
0x1d9: {  	v23 =	vld [tilespmem:s11+$0x20]  }
0x1da: {  	v26 =	vld [tilespmem:s11+$0x2020]  }
0x1db: {  	v27 =	vld [tilespmem:s11+$0x4020]  }
0x1dc: {  	v11 =	vmax.f32 v13, v25  }
0x1dd: {  	v17 =	vmax.f32 v11, v24  }
0x1de: {  	v11 =	vsub.f32 v13, v17  }
0x1df: {  	v13 =	vsub.f32 v25, v17;
	v25 =	vmax.f32 v23, v26  }
0x1e0: {  	v17 =	vsub.f32 v24, v17;
	v28 =	vmul.f32 $1.442695020e+00, v11;
	v24 =	vmax.f32 v25, v27  }
0x1e1: {  	v25 =	vmul.f32 $1.442695020e+00, v13;
	v29 =	vsub.f32 v23, v24  }
0x1e2: {  	(erf) = vpow2.f32 v28;
	v23 =	vmul.f32 $1.442695020e+00, v17;
	v26 =	vsub.f32 v26, v24  }
0x1e3: {  	(erf) = vpow2.f32 v25;
	v25 =	vmul.f32 $1.442695020e+00, v29  }
0x1e4: {  	v27 =	vsub.f32 v27, v24;
	(erf) = vpow2.f32 v23;
	v23 =	vmul.f32 $1.442695020e+00, v26  }
0x1e5: {  	(erf) = vpow2.f32 v25  }
0x1e6: {  	v24 =	vmul.f32 $1.442695020e+00, v27;
	(erf) = vpow2.f32 v23;
	_ =	sdelay $0x1  }
0x1e7: {  	(erf) = vpow2.f32 v24;
	_ =	sdelay $0x2  }
0x1e8: {  	v23 =	vpop (erf)  }
0x1e9: {  	v25 =	vpop (erf)  }
0x1ea: {  	v24 =	vadd.f32 v25, v23;
	v28 =	vpop (erf)  }
0x1eb: {  	v47 =	vpop (erf)  }
0x1ec: {  	v24 =	vadd.f32 v24, v28;
	v48 =	vpop (erf)  }
0x1ed: {  	v49 =	vadd.f32 v48, v47  }
0x1ee: {  	v50 =	vadd.f32 $1.000000000e+00, v24;
	v51 =	vpop (erf)  }
0x1ef: {  	(erf) = vrcp.f32 v24;
	v32 =	vadd.f32 v49, v51  }
0x1f0: {  	(erf) = vrcp.f32 v50  }
0x1f1: {  	(erf) = vrcp.f32 v32;
	v52 =	vadd.f32 $1.000000000e+00, v32;
	_ =	sdelay $0x1  }
0x1f2: {  	v53 =	vld [tilespmem:s11+$0x6020];
	(erf) = vrcp.f32 v52;
	_ =	sdelay $0x4  }
0x1f3: {  	vm3 =	veq.s32 v53, $0x1;
	v54 =	vpop (erf)  }
0x1f4: {  	vm2 =	veq.s32 v53, $0x0;
	v31 =	vsel vm3, v48, v51;
	v55 =	vpop (erf)  }
0x1f5: {  	v30 =	vsel vm2, v47, v31;
	v56 =	vpop (erf)  }
0x1f6: {  	v57 =	vadd.f32 $-1.000000000e+00, v32;
	v30 =	vmul.f32 v56, v30  }
0x1f7: {  	v58 =	vpop (erf)  }
0x1f8: {  	v30 =	vsub.f32 $1.000000000e+00, v30;
	v31 =	vmul.f32 v58, v57;
	_ =	sdelay $0x1  }
0x1f9: {  	v59 =	vmul.f32 $1.000000000e+01, v30;
	v60 =	vmul.f32 v31, v31;
	_ =	sdelay $0x1  }
0x1fa: {  	v32 =	vtrunc.f32 v59;
	v61 =	vmul.f32 $1.818181870e-01, v60  }
0x1fb: {  	v32 =	vcvt.f32.s32 v32  }
0x1fc: {  	v35 =	vadd.f32 $2.222222240e-01, v61  }
0x1fd: {  	v62 =	vadd.s32 $0x1, v32  }
0x1fe: {  	v35 =	vmul.f32 v35, v60;
	_ =	sdelay $0x1  }
0x1ff: {  	v35 =	vadd.f32 $2.857142980e-01, v35;
	_ =	sdelay $0x1  }
0x200: {  	v37 =	vld.idx.msk [tilespmem:v62+s14+$0x0], $0xffff;
	v35 =	vmul.f32 v35, v60  }
0x201: {  	v63 =	vld.idx.msk [tilespmem:v32+s14+$0x0], $0xffff  }
0x202: {  	v35 =	vadd.f32 $4.000000060e-01, v35;
	_ =	sdelay $0x1  }
0x203: {  	v35 =	vmul.f32 v35, v60  }
0x204: {  	vm4 =	vge.f32 v30, v37  }
0x205: {  	vm5 =	vlt.f32 v30, v63;
	v35 =	vadd.f32 $6.666666860e-01, v35;
	v39 =	vsel vm4, $0x1, v2  }
0x206: {  	v40 =	vsel vm5, $0xFFFFFFFF, v2;
	v30 =	vadd.s32 v39, v32  }
0x207: {  	v34 =	vmul.f32 v35, v60;
	v30 =	vadd.s32 v40, v30  }
0x208: {  	vm4 =	vgt.s32 v30, $0x0  }
0x209: {  	v41 =	vadd.f32 $2.000000000e+00, v34;
	v30 =	vnsel vm4, $0x0, v30;
	_ =	sdelay $0x1  }
0x20a: {  	v26 =	vsel vm3, v26, v27;
	v27 =	vmul.f32 v41, v31  }
0x20b: {  	v26 =	vsel vm2, v29, v26  }
0x20c: {  	v26 =	vsub.f32 v26, v27  }
0x20d: {  	[tilespmem:v30+s29+$0x0] =	vst.idx.add.f32.msk $0xffff, v1  }
0x20e: {  	[tilespmem:v30+s30+$0x0] =	vst.idx.add.f32.msk $0xffff, v26  }
0x20f: {  	v26 =	vld [tilespmem:s11+$0x30]  }
0x210: {  	v27 =	vld [tilespmem:s11+$0x2030]  }
0x211: {  	v29 =	vld [tilespmem:s11+$0x4030]  }
0x212: {  	v9 =	vsel vm1, v9, v16  }
0x213: {  	v10 =	vadd.f32 $-1.000000000e+00, v10;
	v9 =	vmul.f32 v18, v9;
	_ =	sdelay $0x1  }
0x214: {  	v18 =	vsub.f32 $1.000000000e+00, v9;
	v19 =	vmul.f32 v19, v10;
	v9 =	vmax.f32 v26, v27  }
0x215: {  	v16 =	vmax.f32 v9, v29  }
0x216: {  	v9 =	vsub.f32 v26, v16;
	v26 =	vmul.f32 v19, v19  }
0x217: {  	v42 =	vmul.f32 $1.000000000e+01, v18;
	v10 =	vsub.f32 v27, v16  }
0x218: {  	v43 =	vmul.f32 $1.442695020e+00, v9;
	v44 =	vmul.f32 $1.818181870e-01, v26  }
0x219: {  	v27 =	vtrunc.f32 v42;
	v16 =	vsub.f32 v29, v16;
	v29 =	vmul.f32 $1.442695020e+00, v10  }
0x21a: {  	v27 =	vcvt.f32.s32 v27;
	(erf) = vpow2.f32 v43;
	v45 =	vadd.f32 $2.222222240e-01, v44  }
0x21b: {  	v46 =	vmul.f32 $1.442695020e+00, v16;
	(erf) = vpow2.f32 v29  }
0x21c: {  	v29 =	vadd.s32 $0x1, v27;
	v30 =	vmul.f32 v45, v26  }
0x21d: {  	v47 =	vld [tilespmem:s9+$0x6030];
	(erf) = vpow2.f32 v46  }
0x21e: {  	v30 =	vadd.f32 $2.857142980e-01, v30;
	_ =	sdelay $0x1  }
0x21f: {  	v30 =	vmul.f32 v30, v26  }
0x220: {  	v29 =	vld.idx.msk [tilespmem:v29+s14+$0x0], $0xffff  }
0x221: {  	vm13 =	veq.s32 v47, $0x1;
	v30 =	vadd.f32 $4.000000060e-01, v30  }
0x222: {  	vm2 =	veq.s32 v47, $0x0;
	v14 =	vsel vm13, v14, v20;
	v48 =	vld.idx.msk [tilespmem:v27+s14+$0x0], $0xffff;
	v49 =	vpop (erf)  }
0x223: {  	v12 =	vsel vm2, v12, v14;
	v20 =	vpop (erf);
	v30 =	vmul.f32 v30, v26  }
0x224: {  	v15 =	vadd.f32 $-1.000000000e+00, v15;
	v12 =	vmul.f32 v21, v12;
	v14 =	vadd.f32 v20, v49  }
0x225: {  	vm3 =	vge.f32 v18, v29;
	v21 =	vpop (erf);
	v29 =	vadd.f32 $6.666666860e-01, v30  }
0x226: {  	v15 =	vmul.f32 v22, v15;
	v12 =	vsub.f32 $1.000000000e+00, v12;
	v14 =	vadd.f32 v14, v21  }
0x227: {  	v50 =	vsel vm3, $0x1, v2;
	vm3 =	vlt.f32 v18, v48;
	v18 =	vmul.f32 v29, v26  }
0x228: {  	v51 =	vld [tilespmem:s10+$0x6030];
	v26 =	vadd.s32 v50, v27;
	v27 =	vmul.f32 $1.000000000e+01, v12;
	v22 =	vadd.f32 $1.000000000e+00, v14  }
0x229: {  	v29 =	vmul.f32 v15, v15;
	(erf) = vrcp.f32 v14  }
0x22a: {  	v53 =	vld [tilespmem:s11+$0x6030];
	(erf) = vrcp.f32 v22  }
0x22b: {  	v22 =	vtrunc.f32 v27;
	v27 =	vmul.f32 $1.818181870e-01, v29;
	_ =	sdelay $0x1  }
0x22c: {  	v4 =	vsel vm0, v4, v5;
	vm5 =	veq.s32 v51, $0x1;
	v27 =	vadd.f32 $2.222222240e-01, v27  }
0x22d: {  	v25 =	vsel vm5, v25, v28;
	v52 =	vsel vm3, $0xFFFFFFFF, v2;
	vm3 =	veq.s32 v51, $0x0  }
0x22e: {  	vm14 =	veq.s32 v53, $0x1;
	v23 =	vsel vm3, v23, v25;
	v25 =	vmul.f32 v27, v29  }
0x22f: {  	v23 =	vmul.f32 v54, v23;
	v18 =	vadd.f32 $2.000000000e+00, v18;
	v22 =	vcvt.f32.s32 v22  }
0x230: {  	v24 =	vadd.f32 $-1.000000000e+00, v24;
	vm4 =	veq.s32 v53, $0x0;
	v20 =	vsel vm14, v20, v21  }
0x231: {  	v23 =	vsub.f32 $1.000000000e+00, v23;
	v18 =	vmul.f32 v18, v19;
	v19 =	vadd.s32 $0x1, v22  }
0x232: {  	v24 =	vmul.f32 v55, v24;
	v20 =	vsel vm4, v49, v20;
	v21 =	vadd.f32 $2.857142980e-01, v25;
	v25 =	vpop (erf)  }
0x233: {  	v14 =	vadd.f32 $-1.000000000e+00, v14;
	v27 =	vmul.f32 $1.000000000e+01, v23;
	v20 =	vmul.f32 v25, v20  }
0x234: {  	v3 =	vsel vm1, v3, v4;
	v21 =	vmul.f32 v21, v29;
	v25 =	vmul.f32 v24, v24;
	v28 =	vpop (erf)  }
0x235: {  	v27 =	vtrunc.f32 v27;
	v14 =	vmul.f32 v28, v14;
	v20 =	vsub.f32 $1.000000000e+00, v20  }
0x236: {  	v27 =	vcvt.f32.s32 v27;
	v19 =	vld.idx.msk [tilespmem:v19+s14+$0x0], $0xffff;
	v21 =	vadd.f32 $4.000000060e-01, v21;
	v28 =	vmul.f32 $1.818181870e-01, v25  }
0x237: {  	v6 =	vsel vm13, v6, v8;
	v55 =	vmul.f32 v14, v14;
	v54 =	vmul.f32 $1.000000000e+01, v20  }
0x238: {  	v56 =	vld.idx.msk [tilespmem:v22+s14+$0x0], $0xffff;
	v57 =	vadd.s32 $0x1, v27;
	v21 =	vmul.f32 v21, v29;
	v28 =	vadd.f32 $2.222222240e-01, v28  }
0x239: {  	v26 =	vadd.s32 v52, v26;
	v58 =	vmul.f32 $1.818181870e-01, v55;
	v5 =	vtrunc.f32 v54  }
0x23a: {  	vm15 =	vgt.s32 v26, $0x0;
	v4 =	vmul.f32 v28, v25;
	v5 =	vcvt.f32.s32 v5  }
0x23b: {  	vm0 =	vge.f32 v12, v19;
	v19 =	vadd.f32 $6.666666860e-01, v21;
	v21 =	vadd.f32 $2.222222240e-01, v58  }
0x23c: {  	v28 =	vsel vm0, $0x1, v2;
	v4 =	vadd.f32 $2.857142980e-01, v4;
	v59 =	vadd.s32 $0x1, v5  }
0x23d: {  	vm0 =	vlt.f32 v12, v56;
	v12 =	vadd.s32 v28, v22;
	v22 =	vld.idx.msk [tilespmem:v57+s14+$0x0], $0xffff;
	v21 =	vmul.f32 v21, v55  }
0x23e: {  	v28 =	vsel vm0, $0xFFFFFFFF, v2;
	v19 =	vmul.f32 v19, v29;
	v29 =	vld.idx.msk [tilespmem:v27+s14+$0x0], $0xffff;
	v4 =	vmul.f32 v4, v25  }
0x23f: {  	v3 =	vsub.f32 v3, v18;
	v12 =	vadd.s32 v28, v12;
	v18 =	vadd.f32 $2.857142980e-01, v21  }
0x240: {  	vm0 =	vgt.s32 v12, $0x0;
	v19 =	vadd.f32 $2.000000000e+00, v19;
	v4 =	vadd.f32 $4.000000060e-01, v4  }
0x241: {  	v26 =	vnsel vm15, $0x0, v26;
	v12 =	vnsel vm0, $0x0, v12;
	v18 =	vmul.f32 v18, v55;
	v8 =	vld.idx.msk [tilespmem:v59+s14+$0x0], $0xffff  }
0x242: {  	v15 =	vmul.f32 v19, v15;
	vm0 =	vge.f32 v23, v22;
	v19 =	vld.idx.msk [tilespmem:v5+s14+$0x0], $0xffff;
	v4 =	vmul.f32 v4, v25  }
0x243: {  	v21 =	vsel vm0, $0x1, v2;
	vm0 =	vlt.f32 v23, v29;
	v18 =	vadd.f32 $4.000000060e-01, v18  }
0x244: {  	v21 =	vadd.s32 v21, v27;
	v22 =	vsel vm0, $0xFFFFFFFF, v2;
	v4 =	vadd.f32 $6.666666860e-01, v4  }
0x245: {  	v6 =	vsel vm2, v7, v6;
	v7 =	vadd.s32 v22, v21;
	v18 =	vmul.f32 v18, v55  }
0x246: {  	vm0 =	vgt.s32 v7, $0x0;
	v4 =	vmul.f32 v4, v25;
	vm1 =	vge.f32 v20, v8  }
0x247: {  	v8 =	vadd.f32 $6.666666860e-01, v18;
	v18 =	vsel vm1, $0x1, v2;
	vm1 =	vlt.f32 v20, v19  }
0x248: {  	v7 =	vnsel vm0, $0x0, v7;
	v5 =	vadd.s32 v18, v5;
	v18 =	vsel vm1, $0xFFFFFFFF, v2  }
0x249: {  	[tilespmem:v26+s31+$0x0] =	vst.idx.add.f32.msk $0xffff, v1;
	v4 =	vadd.f32 $2.000000000e+00, v4;
	v8 =	vmul.f32 v8, v55;
	v5 =	vadd.s32 v18, v5  }
0x24a: {  	[tilespmem:v26+s0+$0x0] =	vst.idx.add.f32.msk $0xffff, v3;
	v3 =	vsub.f32 v6, v15;
	v6 =	vsel vm5, v13, v17;
	vm0 =	vgt.s32 v5, $0x0  }
0x24b: {  	s2 =	smin.u32 s12, $0xD;
	[tilespmem:v12+s31+$0x0] =	vst.idx.add.f32.msk $0xffff, v1;
	v4 =	vmul.f32 v4, v24;
	v8 =	vadd.f32 $2.000000000e+00, v8;
	v5 =	vnsel vm0, $0x0, v5  }
0x24c: {  	s2 =	sadd.s32 $0x2, s2;
	[tilespmem:v12+s0+$0x0] =	vst.idx.add.f32.msk $0xffff, v3;
	v3 =	vsel vm3, v11, v6  }
0x24d: {  	s4 =	smul.u32 $0xC0000, s2;
	v3 =	vsub.f32 v3, v4;
	v4 =	vsel vm14, v10, v16;
	v6 =	vmul.f32 v8, v14  }
0x24e: {  	[tilespmem:v7+s31+$0x0] =	vst.idx.add.f32.msk $0xffff, v1;
	v4 =	vsel vm4, v9, v4  }
0x24f: {  	s4 =	sor.u32 s7, s4;
	[tilespmem:v7+s0+$0x0] =	vst.idx.add.f32.msk $0xffff, v3;
	v3 =	vsub.f32 v4, v6  }
0x250: {  	s4 =	sshrl.u32 s4, $0x3;
	[tilespmem:v5+s31+$0x0] =	vst.idx.add.f32.msk $0xffff, v1  }
0x251: {  	s6 =	simm.s32 $0x0;
	s2 =	sshll.u32 s2, $0x12;
	s4 =	sadd.s32 s1, s4;
	[tilespmem:v5+s0+$0x0] =	vst.idx.add.f32.msk $0xffff, v3  }
0x252: {  	[tilespmem:s6], [sflag:$0x1] =	stream.linear.gather [hbm4b:s4+s6], $0x2000, $0x38;
	[tilespmem:$0x10480] =	vst v63  }
0x253: {  	s2 =	sor.u32 s7, s2;
	s19 =	sadd.s32 $0x8000, s4  }
0x254: {  	[tilespmem:s16], [sflag:$0x1] =	stream.linear.gather [hbm4b:s19+s6], $0x2000, $0x38;
	[tilespmem:$0x10480] =	vst v63  }
0x255: {  	s2 =	sshrl.u32 s2, $0x3;
	s4 =	sadd.s32 $0x10000, s4  }
0x256: {  	[tilespmem:s17], [sflag:$0x1] =	stream.linear.gather [hbm4b:s4+s6], $0x2000, $0x38;
	[tilespmem:$0x10480] =	vst v63  }
0x257: {  	s2 =	sadd.s32 s5, s2  }
0x258: {  	[tilespmem:s18], [sflag:$0x1] =	stream.linear.gather [hbm4b:s2+s6], $0x2000, $0x38;
	[tilespmem:$0x10480] =	vst v63  }
0x259: {  	_ =	swait.ge [sflag:s3], $0x2000  }
0x25a: {  	[sflag:s3] =	ssyncset.done $0x0  }
0x25b: {  	[sflag:s3] =	ssyncadd.s32 $0xFFFFE000  }
0x25c: {  	_ =	swait.ge [sflag:s3], $0x2000  }
0x25d: {  	[sflag:s3] =	ssyncset.done $0x0  }
0x25e: {  	[sflag:s3] =	ssyncadd.s32 $0xFFFFE000  }
0x25f: {  	_ =	swait.ge [sflag:s3], $0x2000  }
0x260: {  	[sflag:s3] =	ssyncset.done $0x0  }
0x261: {  	s9 =	sand.u32 $0xC00, s6;
	s4 =	sand.u32 $0x1000, s6;
	[sflag:s3] =	ssyncadd.s32 $0xFFFFE000  }
0x262: {  	s10 =	sand.u32 $0x380, s6;
	s2 =	sor.u32 s9, s4;
	_ =	swait.ge [sflag:s3], $0x2000  }
0x263: {  	s6 =	sand.u32 $0x40, s6;
	s2 =	sor.u32 s10, s2;
	[sflag:s3] =	ssyncset.done $0x0  }
0x264: {  	s13 =	sor.u32 s6, s2;
	[sflag:s3] =	ssyncadd.s32 $0xFFFFE000  }
0x265: {  	v3 =	vld [tilespmem:s13+$0x8000]  }
0x266: {  	v4 =	vld [tilespmem:s13+$0xA000]  }
0x267: {  	v5 =	vld [tilespmem:s13+$0xC000];
	_ =	sdelay $0x3  }
0x268: {  	v6 =	vmax.f32 v3, v4  }
0x269: {  	v6 =	vmax.f32 v6, v5  }
0x26a: {  	v3 =	vsub.f32 v3, v6  }
0x26b: {  	v4 =	vsub.f32 v4, v6  }
0x26c: {  	v7 =	vmul.f32 $1.442695020e+00, v3  }
0x26d: {  	v5 =	vsub.f32 v5, v6;
	v6 =	vmul.f32 $1.442695020e+00, v4  }
0x26e: {  	(erf) = vpow2.f32 v7  }
0x26f: {  	v7 =	vmul.f32 $1.442695020e+00, v5;
	(erf) = vpow2.f32 v6;
	_ =	sdelay $0x1  }
0x270: {  	(erf) = vpow2.f32 v7;
	_ =	sdelay $0x5  }
0x271: {  	v6 =	vpop (erf)  }
0x272: {  	v7 =	vpop (erf)  }
0x273: {  	v8 =	vadd.f32 v7, v6  }
0x274: {  	v9 =	vpop (erf)  }
0x275: {  	v8 =	vadd.f32 v8, v9;
	_ =	sdelay $0x1  }
0x276: {  	(erf) = vrcp.f32 v8;
	v10 =	vadd.f32 $1.000000000e+00, v8;
	_ =	sdelay $0x1  }
0x277: {  	v11 =	vld [tilespmem:s13+$0xE000];
	(erf) = vrcp.f32 v10;
	_ =	sdelay $0x4  }
0x278: {  	vm1 =	veq.s32 v11, $0x1  }
0x279: {  	vm0 =	veq.s32 v11, $0x0;
	v7 =	vsel vm1, v7, v9  }
0x27a: {  	v6 =	vsel vm0, v6, v7;
	v9 =	vpop (erf)  }
0x27b: {  	v7 =	vadd.f32 $-1.000000000e+00, v8;
	v6 =	vmul.f32 v9, v6  }
0x27c: {  	v8 =	vpop (erf)  }
0x27d: {  	v6 =	vsub.f32 $1.000000000e+00, v6;
	v9 =	vmul.f32 v8, v7;
	_ =	sdelay $0x1  }
0x27e: {  	v7 =	vmul.f32 $1.000000000e+01, v6;
	v8 =	vmul.f32 v9, v9;
	_ =	sdelay $0x1  }
0x27f: {  	v7 =	vtrunc.f32 v7;
	v10 =	vmul.f32 $1.818181870e-01, v8  }
0x280: {  	v7 =	vcvt.f32.s32 v7  }
0x281: {  	s12 =	simm.s32 $0x200;
	s11 =	simm.s32 $0x40;
	v10 =	vadd.f32 $2.222222240e-01, v10  }
0x282: {  	s15 =	sand.u32 $0x1000, s11;
	s19 =	simm.s32 $0x10;
	s4 =	sand.u32 $0xC00, s12;
	v11 =	vadd.s32 $0x1, v7  }
0x283: {  	s4 =	sor.u32 s4, s15;
	s10 =	sand.u32 $0x380, s19;
	v10 =	vmul.f32 v10, v8  }
0x284: {  	s2 =	sand.u32 $0x40, s11;
	s4 =	sor.u32 s10, s4  }
0x285: {  	s9 =	sor.u32 s2, s4;
	v10 =	vadd.f32 $2.857142980e-01, v10  }
0x286: {  	v12 =	vld [tilespmem:s9+$0x8000]  }
0x287: {  	v10 =	vmul.f32 v10, v8;
	v11 =	vld.idx.msk [tilespmem:v11+s14+$0x0], $0xffff  }
0x288: {  	v13 =	vld.idx.msk [tilespmem:v7+s14+$0x0], $0xffff  }
0x289: {  	v14 =	vld [tilespmem:s9+$0xA000];
	v10 =	vadd.f32 $4.000000060e-01, v10  }
0x28a: {  	v15 =	vld [tilespmem:s9+$0xC000]  }
0x28b: {  	v10 =	vmul.f32 v10, v8  }
0x28c: {  	vm2 =	vge.f32 v6, v11  }
0x28d: {  	vm3 =	vlt.f32 v6, v13;
	v6 =	vsel vm2, $0x1, v2;
	v10 =	vadd.f32 $6.666666860e-01, v10  }
0x28e: {  	v11 =	vmax.f32 v12, v14;
	v13 =	vsel vm3, $0xFFFFFFFF, v2;
	v6 =	vadd.s32 v6, v7  }
0x28f: {  	v11 =	vmax.f32 v11, v15;
	v7 =	vadd.s32 v13, v6;
	v8 =	vmul.f32 v10, v8  }
0x290: {  	v6 =	vsub.f32 v12, v11;
	vm2 =	vgt.s32 v7, $0x0  }
0x291: {  	v10 =	vnsel vm2, $0x0, v7;
	v7 =	vsub.f32 v14, v11;
	v12 =	vadd.f32 $2.000000000e+00, v8  }
0x292: {  	v8 =	vsub.f32 v15, v11;
	v11 =	vmul.f32 $1.442695020e+00, v6  }
0x293: {  	v4 =	vsel vm1, v4, v5;
	v5 =	vmul.f32 $1.442695020e+00, v7;
	v9 =	vmul.f32 v12, v9  }
0x294: {  	v3 =	vsel vm0, v3, v4;
	(erf) = vpow2.f32 v11  }
0x295: {  	v4 =	vmul.f32 $1.442695020e+00, v8;
	(erf) = vpow2.f32 v5;
	v3 =	vsub.f32 v3, v9  }
0x296: {  	[tilespmem:v10+s24+$0x0] =	vst.idx.add.f32.msk $0xffff, v1  }
0x297: {  	(erf) = vpow2.f32 v4;
	[tilespmem:v10+s25+$0x0] =	vst.idx.add.f32.msk $0xffff, v3  }
0x298: {  	v3 =	vld [tilespmem:s13+$0x8010]  }
0x299: {  	v4 =	vld [tilespmem:s13+$0xA010]  }
0x29a: {  	v5 =	vld [tilespmem:s13+$0xC010];
	_ =	sdelay $0x2  }
0x29b: {  	v9 =	vpop (erf)  }
0x29c: {  	v11 =	vmax.f32 v3, v4;
	v10 =	vpop (erf)  }
0x29d: {  	v11 =	vmax.f32 v11, v5;
	v12 =	vadd.f32 v10, v9  }
0x29e: {  	v13 =	vpop (erf);
	v14 =	vsub.f32 v3, v11  }
0x29f: {  	v4 =	vsub.f32 v4, v11;
	v3 =	vadd.f32 v12, v13  }
0x2a0: {  	v12 =	vmul.f32 $1.442695020e+00, v14  }
0x2a1: {  	v5 =	vsub.f32 v5, v11;
	v11 =	vmul.f32 $1.442695020e+00, v4;
	(erf) = vrcp.f32 v3  }
0x2a2: {  	(erf) = vpow2.f32 v12  }
0x2a3: {  	v12 =	vmul.f32 $1.442695020e+00, v5;
	(erf) = vpow2.f32 v11;
	_ =	sdelay $0x1  }
0x2a4: {  	(erf) = vpow2.f32 v12;
	_ =	sdelay $0x4  }
0x2a5: {  	v11 =	vpop (erf)  }
0x2a6: {  	v12 =	vpop (erf)  }
0x2a7: {  	v15 =	vpop (erf)  }
0x2a8: {  	v16 =	vadd.f32 v15, v12  }
0x2a9: {  	v18 =	vpop (erf)  }
0x2aa: {  	v17 =	vadd.f32 $1.000000000e+00, v3;
	v16 =	vadd.f32 v16, v18;
	_ =	sdelay $0x1  }
0x2ab: {  	(erf) = vrcp.f32 v17;
	v17 =	vadd.f32 $1.000000000e+00, v16  }
0x2ac: {  	(erf) = vrcp.f32 v16  }
0x2ad: {  	(erf) = vrcp.f32 v17;
	v17 =	vld [tilespmem:s13+$0xE010];
	_ =	sdelay $0x4  }
0x2ae: {  	vm3 =	veq.s32 v17, $0x1  }
0x2af: {  	v15 =	vsel vm3, v15, v18  }
0x2b0: {  	v19 =	vld [tilespmem:s9+$0xE000]  }
0x2b1: {  	v20 =	vpop (erf);
	vm2 =	veq.s32 v17, $0x0  }
0x2b2: {  	v12 =	vsel vm2, v12, v15;
	v15 =	vpop (erf)  }
0x2b3: {  	v12 =	vmul.f32 v15, v12;
	v15 =	vadd.f32 $-1.000000000e+00, v16  }
0x2b4: {  	v16 =	vpop (erf)  }
0x2b5: {  	vm0 =	veq.s32 v19, $0x1;
	v15 =	vmul.f32 v16, v15;
	v12 =	vsub.f32 $1.000000000e+00, v12  }
0x2b6: {  	vm1 =	veq.s32 v19, $0x0;
	v10 =	vsel vm0, v10, v13  }
0x2b7: {  	v9 =	vsel vm1, v9, v10;
	v10 =	vmul.f32 v15, v15;
	v13 =	vmul.f32 $1.000000000e+01, v12  }
0x2b8: {  	v9 =	vmul.f32 v11, v9  }
0x2b9: {  	v11 =	vmul.f32 $1.818181870e-01, v10;
	v13 =	vtrunc.f32 v13  }
0x2ba: {  	v3 =	vadd.f32 $-1.000000000e+00, v3;
	v9 =	vsub.f32 $1.000000000e+00, v9;
	v13 =	vcvt.f32.s32 v13  }
0x2bb: {  	v11 =	vadd.f32 $2.222222240e-01, v11  }
0x2bc: {  	v17 =	vmul.f32 $1.000000000e+01, v9;
	v16 =	vmul.f32 v20, v3;
	v3 =	vadd.s32 $0x1, v13  }
0x2bd: {  	v11 =	vmul.f32 v11, v10  }
0x2be: {  	v17 =	vtrunc.f32 v17;
	v18 =	vmul.f32 v16, v16  }
0x2bf: {  	v17 =	vcvt.f32.s32 v17;
	v11 =	vadd.f32 $2.857142980e-01, v11  }
0x2c0: {  	v19 =	vmul.f32 $1.818181870e-01, v18  }
0x2c1: {  	s12 =	simm.s32 $0x400;
	s11 =	simm.s32 $0x80;
	v3 =	vld.idx.msk [tilespmem:v3+s14+$0x0], $0xffff;
	v11 =	vmul.f32 v11, v10  }
0x2c2: {  	s19 =	simm.s32 $0x20;
	s15 =	sand.u32 $0x1000, s11;
	s4 =	sand.u32 $0xC00, s12;
	v19 =	vadd.f32 $2.222222240e-01, v19;
	v20 =	vld.idx.msk [tilespmem:v13+s14+$0x0], $0xffff  }
0x2c3: {  	s10 =	sand.u32 $0x380, s19;
	s4 =	sor.u32 s4, s15;
	v11 =	vadd.f32 $4.000000060e-01, v11  }
0x2c4: {  	s2 =	sand.u32 $0x40, s11;
	s4 =	sor.u32 s10, s4;
	v21 =	vadd.s32 $0x1, v17;
	v19 =	vmul.f32 v19, v18  }
0x2c5: {  	s10 =	sor.u32 s2, s4;
	v24 =	vld.idx.msk [tilespmem:v17+s14+$0x0], $0xffff;
	v11 =	vmul.f32 v11, v10  }
0x2c6: {  	v22 =	vld [tilespmem:s10+$0x8000];
	v19 =	vadd.f32 $2.857142980e-01, v19;
	vm4 =	vge.f32 v12, v3  }
0x2c7: {  	v23 =	vld [tilespmem:s10+$0xA000];
	v3 =	vadd.f32 $6.666666860e-01, v11;
	v11 =	vsel vm4, $0x1, v2;
	vm4 =	vlt.f32 v12, v20  }
0x2c8: {  	v25 =	vld [tilespmem:s10+$0xC000];
	v11 =	vadd.s32 v11, v13;
	v13 =	vsel vm4, $0xFFFFFFFF, v2  }
0x2c9: {  	v12 =	vmul.f32 v19, v18;
	v19 =	vld.idx.msk [tilespmem:v21+s14+$0x0], $0xffff;
	v3 =	vmul.f32 v3, v10;
	v10 =	vadd.s32 v13, v11  }
0x2ca: {  	v5 =	vsel vm3, v4, v5;
	vm5 =	vlt.f32 v9, v24;
	vm4 =	vgt.s32 v10, $0x0  }
0x2cb: {  	v12 =	vadd.f32 $4.000000060e-01, v12;
	v13 =	vadd.f32 $2.000000000e+00, v3;
	v10 =	vnsel vm4, $0x0, v10  }
0x2cc: {  	v5 =	vsel vm2, v14, v5;
	v20 =	vsel vm5, $0xFFFFFFFF, v2;
	v11 =	vmax.f32 v22, v23  }
0x2cd: {  	v11 =	vmax.f32 v11, v25;
	v12 =	vmul.f32 v12, v18;
	v13 =	vmul.f32 v13, v15  }
0x2ce: {  	v3 =	vsub.f32 v22, v11;
	v4 =	vsub.f32 v23, v11;
	vm3 =	vge.f32 v9, v19  }
0x2cf: {  	v9 =	vadd.f32 $6.666666860e-01, v12;
	v14 =	vsel vm3, $0x1, v2;
	v13 =	vsub.f32 v5, v13  }
0x2d0: {  	v12 =	vmul.f32 $1.442695020e+00, v3;
	v14 =	vadd.s32 v14, v17;
	v5 =	vsub.f32 v25, v11;
	[tilespmem:v10+s26+$0x0] =	vst.idx.add.f32.msk $0xffff, v1  }
0x2d1: {  	v11 =	vmul.f32 $1.442695020e+00, v4;
	v9 =	vmul.f32 v9, v18;
	[tilespmem:v10+s28+$0x0] =	vst.idx.add.f32.msk $0xffff, v13;
	v10 =	vadd.s32 v20, v14  }
0x2d2: {  	(erf) = vpow2.f32 v12;
	v12 =	vmul.f32 $1.442695020e+00, v5;
	vm2 =	vgt.s32 v10, $0x0  }
0x2d3: {  	(erf) = vpow2.f32 v11;
	v9 =	vadd.f32 $2.000000000e+00, v9;
	v11 =	vld [tilespmem:s13+$0x8020];
	v10 =	vnsel vm2, $0x0, v10  }
0x2d4: {  	v13 =	vld [tilespmem:s13+$0xA020]  }
0x2d5: {  	v7 =	vsel vm0, v7, v8;
	(erf) = vpow2.f32 v12;
	v12 =	vld [tilespmem:s13+$0xC020];
	v8 =	vmul.f32 v9, v16  }
0x2d6: {  	v6 =	vsel vm1, v6, v7  }
0x2d7: {  	v6 =	vsub.f32 v6, v8  }
0x2d8: {  	[tilespmem:v10+s24+$0x0] =	vst.idx.add.f32.msk $0xffff, v1  }
0x2d9: {  	v7 =	vmax.f32 v11, v13;
	[tilespmem:v10+s25+$0x0] =	vst.idx.add.f32.msk $0xffff, v6  }
0x2da: {  	v7 =	vmax.f32 v7, v12;
	v8 =	vld [tilespmem:s9+$0x8010]  }
0x2db: {  	v14 =	vpop (erf);
	v6 =	vsub.f32 v11, v7;
	v10 =	vsub.f32 v13, v7;
	v13 =	vld [tilespmem:s9+$0xA010]  }
0x2dc: {  	v15 =	vpop (erf);
	v17 =	vld [tilespmem:s9+$0xC010]  }
0x2dd: {  	v9 =	vadd.f32 v15, v14;
	v16 =	vmul.f32 $1.442695020e+00, v6  }
0x2de: {  	v11 =	vsub.f32 v12, v7;
	v7 =	vmul.f32 $1.442695020e+00, v10;
	v18 =	vpop (erf)  }
0x2df: {  	v12 =	vadd.f32 v9, v18;
	(erf) = vpow2.f32 v16  }
0x2e0: {  	v9 =	vmul.f32 $1.442695020e+00, v11;
	(erf) = vpow2.f32 v7;
	v7 =	vmax.f32 v8, v13  }
0x2e1: {  	(erf) = vrcp.f32 v12;
	v16 =	vmax.f32 v7, v17  }
0x2e2: {  	(erf) = vpow2.f32 v9;
	v9 =	vsub.f32 v8, v16  }
0x2e3: {  	v7 =	vsub.f32 v13, v16  }
0x2e4: {  	v13 =	vmul.f32 $1.442695020e+00, v9  }
0x2e5: {  	v8 =	vsub.f32 v17, v16;
	v16 =	vmul.f32 $1.442695020e+00, v7;
	_ =	sdelay $0x1  }
0x2e6: {  	v17 =	vmul.f32 $1.442695020e+00, v8  }
0x2e7: {  	(erf) = vpow2.f32 v13;
	v13 =	vpop (erf)  }
0x2e8: {  	(erf) = vpow2.f32 v16;
	v16 =	vpop (erf)  }
0x2e9: {  	v19 =	vpop (erf);
	v20 =	vadd.f32 v16, v13  }
0x2ea: {  	(erf) = vpow2.f32 v17;
	v17 =	vpop (erf)  }
0x2eb: {  	v21 =	vadd.f32 $1.000000000e+00, v12;
	v20 =	vadd.f32 v20, v17;
	_ =	sdelay $0x1  }
0x2ec: {  	(erf) = vrcp.f32 v21;
	v21 =	vadd.f32 $1.000000000e+00, v20;
	_ =	sdelay $0x2  }
0x2ed: {  	v22 =	vld [tilespmem:s10+$0xE000];
	(erf) = vrcp.f32 v20  }
0x2ee: {  	v23 =	vld [tilespmem:s13+$0xE020];
	(erf) = vrcp.f32 v21;
	v21 =	vpop (erf)  }
0x2ef: {  	v24 =	vpop (erf)  }
0x2f0: {  	v25 =	vadd.f32 v24, v21  }
0x2f1: {  	v26 =	vpop (erf)  }
0x2f2: {  	vm1 =	veq.s32 v22, $0x1;
	vm0 =	veq.s32 v22, $0x0;
	v22 =	vadd.f32 v25, v26  }
0x2f3: {  	vm5 =	veq.s32 v23, $0x1  }
0x2f4: {  	v16 =	vsel vm5, v16, v17;
	v17 =	vadd.f32 $1.000000000e+00, v22;
	_ =	sdelay $0x1  }
0x2f5: {  	vm4 =	veq.s32 v23, $0x0;
	v15 =	vsel vm1, v15, v18;
	v18 =	vpop (erf);
	(erf) = vrcp.f32 v22  }
0x2f6: {  	v14 =	vsel vm0, v14, v15;
	v13 =	vsel vm4, v13, v16;
	v15 =	vadd.f32 $-1.000000000e+00, v20;
	v16 =	vpop (erf)  }
0x2f7: {  	v13 =	vmul.f32 v16, v13;
	v16 =	vld [tilespmem:s9+$0xE010];
	(erf) = vrcp.f32 v17;
	v17 =	vpop (erf)  }
0x2f8: {  	v15 =	vmul.f32 v17, v15  }
0x2f9: {  	v14 =	vmul.f32 v19, v14;
	v13 =	vsub.f32 $1.000000000e+00, v13  }
0x2fa: {  	v12 =	vadd.f32 $-1.000000000e+00, v12;
	v19 =	vmul.f32 v15, v15  }
0x2fb: {  	v14 =	vsub.f32 $1.000000000e+00, v14;
	v17 =	vmul.f32 $1.000000000e+01, v13  }
0x2fc: {  	v12 =	vmul.f32 v18, v12;
	vm3 =	veq.s32 v16, $0x1;
	v20 =	vmul.f32 $1.818181870e-01, v19  }
0x2fd: {  	vm2 =	veq.s32 v16, $0x0;
	v16 =	vsel vm3, v24, v26;
	v17 =	vtrunc.f32 v17  }
0x2fe: {  	v16 =	vsel vm2, v21, v16;
	v17 =	vcvt.f32.s32 v17;
	v21 =	vpop (erf);
	v20 =	vadd.f32 $2.222222240e-01, v20  }
0x2ff: {  	v18 =	vmul.f32 $1.000000000e+01, v14;
	v16 =	vmul.f32 v21, v16;
	v21 =	vadd.f32 $-1.000000000e+00, v22  }
0x300: {  	v23 =	vmul.f32 v12, v12;
	v22 =	vadd.s32 $0x1, v17;
	v25 =	vpop (erf);
	v20 =	vmul.f32 v20, v19  }
0x301: {  	v18 =	vtrunc.f32 v18;
	v21 =	vmul.f32 v25, v21;
	v16 =	vsub.f32 $1.000000000e+00, v16  }
0x302: {  	v18 =	vcvt.f32.s32 v18;
	v24 =	vmul.f32 $1.818181870e-01, v23;
	v20 =	vadd.f32 $2.857142980e-01, v20  }
0x303: {  	v25 =	vmul.f32 v21, v21;
	v26 =	vmul.f32 $1.000000000e+01, v16  }
0x304: {  	v24 =	vadd.f32 $2.222222240e-01, v24;
	v20 =	vmul.f32 v20, v19  }
0x305: {  	v29 =	vadd.s32 $0x1, v18;
	v22 =	vld.idx.msk [tilespmem:v22+s14+$0x0], $0xffff;
	v27 =	vmul.f32 $1.818181870e-01, v25;
	v26 =	vtrunc.f32 v26  }
0x306: {  	v24 =	vmul.f32 v24, v23;
	v28 =	vld.idx.msk [tilespmem:v17+s14+$0x0], $0xffff;
	v26 =	vcvt.f32.s32 v26;
	v20 =	vadd.f32 $4.000000060e-01, v20  }
0x307: {  	v27 =	vadd.f32 $2.222222240e-01, v27  }
0x308: {  	v24 =	vadd.f32 $2.857142980e-01, v24;
	v62 =	vadd.s32 $0x1, v26;
	v20 =	vmul.f32 v20, v19  }
0x309: {  	v10 =	vsel vm5, v10, v11;
	v63 =	vld.idx.msk [tilespmem:v18+s14+$0x0], $0xffff;
	v27 =	vmul.f32 v27, v25  }
0x30a: {  	v24 =	vmul.f32 v24, v23;
	vm11 =	vge.f32 v13, v22;
	v20 =	vadd.f32 $6.666666860e-01, v20  }
0x30b: {  	s12 =	simm.s32 $0x600;
	s2 =	simm.s32 $0xC0;
	vm12 =	vlt.f32 v13, v28;
	v13 =	vld.idx.msk [tilespmem:v29+s14+$0x0], $0xffff;
	v22 =	vsel vm11, $0x1, v2;
	v27 =	vadd.f32 $2.857142980e-01, v27  }
0x30c: {  	s6 =	simm.s32 $0x30;
	s15 =	sand.u32 $0xC00, s12;
	s11 =	sand.u32 $0x1000, s2;
	v17 =	vadd.s32 v22, v17;
	v22 =	vsel vm12, $0xFFFFFFFF, v2;
	v19 =	vmul.f32 v20, v19  }
0x30d: {  	s19 =	sand.u32 $0x380, s6;
	s4 =	sor.u32 s15, s11;
	v17 =	vadd.s32 v22, v17;
	v22 =	vadd.f32 $4.000000060e-01, v24;
	v24 =	vmul.f32 v27, v25;
	v20 =	vld.idx.msk [tilespmem:v62+s14+$0x0], $0xffff  }
0x30e: {  	s2 =	sand.u32 $0x40, s2;
	s4 =	sor.u32 s19, s4;
	v6 =	vsel vm4, v6, v10;
	vm14 =	vlt.f32 v14, v63;
	v27 =	vld.idx.msk [tilespmem:v26+s14+$0x0], $0xffff;
	v19 =	vadd.f32 $2.000000000e+00, v19  }
0x30f: {  	s11 =	sor.u32 s2, s4;
	v29 =	vsel vm14, $0xFFFFFFFF, v2;
	vm13 =	vgt.s32 v17, $0x0;
	v24 =	vadd.f32 $4.000000060e-01, v24  }
0x310: {  	v60 =	vld [tilespmem:s11+$0x8000];
	v17 =	vnsel vm13, $0x0, v17;
	vm15 =	vge.f32 v14, v13;
	v11 =	vmul.f32 v19, v15  }
0x311: {  	v61 =	vld [tilespmem:s11+$0xA000];
	v22 =	vmul.f32 v22, v23;
	v14 =	vsel vm15, $0x1, v2;
	v15 =	vmul.f32 v24, v25  }
0x312: {  	v10 =	vadd.s32 v14, v18;
	vm4 =	vge.f32 v16, v20;
	v6 =	vsub.f32 v6, v11  }
0x313: {  	v13 =	vld [tilespmem:s11+$0xC000];
	v11 =	vadd.f32 $6.666666860e-01, v15;
	v14 =	vsel vm4, $0x1, v2;
	vm4 =	vlt.f32 v16, v27  }
0x314: {  	v10 =	vadd.s32 v29, v10;
	v14 =	vadd.s32 v14, v26;
	v15 =	vsel vm4, $0xFFFFFFFF, v2  }
0x315: {  	vm4 =	vgt.s32 v10, $0x0;
	v11 =	vmul.f32 v11, v25;
	v14 =	vadd.s32 v15, v14  }
0x316: {  	v28 =	vmax.f32 v60, v61;
	[tilespmem:v17+s29+$0x0] =	vst.idx.add.f32.msk $0xffff, v1;
	v10 =	vnsel vm4, $0x0, v10;
	vm4 =	vgt.s32 v14, $0x0  }
0x317: {  	[tilespmem:v17+s30+$0x0] =	vst.idx.add.f32.msk $0xffff, v6;
	v17 =	vadd.f32 $6.666666860e-01, v22;
	v11 =	vadd.f32 $2.000000000e+00, v11;
	v14 =	vnsel vm4, $0x0, v14  }
0x318: {  	v20 =	vsel vm3, v7, v8;
	v15 =	vmax.f32 v28, v13;
	v16 =	vld [tilespmem:s13+$0x8030]  }
0x319: {  	v18 =	vld [tilespmem:s13+$0xA030];
	v6 =	vsub.f32 v60, v15;
	v17 =	vmul.f32 v17, v23;
	v11 =	vmul.f32 v11, v21  }
0x31a: {  	v9 =	vsel vm2, v9, v20;
	v19 =	vld [tilespmem:s13+$0xC030];
	v7 =	vsub.f32 v13, v15;
	v8 =	vsub.f32 v61, v15  }
0x31b: {  	v13 =	vmul.f32 $1.442695020e+00, v6;
	v15 =	vadd.f32 $2.000000000e+00, v17;
	[tilespmem:v10+s24+$0x0] =	vst.idx.add.f32.msk $0xffff, v1;
	v9 =	vsub.f32 v9, v11  }
0x31c: {  	v4 =	vsel vm1, v4, v5;
	v5 =	vmul.f32 $1.442695020e+00, v8;
	[tilespmem:v14+s26+$0x0] =	vst.idx.add.f32.msk $0xffff, v1  }
0x31d: {  	v4 =	vsel vm0, v3, v4;
	(erf) = vpow2.f32 v13;
	v12 =	vmul.f32 v15, v12;
	[tilespmem:v14+s28+$0x0] =	vst.idx.add.f32.msk $0xffff, v9  }
0x31e: {  	v11 =	vmul.f32 $1.442695020e+00, v7;
	v17 =	vmax.f32 v16, v18;
	(erf) = vpow2.f32 v5;
	v13 =	vld [tilespmem:s9+$0x8020]  }
0x31f: {  	v9 =	vmax.f32 v17, v19;
	v5 =	vsub.f32 v4, v12;
	v12 =	vld [tilespmem:s9+$0xA020]  }
0x320: {  	(erf) = vpow2.f32 v11;
	v3 =	vsub.f32 v16, v9;
	v11 =	vld [tilespmem:s9+$0xC020]  }
0x321: {  	v4 =	vsub.f32 v18, v9;
	[tilespmem:v10+s25+$0x0] =	vst.idx.add.f32.msk $0xffff, v5  }
0x322: {  	v14 =	vmul.f32 $1.442695020e+00, v3;
	v10 =	vld [tilespmem:s10+$0x8010]  }
0x323: {  	v5 =	vsub.f32 v19, v9;
	v9 =	vmul.f32 $1.442695020e+00, v4;
	v16 =	vld [tilespmem:s10+$0xA010]  }
0x324: {  	v18 =	vld [tilespmem:s10+$0xC010];
	(erf) = vpow2.f32 v14  }
0x325: {  	v14 =	vmul.f32 $1.442695020e+00, v5;
	(erf) = vpow2.f32 v9;
	v9 =	vmax.f32 v13, v12  }
0x326: {  	v19 =	vpop (erf);
	v9 =	vmax.f32 v9, v11  }
0x327: {  	(erf) = vpow2.f32 v14;
	v20 =	vpop (erf);
	v14 =	vsub.f32 v13, v9;
	v15 =	vsub.f32 v12, v9  }
0x328: {  	v12 =	vadd.f32 v20, v19;
	v13 =	vmax.f32 v10, v16;
	v17 =	vsub.f32 v11, v9  }
0x329: {  	v13 =	vmax.f32 v13, v18;
	v21 =	vmul.f32 $1.442695020e+00, v14;
	v9 =	vmul.f32 $1.442695020e+00, v15  }
0x32a: {  	v22 =	vpop (erf);
	v11 =	vsub.f32 v10, v13  }
0x32b: {  	v24 =	vadd.f32 v12, v22;
	v10 =	vmul.f32 $1.442695020e+00, v17;
	(erf) = vpow2.f32 v21  }
0x32c: {  	v12 =	vsub.f32 v16, v13;
	v16 =	vmul.f32 $1.442695020e+00, v11;
	(erf) = vpow2.f32 v9  }
0x32d: {  	v9 =	vpop (erf);
	(erf) = vrcp.f32 v24  }
0x32e: {  	v13 =	vsub.f32 v18, v13;
	v21 =	vmul.f32 $1.442695020e+00, v12;
	v28 =	vpop (erf);
	(erf) = vpow2.f32 v10  }
0x32f: {  	v10 =	vadd.f32 v28, v9;
	(erf) = vpow2.f32 v16  }
0x330: {  	v18 =	vld [tilespmem:s11+$0xE000];
	v16 =	vpop (erf);
	(erf) = vpow2.f32 v21;
	v21 =	vmul.f32 $1.442695020e+00, v13  }
0x331: {  	v23 =	vadd.f32 $1.000000000e+00, v24;
	v10 =	vadd.f32 v10, v16;
	_ =	sdelay $0x1  }
0x332: {  	(erf) = vrcp.f32 v10  }
0x333: {  	v29 =	vld [tilespmem:s13+$0xE030];
	v25 =	vadd.f32 $1.000000000e+00, v10;
	(erf) = vpow2.f32 v21;
	v21 =	vpop (erf)  }
0x334: {  	vm3 =	veq.s32 v18, $0x1;
	(erf) = vrcp.f32 v23;
	v23 =	vpop (erf)  }
0x335: {  	vm2 =	veq.s32 v18, $0x0;
	v18 =	vsel vm3, v20, v22;
	v22 =	vpop (erf);
	(erf) = vrcp.f32 v25;
	_ =	sdelay $0x1  }
0x336: {  	v27 =	vadd.f32 v23, v21  }
0x337: {  	vm1 =	veq.s32 v29, $0x1;
	v26 =	vpop (erf)  }
0x338: {  	v18 =	vsel vm2, v19, v18;
	v25 =	vadd.f32 $-1.000000000e+00, v24;
	v20 =	vpop (erf);
	v24 =	vadd.f32 v27, v26  }
0x339: {  	s4 =	simm.s32 $0x100;
	vm0 =	veq.s32 v29, $0x0;
	v16 =	vsel vm1, v28, v16;
	v27 =	vmul.f32 v22, v18;
	v22 =	vpop (erf)  }
.LBB2_5:
0x33a: {  	p0 =	sne.s32 s4, $0x1FC0;
	v18 =	vadd.f32 v22, v20;
	(erf) = vrcp.f32 v24;
	v29 =	vsel vm0, v9, v16;
	v19 =	vpop (erf)  }
0x33b: {  	v28 =	vadd.f32 $1.000000000e+00, v24;
	v16 =	vsub.f32 $1.000000000e+00, v27;
	v27 =	vpop (erf);
	v30 =	vmul.f32 v19, v29  }
0x33c: {  	v10 =	vadd.f32 $-1.000000000e+00, v10;
	v9 =	vpop (erf);
	v29 =	vadd.f32 v18, v27;
	v18 =	vld [tilespmem:s9+$0xE020]  }
0x33d: {  	v9 =	vmul.f32 v9, v25;
	(erf) = vrcp.f32 v28;
	v25 =	vsub.f32 $1.000000000e+00, v30;
	v19 =	vpop (erf)  }
0x33e: {  	v28 =	vmul.f32 $1.000000000e+01, v16;
	v30 =	vadd.f32 $1.000000000e+00, v29;
	v31 =	vmul.f32 v19, v10  }
0x33f: {  	(erf) = vrcp.f32 v29;
	v10 =	vmul.f32 $1.000000000e+01, v25  }
0x340: {  	(erf) = vrcp.f32 v30;
	v30 =	vmul.f32 v31, v31  }
0x341: {  	v19 =	vld [tilespmem:s10+$0xE010];
	vm6 =	veq.s32 v18, $0x0;
	vm7 =	veq.s32 v18, $0x1;
	v10 =	vtrunc.f32 v10  }
0x342: {  	v18 =	vsel vm7, v23, v26;
	v23 =	vmul.f32 $1.818181870e-01, v30;
	v26 =	vcvt.f32.s32 v10  }
0x343: {  	v28 =	vtrunc.f32 v28;
	v10 =	vmul.f32 v9, v9;
	v18 =	vsel vm6, v21, v18;
	v21 =	vpop (erf)  }
0x344: {  	v21 =	vmul.f32 v21, v18;
	v23 =	vadd.f32 $2.222222240e-01, v23;
	v32 =	vadd.s32 $0x1, v26  }
0x345: {  	v24 =	vadd.f32 $-1.000000000e+00, v24;
	v33 =	vmul.f32 $1.818181870e-01, v10;
	v18 =	vcvt.f32.s32 v28  }
0x346: {  	vm5 =	veq.s32 v19, $0x1;
	v21 =	vsub.f32 $1.000000000e+00, v21;
	v28 =	vpop (erf);
	v23 =	vmul.f32 v23, v30  }
0x347: {  	vm4 =	veq.s32 v19, $0x0;
	v34 =	vsel vm5, v22, v27;
	v22 =	vmul.f32 v28, v24  }
0x348: {  	v28 =	vsel vm4, v20, v34;
	v20 =	vpop (erf);
	v24 =	vmul.f32 $1.000000000e+01, v21;
	v23 =	vadd.f32 $2.857142980e-01, v23  }
0x349: {  	v27 =	vadd.f32 $2.222222240e-01, v33;
	v20 =	vmul.f32 v20, v28;
	v19 =	vpop (erf);
	v28 =	vmul.f32 v22, v22;
	v32 =	vld.idx.msk [tilespmem:v32+s14+$0x0], $0xffff  }
0x34a: {  	s12 =	sadd.s32 $0x200, s12;
	v29 =	vadd.f32 $-1.000000000e+00, v29;
	v24 =	vtrunc.f32 v24;
	v23 =	vmul.f32 v23, v30;
	v33 =	vld.idx.msk [tilespmem:v26+s14+$0x0], $0xffff  }
0x34b: {  	s2 =	sand.u32 $0x1000, s4;
	s6 =	sadd.s32 $0x10, s6;
	s13 =	sand.u32 $0xC00, s12;
	v34 =	vadd.s32 $0x1, v18;
	v35 =	vmul.f32 $1.818181870e-01, v28;
	v24 =	vcvt.f32.s32 v24  }
0x34c: {  	s2 =	sor.u32 s13, s2;
	s13 =	sand.u32 $0x380, s6;
	v27 =	vmul.f32 v27, v10;
	v19 =	vmul.f32 v19, v29;
	v23 =	vadd.f32 $4.000000060e-01, v23  }
0x34d: {  	s15 =	sand.u32 $0x40, s4;
	s2 =	sor.u32 s13, s2;
	v20 =	vsub.f32 $1.000000000e+00, v20;
	v29 =	vadd.f32 $2.222222240e-01, v35;
	v35 =	vadd.s32 $0x1, v24  }
0x34e: {  	s13 =	sor.u32 s15, s2;
	v27 =	vadd.f32 $2.857142980e-01, v27;
	v36 =	vmul.f32 v19, v19;
	v23 =	vmul.f32 v23, v30  }
0x34f: {  	v38 =	vmul.f32 $1.000000000e+01, v20;
	vm8 =	vge.f32 v25, v32;
	v37 =	vld [tilespmem:s13+$0x8000];
	v29 =	vmul.f32 v29, v28  }
0x350: {  	v39 =	vsel vm8, $0x1, v2;
	vm8 =	vlt.f32 v25, v33;
	v32 =	vld [tilespmem:s13+$0xA000];
	v23 =	vadd.f32 $6.666666860e-01, v23  }
0x351: {  	v26 =	vadd.s32 v39, v26;
	v25 =	vadd.f32 $2.857142980e-01, v29;
	v29 =	vsel vm8, $0xFFFFFFFF, v2  }
0x352: {  	v33 =	vmul.f32 $1.818181870e-01, v36;
	v35 =	vld.idx.msk [tilespmem:v35+s14+$0x0], $0xffff;
	v23 =	vmul.f32 v23, v30;
	v26 =	vadd.s32 v29, v26  }
0x353: {  	v29 =	vtrunc.f32 v38;
	v25 =	vmul.f32 v25, v28;
	v30 =	vld.idx.msk [tilespmem:v24+s14+$0x0], $0xffff;
	vm8 =	vgt.s32 v26, $0x0  }
0x354: {  	v29 =	vcvt.f32.s32 v29;
	v23 =	vadd.f32 $2.000000000e+00, v23;
	v26 =	vnsel vm8, $0x0, v26  }
0x355: {  	v33 =	vadd.f32 $2.222222240e-01, v33;
	v38 =	vmax.f32 v37, v32;
	v25 =	vadd.f32 $4.000000060e-01, v25  }
0x356: {  	v4 =	vsel vm1, v4, v5;
	v40 =	vadd.s32 $0x1, v29;
	v39 =	vld [tilespmem:s13+$0xC000];
	v5 =	vmul.f32 v23, v31  }
0x357: {  	v3 =	vsel vm0, v3, v4;
	v23 =	vmul.f32 v27, v10;
	v27 =	vld.idx.msk [tilespmem:v18+s14+$0x0], $0xffff;
	v25 =	vmul.f32 v25, v28  }
0x358: {  	v31 =	vmul.f32 v33, v36;
	vm0 =	vge.f32 v21, v35;
	v4 =	vld.idx.msk [tilespmem:v34+s14+$0x0], $0xffff;
	v3 =	vsub.f32 v3, v5  }
0x359: {  	v5 =	vadd.f32 $6.666666860e-01, v25;
	v25 =	vsel vm0, $0x1, v2;
	vm0 =	vlt.f32 v21, v30;
	[tilespmem:v26+s31+$0x0] =	vst.idx.add.f32.msk $0xffff, v1  }
0x35a: {  	v21 =	vadd.f32 $2.857142980e-01, v31;
	v24 =	vadd.s32 v25, v24;
	v25 =	vsel vm0, $0xFFFFFFFF, v2;
	[tilespmem:v26+s0+$0x0] =	vst.idx.add.f32.msk $0xffff, v3  }
0x35b: {  	v3 =	vmax.f32 v38, v39;
	v26 =	vld.idx.msk [tilespmem:v40+s14+$0x0], $0xffff;
	v5 =	vmul.f32 v5, v28;
	v24 =	vadd.s32 v25, v24  }
0x35c: {  	v23 =	vadd.f32 $4.000000060e-01, v23;
	v21 =	vmul.f32 v21, v36;
	v25 =	vld.idx.msk [tilespmem:v29+s14+$0x0], $0xffff;
	vm0 =	vgt.s32 v24, $0x0  }
0x35d: {  	vm1 =	vlt.f32 v16, v27;
	v5 =	vadd.f32 $2.000000000e+00, v5;
	v24 =	vnsel vm0, $0x0, v24  }
0x35e: {  	v23 =	vmul.f32 v23, v10;
	v27 =	vsel vm1, $0xFFFFFFFF, v2;
	v21 =	vadd.f32 $4.000000060e-01, v21  }
0x35f: {  	vm0 =	vge.f32 v16, v4;
	v4 =	vsel vm7, v15, v17;
	v5 =	vmul.f32 v5, v22  }
0x360: {  	v15 =	vsel vm0, $0x1, v2;
	v4 =	vsel vm6, v14, v4;
	v16 =	vmul.f32 v21, v36  }
0x361: {  	v14 =	vadd.s32 v15, v18;
	vm0 =	vge.f32 v20, v26;
	v4 =	vsub.f32 v4, v5  }
0x362: {  	v5 =	vadd.f32 $6.666666860e-01, v16;
	v15 =	vsel vm0, $0x1, v2;
	vm0 =	vlt.f32 v20, v25;
	[tilespmem:v24+s29+$0x0] =	vst.idx.add.f32.msk $0xffff, v1  }
0x363: {  	v14 =	vadd.s32 v27, v14;
	v15 =	vadd.s32 v15, v29;
	v16 =	vsel vm0, $0xFFFFFFFF, v2;
	[tilespmem:v24+s30+$0x0] =	vst.idx.add.f32.msk $0xffff, v4  }
0x364: {  	vm0 =	vgt.s32 v14, $0x0;
	v4 =	vmul.f32 v5, v36;
	v5 =	vadd.s32 v16, v15;
	v15 =	vld [tilespmem:s9+$0x8030]  }
0x365: {  	v16 =	vsub.f32 v39, v3;
	v14 =	vnsel vm0, $0x0, v14;
	vm0 =	vgt.s32 v5, $0x0;
	v17 =	vld [tilespmem:s9+$0xA030]  }
0x366: {  	v18 =	vadd.f32 $6.666666860e-01, v23;
	v4 =	vadd.f32 $2.000000000e+00, v4;
	v5 =	vnsel vm0, $0x0, v5;
	v20 =	vld [tilespmem:s9+$0xC030]  }
0x367: {  	v21 =	vsub.f32 v37, v3;
	v3 =	vsub.f32 v32, v3  }
0x368: {  	v12 =	vsel vm5, v12, v13;
	v10 =	vmul.f32 v18, v10;
	v4 =	vmul.f32 v4, v19  }
0x369: {  	v11 =	vsel vm4, v11, v12;
	v13 =	vmul.f32 $1.442695020e+00, v21;
	v18 =	vsel vm3, v8, v7;
	v7 =	vmovc v16;
	v8 =	vmovc v3  }
0x36a: {  	v3 =	vadd.f32 $2.000000000e+00, v10;
	v4 =	vsub.f32 v11, v4;
	[tilespmem:v14+s24+$0x0] =	vst.idx.add.f32.msk $0xffff, v1;
	v10 =	vmax.f32 v15, v17  }
0x36b: {  	v12 =	vmul.f32 $1.442695020e+00, v7;
	v11 =	vmul.f32 $1.442695020e+00, v8;
	[tilespmem:v5+s26+$0x0] =	vst.idx.add.f32.msk $0xffff, v1;
	v10 =	vmax.f32 v10, v20  }
0x36c: {  	v9 =	vmul.f32 v3, v9;
	(erf) = vpow2.f32 v13;
	[tilespmem:v5+s28+$0x0] =	vst.idx.add.f32.msk $0xffff, v4;
	v3 =	vsub.f32 v15, v10  }
0x36d: {  	v5 =	vsel vm2, v6, v18;
	v4 =	vsub.f32 v17, v10;
	v6 =	vmovc v21;
	(erf) = vpow2.f32 v11;
	v11 =	vld [tilespmem:s10+$0x8020]  }
0x36e: {  	v9 =	vsub.f32 v5, v9;
	v13 =	vld [tilespmem:s10+$0xA020];
	v15 =	vmul.f32 $1.442695020e+00, v3  }
0x36f: {  	v5 =	vsub.f32 v20, v10;
	v10 =	vmul.f32 $1.442695020e+00, v4;
	(erf) = vpow2.f32 v12;
	v12 =	vld [tilespmem:s10+$0xC020]  }
0x370: {  	[tilespmem:v14+s25+$0x0] =	vst.idx.add.f32.msk $0xffff, v9;
	(erf) = vpow2.f32 v15  }
0x371: {  	v14 =	vmul.f32 $1.442695020e+00, v5;
	v9 =	vld [tilespmem:s11+$0x8010];
	(erf) = vpow2.f32 v10  }
0x372: {  	v10 =	vld [tilespmem:s11+$0xA010]  }
0x373: {  	v16 =	vld [tilespmem:s11+$0xC010];
	v15 =	vmax.f32 v11, v13;
	(erf) = vpow2.f32 v14  }
0x374: {  	v17 =	vmax.f32 v15, v12  }
0x375: {  	v18 =	vpop (erf);
	v14 =	vsub.f32 v11, v17  }
0x376: {  	v15 =	vsub.f32 v13, v17;
	v19 =	vpop (erf)  }
0x377: {  	v11 =	vadd.f32 v19, v18;
	v13 =	vmax.f32 v9, v10;
	v20 =	vmul.f32 $1.442695020e+00, v14  }
0x378: {  	v17 =	vsub.f32 v12, v17;
	v21 =	vmul.f32 $1.442695020e+00, v15;
	v22 =	vpop (erf);
	v13 =	vmax.f32 v13, v16  }
0x379: {  	v24 =	vadd.f32 v11, v22;
	v11 =	vsub.f32 v9, v13;
	(erf) = vpow2.f32 v20;
	v9 =	vpop (erf)  }
0x37a: {  	v12 =	vsub.f32 v10, v13;
	v10 =	vmul.f32 $1.442695020e+00, v17;
	(erf) = vpow2.f32 v21;
	v28 =	vpop (erf)  }
0x37b: {  	(erf) = vrcp.f32 v24;
	v20 =	vmul.f32 $1.442695020e+00, v11;
	v21 =	vadd.f32 v28, v9  }
0x37c: {  	v13 =	vsub.f32 v16, v13;
	v16 =	vmul.f32 $1.442695020e+00, v12;
	(erf) = vpow2.f32 v10;
	v29 =	vpop (erf)  }
0x37d: {  	(erf) = vpow2.f32 v20;
	v10 =	vadd.f32 v21, v29  }
0x37e: {  	v21 =	vmul.f32 $1.442695020e+00, v13;
	v20 =	vld [tilespmem:s13+$0xE000];
	(erf) = vpow2.f32 v16  }
0x37f: {  	v16 =	vadd.f32 $1.000000000e+00, v24;
	(erf) = vrcp.f32 v10  }
0x380: {  	v25 =	vadd.f32 $1.000000000e+00, v10;
	(erf) = vpow2.f32 v21  }
0x381: {  	(erf) = vrcp.f32 v16;
	v16 =	vld [tilespmem:s9+$0xE030];
	s9 =	smov.u32 s10;
	s10 =	smov.u32 s11;
	s11 =	smov.u32 s13  }
0x382: {  	v21 =	vpop (erf);
	(erf) = vrcp.f32 v25  }
.Ltmp1:
0x383: {  	vm3 =	veq.s32 v20, $0x1;
	v23 =	vpop (erf);
	(pc) =	sbr.rel @p0 .LBB2_5-.Ltmp1, $4  }
0x384: {  	vm2 =	veq.s32 v20, $0x0;
	v19 =	vsel vm3, v19, v22;
	v22 =	vpop (erf);
	v27 =	vadd.f32 v23, v21  }
0x385: {  	v18 =	vsel vm2, v18, v19;
	v26 =	vpop (erf)  }
0x386: {  	v25 =	vadd.f32 $-1.000000000e+00, v24;
	v20 =	vpop (erf);
	v24 =	vadd.f32 v27, v26;
	vm1 =	veq.s32 v16, $0x1  }
0x387: {  	s4 =	sadd.s32 $0x40, s4;
	v27 =	vmul.f32 v22, v18;
	vm0 =	veq.s32 v16, $0x0;
	v22 =	vpop (erf);
	v16 =	vsel vm1, v28, v29  }
0x388: {  	v18 =	vadd.f32 $1.000000000e+00, v24  }
0x389: {  	(erf) = vrcp.f32 v24  }
0x38a: {  	(erf) = vrcp.f32 v18  }
0x38b: {  	v28 =	vld [tilespmem:s9+$0xE020];
	_ =	sdelay $0x1  }
0x38c: {  	v19 =	vadd.f32 v22, v20;
	v18 =	vpop (erf)  }
0x38d: {  	v29 =	vpop (erf)  }
0x38e: {  	v30 =	vadd.f32 v19, v29  }
0x38f: {  	vm7 =	veq.s32 v28, $0x1;
	vm6 =	veq.s32 v28, $0x0;
	v31 =	vpop (erf)  }
0x390: {  	v23 =	vsel vm7, v23, v26;
	v19 =	vpop (erf);
	v32 =	vadd.f32 $1.000000000e+00, v30;
	(erf) = vrcp.f32 v30  }
0x391: {  	v39 =	vadd.f32 $-1.000000000e+00, v24;
	v21 =	vsel vm6, v21, v23;
	v38 =	vpop (erf)  }
0x392: {  	v40 =	vld [tilespmem:s10+$0xE010];
	(erf) = vrcp.f32 v32;
	v21 =	vmul.f32 v38, v21;
	v41 =	vpop (erf)  }
0x393: {  	v23 =	vmul.f32 v41, v39  }
0x394: {  	v21 =	vsub.f32 $1.000000000e+00, v21  }
0x395: {  	v24 =	vmul.f32 v23, v23  }
0x396: {  	v42 =	vmul.f32 $1.000000000e+01, v21  }
0x397: {  	vm5 =	veq.s32 v40, $0x1;
	v43 =	vmul.f32 $1.818181870e-01, v24  }
0x398: {  	vm4 =	veq.s32 v40, $0x0;
	v44 =	vsel vm5, v22, v29;
	v45 =	vtrunc.f32 v42  }
0x399: {  	v46 =	vsel vm4, v20, v44;
	v47 =	vpop (erf);
	v26 =	vcvt.f32.s32 v45;
	v48 =	vadd.f32 $2.222222240e-01, v43  }
0x39a: {  	v49 =	vadd.f32 $-1.000000000e+00, v30;
	v20 =	vmul.f32 v47, v46  }
0x39b: {  	v27 =	vsub.f32 $1.000000000e+00, v27;
	v50 =	vpop (erf);
	v51 =	vadd.s32 $0x1, v26;
	v28 =	vmul.f32 v48, v24  }
0x39c: {  	v22 =	vmul.f32 v50, v49;
	v20 =	vsub.f32 $1.000000000e+00, v20  }
0x39d: {  	v53 =	vmul.f32 $1.000000000e+01, v27;
	v28 =	vadd.f32 $2.857142980e-01, v28  }
0x39e: {  	v29 =	vmul.f32 v22, v22;
	v52 =	vmul.f32 $1.000000000e+01, v20  }
0x39f: {  	v25 =	vmul.f32 v31, v25;
	v35 =	vld.idx.msk [tilespmem:v26+s14+$0x0], $0xffff;
	v28 =	vmul.f32 v28, v24  }
0x3a0: {  	v33 =	vmul.f32 $1.818181870e-01, v29;
	v30 =	vld.idx.msk [tilespmem:v51+s14+$0x0], $0xffff;
	v31 =	vtrunc.f32 v52  }
0x3a1: {  	v34 =	vmul.f32 v25, v25;
	v31 =	vcvt.f32.s32 v31  }
0x3a2: {  	v32 =	vtrunc.f32 v53;
	v28 =	vadd.f32 $4.000000060e-01, v28;
	v33 =	vadd.f32 $2.222222240e-01, v33  }
0x3a3: {  	v36 =	vmul.f32 $1.818181870e-01, v34;
	v32 =	vcvt.f32.s32 v32;
	v37 =	vadd.s32 $0x1, v31  }
0x3a4: {  	v28 =	vmul.f32 v28, v24;
	v33 =	vmul.f32 v33, v29  }
0x3a5: {  	v36 =	vadd.f32 $2.222222240e-01, v36;
	vm14 =	vlt.f32 v21, v35;
	vm8 =	vge.f32 v21, v30  }
0x3a6: {  	v28 =	vadd.f32 $6.666666860e-01, v28;
	v30 =	vsel vm8, $0x1, v2;
	v54 =	vadd.f32 $2.857142980e-01, v33  }
0x3a7: {  	v56 =	vadd.s32 $0x1, v32;
	v55 =	vsel vm14, $0xFFFFFFFF, v2;
	v26 =	vadd.s32 v30, v26;
	v59 =	vld.idx.msk [tilespmem:v31+s14+$0x0], $0xffff  }
0x3a8: {  	v24 =	vmul.f32 v28, v24;
	v57 =	vld.idx.msk [tilespmem:v37+s14+$0x0], $0xffff;
	v26 =	vadd.s32 v55, v26;
	v21 =	vmul.f32 v54, v29  }
0x3a9: {  	v58 =	vmul.f32 v36, v34;
	vm15 =	vgt.s32 v26, $0x0  }
0x3aa: {  	v24 =	vadd.f32 $2.000000000e+00, v24;
	v26 =	vnsel vm15, $0x0, v26;
	v21 =	vadd.f32 $4.000000060e-01, v21  }
0x3ab: {  	v15 =	vsel vm7, v15, v17;
	v30 =	vadd.f32 $2.857142980e-01, v58  }
0x3ac: {  	v14 =	vsel vm6, v14, v15;
	v60 =	vmul.f32 v24, v23;
	v21 =	vmul.f32 v21, v29  }
0x3ad: {  	v63 =	vld.idx.msk [tilespmem:v56+s14+$0x0], $0xffff;
	v62 =	vmul.f32 v30, v34;
	vm12 =	vlt.f32 v20, v59;
	vm11 =	vge.f32 v20, v57  }
0x3ae: {  	v61 =	vld.idx.msk [tilespmem:v32+s14+$0x0], $0xffff;
	v14 =	vsub.f32 v14, v60;
	v28 =	vadd.f32 $6.666666860e-01, v21;
	v30 =	vsel vm11, $0x1, v2  }
0x3af: {  	v15 =	vadd.f32 $4.000000060e-01, v62;
	v33 =	vsel vm12, $0xFFFFFFFF, v2;
	[tilespmem:v26+s29+$0x0] =	vst.idx.add.f32.msk $0xffff, v1;
	v31 =	vadd.s32 v30, v31  }
0x3b0: {  	[tilespmem:v26+s30+$0x0] =	vst.idx.add.f32.msk $0xffff, v14;
	v35 =	vmul.f32 v28, v29;
	v36 =	vadd.s32 v33, v31  }
0x3b1: {  	v12 =	vsel vm5, v12, v13;
	v15 =	vmul.f32 v15, v34;
	v37 =	vld [tilespmem:s9+$0x8030];
	vm14 =	vgt.s32 v36, $0x0  }
0x3b2: {  	vm15 =	vge.f32 v27, v63;
	v38 =	vld [tilespmem:s9+$0xA030];
	v14 =	vadd.f32 $2.000000000e+00, v35;
	v17 =	vnsel vm14, $0x0, v36  }
0x3b3: {  	vm13 =	vlt.f32 v27, v61;
	v24 =	vsel vm15, $0x1, v2;
	v15 =	vadd.f32 $6.666666860e-01, v15;
	v26 =	vld [tilespmem:s9+$0xC030]  }
0x3b4: {  	v23 =	vsel vm13, $0xFFFFFFFF, v2;
	v24 =	vadd.s32 v24, v32;
	v39 =	vmul.f32 v14, v22  }
0x3b5: {  	v11 =	vsel vm4, v11, v12;
	v40 =	vadd.s32 v23, v24;
	v15 =	vmul.f32 v15, v34  }
0x3b6: {  	vm12 =	vgt.s32 v40, $0x0;
	v11 =	vsub.f32 v11, v39  }
0x3b7: {  	v41 =	vnsel vm12, $0x0, v40;
	v42 =	vadd.f32 $2.000000000e+00, v15;
	v43 =	vmax.f32 v37, v38;
	[tilespmem:v17+s26+$0x0] =	vst.idx.add.f32.msk $0xffff, v1  }
0x3b8: {  	v14 =	vmax.f32 v43, v26;
	[tilespmem:v17+s28+$0x0] =	vst.idx.add.f32.msk $0xffff, v11  }
0x3b9: {  	v8 =	vsel vm3, v8, v7;
	v44 =	vmul.f32 v42, v25;
	v7 =	vsub.f32 v37, v14;
	v45 =	vld [tilespmem:s10+$0x8020]  }
0x3ba: {  	v8 =	vsel vm2, v6, v8;
	v6 =	vsub.f32 v38, v14;
	v46 =	vld [tilespmem:s10+$0xA020]  }
0x3bb: {  	v11 =	vsub.f32 v8, v44;
	v48 =	vld [tilespmem:s10+$0xC020];
	v47 =	vmul.f32 $1.442695020e+00, v7  }
0x3bc: {  	[tilespmem:v41+s24+$0x0] =	vst.idx.add.f32.msk $0xffff, v1;
	v8 =	vsub.f32 v26, v14;
	v49 =	vmul.f32 $1.442695020e+00, v6  }
0x3bd: {  	[tilespmem:v41+s25+$0x0] =	vst.idx.add.f32.msk $0xffff, v11;
	(erf) = vpow2.f32 v47  }
0x3be: {  	v50 =	vmul.f32 $1.442695020e+00, v8;
	v11 =	vld [tilespmem:s11+$0x8010];
	(erf) = vpow2.f32 v49  }
0x3bf: {  	v51 =	vld [tilespmem:s11+$0xA010];
	v52 =	vmax.f32 v45, v46  }
0x3c0: {  	v53 =	vld [tilespmem:s11+$0xC010];
	(erf) = vpow2.f32 v50;
	v54 =	vmax.f32 v52, v48  }
0x3c1: {  	v13 =	vsub.f32 v45, v54  }
0x3c2: {  	v17 =	vsub.f32 v46, v54  }
0x3c3: {  	v55 =	vmul.f32 $1.442695020e+00, v13  }
0x3c4: {  	v56 =	vmax.f32 v11, v51;
	v23 =	vsub.f32 v48, v54;
	v57 =	vmul.f32 $1.442695020e+00, v17  }
0x3c5: {  	v22 =	vmax.f32 v56, v53;
	(erf) = vpow2.f32 v55  }
0x3c6: {  	v11 =	vsub.f32 v11, v22;
	v58 =	vmul.f32 $1.442695020e+00, v23;
	v12 =	vpop (erf);
	(erf) = vpow2.f32 v57  }
0x3c7: {  	v24 =	vsub.f32 v51, v22;
	v14 =	vpop (erf)  }
0x3c8: {  	v59 =	vmul.f32 $1.442695020e+00, v11;
	(erf) = vpow2.f32 v58;
	v60 =	vadd.f32 v14, v12  }
0x3c9: {  	v27 =	vsub.f32 v53, v22;
	v61 =	vmul.f32 $1.442695020e+00, v24;
	v20 =	vpop (erf)  }
0x3ca: {  	(erf) = vpow2.f32 v59;
	v15 =	vadd.f32 v60, v20  }
0x3cb: {  	v22 =	vmul.f32 $1.442695020e+00, v27;
	(erf) = vpow2.f32 v61  }
0x3cc: {  	(erf) = vrcp.f32 v15  }
0x3cd: {  	(erf) = vpow2.f32 v22  }
0x3ce: {  	v62 =	vpop (erf)  }
0x3cf: {  	v63 =	vpop (erf)  }
0x3d0: {  	v36 =	vadd.f32 v63, v62  }
0x3d1: {  	v37 =	vadd.f32 $1.000000000e+00, v15;
	v38 =	vpop (erf)  }
0x3d2: {  	v39 =	vadd.f32 v36, v38  }
0x3d3: {  	(erf) = vrcp.f32 v37;
	v40 =	vpop (erf)  }
0x3d4: {  	v41 =	vpop (erf);
	(erf) = vrcp.f32 v39;
	v42 =	vadd.f32 $1.000000000e+00, v39  }
0x3d5: {  	v43 =	vadd.f32 v41, v40;
	v21 =	vpop (erf)  }
0x3d6: {  	v45 =	vld [tilespmem:s10+$0xE020];
	v44 =	vpop (erf);
	(erf) = vrcp.f32 v42  }
0x3d7: {  	v32 =	vadd.f32 v43, v44;
	_ =	sdelay $0x1  }
0x3d8: {  	v46 =	vadd.f32 $1.000000000e+00, v32;
	(erf) = vrcp.f32 v32;
	_ =	sdelay $0x1  }
0x3d9: {  	v47 =	vld [tilespmem:s11+$0xE010];
	vm13 =	veq.s32 v45, $0x1;
	(erf) = vrcp.f32 v46  }
0x3da: {  	vm14 =	veq.s32 v45, $0x0;
	v26 =	vsel vm13, v63, v38;
	v22 =	vpop (erf)  }
0x3db: {  	v25 =	vsel vm14, v62, v26;
	v48 =	vpop (erf)  }
0x3dc: {  	v49 =	vadd.f32 $-1.000000000e+00, v39;
	v25 =	vmul.f32 v48, v25  }
0x3dd: {  	v50 =	vpop (erf)  }
0x3de: {  	vm2 =	veq.s32 v47, $0x1;
	v25 =	vsub.f32 $1.000000000e+00, v25;
	v26 =	vmul.f32 v50, v49  }
0x3df: {  	vm15 =	veq.s32 v47, $0x0;
	v51 =	vsel vm2, v41, v44  }
0x3e0: {  	v28 =	vsel vm15, v40, v51;
	v52 =	vpop (erf);
	v53 =	vmul.f32 $1.000000000e+01, v25;
	v54 =	vmul.f32 v26, v26  }
0x3e1: {  	v55 =	vadd.f32 $-1.000000000e+00, v32;
	v28 =	vmul.f32 v52, v28  }
0x3e2: {  	v56 =	vpop (erf);
	v30 =	vtrunc.f32 v53;
	v57 =	vmul.f32 $1.818181870e-01, v54  }
0x3e3: {  	v30 =	vcvt.f32.s32 v30;
	v29 =	vmul.f32 v56, v55;
	v28 =	vsub.f32 $1.000000000e+00, v28  }
0x3e4: {  	v58 =	vadd.f32 $2.222222240e-01, v57  }
0x3e5: {  	v59 =	vadd.s32 $0x1, v30;
	v60 =	vmul.f32 v29, v29;
	v61 =	vmul.f32 $1.000000000e+01, v28  }
0x3e6: {  	v32 =	vmul.f32 v58, v54  }
0x3e7: {  	v62 =	vmul.f32 $1.818181870e-01, v60;
	v35 =	vtrunc.f32 v61  }
0x3e8: {  	v32 =	vadd.f32 $2.857142980e-01, v32;
	v35 =	vcvt.f32.s32 v35  }
0x3e9: {  	v36 =	vadd.f32 $2.222222240e-01, v62  }
0x3ea: {  	v33 =	vld.idx.msk [tilespmem:v59+s14+$0x0], $0xffff;
	v32 =	vmul.f32 v32, v54;
	v63 =	vadd.s32 $0x1, v35  }
0x3eb: {  	v38 =	vld.idx.msk [tilespmem:v30+s14+$0x0], $0xffff;
	v36 =	vmul.f32 v36, v60  }
0x3ec: {  	v32 =	vadd.f32 $4.000000060e-01, v32  }
0x3ed: {  	v36 =	vadd.f32 $2.857142980e-01, v36  }
0x3ee: {  	v32 =	vmul.f32 v32, v54  }
0x3ef: {  	vm9 =	vge.f32 v25, v33;
	v37 =	vld.idx.msk [tilespmem:v63+s14+$0x0], $0xffff;
	v36 =	vmul.f32 v36, v60  }
0x3f0: {  	vm10 =	vlt.f32 v25, v38;
	v40 =	vld.idx.msk [tilespmem:v35+s14+$0x0], $0xffff;
	v32 =	vadd.f32 $6.666666860e-01, v32;
	v33 =	vsel vm9, $0x1, v2  }
0x3f1: {  	v41 =	vsel vm10, $0xFFFFFFFF, v2;
	v39 =	vadd.s32 v33, v30;
	v42 =	vadd.f32 $4.000000060e-01, v36  }
0x3f2: {  	v31 =	vmul.f32 v32, v54;
	v25 =	vadd.s32 v41, v39  }
0x3f3: {  	v17 =	vsel vm13, v17, v23;
	vm11 =	vgt.s32 v25, $0x0;
	v32 =	vmul.f32 v42, v60  }
0x3f4: {  	v31 =	vadd.f32 $2.000000000e+00, v31;
	v25 =	vnsel vm11, $0x0, v25;
	vm12 =	vge.f32 v28, v37  }
0x3f5: {  	vm13 =	vlt.f32 v28, v40;
	v43 =	vadd.f32 $6.666666860e-01, v32;
	v44 =	vsel vm12, $0x1, v2  }
0x3f6: {  	v30 =	vsel vm13, $0xFFFFFFFF, v2;
	v26 =	vmul.f32 v31, v26;
	v45 =	vadd.s32 v44, v35  }
0x3f7: {  	v13 =	vsel vm14, v13, v17;
	v46 =	vmul.f32 v43, v60;
	v47 =	vadd.s32 v30, v45  }
0x3f8: {  	v13 =	vsub.f32 v13, v26;
	vm14 =	vgt.s32 v47, $0x0  }
0x3f9: {  	[tilespmem:v25+s29+$0x0] =	vst.idx.add.f32.msk $0xffff, v1;
	v17 =	vadd.f32 $2.000000000e+00, v46;
	v23 =	vnsel vm14, $0x0, v47  }
0x3fa: {  	[tilespmem:v25+s30+$0x0] =	vst.idx.add.f32.msk $0xffff, v13  }
0x3fb: {  	v24 =	vsel vm2, v24, v27;
	v13 =	vld [tilespmem:s10+$0x8030];
	v17 =	vmul.f32 v17, v29  }
0x3fc: {  	v11 =	vsel vm15, v11, v24;
	v25 =	vld [tilespmem:s10+$0xA030]  }
0x3fd: {  	v48 =	vld [tilespmem:s10+$0xC030];
	v11 =	vsub.f32 v11, v17  }
0x3fe: {  	[tilespmem:v23+s26+$0x0] =	vst.idx.add.f32.msk $0xffff, v1  }
0x3ff: {  	[tilespmem:v23+s28+$0x0] =	vst.idx.add.f32.msk $0xffff, v11  }
0x400: {  	v23 =	vld [tilespmem:s11+$0x8020]  }
0x401: {  	v49 =	vld [tilespmem:s11+$0xA020]  }
0x402: {  	v50 =	vld [tilespmem:s11+$0xC020]  }
0x403: {  	v51 =	vmax.f32 v13, v25  }
0x404: {  	v52 =	vmax.f32 v51, v48  }
0x405: {  	v11 =	vsub.f32 v13, v52  }
0x406: {  	v13 =	vsub.f32 v25, v52;
	v53 =	vmax.f32 v23, v49  }
0x407: {  	v17 =	vsub.f32 v48, v52;
	v54 =	vmul.f32 $1.442695020e+00, v11;
	v55 =	vmax.f32 v53, v50  }
0x408: {  	v56 =	vmul.f32 $1.442695020e+00, v13;
	v57 =	vsub.f32 v23, v55  }
0x409: {  	v58 =	vmul.f32 $1.442695020e+00, v17;
	(erf) = vpow2.f32 v54;
	v26 =	vsub.f32 v49, v55  }
0x40a: {  	(erf) = vpow2.f32 v56;
	v59 =	vmul.f32 $1.442695020e+00, v57  }
0x40b: {  	v27 =	vsub.f32 v50, v55;
	(erf) = vpow2.f32 v58;
	v60 =	vmul.f32 $1.442695020e+00, v26  }
0x40c: {  	(erf) = vpow2.f32 v59  }
0x40d: {  	v24 =	vmul.f32 $1.442695020e+00, v27;
	(erf) = vpow2.f32 v60;
	_ =	sdelay $0x1  }
0x40e: {  	(erf) = vpow2.f32 v24;
	_ =	sdelay $0x2  }
0x40f: {  	v23 =	vpop (erf)  }
0x410: {  	v25 =	vpop (erf)  }
0x411: {  	v61 =	vadd.f32 v25, v23;
	v28 =	vpop (erf)  }
0x412: {  	v62 =	vpop (erf)  }
0x413: {  	v24 =	vadd.f32 v61, v28;
	v63 =	vpop (erf)  }
0x414: {  	v39 =	vadd.f32 v63, v62  }
0x415: {  	v40 =	vadd.f32 $1.000000000e+00, v24;
	v41 =	vpop (erf)  }
0x416: {  	(erf) = vrcp.f32 v24;
	v32 =	vadd.f32 v39, v41  }
0x417: {  	(erf) = vrcp.f32 v40  }
0x418: {  	(erf) = vrcp.f32 v32;
	v42 =	vadd.f32 $1.000000000e+00, v32;
	_ =	sdelay $0x1  }
0x419: {  	v43 =	vld [tilespmem:s11+$0xE020];
	(erf) = vrcp.f32 v42;
	_ =	sdelay $0x4  }
0x41a: {  	vm15 =	veq.s32 v43, $0x1;
	v33 =	vpop (erf)  }
0x41b: {  	vm8 =	veq.s32 v43, $0x0;
	v31 =	vsel vm15, v63, v41;
	v36 =	vpop (erf)  }
0x41c: {  	v30 =	vsel vm8, v62, v31;
	v44 =	vpop (erf)  }
0x41d: {  	v45 =	vadd.f32 $-1.000000000e+00, v32;
	v30 =	vmul.f32 v44, v30  }
0x41e: {  	v46 =	vpop (erf)  }
0x41f: {  	v30 =	vsub.f32 $1.000000000e+00, v30;
	v31 =	vmul.f32 v46, v45;
	_ =	sdelay $0x1  }
0x420: {  	v47 =	vmul.f32 $1.000000000e+01, v30;
	v48 =	vmul.f32 v31, v31;
	_ =	sdelay $0x1  }
0x421: {  	v32 =	vtrunc.f32 v47;
	v49 =	vmul.f32 $1.818181870e-01, v48  }
0x422: {  	v32 =	vcvt.f32.s32 v32  }
0x423: {  	v35 =	vadd.f32 $2.222222240e-01, v49  }
0x424: {  	v50 =	vadd.s32 $0x1, v32  }
0x425: {  	v35 =	vmul.f32 v35, v48;
	_ =	sdelay $0x1  }
0x426: {  	v35 =	vadd.f32 $2.857142980e-01, v35;
	_ =	sdelay $0x1  }
0x427: {  	v37 =	vld.idx.msk [tilespmem:v50+s14+$0x0], $0xffff;
	v35 =	vmul.f32 v35, v48  }
0x428: {  	v51 =	vld.idx.msk [tilespmem:v32+s14+$0x0], $0xffff  }
0x429: {  	v35 =	vadd.f32 $4.000000060e-01, v35;
	_ =	sdelay $0x1  }
0x42a: {  	v35 =	vmul.f32 v35, v48  }
0x42b: {  	vm9 =	vge.f32 v30, v37  }
0x42c: {  	vm10 =	vlt.f32 v30, v51;
	v35 =	vadd.f32 $6.666666860e-01, v35;
	v52 =	vsel vm9, $0x1, v2  }
0x42d: {  	v53 =	vsel vm10, $0xFFFFFFFF, v2;
	v30 =	vadd.s32 v52, v32  }
0x42e: {  	v34 =	vmul.f32 v35, v48;
	v30 =	vadd.s32 v53, v30  }
0x42f: {  	vm11 =	vgt.s32 v30, $0x0  }
0x430: {  	v54 =	vadd.f32 $2.000000000e+00, v34;
	v30 =	vnsel vm11, $0x0, v30;
	_ =	sdelay $0x1  }
0x431: {  	v26 =	vsel vm15, v26, v27;
	v55 =	vmul.f32 v54, v31  }
0x432: {  	v26 =	vsel vm8, v57, v26  }
0x433: {  	v26 =	vsub.f32 v26, v55  }
0x434: {  	[tilespmem:v30+s29+$0x0] =	vst.idx.add.f32.msk $0xffff, v1  }
0x435: {  	[tilespmem:v30+s30+$0x0] =	vst.idx.add.f32.msk $0xffff, v26  }
0x436: {  	v26 =	vld [tilespmem:s11+$0x8030]  }
0x437: {  	v56 =	vld [tilespmem:s11+$0xA030]  }
0x438: {  	v57 =	vld [tilespmem:s11+$0xC030];
	_ =	sdelay $0x2  }
0x439: {  	v9 =	vsel vm0, v9, v16  }
0x43a: {  	v9 =	vmul.f32 v18, v9;
	v58 =	vmax.f32 v26, v56  }
0x43b: {  	v10 =	vadd.f32 $-1.000000000e+00, v10;
	v59 =	vmax.f32 v58, v57  }
0x43c: {  	v18 =	vsub.f32 $1.000000000e+00, v9;
	v9 =	vsub.f32 v26, v59  }
0x43d: {  	v19 =	vmul.f32 v19, v10;
	v10 =	vsub.f32 v56, v59  }
0x43e: {  	v63 =	vmul.f32 $1.442695020e+00, v9  }
0x43f: {  	v16 =	vsub.f32 v57, v59;
	v35 =	vmul.f32 $1.442695020e+00, v10  }
0x440: {  	(erf) = vpow2.f32 v63  }
0x441: {  	v38 =	vmul.f32 $1.442695020e+00, v16;
	(erf) = vpow2.f32 v35;
	_ =	sdelay $0x1  }
0x442: {  	v60 =	vmul.f32 $1.000000000e+01, v18;
	(erf) = vpow2.f32 v38  }
0x443: {  	v40 =	vld [tilespmem:s9+$0xE030]  }
0x444: {  	v61 =	vmul.f32 v19, v19;
	v62 =	vtrunc.f32 v60  }
0x445: {  	v27 =	vcvt.f32.s32 v62  }
0x446: {  	v34 =	vmul.f32 $1.818181870e-01, v61  }
0x447: {  	v4 =	vsel vm1, v4, v5;
	v15 =	vadd.f32 $-1.000000000e+00, v15;
	v39 =	vadd.s32 $0x1, v27;
	v48 =	vld [tilespmem:s10+$0xE030]  }
0x448: {  	v3 =	vsel vm0, v3, v4;
	vm5 =	veq.s32 v40, $0x1;
	v37 =	vadd.f32 $2.222222240e-01, v34;
	v42 =	vpop (erf)  }
0x449: {  	v15 =	vmul.f32 v22, v15;
	vm2 =	veq.s32 v40, $0x0;
	v14 =	vsel vm5, v14, v20;
	v43 =	vpop (erf)  }
0x44a: {  	v6 =	vsel vm5, v6, v8;
	v30 =	vmul.f32 v37, v61;
	v44 =	vadd.f32 v43, v42  }
0x44b: {  	v24 =	vadd.f32 $-1.000000000e+00, v24;
	v12 =	vsel vm2, v12, v14;
	v6 =	vsel vm2, v7, v6;
	v41 =	vld.idx.msk [tilespmem:v27+s14+$0x0], $0xffff;
	v45 =	vpop (erf)  }
0x44c: {  	v29 =	vld.idx.msk [tilespmem:v39+s14+$0x0], $0xffff;
	vm4 =	veq.s32 v48, $0x1;
	v30 =	vadd.f32 $2.857142980e-01, v30;
	v14 =	vadd.f32 v44, v45  }
0x44d: {  	v12 =	vmul.f32 v21, v12;
	vm3 =	veq.s32 v48, $0x0;
	v25 =	vsel vm4, v25, v28  }
0x44e: {  	v30 =	vmul.f32 v30, v61;
	(erf) = vrcp.f32 v14;
	v50 =	vadd.f32 $1.000000000e+00, v14  }
0x44f: {  	v12 =	vsub.f32 $1.000000000e+00, v12;
	v24 =	vmul.f32 v36, v24;
	v23 =	vsel vm3, v23, v25;
	v55 =	vld [tilespmem:s11+$0xE030]  }
0x450: {  	v23 =	vmul.f32 v33, v23;
	v30 =	vadd.f32 $4.000000060e-01, v30;
	(erf) = vrcp.f32 v50  }
0x451: {  	vm13 =	vlt.f32 v18, v41;
	vm12 =	vge.f32 v18, v29;
	v53 =	vmul.f32 v15, v15  }
0x452: {  	v47 =	vsel vm12, $0x1, v2;
	v23 =	vsub.f32 $1.000000000e+00, v23;
	v30 =	vmul.f32 v30, v61  }
0x453: {  	v51 =	vadd.s32 v47, v27;
	v52 =	vmul.f32 $1.000000000e+01, v12;
	v57 =	vmul.f32 $1.818181870e-01, v53  }
0x454: {  	v62 =	vmul.f32 $1.000000000e+01, v23;
	vm7 =	veq.s32 v55, $0x1;
	v46 =	vadd.f32 $6.666666860e-01, v30  }
0x455: {  	vm6 =	veq.s32 v55, $0x0;
	v56 =	vtrunc.f32 v52;
	v27 =	vadd.f32 $2.222222240e-01, v57  }
0x456: {  	v22 =	vcvt.f32.s32 v56;
	v49 =	vmul.f32 v46, v61;
	v20 =	vsel vm7, v43, v45  }
0x457: {  	v59 =	vmul.f32 v27, v53;
	v63 =	vmul.f32 v24, v24;
	v20 =	vsel vm6, v42, v20;
	v61 =	vpop (erf)  }
0x458: {  	v58 =	vadd.s32 $0x1, v22;
	v14 =	vadd.f32 $-1.000000000e+00, v14;
	v20 =	vmul.f32 v61, v20  }
0x459: {  	v27 =	vtrunc.f32 v62;
	v60 =	vadd.f32 $2.857142980e-01, v59;
	v36 =	vmul.f32 $1.818181870e-01, v63;
	v35 =	vpop (erf)  }
0x45a: {  	v27 =	vcvt.f32.s32 v27;
	v20 =	vsub.f32 $1.000000000e+00, v20;
	v14 =	vmul.f32 v35, v14  }
0x45b: {  	v18 =	vadd.f32 $2.000000000e+00, v49;
	v21 =	vmul.f32 v60, v53;
	v28 =	vadd.f32 $2.222222240e-01, v36  }
0x45c: {  	v40 =	vadd.s32 $0x1, v27;
	v37 =	vmul.f32 $1.000000000e+01, v20;
	v38 =	vmul.f32 v14, v14  }
0x45d: {  	v54 =	vsel vm13, $0xFFFFFFFF, v2;
	v18 =	vmul.f32 v18, v19;
	v19 =	vld.idx.msk [tilespmem:v58+s14+$0x0], $0xffff;
	v43 =	vmul.f32 v28, v63  }
0x45e: {  	v21 =	vadd.f32 $4.000000060e-01, v21;
	v41 =	vtrunc.f32 v37;
	v42 =	vmul.f32 $1.818181870e-01, v38  }
0x45f: {  	v26 =	vadd.s32 v54, v51;
	v39 =	vld.idx.msk [tilespmem:v22+s14+$0x0], $0xffff;
	v4 =	vadd.f32 $2.857142980e-01, v43;
	v5 =	vcvt.f32.s32 v41  }
0x460: {  	vm14 =	vgt.s32 v26, $0x0;
	v51 =	vld.idx.msk [tilespmem:v27+s14+$0x0], $0xffff;
	v21 =	vmul.f32 v21, v53;
	v45 =	vadd.f32 $2.222222240e-01, v42  }
0x461: {  	v26 =	vnsel vm14, $0x0, v26;
	v49 =	vld.idx.msk [tilespmem:v40+s14+$0x0], $0xffff;
	v4 =	vmul.f32 v4, v63;
	v47 =	vadd.s32 $0x1, v5  }
0x462: {  	vm15 =	vge.f32 v12, v19;
	v44 =	vadd.f32 $6.666666860e-01, v21;
	v21 =	vmul.f32 v45, v38  }
0x463: {  	v3 =	vsub.f32 v3, v18;
	v46 =	vsel vm15, $0x1, v2;
	v4 =	vadd.f32 $4.000000060e-01, v4  }
0x464: {  	vm8 =	vlt.f32 v12, v39;
	v48 =	vadd.s32 v46, v22;
	v52 =	vadd.f32 $2.857142980e-01, v21  }
0x465: {  	vm11 =	vlt.f32 v23, v51;
	v19 =	vmul.f32 v44, v53;
	v4 =	vmul.f32 v4, v63  }
0x466: {  	vm10 =	vge.f32 v23, v49;
	v56 =	vsel vm11, $0xFFFFFFFF, v2;
	v53 =	vld.idx.msk [tilespmem:v47+s14+$0x0], $0xffff;
	v18 =	vmul.f32 v52, v38  }
0x467: {  	v50 =	vsel vm8, $0xFFFFFFFF, v2;
	v19 =	vadd.f32 $2.000000000e+00, v19;
	v4 =	vadd.f32 $6.666666860e-01, v4;
	v54 =	vld.idx.msk [tilespmem:v5+s14+$0x0], $0xffff  }
0x468: {  	v55 =	vsel vm10, $0x1, v2;
	v12 =	vadd.s32 v50, v48;
	v18 =	vadd.f32 $4.000000060e-01, v18  }
0x469: {  	vm9 =	vgt.s32 v12, $0x0;
	v15 =	vmul.f32 v19, v15;
	v4 =	vmul.f32 v4, v63  }
0x46a: {  	v12 =	vnsel vm9, $0x0, v12;
	v21 =	vadd.s32 v55, v27;
	v18 =	vmul.f32 v18, v38  }
0x46b: {  	v4 =	vadd.f32 $2.000000000e+00, v4;
	v57 =	vadd.s32 v56, v21;
	vm13 =	vge.f32 v20, v53  }
0x46c: {  	vm14 =	vlt.f32 v20, v54;
	v58 =	vadd.f32 $6.666666860e-01, v18;
	v59 =	vsel vm13, $0x1, v2  }
0x46d: {  	vm12 =	vgt.s32 v57, $0x0;
	v60 =	vsel vm14, $0xFFFFFFFF, v2;
	v5 =	vadd.s32 v59, v5  }
0x46e: {  	[tilespmem:v26+s31+$0x0] =	vst.idx.add.f32.msk $0xffff, v1;
	v7 =	vnsel vm12, $0x0, v57;
	v8 =	vmul.f32 v58, v38;
	v5 =	vadd.s32 v60, v5  }
0x46f: {  	[tilespmem:v26+s0+$0x0] =	vst.idx.add.f32.msk $0xffff, v3;
	v3 =	vsub.f32 v6, v15;
	v61 =	vsel vm4, v13, v17;
	vm15 =	vgt.s32 v5, $0x0  }
0x470: {  	s8 =	sadd.s32 $0x1, s8;
	[tilespmem:v12+s31+$0x0] =	vst.idx.add.f32.msk $0xffff, v1;
	v4 =	vmul.f32 v4, v24;
	v8 =	vadd.f32 $2.000000000e+00, v8;
	v5 =	vnsel vm15, $0x0, v5  }
0x471: {  	p0 =	sne.s32 s8, $0x8;
	[tilespmem:v12+s0+$0x0] =	vst.idx.add.f32.msk $0xffff, v3;
	v3 =	vsel vm3, v11, v61  }
.Ltmp2:
0x472: {  	v62 =	vsel vm7, v10, v16;
	v3 =	vsub.f32 v3, v4;
	v63 =	vmul.f32 v8, v14;
	(pc) =	sbr.rel @p0 .LBB2_2-.Ltmp2, $4  }
0x473: {  	v4 =	vsel vm6, v9, v62;
	[tilespmem:v7+s31+$0x0] =	vst.idx.add.f32.msk $0xffff, v1  }
0x474: {  	[tilespmem:v7+s0+$0x0] =	vst.idx.add.f32.msk $0xffff, v3;
	v3 =	vsub.f32 v4, v63  }
0x475: {  	[tilespmem:v5+s31+$0x0] =	vst.idx.add.f32.msk $0xffff, v1  }
0x476: {  	[tilespmem:v5+s0+$0x0] =	vst.idx.add.f32.msk $0xffff, v3  }
0x477: {  	_ =	swait.ge [sflag:s23], $0x2000  }
0x478: {  	[sflag:s23] =	ssyncset.done $0x0  }
0x479: {  	[sflag:s23] =	ssyncadd.s32 $0xFFFFE000  }
0x47a: {  	_ =	swait.ge [sflag:s23], $0x2000  }
0x47b: {  	[sflag:s23] =	ssyncset.done $0x0  }
0x47c: {  	[sflag:s23] =	ssyncadd.s32 $0xFFFFE000  }
0x47d: {  	_ =	swait.ge [sflag:s23], $0x2000  }
0x47e: {  	[sflag:s23] =	ssyncset.done $0x0  }
0x47f: {  	[sflag:s23] =	ssyncadd.s32 $0xFFFFE000  }
0x480: {  	_ =	swait.ge [sflag:s23], $0x2000  }
0x481: {  	[sflag:s23] =	ssyncset.done $0x0  }
0x482: {  	[sflag:s23] =	ssyncadd.s32 $0xFFFFE000  }
0x483: {  	v3 =	vld [tilespmem:$0x10000]  }
0x484: {  	v4 =	vld [tilespmem:$0x10080]  }
0x485: {  	v5 =	vld [tilespmem:$0x10100]  }
0x486: {  	v6 =	vld [tilespmem:$0x10180]  }
0x487: {  	v7 =	vld [tilespmem:$0x10200]  }
0x488: {  	v8 =	vld [tilespmem:$0x10280]  }
0x489: {  	v9 =	vld [tilespmem:$0x10300]  }
0x48a: {  	v10 =	vld [tilespmem:$0x10380];
	_ =	sdelay $0x3  }
0x48b: {  	v3 =	vadd.f32 v4, v3;
	v60 =	vadd.f32 v6, v5  }
0x48c: {  	v61 =	vadd.f32 v8, v7;
	v62 =	vadd.f32 v10, v9  }
0x48d: {  	v3 =	vadd.f32 v60, v3  }
0x48e: {  	v63 =	vadd.f32 v62, v61  }
0x48f: {  	[tilespmem:$0x10000] =	vst v3  }
0x490: {  	s9 =	simm.s32 $0x0;
	s4 =	simm.s32 $0x3;
	s2 =	rddreg [dreg:$0x8];
	[tilespmem:$0x10200] =	vst v63  }
0x491: {  	[hbm4b:s2+s9] =	stream.linear.scatter [tilespmem:s24], [sflag:$0x3], $0x10, $0x38;
	[tilespmem:$0x10480] =	vst v63  }
0x492: {  	_ =	swait.ge [sflag:s4], $0x10  }
0x493: {  	[sflag:s4] =	ssyncset.done $0x0  }
0x494: {  	s15 =	rddreg [dreg:$0x9];
	[sflag:s4] =	ssyncadd.s32 $0xFFFFFFF0  }
0x495: {  	[hbm4b:s15+s9] =	stream.linear.scatter [tilespmem:s25], [sflag:$0x3], $0x10, $0x38;
	[tilespmem:$0x10480] =	vst v63  }
0x496: {  	_ =	swait.ge [sflag:s4], $0x10  }
0x497: {  	s6 =	rddreg [dreg:$0xb]  }
0x498: {  	s19 =	rddreg [dreg:$0xa];
	s6 =	sadd.s32 $0x1, s6  }
0x499: {  	p0 =	sne.s32 s6, s19  }
.Ltmp3:
0x49a: {  	_ = 	snop;
	(pc) =	sbr.rel @p0 .LBB2_1-.Ltmp3, $3  }
0x49b: {  	_ =	sdelay $0x1  }
0x49c: {  	[sflag:s4] =	ssyncset.done $0x0  }
0x49d: {  	[sflag:s4] =	ssyncadd.s32 $0xFFFFFFF0  }
0x49e: {  	_ =	sfence.sel $0x180000  }
0x49f: {  	[bflag:$0x0] =	sbarrier.arrive $0xFFFF  }
0x4a0: {  	_ =	strace $0x90000047  }
0x4a1: {  	s0 =	stileid.u32;
	[bflag:$0x2] =	sbarrier.arrive $0xFFFF  }
0x4a2: {  	p0 =	sne.s32 s0, $0x0;
	s0 =	rddreg [dreg:$0x3]  }
0x4a3: {  	s0 =	sadd.s32 @!p0 $0x100000, s0  }
0x4a4: {  	[sflag:s0] =	ssyncadd.tile.s32 @!p0 $0x1;
	_ =	shalt  }
.Lfunc_end2:
_tile_overlayer_lowered:
.L_overlay_start_2:
0x4a5: {  	(tag) =	ssettag $0x2  }
0x4a6: {  	s0 =	rddreg [dreg:$0x0];
	s2 =	stileid.u32  }
0x4a7: {  	s1 =	rddreg [dreg:$0x1];
	p0 =	sne.s32 s2, $0x0  }
0x4a8: {  	s3 =	rddreg [dreg:$0x2];
	[bflag:$0x3] =	sbarrier.arrive $0xFFFF;
	s2 =	simm.s32 @!p0 $0x1C03  }
0x4a9: {  	[timem:s3], [sflag:s2] =	dma.local @!p0 [hbm:s0], s1  }
0x4aa: {  	s0 =	simm.s32 @!p0 $0x3  }
0x4ab: {  	_ =	swait.ge @!p0 [sflag:s0], s1  }
0x4ac: {  	s1 =	ssub.s32 @!p0 $0x0, s1;
	[sflag:s0] =	ssyncset.done @!p0 $0x0  }
0x4ad: {  	[sflag:s0] =	ssyncadd.s32 @!p0 s1  }
0x4ae: {  	[bflag:$0x3] =	sbarrier.arrive $0xFFFF  }
0x4af: {  	_ =	shalt  }

</sc_bundles>
